<compile_context>
chip_gen: v7x
topology: tpu7x:2x2x1
jax: 0.10.2.dev20260603
libtpu: 0.0.44.dev20260713+nightly
codegen_flags: <defaults>
</compile_context>

<pallas_src>
import functools

import jax
import jax.numpy as jnp
from jax import lax
from jax.experimental import pallas as pl
from jax.experimental.pallas import tpu as pltpu
from jax.experimental.pallas import tpu_sc as plsc

NUM_TOKENS = 32768
MODEL_DIM = 1024
NUM_EXPERTS = 64
BLOCK_T = 1024
NUM_BLOCKS = NUM_TOKENS // BLOCK_T
NUM_STEPS = NUM_BLOCKS // 2

SC_TILES = 16
SC_CHUNK = NUM_TOKENS // SC_TILES
SC_GROUPS = SC_CHUNK // 16



def _half(x, w, eidx_f, gate_sel):
    E, B = NUM_EXPERTS, BLOCK_T
    lg = jax.lax.dot_general(
        w, x, (((1,), (1,)), ((), ())),
        preferred_element_type=jnp.float32)

    rowmax = jnp.max(lg, axis=0, keepdims=True)
    is_max = lg == rowmax
    idx_f = jnp.min(jnp.where(is_max, eidx_f, float(E)),
                    axis=0, keepdims=True)

    exps = jnp.exp(lg - rowmax)
    denom = jnp.sum(exps, axis=0, keepdims=True)
    gate = 1.0 / denom
    mask = (eidx_f == idx_f).astype(jnp.float32)

    ones_row = jnp.ones((1, B), jnp.float32)
    me_part = jax.lax.dot_general(
        gate, exps, (((1,), (1,)), ((), ())),
        preferred_element_type=jnp.float32)
    ce_part = jax.lax.dot_general(
        ones_row, mask, (((1,), (1,)), ((), ())),
        preferred_element_type=jnp.float32)
    del gate_sel
    return idx_f, gate, me_part, ce_part


def _gate_body(x0_ref, x1_ref, w_ref, eidx_ref,
               idx_ref, gate_ref, laux_ref, me_acc, cnt_acc):
    i = pl.program_id(0)

    @pl.when(i == 0)
    def _init():
        me_acc[...] = jnp.zeros_like(me_acc)
        cnt_acc[...] = jnp.zeros_like(cnt_acc)

    B = BLOCK_T
    w = w_ref[...]
    eidx_f = eidx_ref[...]

    idx0, gate0, me0, ce0 = _half(x0_ref[...], w, eidx_f, None)
    idx1, gate1, me1, ce1 = _half(x1_ref[...], w, eidx_f, None)

    idx_ref[0, 0, :] = idx0.astype(jnp.int32).reshape(B)
    idx_ref[0, 1, :] = idx1.astype(jnp.int32).reshape(B)
    gate_ref[0, 0, :] = gate0.reshape(B)
    gate_ref[0, 1, :] = gate1.reshape(B)
    me_acc[...] += me0 + me1
    cnt_acc[...] += ce0 + ce1

    @pl.when(i == NUM_STEPS - 1)
    def _fin():
        laux_ref[0, 0] = (jnp.sum(me_acc[...] * cnt_acc[...])
                          * (NUM_EXPERTS / (NUM_TOKENS * NUM_TOKENS)))



_SC_MESH = plsc.VectorSubcoreMesh(core_axis_name="c", subcore_axis_name="s")


@functools.partial(
    pl.kernel, mesh=_SC_MESH,
    out_type=jax.ShapeDtypeStruct((NUM_TOKENS,), jnp.int32),
    compiler_params=pltpu.CompilerParams(needs_layout_passes=False),
    scratch_types=[
        pltpu.VMEM((SC_CHUNK,), jnp.int32),
        pltpu.VMEM((SC_CHUNK,), jnp.int32),
        pltpu.VMEM((NUM_EXPERTS,), jnp.int32),
        pltpu.VMEM((NUM_EXPERTS,), jnp.int32),
        pltpu.VMEM((SC_TILES * NUM_EXPERTS,), jnp.int32),
        pltpu.VMEM_SHARED((SC_TILES * NUM_EXPERTS,), jnp.int32),
    ],
)
def _sc_locations(idx_hbm, out_hbm, idx_v, rank_v, cnt_v, off_v, hist_v,
                  shared):
    c = lax.axis_index("c")
    s = lax.axis_index("s")
    E = NUM_EXPERTS

    @pl.when(c == 0)
    def _count():
        wid = s
        base = wid * SC_CHUNK
        pltpu.sync_copy(idx_hbm.at[pl.ds(base, SC_CHUNK)], idx_v)

        for j in range(E // 16):
            cnt_v[pl.ds(j * 16, 16)] = jnp.zeros(16, jnp.int32)

        ones16 = jnp.ones(16, jnp.int32)
        for g in range(SC_GROUPS):
            v = idx_v[pl.ds(g * 16, 16)]
            cnt1, _ = plsc.scan_count(v.astype(jnp.float32))
            prior = plsc.load_gather(cnt_v, [v])
            rank_v[pl.ds(g * 16, 16)] = prior + cnt1.astype(jnp.int32) - 1
            plsc.addupdate_scatter(cnt_v, [v], ones16)

        pltpu.sync_copy(cnt_v, shared.at[pl.ds(wid * E, E)])

    plsc.subcore_barrier()
    plsc.subcore_barrier()

    @pl.when(c == 0)
    def _offset():
        wid = s
        base = wid * SC_CHUNK
        pltpu.sync_copy(shared, hist_v)

        for j in range(E // 16):
            off_v[pl.ds(j * 16, 16)] = jnp.zeros(16, jnp.int32)
        for w in range(SC_TILES):
            sel = (jnp.full((16,), w, jnp.int32)
                   < jnp.full((16,), 1, jnp.int32) * wid)
            for j in range(E // 16):
                off_v[pl.ds(j * 16, 16)] += jnp.where(
                    sel, hist_v[pl.ds(w * E + j * 16, 16)], 0)

        for g in range(SC_GROUPS):
            v = idx_v[pl.ds(g * 16, 16)]
            o = plsc.load_gather(off_v, [v])
            rank_v[pl.ds(g * 16, 16)] = rank_v[pl.ds(g * 16, 16)] + o

        pltpu.sync_copy(rank_v, out_hbm.at[pl.ds(base, SC_CHUNK)])



def kernel(input, W):
    num_tokens, num_experts = NUM_TOKENS, NUM_EXPERTS
    capacity = int((num_tokens + num_experts - 1) // num_experts)
    B = BLOCK_T

    row_i = jax.ShapeDtypeStruct((NUM_STEPS, 2, B), jnp.int32)
    row_f = jax.ShapeDtypeStruct((NUM_STEPS, 2, B), jnp.float32)
    pallas_fn = pl.pallas_call(
        _gate_body,
        grid=(NUM_STEPS,),
        in_specs=[
            pl.BlockSpec((B, MODEL_DIM), lambda i: (2 * i, 0)),
            pl.BlockSpec((B, MODEL_DIM), lambda i: (2 * i + 1, 0)),
            pl.BlockSpec((NUM_EXPERTS, MODEL_DIM), lambda i: (0, 0)),
            pl.BlockSpec((NUM_EXPERTS, B), lambda i: (0, 0)),
        ],
        out_specs=[
            pl.BlockSpec((1, 2, B), lambda i: (i, 0, 0)),
            pl.BlockSpec((1, 2, B), lambda i: (i, 0, 0)),
            pl.BlockSpec(memory_space=pltpu.SMEM),
        ],
        out_shape=[
            row_i, row_f,
            jax.ShapeDtypeStruct((1, 1), jnp.float32),
        ],
        scratch_shapes=[
            pltpu.VMEM((1, NUM_EXPERTS), jnp.float32),
            pltpu.VMEM((1, NUM_EXPERTS), jnp.float32),
        ],
    )

    eidx = jax.lax.broadcasted_iota(
        jnp.int32, (num_experts, B), 0).astype(jnp.float32)

    idx3, gate3, laux = pallas_fn(input, input, W, eidx)
    idx_flat = idx3.reshape(num_tokens)
    loc_flat = _sc_locations(idx_flat)
    return (laux[0, 0], idx_flat, capacity, loc_flat,
            gate3.reshape(num_tokens), num_experts)

# --- scband reference (transcript-rebuilt; emitter-appended) ---
"""Pipeline reference for scband-top1-gate-61933428408750 (READ-ONLY COPY).

The authoritative reference and input builder live on the scoring server;
editing this copy changes nothing except your own understanding.
"""

import jax, jax.numpy as jnp
import numpy as np

NUM_TOKENS = 32768
MODEL_DIM = 1024
NUM_EXPERTS = 64
CAPACITY_FACTOR = 1.0


def setup_inputs(seed: int = 0) -> dict:
    key = jax.random.key(seed)
    k1, k2 = jax.random.split(key)
    x = jax.random.normal(k1, (NUM_TOKENS, MODEL_DIM), dtype=jnp.float32)
    # wg: torch.nn.Linear(model_dim, num_experts, bias=False) -> weight [num_experts, model_dim]
    W = jax.random.normal(k2, (NUM_EXPERTS, MODEL_DIM), dtype=jnp.float32) * 0.02
    return {"input": x, "W": W}


def reference(input, W):
    logits = input @ W.T  # [T, E]
    num_tokens, num_experts = logits.shape
    # training-mode capacity: capacity_factor * ceil(T / E)
    capacity = int(CAPACITY_FACTOR * ((num_tokens + num_experts - 1) // num_experts))
    indices1_s = jnp.argmax(logits, axis=1)  # [T]
    gates = jax.nn.softmax(logits, axis=1)  # [T, E]
    mask1 = jax.nn.one_hot(indices1_s, num_experts, dtype=gates.dtype)  # [T, E]
    gates1_s = jnp.sum(gates * mask1, axis=1)  # [T]
    # fwd_cumsum jit kernel: exclusive position of each token within its chosen expert
    locations1 = jnp.cumsum(mask1, axis=0) - 1.0  # [T, E]
    locations1_s = jnp.sum(locations1 * mask1, axis=1).astype(jnp.int32)  # [T]
    # float32 path of l_aux
    me = jnp.sum(gates, axis=0)
    ce = jnp.sum(mask1, axis=0)
    l_aux = jnp.sum(me * ce) * (num_experts / (num_tokens * num_tokens))
    return (l_aux, indices1_s.astype(jnp.int32), capacity, locations1_s, gates1_s, num_experts)

if __name__ == "__main__":
    import jax
    _d = setup_inputs()
    print(jax.jit(kernel)(*tuple(_d.values())))

</pallas_src>

<mosaic_0001>
#map = affine_map<(d0, d1) -> (0)>
module attributes {stable_mosaic.version = 14 : i64} {
  func.func @_sc_locations(%arg0: i32, %arg1: i32, %arg2: memref<32768xi32, #tpu.memory_space<hbm>>, %arg3: memref<32768xi32, #tpu.memory_space<hbm>>, %arg4: memref<2048xi32, #tpu.memory_space<vmem>>, %arg5: memref<2048xi32, #tpu.memory_space<vmem>>, %arg6: memref<64xi32, #tpu.memory_space<vmem>>, %arg7: memref<64xi32, #tpu.memory_space<vmem>>, %arg8: memref<1024xi32, #tpu.memory_space<vmem>>, %arg9: memref<1024xi32, #tpu.memory_space<vmem_shared>>) attributes {dimension_semantics = [#tpu.dimension_semantics<core_parallel>, #tpu.dimension_semantics<subcore_parallel>], iteration_bounds = array<i64: 2, 16>, scalar_prefetch = 0 : i64, scratch_operands = 6 : i64, tpu.core_type = #tpu.core_type<sc_vector_subcore>, window_params = [{transform_indices = #map}, {transform_indices = #map}]} {
    %eq3A = arith.constant 0 : i32
    %eq3A_0 = arith.cmpi eq, %arg0, %eq3A : i32
    %convert_element_type3A = arith.extui %eq3A_0 : i1 to i32
    %cond3A = arith.constant 0 : i32
    %cond3A_1 = arith.cmpi ne, %convert_element_type3A, %cond3A : i32
    scf.if %cond3A_1 {
      %mul3A = arith.constant 2048 : i32
      %mul3A_8 = arith.muli %arg1, %mul3A : i32
      "tpu.region"() ({
        %run_scoped3A = tpu.sem_alloc : memref<!tpu.dma_semaphore, #tpu.memory_space<semaphore_mem>>
        %dma_start3A = tpu.memref_slice %arg2[%mul3A_8] : memref<32768xi32, #tpu.memory_space<hbm>> -> memref<2048xi32, #tpu.memory_space<hbm>>
        %dma_start3A_1814 = tpu.memref_slice %arg2[%mul3A_8] : memref<32768xi32, #tpu.memory_space<hbm>> -> memref<2048xi32, #tpu.memory_space<hbm>>
        tpu.enqueue_dma source(%dma_start3A_1814 : memref<2048xi32, #tpu.memory_space<hbm>>) target(%arg4 : memref<2048xi32, #tpu.memory_space<vmem>>) target_semaphore(%run_scoped3A : memref<!tpu.dma_semaphore, #tpu.memory_space<semaphore_mem>>)
        %dma_wait3A = tpu.memref_slice %arg2[%mul3A_8] : memref<32768xi32, #tpu.memory_space<hbm>> -> memref<2048xi32, #tpu.memory_space<hbm>>
        %dma_wait3A_1815 = tpu.memref_slice %arg2[%mul3A_8] : memref<32768xi32, #tpu.memory_space<hbm>> -> memref<2048xi32, #tpu.memory_space<hbm>>
        tpu.wait_dma2 semaphore(%run_scoped3A : memref<!tpu.dma_semaphore, #tpu.memory_space<semaphore_mem>>) src(%dma_wait3A_1815 : memref<2048xi32, #tpu.memory_space<hbm>>) dst(%arg4 : memref<2048xi32, #tpu.memory_space<vmem>>)
        tpu.yield
      }) : () -> ()
      %broadcast_in_dim3A = arith.constant 0 : i32
      %broadcast_in_dim3A_9 = vector.broadcast %broadcast_in_dim3A : i32 to vector<16xi32>
      %swap3A = arith.constant 0 : index
      %swap3A_10 = tpu.vector_load %arg6[%swap3A] {strides = array<i32>} : memref<64xi32, #tpu.memory_space<vmem>>, vector<16xi32>,
      tpu.vector_store %arg6[%swap3A], %broadcast_in_dim3A_9 {strides = array<i32>} : memref<64xi32, #tpu.memory_space<vmem>>, vector<16xi32>,
      %broadcast_in_dim3A_11 = arith.constant 0 : i32
      %broadcast_in_dim3A_12 = vector.broadcast %broadcast_in_dim3A_11 : i32 to vector<16xi32>
      %swap3A_13 = arith.constant 16 : index
      %swap3A_14 = tpu.vector_load %arg6[%swap3A_13] {strides = array<i32>} : memref<64xi32, #tpu.memory_space<vmem>>, vector<16xi32>,
      tpu.vector_store %arg6[%swap3A_13], %broadcast_in_dim3A_12 {strides = array<i32>} : memref<64xi32, #tpu.memory_space<vmem>>, vector<16xi32>,
      %broadcast_in_dim3A_15 = arith.constant 0 : i32
      %broadcast_in_dim3A_16 = vector.broadcast %broadcast_in_dim3A_15 : i32 to vector<16xi32>
      %swap3A_17 = arith.constant 32 : index
      %swap3A_18 = tpu.vector_load %arg6[%swap3A_17] {strides = array<i32>} : memref<64xi32, #tpu.memory_space<vmem>>, vector<16xi32>,
      tpu.vector_store %arg6[%swap3A_17], %broadcast_in_dim3A_16 {strides = array<i32>} : memref<64xi32, #tpu.memory_space<vmem>>, vector<16xi32>,
      %broadcast_in_dim3A_19 = arith.constant 0 : i32
      %broadcast_in_dim3A_20 = vector.broadcast %broadcast_in_dim3A_19 : i32 to vector<16xi32>
      %swap3A_21 = arith.constant 48 : index
      %swap3A_22 = tpu.vector_load %arg6[%swap3A_21] {strides = array<i32>} : memref<64xi32, #tpu.memory_space<vmem>>, vector<16xi32>,
      tpu.vector_store %arg6[%swap3A_21], %broadcast_in_dim3A_20 {strides = array<i32>} : memref<64xi32, #tpu.memory_space<vmem>>, vector<16xi32>,
      %broadcast_in_dim3A_23 = arith.constant 1 : i32
      %broadcast_in_dim3A_24 = vector.broadcast %broadcast_in_dim3A_23 : i32 to vector<16xi32>
      %get3A = arith.constant 0 : index
      %get3A_25 = tpu.vector_load %arg4[%get3A] {strides = array<i32>} : memref<2048xi32, #tpu.memory_space<vmem>>, vector<16xi32>,
      %convert_element_type3A_26 = arith.sitofp %get3A_25 : vector<16xi32> to vector<16xf32>
      %broadcast_in_dim3A_27 = arith.constant true
      %broadcast_in_dim3A_28 = vector.broadcast %broadcast_in_dim3A_27 : i1 to vector<16xi1>
      %unique3A, %unique3A_29 = tpu.scan_count mask(%broadcast_in_dim3A_28 : vector<16xi1>) value(%convert_element_type3A_26 : vector<16xf32>) : vector<16xi1>, vector<16xi32>
      %gather3A = tpu.vector_load_idx %arg6[%get3A_25] : memref<64xi32, #tpu.memory_space<vmem>>[vector<16xi32>], vector<16xi32>,
      %add3A = arith.addi %gather3A, %unique3A_29 : vector<16xi32>
      %sub3A = arith.constant 1 : i32
      %sub3A_30 = vector.broadcast %sub3A : i32 to vector<16xi32>
      %sub3A_31 = arith.subi %add3A, %sub3A_30 : vector<16xi32>
      %swap3A_32 = arith.constant 0 : index
      %swap3A_33 = tpu.vector_load %arg5[%swap3A_32] {strides = array<i32>} : memref<2048xi32, #tpu.memory_space<vmem>>, vector<16xi32>,
      tpu.vector_store %arg5[%swap3A_32], %sub3A_31 {strides = array<i32>} : memref<2048xi32, #tpu.memory_space<vmem>>, vector<16xi32>,
      tpu.vector_store_idx %arg6[%get3A_25], %broadcast_in_dim3A_24 {add = true} : memref<64xi32, #tpu.memory_space<vmem>>[vector<16xi32>], vector<16xi32>,
      %get3A_34 = arith.constant 16 : index
      %get3A_35 = tpu.vector_load %arg4[%get3A_34] {strides = array<i32>} : memref<2048xi32, #tpu.memory_space<vmem>>, vector<16xi32>,
      %convert_element_type3A_36 = arith.sitofp %get3A_35 : vector<16xi32> to vector<16xf32>
      %broadcast_in_dim3A_37 = arith.constant true
      %broadcast_in_dim3A_38 = vector.broadcast %broadcast_in_dim3A_37 : i1 to vector<16xi1>
      %unique3A_39, %unique3A_40 = tpu.scan_count mask(%broadcast_in_dim3A_38 : vector<16xi1>) value(%convert_element_type3A_36 : vector<16xf32>) : vector<16xi1>, vector<16xi32>
      %gather3A_41 = tpu.vector_load_idx %arg6[%get3A_35] : memref<64xi32, #tpu.memory_space<vmem>>[vector<16xi32>], vector<16xi32>,
      %add3A_42 = arith.addi %gather3A_41, %unique3A_40 : vector<16xi32>
      %sub3A_43 = arith.constant 1 : i32
      %sub3A_44 = vector.broadcast %sub3A_43 : i32 to vector<16xi32>
      %sub3A_45 = arith.subi %add3A_42, %sub3A_44 : vector<16xi32>
      %swap3A_46 = arith.constant 16 : index
      %swap3A_47 = tpu.vector_load %arg5[%swap3A_46] {strides = array<i32>} : memref<2048xi32, #tpu.memory_space<vmem>>, vector<16xi32>,
      tpu.vector_store %arg5[%swap3A_46], %sub3A_45 {strides = array<i32>} : memref<2048xi32, #tpu.memory_space<vmem>>, vector<16xi32>,
      tpu.vector_store_idx %arg6[%get3A_35], %broadcast_in_dim3A_24 {add = true} : memref<64xi32, #tpu.memory_space<vmem>>[vector<16xi32>], vector<16xi32>,
      %get3A_48 = arith.constant 32 : index
      %get3A_49 = tpu.vector_load %arg4[%get3A_48] {strides = array<i32>} : memref<2048xi32, #tpu.memory_space<vmem>>, vector<16xi32>,
      %convert_element_type3A_50 = arith.sitofp %get3A_49 : vector<16xi32> to vector<16xf32>
      %broadcast_in_dim3A_51 = arith.constant true
      %broadcast_in_dim3A_52 = vector.broadcast %broadcast_in_dim3A_51 : i1 to vector<16xi1>
      %unique3A_53, %unique3A_54 = tpu.scan_count mask(%broadcast_in_dim3A_52 : vector<16xi1>) value(%convert_element_type3A_50 : vector<16xf32>) : vector<16xi1>, vector<16xi32>
      %gather3A_55 = tpu.vector_load_idx %arg6[%get3A_49] : memref<64xi32, #tpu.memory_space<vmem>>[vector<16xi32>], vector<16xi32>,
      %add3A_56 = arith.addi %gather3A_55, %unique3A_54 : vector<16xi32>
      %sub3A_57 = arith.constant 1 : i32
      %sub3A_58 = vector.broadcast %sub3A_57 : i32 to vector<16xi32>
      %sub3A_59 = arith.subi %add3A_56, %sub3A_58 : vector<16xi32>
      %swap3A_60 = arith.constant 32 : index
      %swap3A_61 = tpu.vector_load %arg5[%swap3A_60] {strides = array<i32>} : memref<2048xi32, #tpu.memory_space<vmem>>, vector<16xi32>,
      tpu.vector_store %arg5[%swap3A_60], %sub3A_59 {strides = array<i32>} : memref<2048xi32, #tpu.memory_space<vmem>>, vector<16xi32>,
      tpu.vector_store_idx %arg6[%get3A_49], %broadcast_in_dim3A_24 {add = true} : memref<64xi32, #tpu.memory_space<vmem>>[vector<16xi32>], vector<16xi32>,
      %get3A_62 = arith.constant 48 : index
      %get3A_63 = tpu.vector_load %arg4[%get3A_62] {strides = array<i32>} : memref<2048xi32, #tpu.memory_space<vmem>>, vector<16xi32>,
      %convert_element_type3A_64 = arith.sitofp %get3A_63 : vector<16xi32> to vector<16xf32>
      %broadcast_in_dim3A_65 = arith.constant true
      %broadcast_in_dim3A_66 = vector.broadcast %broadcast_in_dim3A_65 : i1 to vector<16xi1>
      %unique3A_67, %unique3A_68 = tpu.scan_count mask(%broadcast_in_dim3A_66 : vector<16xi1>) value(%convert_element_type3A_64 : vector<16xf32>) : vector<16xi1>, vector<16xi32>
      %gather3A_69 = tpu.vector_load_idx %arg6[%get3A_63] : memref<64xi32, #tpu.memory_space<vmem>>[vector<16xi32>], vector<16xi32>,
      %add3A_70 = arith.addi %gather3A_69, %unique3A_68 : vector<16xi32>
      %sub3A_71 = arith.constant 1 : i32
      %sub3A_72 = vector.broadcast %sub3A_71 : i32 to vector<16xi32>
      %sub3A_73 = arith.subi %add3A_70, %sub3A_72 : vector<16xi32>
      %swap3A_74 = arith.constant 48 : index
      %swap3A_75 = tpu.vector_load %arg5[%swap3A_74] {strides = array<i32>} : memref<2048xi32, #tpu.memory_space<vmem>>, vector<16xi32>,
      tpu.vector_store %arg5[%swap3A_74], %sub3A_73 {strides = array<i32>} : memref<2048xi32, #tpu.memory_space<vmem>>, vector<16xi32>,
      tpu.vector_store_idx %arg6[%get3A_63], %broadcast_in_dim3A_24 {add = true} : memref<64xi32, #tpu.memory_space<vmem>>[vector<16xi32>], vector<16xi32>,
      %get3A_76 = arith.constant 64 : index
      %get3A_77 = tpu.vector_load %arg4[%get3A_76] {strides = array<i32>} : memref<2048xi32, #tpu.memory_space<vmem>>, vector<16xi32>,
      %convert_element_type3A_78 = arith.sitofp %get3A_77 : vector<16xi32> to vector<16xf32>
      %broadcast_in_dim3A_79 = arith.constant true
      %broadcast_in_dim3A_80 = vector.broadcast %broadcast_in_dim3A_79 : i1 to vector<16xi1>
      %unique3A_81, %unique3A_82 = tpu.scan_count mask(%broadcast_in_dim3A_80 : vector<16xi1>) value(%convert_element_type3A_78 : vector<16xf32>) : vector<16xi1>, vector<16xi32>
      %gather3A_83 = tpu.vector_load_idx %arg6[%get3A_77] : memref<64xi32, #tpu.memory_space<vmem>>[vector<16xi32>], vector<16xi32>,
      %add3A_84 = arith.addi %gather3A_83, %unique3A_82 : vector<16xi32>
      %sub3A_85 = arith.constant 1 : i32
      %sub3A_86 = vector.broadcast %sub3A_85 : i32 to vector<16xi32>
      %sub3A_87 = arith.subi %add3A_84, %sub3A_86 : vector<16xi32>
      %swap3A_88 = arith.constant 64 : index
      %swap3A_89 = tpu.vector_load %arg5[%swap3A_88] {strides = array<i32>} : memref<2048xi32, #tpu.memory_space<vmem>>, vector<16xi32>,
      tpu.vector_store %arg5[%swap3A_88], %sub3A_87 {strides = array<i32>} : memref<2048xi32, #tpu.memory_space<vmem>>, vector<16xi32>,
      tpu.vector_store_idx %arg6[%get3A_77], %broadcast_in_dim3A_24 {add = true} : memref<64xi32, #tpu.memory_space<vmem>>[vector<16xi32>], vector<16xi32>,
      %get3A_90 = arith.constant 80 : index
      %get3A_91 = tpu.vector_load %arg4[%get3A_90] {strides = array<i32>} : memref<2048xi32, #tpu.memory_space<vmem>>, vector<16xi32>,
      %convert_element_type3A_92 = arith.sitofp %get3A_91 : vector<16xi32> to vector<16xf32>
      %broadcast_in_dim3A_93 = arith.constant true
      %broadcast_in_dim3A_94 = vector.broadcast %broadcast_in_dim3A_93 : i1 to vector<16xi1>
      %unique3A_95, %unique3A_96 = tpu.scan_count mask(%broadcast_in_dim3A_94 : vector<16xi1>) value(%convert_element_type3A_92 : vector<16xf32>) : vector<16xi1>, vector<16xi32>
      %gather3A_97 = tpu.vector_load_idx %arg6[%get3A_91] : memref<64xi32, #tpu.memory_space<vmem>>[vector<16xi32>], vector<16xi32>,
      %add3A_98 = arith.addi %gather3A_97, %unique3A_96 : vector<16xi32>
      %sub3A_99 = arith.constant 1 : i32
      %sub3A_100 = vector.broadcast %sub3A_99 : i32 to vector<16xi32>
      %sub3A_101 = arith.subi %add3A_98, %sub3A_100 : vector<16xi32>
      %swap3A_102 = arith.constant 80 : index
      %swap3A_103 = tpu.vector_load %arg5[%swap3A_102] {strides = array<i32>} : memref<2048xi32, #tpu.memory_space<vmem>>, vector<16xi32>,
      tpu.vector_store %arg5[%swap3A_102], %sub3A_101 {strides = array<i32>} : memref<2048xi32, #tpu.memory_space<vmem>>, vector<16xi32>,
      tpu.vector_store_idx %arg6[%get3A_91], %broadcast_in_dim3A_24 {add = true} : memref<64xi32, #tpu.memory_space<vmem>>[vector<16xi32>], vector<16xi32>,
      %get3A_104 = arith.constant 96 : index
      %get3A_105 = tpu.vector_load %arg4[%get3A_104] {strides = array<i32>} : memref<2048xi32, #tpu.memory_space<vmem>>, vector<16xi32>,
      %convert_element_type3A_106 = arith.sitofp %get3A_105 : vector<16xi32> to vector<16xf32>
      %broadcast_in_dim3A_107 = arith.constant true
      %broadcast_in_dim3A_108 = vector.broadcast %broadcast_in_dim3A_107 : i1 to vector<16xi1>
      %unique3A_109, %unique3A_110 = tpu.scan_count mask(%broadcast_in_dim3A_108 : vector<16xi1>) value(%convert_element_type3A_106 : vector<16xf32>) : vector<16xi1>, vector<16xi32>
      %gather3A_111 = tpu.vector_load_idx %arg6[%get3A_105] : memref<64xi32, #tpu.memory_space<vmem>>[vector<16xi32>], vector<16xi32>,
      %add3A_112 = arith.addi %gather3A_111, %unique3A_110 : vector<16xi32>
      %sub3A_113 = arith.constant 1 : i32
      %sub3A_114 = vector.broadcast %sub3A_113 : i32 to vector<16xi32>
      %sub3A_115 = arith.subi %add3A_112, %sub3A_114 : vector<16xi32>
      %swap3A_116 = arith.constant 96 : index
      %swap3A_117 = tpu.vector_load %arg5[%swap3A_116] {strides = array<i32>} : memref<2048xi32, #tpu.memory_space<vmem>>, vector<16xi32>,
      tpu.vector_store %arg5[%swap3A_116], %sub3A_115 {strides = array<i32>} : memref<2048xi32, #tpu.memory_space<vmem>>, vector<16xi32>,
      tpu.vector_store_idx %arg6[%get3A_105], %broadcast_in_dim3A_24 {add = true} : memref<64xi32, #tpu.memory_space<vmem>>[vector<16xi32>], vector<16xi32>,
      %get3A_118 = arith.constant 112 : index
      %get3A_119 = tpu.vector_load %arg4[%get3A_118] {strides = array<i32>} : memref<2048xi32, #tpu.memory_space<vmem>>, vector<16xi32>,
      %convert_element_type3A_120 = arith.sitofp %get3A_119 : vector<16xi32> to vector<16xf32>
      %broadcast_in_dim3A_121 = arith.constant true
      %broadcast_in_dim3A_122 = vector.broadcast %broadcast_in_dim3A_121 : i1 to vector<16xi1>
      %unique3A_123, %unique3A_124 = tpu.scan_count mask(%broadcast_in_dim3A_122 : vector<16xi1>) value(%convert_element_type3A_120 : vector<16xf32>) : vector<16xi1>, vector<16xi32>
      %gather3A_125 = tpu.vector_load_idx %arg6[%get3A_119] : memref<64xi32, #tpu.memory_space<vmem>>[vector<16xi32>], vector<16xi32>,
      %add3A_126 = arith.addi %gather3A_125, %unique3A_124 : vector<16xi32>
      %sub3A_127 = arith.constant 1 : i32
      %sub3A_128 = vector.broadcast %sub3A_127 : i32 to vector<16xi32>
      %sub3A_129 = arith.subi %add3A_126, %sub3A_128 : vector<16xi32>
      %swap3A_130 = arith.constant 112 : index
      %swap3A_131 = tpu.vector_load %arg5[%swap3A_130] {strides = array<i32>} : memref<2048xi32, #tpu.memory_space<vmem>>, vector<16xi32>,
      tpu.vector_store %arg5[%swap3A_130], %sub3A_129 {strides = array<i32>} : memref<2048xi32, #tpu.memory_space<vmem>>, vector<16xi32>,
      tpu.vector_store_idx %arg6[%get3A_119], %broadcast_in_dim3A_24 {add = true} : memref<64xi32, #tpu.memory_space<vmem>>[vector<16xi32>], vector<16xi32>,
      %get3A_132 = arith.constant 128 : index
      %get3A_133 = tpu.vector_load %arg4[%get3A_132] {strides = array<i32>} : memref<2048xi32, #tpu.memory_space<vmem>>, vector<16xi32>,
      %convert_element_type3A_134 = arith.sitofp %get3A_133 : vector<16xi32> to vector<16xf32>
      %broadcast_in_dim3A_135 = arith.constant true
      %broadcast_in_dim3A_136 = vector.broadcast %broadcast_in_dim3A_135 : i1 to vector<16xi1>
      %unique3A_137, %unique3A_138 = tpu.scan_count mask(%broadcast_in_dim3A_136 : vector<16xi1>) value(%convert_element_type3A_134 : vector<16xf32>) : vector<16xi1>, vector<16xi32>
      %gather3A_139 = tpu.vector_load_idx %arg6[%get3A_133] : memref<64xi32, #tpu.memory_space<vmem>>[vector<16xi32>], vector<16xi32>,
      %add3A_140 = arith.addi %gather3A_139, %unique3A_138 : vector<16xi32>
      %sub3A_141 = arith.constant 1 : i32
      %sub3A_142 = vector.broadcast %sub3A_141 : i32 to vector<16xi32>
      %sub3A_143 = arith.subi %add3A_140, %sub3A_142 : vector<16xi32>
      %swap3A_144 = arith.constant 128 : index
      %swap3A_145 = tpu.vector_load %arg5[%swap3A_144] {strides = array<i32>} : memref<2048xi32, #tpu.memory_space<vmem>>, vector<16xi32>,
      tpu.vector_store %arg5[%swap3A_144], %sub3A_143 {strides = array<i32>} : memref<2048xi32, #tpu.memory_space<vmem>>, vector<16xi32>,
      tpu.vector_store_idx %arg6[%get3A_133], %broadcast_in_dim3A_24 {add = true} : memref<64xi32, #tpu.memory_space<vmem>>[vector<16xi32>], vector<16xi32>,
      %get3A_146 = arith.constant 144 : index
      %get3A_147 = tpu.vector_load %arg4[%get3A_146] {strides = array<i32>} : memref<2048xi32, #tpu.memory_space<vmem>>, vector<16xi32>,
      %convert_element_type3A_148 = arith.sitofp %get3A_147 : vector<16xi32> to vector<16xf32>
      %broadcast_in_dim3A_149 = arith.constant true
      %broadcast_in_dim3A_150 = vector.broadcast %broadcast_in_dim3A_149 : i1 to vector<16xi1>
      %unique3A_151, %unique3A_152 = tpu.scan_count mask(%broadcast_in_dim3A_150 : vector<16xi1>) value(%convert_element_type3A_148 : vector<16xf32>) : vector<16xi1>, vector<16xi32>
      %gather3A_153 = tpu.vector_load_idx %arg6[%get3A_147] : memref<64xi32, #tpu.memory_space<vmem>>[vector<16xi32>], vector<16xi32>,
      %add3A_154 = arith.addi %gather3A_153, %unique3A_152 : vector<16xi32>
      %sub3A_155 = arith.constant 1 : i32
      %sub3A_156 = vector.broadcast %sub3A_155 : i32 to vector<16xi32>
      %sub3A_157 = arith.subi %add3A_154, %sub3A_156 : vector<16xi32>
      %swap3A_158 = arith.constant 144 : index
      %swap3A_159 = tpu.vector_load %arg5[%swap3A_158] {strides = array<i32>} : memref<2048xi32, #tpu.memory_space<vmem>>, vector<16xi32>,
      tpu.vector_store %arg5[%swap3A_158], %sub3A_157 {strides = array<i32>} : memref<2048xi32, #tpu.memory_space<vmem>>, vector<16xi32>,
      tpu.vector_store_idx %arg6[%get3A_147], %broadcast_in_dim3A_24 {add = true} : memref<64xi32, #tpu.memory_space<vmem>>[vector<16xi32>], vector<16xi32>,
      %get3A_160 = arith.constant 160 : index
      %get3A_161 = tpu.vector_load %arg4[%get3A_160] {strides = array<i32>} : memref<2048xi32, #tpu.memory_space<vmem>>, vector<16xi32>,
      %convert_element_type3A_162 = arith.sitofp %get3A_161 : vector<16xi32> to vector<16xf32>
      %broadcast_in_dim3A_163 = arith.constant true
      %broadcast_in_dim3A_164 = vector.broadcast %broadcast_in_dim3A_163 : i1 to vector<16xi1>
      %unique3A_165, %unique3A_166 = tpu.scan_count mask(%broadcast_in_dim3A_164 : vector<16xi1>) value(%convert_element_type3A_162 : vector<16xf32>) : vector<16xi1>, vector<16xi32>
      %gather3A_167 = tpu.vector_load_idx %arg6[%get3A_161] : memref<64xi32, #tpu.memory_space<vmem>>[vector<16xi32>], vector<16xi32>,
      %add3A_168 = arith.addi %gather3A_167, %unique3A_166 : vector<16xi32>
      %sub3A_169 = arith.constant 1 : i32
      %sub3A_170 = vector.broadcast %sub3A_169 : i32 to vector<16xi32>
      %sub3A_171 = arith.subi %add3A_168, %sub3A_170 : vector<16xi32>
      %swap3A_172 = arith.constant 160 : index
      %swap3A_173 = tpu.vector_load %arg5[%swap3A_172] {strides = array<i32>} : memref<2048xi32, #tpu.memory_space<vmem>>, vector<16xi32>,
      tpu.vector_store %arg5[%swap3A_172], %sub3A_171 {strides = array<i32>} : memref<2048xi32, #tpu.memory_space<vmem>>, vector<16xi32>,
      tpu.vector_store_idx %arg6[%get3A_161], %broadcast_in_dim3A_24 {add = true} : memref<64xi32, #tpu.memory_space<vmem>>[vector<16xi32>], vector<16xi32>,
      %get3A_174 = arith.constant 176 : index
      %get3A_175 = tpu.vector_load %arg4[%get3A_174] {strides = array<i32>} : memref<2048xi32, #tpu.memory_space<vmem>>, vector<16xi32>,
      %convert_element_type3A_176 = arith.sitofp %get3A_175 : vector<16xi32> to vector<16xf32>
      %broadcast_in_dim3A_177 = arith.constant true
      %broadcast_in_dim3A_178 = vector.broadcast %broadcast_in_dim3A_177 : i1 to vector<16xi1>
      %unique3A_179, %unique3A_180 = tpu.scan_count mask(%broadcast_in_dim3A_178 : vector<16xi1>) value(%convert_element_type3A_176 : vector<16xf32>) : vector<16xi1>, vector<16xi32>
      %gather3A_181 = tpu.vector_load_idx %arg6[%get3A_175] : memref<64xi32, #tpu.memory_space<vmem>>[vector<16xi32>], vector<16xi32>,
      %add3A_182 = arith.addi %gather3A_181, %unique3A_180 : vector<16xi32>
      %sub3A_183 = arith.constant 1 : i32
      %sub3A_184 = vector.broadcast %sub3A_183 : i32 to vector<16xi32>
      %sub3A_185 = arith.subi %add3A_182, %sub3A_184 : vector<16xi32>
      %swap3A_186 = arith.constant 176 : index
      %swap3A_187 = tpu.vector_load %arg5[%swap3A_186] {strides = array<i32>} : memref<2048xi32, #tpu.memory_space<vmem>>, vector<16xi32>,
      tpu.vector_store %arg5[%swap3A_186], %sub3A_185 {strides = array<i32>} : memref<2048xi32, #tpu.memory_space<vmem>>, vector<16xi32>,
      tpu.vector_store_idx %arg6[%get3A_175], %broadcast_in_dim3A_24 {add = true} : memref<64xi32, #tpu.memory_space<vmem>>[vector<16xi32>], vector<16xi32>,
      %get3A_188 = arith.constant 192 : index
      %get3A_189 = tpu.vector_load %arg4[%get3A_188] {strides = array<i32>} : memref<2048xi32, #tpu.memory_space<vmem>>, vector<16xi32>,
      %convert_element_type3A_190 = arith.sitofp %get3A_189 : vector<16xi32> to vector<16xf32>
      %broadcast_in_dim3A_191 = arith.constant true
      %broadcast_in_dim3A_192 = vector.broadcast %broadcast_in_dim3A_191 : i1 to vector<16xi1>
      %unique3A_193, %unique3A_194 = tpu.scan_count mask(%broadcast_in_dim3A_192 : vector<16xi1>) value(%convert_element_type3A_190 : vector<16xf32>) : vector<16xi1>, vector<16xi32>
      %gather3A_195 = tpu.vector_load_idx %arg6[%get3A_189] : memref<64xi32, #tpu.memory_space<vmem>>[vector<16xi32>], vector<16xi32>,
      %add3A_196 = arith.addi %gather3A_195, %unique3A_194 : vector<16xi32>
      %sub3A_197 = arith.constant 1 : i32
      %sub3A_198 = vector.broadcast %sub3A_197 : i32 to vector<16xi32>
      %sub3A_199 = arith.subi %add3A_196, %sub3A_198 : vector<16xi32>
      %swap3A_200 = arith.constant 192 : index
      %swap3A_201 = tpu.vector_load %arg5[%swap3A_200] {strides = array<i32>} : memref<2048xi32, #tpu.memory_space<vmem>>, vector<16xi32>,
      tpu.vector_store %arg5[%swap3A_200], %sub3A_199 {strides = array<i32>} : memref<2048xi32, #tpu.memory_space<vmem>>, vector<16xi32>,
      tpu.vector_store_idx %arg6[%get3A_189], %broadcast_in_dim3A_24 {add = true} : memref<64xi32, #tpu.memory_space<vmem>>[vector<16xi32>], vector<16xi32>,
      %get3A_202 = arith.constant 208 : index
      %get3A_203 = tpu.vector_load %arg4[%get3A_202] {strides = array<i32>} : memref<2048xi32, #tpu.memory_space<vmem>>, vector<16xi32>,
      %convert_element_type3A_204 = arith.sitofp %get3A_203 : vector<16xi32> to vector<16xf32>
      %broadcast_in_dim3A_205 = arith.constant true
      %broadcast_in_dim3A_206 = vector.broadcast %broadcast_in_dim3A_205 : i1 to vector<16xi1>
      %unique3A_207, %unique3A_208 = tpu.scan_count mask(%broadcast_in_dim3A_206 : vector<16xi1>) value(%convert_element_type3A_204 : vector<16xf32>) : vector<16xi1>, vector<16xi32>
      %gather3A_209 = tpu.vector_load_idx %arg6[%get3A_203] : memref<64xi32, #tpu.memory_space<vmem>>[vector<16xi32>], vector<16xi32>,
      %add3A_210 = arith.addi %gather3A_209, %unique3A_208 : vector<16xi32>
      %sub3A_211 = arith.constant 1 : i32
      %sub3A_212 = vector.broadcast %sub3A_211 : i32 to vector<16xi32>
      %sub3A_213 = arith.subi %add3A_210, %sub3A_212 : vector<16xi32>
      %swap3A_214 = arith.constant 208 : index
      %swap3A_215 = tpu.vector_load %arg5[%swap3A_214] {strides = array<i32>} : memref<2048xi32, #tpu.memory_space<vmem>>, vector<16xi32>,
      tpu.vector_store %arg5[%swap3A_214], %sub3A_213 {strides = array<i32>} : memref<2048xi32, #tpu.memory_space<vmem>>, vector<16xi32>,
      tpu.vector_store_idx %arg6[%get3A_203], %broadcast_in_dim3A_24 {add = true} : memref<64xi32, #tpu.memory_space<vmem>>[vector<16xi32>], vector<16xi32>,
      %get3A_216 = arith.constant 224 : index
      %get3A_217 = tpu.vector_load %arg4[%get3A_216] {strides = array<i32>} : memref<2048xi32, #tpu.memory_space<vmem>>, vector<16xi32>,
      %convert_element_type3A_218 = arith.sitofp %get3A_217 : vector<16xi32> to vector<16xf32>
      %broadcast_in_dim3A_219 = arith.constant true
      %broadcast_in_dim3A_220 = vector.broadcast %broadcast_in_dim3A_219 : i1 to vector<16xi1>
      %unique3A_221, %unique3A_222 = tpu.scan_count mask(%broadcast_in_dim3A_220 : vector<16xi1>) value(%convert_element_type3A_218 : vector<16xf32>) : vector<16xi1>, vector<16xi32>
      %gather3A_223 = tpu.vector_load_idx %arg6[%get3A_217] : memref<64xi32, #tpu.memory_space<vmem>>[vector<16xi32>], vector<16xi32>,
      %add3A_224 = arith.addi %gather3A_223, %unique3A_222 : vector<16xi32>
      %sub3A_225 = arith.constant 1 : i32
      %sub3A_226 = vector.broadcast %sub3A_225 : i32 to vector<16xi32>
      %sub3A_227 = arith.subi %add3A_224, %sub3A_226 : vector<16xi32>
      %swap3A_228 = arith.constant 224 : index
      %swap3A_229 = tpu.vector_load %arg5[%swap3A_228] {strides = array<i32>} : memref<2048xi32, #tpu.memory_space<vmem>>, vector<16xi32>,
      tpu.vector_store %arg5[%swap3A_228], %sub3A_227 {strides = array<i32>} : memref<2048xi32, #tpu.memory_space<vmem>>, vector<16xi32>,
      tpu.vector_store_idx %arg6[%get3A_217], %broadcast_in_dim3A_24 {add = true} : memref<64xi32, #tpu.memory_space<vmem>>[vector<16xi32>], vector<16xi32>,
      %get3A_230 = arith.constant 240 : index
      %get3A_231 = tpu.vector_load %arg4[%get3A_230] {strides = array<i32>} : memref<2048xi32, #tpu.memory_space<vmem>>, vector<16xi32>,
      %convert_element_type3A_232 = arith.sitofp %get3A_231 : vector<16xi32> to vector<16xf32>
      %broadcast_in_dim3A_233 = arith.constant true
      %broadcast_in_dim3A_234 = vector.broadcast %broadcast_in_dim3A_233 : i1 to vector<16xi1>
      %unique3A_235, %unique3A_236 = tpu.scan_count mask(%broadcast_in_dim3A_234 : vector<16xi1>) value(%convert_element_type3A_232 : vector<16xf32>) : vector<16xi1>, vector<16xi32>
      %gather3A_237 = tpu.vector_load_idx %arg6[%get3A_231] : memref<64xi32, #tpu.memory_space<vmem>>[vector<16xi32>], vector<16xi32>,
      %add3A_238 = arith.addi %gather3A_237, %unique3A_236 : vector<16xi32>
      %sub3A_239 = arith.constant 1 : i32
      %sub3A_240 = vector.broadcast %sub3A_239 : i32 to vector<16xi32>
      %sub3A_241 = arith.subi %add3A_238, %sub3A_240 : vector<16xi32>
      %swap3A_242 = arith.constant 240 : index
      %swap3A_243 = tpu.vector_load %arg5[%swap3A_242] {strides = array<i32>} : memref<2048xi32, #tpu.memory_space<vmem>>, vector<16xi32>,
      tpu.vector_store %arg5[%swap3A_242], %sub3A_241 {strides = array<i32>} : memref<2048xi32, #tpu.memory_space<vmem>>, vector<16xi32>,
      tpu.vector_store_idx %arg6[%get3A_231], %broadcast_in_dim3A_24 {add = true} : memref<64xi32, #tpu.memory_space<vmem>>[vector<16xi32>], vector<16xi32>,
      %get3A_244 = arith.constant 256 : index
      %get3A_245 = tpu.vector_load %arg4[%get3A_244] {strides = array<i32>} : memref<2048xi32, #tpu.memory_space<vmem>>, vector<16xi32>,
      %convert_element_type3A_246 = arith.sitofp %get3A_245 : vector<16xi32> to vector<16xf32>
      %broadcast_in_dim3A_247 = arith.constant true
      %broadcast_in_dim3A_248 = vector.broadcast %broadcast_in_dim3A_247 : i1 to vector<16xi1>
      %unique3A_249, %unique3A_250 = tpu.scan_count mask(%broadcast_in_dim3A_248 : vector<16xi1>) value(%convert_element_type3A_246 : vector<16xf32>) : vector<16xi1>, vector<16xi32>
      %gather3A_251 = tpu.vector_load_idx %arg6[%get3A_245] : memref<64xi32, #tpu.memory_space<vmem>>[vector<16xi32>], vector<16xi32>,
      %add3A_252 = arith.addi %gather3A_251, %unique3A_250 : vector<16xi32>
      %sub3A_253 = arith.constant 1 : i32
      %sub3A_254 = vector.broadcast %sub3A_253 : i32 to vector<16xi32>
      %sub3A_255 = arith.subi %add3A_252, %sub3A_254 : vector<16xi32>
      %swap3A_256 = arith.constant 256 : index
      %swap3A_257 = tpu.vector_load %arg5[%swap3A_256] {strides = array<i32>} : memref<2048xi32, #tpu.memory_space<vmem>>, vector<16xi32>,
      tpu.vector_store %arg5[%swap3A_256], %sub3A_255 {strides = array<i32>} : memref<2048xi32, #tpu.memory_space<vmem>>, vector<16xi32>,
      tpu.vector_store_idx %arg6[%get3A_245], %broadcast_in_dim3A_24 {add = true} : memref<64xi32, #tpu.memory_space<vmem>>[vector<16xi32>], vector<16xi32>,
      %get3A_258 = arith.constant 272 : index
      %get3A_259 = tpu.vector_load %arg4[%get3A_258] {strides = array<i32>} : memref<2048xi32, #tpu.memory_space<vmem>>, vector<16xi32>,
      %convert_element_type3A_260 = arith.sitofp %get3A_259 : vector<16xi32> to vector<16xf32>
      %broadcast_in_dim3A_261 = arith.constant true
      %broadcast_in_dim3A_262 = vector.broadcast %broadcast_in_dim3A_261 : i1 to vector<16xi1>
      %unique3A_263, %unique3A_264 = tpu.scan_count mask(%broadcast_in_dim3A_262 : vector<16xi1>) value(%convert_element_type3A_260 : vector<16xf32>) : vector<16xi1>, vector<16xi32>
      %gather3A_265 = tpu.vector_load_idx %arg6[%get3A_259] : memref<64xi32, #tpu.memory_space<vmem>>[vector<16xi32>], vector<16xi32>,
      %add3A_266 = arith.addi %gather3A_265, %unique3A_264 : vector<16xi32>
      %sub3A_267 = arith.constant 1 : i32
      %sub3A_268 = vector.broadcast %sub3A_267 : i32 to vector<16xi32>
      %sub3A_269 = arith.subi %add3A_266, %sub3A_268 : vector<16xi32>
      %swap3A_270 = arith.constant 272 : index
      %swap3A_271 = tpu.vector_load %arg5[%swap3A_270] {strides = array<i32>} : memref<2048xi32, #tpu.memory_space<vmem>>, vector<16xi32>,
      tpu.vector_store %arg5[%swap3A_270], %sub3A_269 {strides = array<i32>} : memref<2048xi32, #tpu.memory_space<vmem>>, vector<16xi32>,
      tpu.vector_store_idx %arg6[%get3A_259], %broadcast_in_dim3A_24 {add = true} : memref<64xi32, #tpu.memory_space<vmem>>[vector<16xi32>], vector<16xi32>,
      %get3A_272 = arith.constant 288 : index
      %get3A_273 = tpu.vector_load %arg4[%get3A_272] {strides = array<i32>} : memref<2048xi32, #tpu.memory_space<vmem>>, vector<16xi32>,
      %convert_element_type3A_274 = arith.sitofp %get3A_273 : vector<16xi32> to vector<16xf32>
      %broadcast_in_dim3A_275 = arith.constant true
      %broadcast_in_dim3A_276 = vector.broadcast %broadcast_in_dim3A_275 : i1 to vector<16xi1>
      %unique3A_277, %unique3A_278 = tpu.scan_count mask(%broadcast_in_dim3A_276 : vector<16xi1>) value(%convert_element_type3A_274 : vector<16xf32>) : vector<16xi1>, vector<16xi32>
      %gather3A_279 = tpu.vector_load_idx %arg6[%get3A_273] : memref<64xi32, #tpu.memory_space<vmem>>[vector<16xi32>], vector<16xi32>,
      %add3A_280 = arith.addi %gather3A_279, %unique3A_278 : vector<16xi32>
      %sub3A_281 = arith.constant 1 : i32
      %sub3A_282 = vector.broadcast %sub3A_281 : i32 to vector<16xi32>
      %sub3A_283 = arith.subi %add3A_280, %sub3A_282 : vector<16xi32>
      %swap3A_284 = arith.constant 288 : index
      %swap3A_285 = tpu.vector_load %arg5[%swap3A_284] {strides = array<i32>} : memref<2048xi32, #tpu.memory_space<vmem>>, vector<16xi32>,
      tpu.vector_store %arg5[%swap3A_284], %sub3A_283 {strides = array<i32>} : memref<2048xi32, #tpu.memory_space<vmem>>, vector<16xi32>,
      tpu.vector_store_idx %arg6[%get3A_273], %broadcast_in_dim3A_24 {add = true} : memref<64xi32, #tpu.memory_space<vmem>>[vector<16xi32>], vector<16xi32>,
      %get3A_286 = arith.constant 304 : index
      %get3A_287 = tpu.vector_load %arg4[%get3A_286] {strides = array<i32>} : memref<2048xi32, #tpu.memory_space<vmem>>, vector<16xi32>,
      %convert_element_type3A_288 = arith.sitofp %get3A_287 : vector<16xi32> to vector<16xf32>
      %broadcast_in_dim3A_289 = arith.constant true
      %broadcast_in_dim3A_290 = vector.broadcast %broadcast_in_dim3A_289 : i1 to vector<16xi1>
      %unique3A_291, %unique3A_292 = tpu.scan_count mask(%broadcast_in_dim3A_290 : vector<16xi1>) value(%convert_element_type3A_288 : vector<16xf32>) : vector<16xi1>, vector<16xi32>
      %gather3A_293 = tpu.vector_load_idx %arg6[%get3A_287] : memref<64xi32, #tpu.memory_space<vmem>>[vector<16xi32>], vector<16xi32>,
      %add3A_294 = arith.addi %gather3A_293, %unique3A_292 : vector<16xi32>
      %sub3A_295 = arith.constant 1 : i32
      %sub3A_296 = vector.broadcast %sub3A_295 : i32 to vector<16xi32>
      %sub3A_297 = arith.subi %add3A_294, %sub3A_296 : vector<16xi32>
      %swap3A_298 = arith.constant 304 : index
      %swap3A_299 = tpu.vector_load %arg5[%swap3A_298] {strides = array<i32>} : memref<2048xi32, #tpu.memory_space<vmem>>, vector<16xi32>,
      tpu.vector_store %arg5[%swap3A_298], %sub3A_297 {strides = array<i32>} : memref<2048xi32, #tpu.memory_space<vmem>>, vector<16xi32>,
      tpu.vector_store_idx %arg6[%get3A_287], %broadcast_in_dim3A_24 {add = true} : memref<64xi32, #tpu.memory_space<vmem>>[vector<16xi32>], vector<16xi32>,
      %get3A_300 = arith.constant 320 : index
      %get3A_301 = tpu.vector_load %arg4[%get3A_300] {strides = array<i32>} : memref<2048xi32, #tpu.memory_space<vmem>>, vector<16xi32>,
      %convert_element_type3A_302 = arith.sitofp %get3A_301 : vector<16xi32> to vector<16xf32>
      %broadcast_in_dim3A_303 = arith.constant true
      %broadcast_in_dim3A_304 = vector.broadcast %broadcast_in_dim3A_303 : i1 to vector<16xi1>
      %unique3A_305, %unique3A_306 = tpu.scan_count mask(%broadcast_in_dim3A_304 : vector<16xi1>) value(%convert_element_type3A_302 : vector<16xf32>) : vector<16xi1>, vector<16xi32>
      %gather3A_307 = tpu.vector_load_idx %arg6[%get3A_301] : memref<64xi32, #tpu.memory_space<vmem>>[vector<16xi32>], vector<16xi32>,
      %add3A_308 = arith.addi %gather3A_307, %unique3A_306 : vector<16xi32>
      %sub3A_309 = arith.constant 1 : i32
      %sub3A_310 = vector.broadcast %sub3A_309 : i32 to vector<16xi32>
      %sub3A_311 = arith.subi %add3A_308, %sub3A_310 : vector<16xi32>
      %swap3A_312 = arith.constant 320 : index
      %swap3A_313 = tpu.vector_load %arg5[%swap3A_312] {strides = array<i32>} : memref<2048xi32, #tpu.memory_space<vmem>>, vector<16xi32>,
      tpu.vector_store %arg5[%swap3A_312], %sub3A_311 {strides = array<i32>} : memref<2048xi32, #tpu.memory_space<vmem>>, vector<16xi32>,
      tpu.vector_store_idx %arg6[%get3A_301], %broadcast_in_dim3A_24 {add = true} : memref<64xi32, #tpu.memory_space<vmem>>[vector<16xi32>], vector<16xi32>,
      %get3A_314 = arith.constant 336 : index
      %get3A_315 = tpu.vector_load %arg4[%get3A_314] {strides = array<i32>} : memref<2048xi32, #tpu.memory_space<vmem>>, vector<16xi32>,
      %convert_element_type3A_316 = arith.sitofp %get3A_315 : vector<16xi32> to vector<16xf32>
      %broadcast_in_dim3A_317 = arith.constant true
      %broadcast_in_dim3A_318 = vector.broadcast %broadcast_in_dim3A_317 : i1 to vector<16xi1>
      %unique3A_319, %unique3A_320 = tpu.scan_count mask(%broadcast_in_dim3A_318 : vector<16xi1>) value(%convert_element_type3A_316 : vector<16xf32>) : vector<16xi1>, vector<16xi32>
      %gather3A_321 = tpu.vector_load_idx %arg6[%get3A_315] : memref<64xi32, #tpu.memory_space<vmem>>[vector<16xi32>], vector<16xi32>,
      %add3A_322 = arith.addi %gather3A_321, %unique3A_320 : vector<16xi32>
      %sub3A_323 = arith.constant 1 : i32
      %sub3A_324 = vector.broadcast %sub3A_323 : i32 to vector<16xi32>
      %sub3A_325 = arith.subi %add3A_322, %sub3A_324 : vector<16xi32>
      %swap3A_326 = arith.constant 336 : index
      %swap3A_327 = tpu.vector_load %arg5[%swap3A_326] {strides = array<i32>} : memref<2048xi32, #tpu.memory_space<vmem>>, vector<16xi32>,
      tpu.vector_store %arg5[%swap3A_326], %sub3A_325 {strides = array<i32>} : memref<2048xi32, #tpu.memory_space<vmem>>, vector<16xi32>,
      tpu.vector_store_idx %arg6[%get3A_315], %broadcast_in_dim3A_24 {add = true} : memref<64xi32, #tpu.memory_space<vmem>>[vector<16xi32>], vector<16xi32>,
      %get3A_328 = arith.constant 352 : index
      %get3A_329 = tpu.vector_load %arg4[%get3A_328] {strides = array<i32>} : memref<2048xi32, #tpu.memory_space<vmem>>, vector<16xi32>,
      %convert_element_type3A_330 = arith.sitofp %get3A_329 : vector<16xi32> to vector<16xf32>
      %broadcast_in_dim3A_331 = arith.constant true
      %broadcast_in_dim3A_332 = vector.broadcast %broadcast_in_dim3A_331 : i1 to vector<16xi1>
      %unique3A_333, %unique3A_334 = tpu.scan_count mask(%broadcast_in_dim3A_332 : vector<16xi1>) value(%convert_element_type3A_330 : vector<16xf32>) : vector<16xi1>, vector<16xi32>
      %gather3A_335 = tpu.vector_load_idx %arg6[%get3A_329] : memref<64xi32, #tpu.memory_space<vmem>>[vector<16xi32>], vector<16xi32>,
      %add3A_336 = arith.addi %gather3A_335, %unique3A_334 : vector<16xi32>
      %sub3A_337 = arith.constant 1 : i32
      %sub3A_338 = vector.broadcast %sub3A_337 : i32 to vector<16xi32>
      %sub3A_339 = arith.subi %add3A_336, %sub3A_338 : vector<16xi32>
      %swap3A_340 = arith.constant 352 : index
      %swap3A_341 = tpu.vector_load %arg5[%swap3A_340] {strides = array<i32>} : memref<2048xi32, #tpu.memory_space<vmem>>, vector<16xi32>,
      tpu.vector_store %arg5[%swap3A_340], %sub3A_339 {strides = array<i32>} : memref<2048xi32, #tpu.memory_space<vmem>>, vector<16xi32>,
      tpu.vector_store_idx %arg6[%get3A_329], %broadcast_in_dim3A_24 {add = true} : memref<64xi32, #tpu.memory_space<vmem>>[vector<16xi32>], vector<16xi32>,
      %get3A_342 = arith.constant 368 : index
      %get3A_343 = tpu.vector_load %arg4[%get3A_342] {strides = array<i32>} : memref<2048xi32, #tpu.memory_space<vmem>>, vector<16xi32>,
      %convert_element_type3A_344 = arith.sitofp %get3A_343 : vector<16xi32> to vector<16xf32>
      %broadcast_in_dim3A_345 = arith.constant true
      %broadcast_in_dim3A_346 = vector.broadcast %broadcast_in_dim3A_345 : i1 to vector<16xi1>
      %unique3A_347, %unique3A_348 = tpu.scan_count mask(%broadcast_in_dim3A_346 : vector<16xi1>) value(%convert_element_type3A_344 : vector<16xf32>) : vector<16xi1>, vector<16xi32>
      %gather3A_349 = tpu.vector_load_idx %arg6[%get3A_343] : memref<64xi32, #tpu.memory_space<vmem>>[vector<16xi32>], vector<16xi32>,
      %add3A_350 = arith.addi %gather3A_349, %unique3A_348 : vector<16xi32>
      %sub3A_351 = arith.constant 1 : i32
      %sub3A_352 = vector.broadcast %sub3A_351 : i32 to vector<16xi32>
      %sub3A_353 = arith.subi %add3A_350, %sub3A_352 : vector<16xi32>
      %swap3A_354 = arith.constant 368 : index
      %swap3A_355 = tpu.vector_load %arg5[%swap3A_354] {strides = array<i32>} : memref<2048xi32, #tpu.memory_space<vmem>>, vector<16xi32>,
      tpu.vector_store %arg5[%swap3A_354], %sub3A_353 {strides = array<i32>} : memref<2048xi32, #tpu.memory_space<vmem>>, vector<16xi32>,
      tpu.vector_store_idx %arg6[%get3A_343], %broadcast_in_dim3A_24 {add = true} : memref<64xi32, #tpu.memory_space<vmem>>[vector<16xi32>], vector<16xi32>,
      %get3A_356 = arith.constant 384 : index
      %get3A_357 = tpu.vector_load %arg4[%get3A_356] {strides = array<i32>} : memref<2048xi32, #tpu.memory_space<vmem>>, vector<16xi32>,
      %convert_element_type3A_358 = arith.sitofp %get3A_357 : vector<16xi32> to vector<16xf32>
      %broadcast_in_dim3A_359 = arith.constant true
      %broadcast_in_dim3A_360 = vector.broadcast %broadcast_in_dim3A_359 : i1 to vector<16xi1>
      %unique3A_361, %unique3A_362 = tpu.scan_count mask(%broadcast_in_dim3A_360 : vector<16xi1>) value(%convert_element_type3A_358 : vector<16xf32>) : vector<16xi1>, vector<16xi32>
      %gather3A_363 = tpu.vector_load_idx %arg6[%get3A_357] : memref<64xi32, #tpu.memory_space<vmem>>[vector<16xi32>], vector<16xi32>,
      %add3A_364 = arith.addi %gather3A_363, %unique3A_362 : vector<16xi32>
      %sub3A_365 = arith.constant 1 : i32
      %sub3A_366 = vector.broadcast %sub3A_365 : i32 to vector<16xi32>
      %sub3A_367 = arith.subi %add3A_364, %sub3A_366 : vector<16xi32>
      %swap3A_368 = arith.constant 384 : index
      %swap3A_369 = tpu.vector_load %arg5[%swap3A_368] {strides = array<i32>} : memref<2048xi32, #tpu.memory_space<vmem>>, vector<16xi32>,
      tpu.vector_store %arg5[%swap3A_368], %sub3A_367 {strides = array<i32>} : memref<2048xi32, #tpu.memory_space<vmem>>, vector<16xi32>,
      tpu.vector_store_idx %arg6[%get3A_357], %broadcast_in_dim3A_24 {add = true} : memref<64xi32, #tpu.memory_space<vmem>>[vector<16xi32>], vector<16xi32>,
      %get3A_370 = arith.constant 400 : index
      %get3A_371 = tpu.vector_load %arg4[%get3A_370] {strides = array<i32>} : memref<2048xi32, #tpu.memory_space<vmem>>, vector<16xi32>,
      %convert_element_type3A_372 = arith.sitofp %get3A_371 : vector<16xi32> to vector<16xf32>
      %broadcast_in_dim3A_373 = arith.constant true
      %broadcast_in_dim3A_374 = vector.broadcast %broadcast_in_dim3A_373 : i1 to vector<16xi1>
      %unique3A_375, %unique3A_376 = tpu.scan_count mask(%broadcast_in_dim3A_374 : vector<16xi1>) value(%convert_element_type3A_372 : vector<16xf32>) : vector<16xi1>, vector<16xi32>
      %gather3A_377 = tpu.vector_load_idx %arg6[%get3A_371] : memref<64xi32, #tpu.memory_space<vmem>>[vector<16xi32>], vector<16xi32>,
      %add3A_378 = arith.addi %gather3A_377, %unique3A_376 : vector<16xi32>
      %sub3A_379 = arith.constant 1 : i32
      %sub3A_380 = vector.broadcast %sub3A_379 : i32 to vector<16xi32>
      %sub3A_381 = arith.subi %add3A_378, %sub3A_380 : vector<16xi32>
      %swap3A_382 = arith.constant 400 : index
      %swap3A_383 = tpu.vector_load %arg5[%swap3A_382] {strides = array<i32>} : memref<2048xi32, #tpu.memory_space<vmem>>, vector<16xi32>,
      tpu.vector_store %arg5[%swap3A_382], %sub3A_381 {strides = array<i32>} : memref<2048xi32, #tpu.memory_space<vmem>>, vector<16xi32>,
      tpu.vector_store_idx %arg6[%get3A_371], %broadcast_in_dim3A_24 {add = true} : memref<64xi32, #tpu.memory_space<vmem>>[vector<16xi32>], vector<16xi32>,
      %get3A_384 = arith.constant 416 : index
      %get3A_385 = tpu.vector_load %arg4[%get3A_384] {strides = array<i32>} : memref<2048xi32, #tpu.memory_space<vmem>>, vector<16xi32>,
      %convert_element_type3A_386 = arith.sitofp %get3A_385 : vector<16xi32> to vector<16xf32>
      %broadcast_in_dim3A_387 = arith.constant true
      %broadcast_in_dim3A_388 = vector.broadcast %broadcast_in_dim3A_387 : i1 to vector<16xi1>
      %unique3A_389, %unique3A_390 = tpu.scan_count mask(%broadcast_in_dim3A_388 : vector<16xi1>) value(%convert_element_type3A_386 : vector<16xf32>) : vector<16xi1>, vector<16xi32>
      %gather3A_391 = tpu.vector_load_idx %arg6[%get3A_385] : memref<64xi32, #tpu.memory_space<vmem>>[vector<16xi32>], vector<16xi32>,
      %add3A_392 = arith.addi %gather3A_391, %unique3A_390 : vector<16xi32>
      %sub3A_393 = arith.constant 1 : i32
      %sub3A_394 = vector.broadcast %sub3A_393 : i32 to vector<16xi32>
      %sub3A_395 = arith.subi %add3A_392, %sub3A_394 : vector<16xi32>
      %swap3A_396 = arith.constant 416 : index
      %swap3A_397 = tpu.vector_load %arg5[%swap3A_396] {strides = array<i32>} : memref<2048xi32, #tpu.memory_space<vmem>>, vector<16xi32>,
      tpu.vector_store %arg5[%swap3A_396], %sub3A_395 {strides = array<i32>} : memref<2048xi32, #tpu.memory_space<vmem>>, vector<16xi32>,
      tpu.vector_store_idx %arg6[%get3A_385], %broadcast_in_dim3A_24 {add = true} : memref<64xi32, #tpu.memory_space<vmem>>[vector<16xi32>], vector<16xi32>,
      %get3A_398 = arith.constant 432 : index
      %get3A_399 = tpu.vector_load %arg4[%get3A_398] {strides = array<i32>} : memref<2048xi32, #tpu.memory_space<vmem>>, vector<16xi32>,
      %convert_element_type3A_400 = arith.sitofp %get3A_399 : vector<16xi32> to vector<16xf32>
      %broadcast_in_dim3A_401 = arith.constant true
      %broadcast_in_dim3A_402 = vector.broadcast %broadcast_in_dim3A_401 : i1 to vector<16xi1>
      %unique3A_403, %unique3A_404 = tpu.scan_count mask(%broadcast_in_dim3A_402 : vector<16xi1>) value(%convert_element_type3A_400 : vector<16xf32>) : vector<16xi1>, vector<16xi32>
      %gather3A_405 = tpu.vector_load_idx %arg6[%get3A_399] : memref<64xi32, #tpu.memory_space<vmem>>[vector<16xi32>], vector<16xi32>,
      %add3A_406 = arith.addi %gather3A_405, %unique3A_404 : vector<16xi32>
      %sub3A_407 = arith.constant 1 : i32
      %sub3A_408 = vector.broadcast %sub3A_407 : i32 to vector<16xi32>
      %sub3A_409 = arith.subi %add3A_406, %sub3A_408 : vector<16xi32>
      %swap3A_410 = arith.constant 432 : index
      %swap3A_411 = tpu.vector_load %arg5[%swap3A_410] {strides = array<i32>} : memref<2048xi32, #tpu.memory_space<vmem>>, vector<16xi32>,
      tpu.vector_store %arg5[%swap3A_410], %sub3A_409 {strides = array<i32>} : memref<2048xi32, #tpu.memory_space<vmem>>, vector<16xi32>,
      tpu.vector_store_idx %arg6[%get3A_399], %broadcast_in_dim3A_24 {add = true} : memref<64xi32, #tpu.memory_space<vmem>>[vector<16xi32>], vector<16xi32>,
      %get3A_412 = arith.constant 448 : index
      %get3A_413 = tpu.vector_load %arg4[%get3A_412] {strides = array<i32>} : memref<2048xi32, #tpu.memory_space<vmem>>, vector<16xi32>,
      %convert_element_type3A_414 = arith.sitofp %get3A_413 : vector<16xi32> to vector<16xf32>
      %broadcast_in_dim3A_415 = arith.constant true
      %broadcast_in_dim3A_416 = vector.broadcast %broadcast_in_dim3A_415 : i1 to vector<16xi1>
      %unique3A_417, %unique3A_418 = tpu.scan_count mask(%broadcast_in_dim3A_416 : vector<16xi1>) value(%convert_element_type3A_414 : vector<16xf32>) : vector<16xi1>, vector<16xi32>
      %gather3A_419 = tpu.vector_load_idx %arg6[%get3A_413] : memref<64xi32, #tpu.memory_space<vmem>>[vector<16xi32>], vector<16xi32>,
      %add3A_420 = arith.addi %gather3A_419, %unique3A_418 : vector<16xi32>
      %sub3A_421 = arith.constant 1 : i32
      %sub3A_422 = vector.broadcast %sub3A_421 : i32 to vector<16xi32>
      %sub3A_423 = arith.subi %add3A_420, %sub3A_422 : vector<16xi32>
      %swap3A_424 = arith.constant 448 : index
      %swap3A_425 = tpu.vector_load %arg5[%swap3A_424] {strides = array<i32>} : memref<2048xi32, #tpu.memory_space<vmem>>, vector<16xi32>,
      tpu.vector_store %arg5[%swap3A_424], %sub3A_423 {strides = array<i32>} : memref<2048xi32, #tpu.memory_space<vmem>>, vector<16xi32>,
      tpu.vector_store_idx %arg6[%get3A_413], %broadcast_in_dim3A_24 {add = true} : memref<64xi32, #tpu.memory_space<vmem>>[vector<16xi32>], vector<16xi32>,
      %get3A_426 = arith.constant 464 : index
      %get3A_427 = tpu.vector_load %arg4[%get3A_426] {strides = array<i32>} : memref<2048xi32, #tpu.memory_space<vmem>>, vector<16xi32>,
      %convert_element_type3A_428 = arith.sitofp %get3A_427 : vector<16xi32> to vector<16xf32>
      %broadcast_in_dim3A_429 = arith.constant true
      %broadcast_in_dim3A_430 = vector.broadcast %broadcast_in_dim3A_429 : i1 to vector<16xi1>
      %unique3A_431, %unique3A_432 = tpu.scan_count mask(%broadcast_in_dim3A_430 : vector<16xi1>) value(%convert_element_type3A_428 : vector<16xf32>) : vector<16xi1>, vector<16xi32>
      %gather3A_433 = tpu.vector_load_idx %arg6[%get3A_427] : memref<64xi32, #tpu.memory_space<vmem>>[vector<16xi32>], vector<16xi32>,
      %add3A_434 = arith.addi %gather3A_433, %unique3A_432 : vector<16xi32>
      %sub3A_435 = arith.constant 1 : i32
      %sub3A_436 = vector.broadcast %sub3A_435 : i32 to vector<16xi32>
      %sub3A_437 = arith.subi %add3A_434, %sub3A_436 : vector<16xi32>
      %swap3A_438 = arith.constant 464 : index
      %swap3A_439 = tpu.vector_load %arg5[%swap3A_438] {strides = array<i32>} : memref<2048xi32, #tpu.memory_space<vmem>>, vector<16xi32>,
      tpu.vector_store %arg5[%swap3A_438], %sub3A_437 {strides = array<i32>} : memref<2048xi32, #tpu.memory_space<vmem>>, vector<16xi32>,
      tpu.vector_store_idx %arg6[%get3A_427], %broadcast_in_dim3A_24 {add = true} : memref<64xi32, #tpu.memory_space<vmem>>[vector<16xi32>], vector<16xi32>,
      %get3A_440 = arith.constant 480 : index
      %get3A_441 = tpu.vector_load %arg4[%get3A_440] {strides = array<i32>} : memref<2048xi32, #tpu.memory_space<vmem>>, vector<16xi32>,
      %convert_element_type3A_442 = arith.sitofp %get3A_441 : vector<16xi32> to vector<16xf32>
      %broadcast_in_dim3A_443 = arith.constant true
      %broadcast_in_dim3A_444 = vector.broadcast %broadcast_in_dim3A_443 : i1 to vector<16xi1>
      %unique3A_445, %unique3A_446 = tpu.scan_count mask(%broadcast_in_dim3A_444 : vector<16xi1>) value(%convert_element_type3A_442 : vector<16xf32>) : vector<16xi1>, vector<16xi32>
      %gather3A_447 = tpu.vector_load_idx %arg6[%get3A_441] : memref<64xi32, #tpu.memory_space<vmem>>[vector<16xi32>], vector<16xi32>,
      %add3A_448 = arith.addi %gather3A_447, %unique3A_446 : vector<16xi32>
      %sub3A_449 = arith.constant 1 : i32
      %sub3A_450 = vector.broadcast %sub3A_449 : i32 to vector<16xi32>
      %sub3A_451 = arith.subi %add3A_448, %sub3A_450 : vector<16xi32>
      %swap3A_452 = arith.constant 480 : index
      %swap3A_453 = tpu.vector_load %arg5[%swap3A_452] {strides = array<i32>} : memref<2048xi32, #tpu.memory_space<vmem>>, vector<16xi32>,
      tpu.vector_store %arg5[%swap3A_452], %sub3A_451 {strides = array<i32>} : memref<2048xi32, #tpu.memory_space<vmem>>, vector<16xi32>,
      tpu.vector_store_idx %arg6[%get3A_441], %broadcast_in_dim3A_24 {add = true} : memref<64xi32, #tpu.memory_space<vmem>>[vector<16xi32>], vector<16xi32>,
      %get3A_454 = arith.constant 496 : index
      %get3A_455 = tpu.vector_load %arg4[%get3A_454] {strides = array<i32>} : memref<2048xi32, #tpu.memory_space<vmem>>, vector<16xi32>,
      %convert_element_type3A_456 = arith.sitofp %get3A_455 : vector<16xi32> to vector<16xf32>
      %broadcast_in_dim3A_457 = arith.constant true
      %broadcast_in_dim3A_458 = vector.broadcast %broadcast_in_dim3A_457 : i1 to vector<16xi1>
      %unique3A_459, %unique3A_460 = tpu.scan_count mask(%broadcast_in_dim3A_458 : vector<16xi1>) value(%convert_element_type3A_456 : vector<16xf32>) : vector<16xi1>, vector<16xi32>
      %gather3A_461 = tpu.vector_load_idx %arg6[%get3A_455] : memref<64xi32, #tpu.memory_space<vmem>>[vector<16xi32>], vector<16xi32>,
      %add3A_462 = arith.addi %gather3A_461, %unique3A_460 : vector<16xi32>
      %sub3A_463 = arith.constant 1 : i32
      %sub3A_464 = vector.broadcast %sub3A_463 : i32 to vector<16xi32>
      %sub3A_465 = arith.subi %add3A_462, %sub3A_464 : vector<16xi32>
      %swap3A_466 = arith.constant 496 : index
      %swap3A_467 = tpu.vector_load %arg5[%swap3A_466] {strides = array<i32>} : memref<2048xi32, #tpu.memory_space<vmem>>, vector<16xi32>,
      tpu.vector_store %arg5[%swap3A_466], %sub3A_465 {strides = array<i32>} : memref<2048xi32, #tpu.memory_space<vmem>>, vector<16xi32>,
      tpu.vector_store_idx %arg6[%get3A_455], %broadcast_in_dim3A_24 {add = true} : memref<64xi32, #tpu.memory_space<vmem>>[vector<16xi32>], vector<16xi32>,
      %get3A_468 = arith.constant 512 : index
      %get3A_469 = tpu.vector_load %arg4[%get3A_468] {strides = array<i32>} : memref<2048xi32, #tpu.memory_space<vmem>>, vector<16xi32>,
      %convert_element_type3A_470 = arith.sitofp %get3A_469 : vector<16xi32> to vector<16xf32>
      %broadcast_in_dim3A_471 = arith.constant true
      %broadcast_in_dim3A_472 = vector.broadcast %broadcast_in_dim3A_471 : i1 to vector<16xi1>
      %unique3A_473, %unique3A_474 = tpu.scan_count mask(%broadcast_in_dim3A_472 : vector<16xi1>) value(%convert_element_type3A_470 : vector<16xf32>) : vector<16xi1>, vector<16xi32>
      %gather3A_475 = tpu.vector_load_idx %arg6[%get3A_469] : memref<64xi32, #tpu.memory_space<vmem>>[vector<16xi32>], vector<16xi32>,
      %add3A_476 = arith.addi %gather3A_475, %unique3A_474 : vector<16xi32>
      %sub3A_477 = arith.constant 1 : i32
      %sub3A_478 = vector.broadcast %sub3A_477 : i32 to vector<16xi32>
      %sub3A_479 = arith.subi %add3A_476, %sub3A_478 : vector<16xi32>
      %swap3A_480 = arith.constant 512 : index
      %swap3A_481 = tpu.vector_load %arg5[%swap3A_480] {strides = array<i32>} : memref<2048xi32, #tpu.memory_space<vmem>>, vector<16xi32>,
      tpu.vector_store %arg5[%swap3A_480], %sub3A_479 {strides = array<i32>} : memref<2048xi32, #tpu.memory_space<vmem>>, vector<16xi32>,
      tpu.vector_store_idx %arg6[%get3A_469], %broadcast_in_dim3A_24 {add = true} : memref<64xi32, #tpu.memory_space<vmem>>[vector<16xi32>], vector<16xi32>,
      %get3A_482 = arith.constant 528 : index
      %get3A_483 = tpu.vector_load %arg4[%get3A_482] {strides = array<i32>} : memref<2048xi32, #tpu.memory_space<vmem>>, vector<16xi32>,
      %convert_element_type3A_484 = arith.sitofp %get3A_483 : vector<16xi32> to vector<16xf32>
      %broadcast_in_dim3A_485 = arith.constant true
      %broadcast_in_dim3A_486 = vector.broadcast %broadcast_in_dim3A_485 : i1 to vector<16xi1>
      %unique3A_487, %unique3A_488 = tpu.scan_count mask(%broadcast_in_dim3A_486 : vector<16xi1>) value(%convert_element_type3A_484 : vector<16xf32>) : vector<16xi1>, vector<16xi32>
      %gather3A_489 = tpu.vector_load_idx %arg6[%get3A_483] : memref<64xi32, #tpu.memory_space<vmem>>[vector<16xi32>], vector<16xi32>,
      %add3A_490 = arith.addi %gather3A_489, %unique3A_488 : vector<16xi32>
      %sub3A_491 = arith.constant 1 : i32
      %sub3A_492 = vector.broadcast %sub3A_491 : i32 to vector<16xi32>
      %sub3A_493 = arith.subi %add3A_490, %sub3A_492 : vector<16xi32>
      %swap3A_494 = arith.constant 528 : index
      %swap3A_495 = tpu.vector_load %arg5[%swap3A_494] {strides = array<i32>} : memref<2048xi32, #tpu.memory_space<vmem>>, vector<16xi32>,
      tpu.vector_store %arg5[%swap3A_494], %sub3A_493 {strides = array<i32>} : memref<2048xi32, #tpu.memory_space<vmem>>, vector<16xi32>,
      tpu.vector_store_idx %arg6[%get3A_483], %broadcast_in_dim3A_24 {add = true} : memref<64xi32, #tpu.memory_space<vmem>>[vector<16xi32>], vector<16xi32>,
      %get3A_496 = arith.constant 544 : index
      %get3A_497 = tpu.vector_load %arg4[%get3A_496] {strides = array<i32>} : memref<2048xi32, #tpu.memory_space<vmem>>, vector<16xi32>,
      %convert_element_type3A_498 = arith.sitofp %get3A_497 : vector<16xi32> to vector<16xf32>
      %broadcast_in_dim3A_499 = arith.constant true
      %broadcast_in_dim3A_500 = vector.broadcast %broadcast_in_dim3A_499 : i1 to vector<16xi1>
      %unique3A_501, %unique3A_502 = tpu.scan_count mask(%broadcast_in_dim3A_500 : vector<16xi1>) value(%convert_element_type3A_498 : vector<16xf32>) : vector<16xi1>, vector<16xi32>
      %gather3A_503 = tpu.vector_load_idx %arg6[%get3A_497] : memref<64xi32, #tpu.memory_space<vmem>>[vector<16xi32>], vector<16xi32>,
      %add3A_504 = arith.addi %gather3A_503, %unique3A_502 : vector<16xi32>
      %sub3A_505 = arith.constant 1 : i32
      %sub3A_506 = vector.broadcast %sub3A_505 : i32 to vector<16xi32>
      %sub3A_507 = arith.subi %add3A_504, %sub3A_506 : vector<16xi32>
      %swap3A_508 = arith.constant 544 : index
      %swap3A_509 = tpu.vector_load %arg5[%swap3A_508] {strides = array<i32>} : memref<2048xi32, #tpu.memory_space<vmem>>, vector<16xi32>,
      tpu.vector_store %arg5[%swap3A_508], %sub3A_507 {strides = array<i32>} : memref<2048xi32, #tpu.memory_space<vmem>>, vector<16xi32>,
      tpu.vector_store_idx %arg6[%get3A_497], %broadcast_in_dim3A_24 {add = true} : memref<64xi32, #tpu.memory_space<vmem>>[vector<16xi32>], vector<16xi32>,
      %get3A_510 = arith.constant 560 : index
      %get3A_511 = tpu.vector_load %arg4[%get3A_510] {strides = array<i32>} : memref<2048xi32, #tpu.memory_space<vmem>>, vector<16xi32>,
      %convert_element_type3A_512 = arith.sitofp %get3A_511 : vector<16xi32> to vector<16xf32>
      %broadcast_in_dim3A_513 = arith.constant true
      %broadcast_in_dim3A_514 = vector.broadcast %broadcast_in_dim3A_513 : i1 to vector<16xi1>
      %unique3A_515, %unique3A_516 = tpu.scan_count mask(%broadcast_in_dim3A_514 : vector<16xi1>) value(%convert_element_type3A_512 : vector<16xf32>) : vector<16xi1>, vector<16xi32>
      %gather3A_517 = tpu.vector_load_idx %arg6[%get3A_511] : memref<64xi32, #tpu.memory_space<vmem>>[vector<16xi32>], vector<16xi32>,
      %add3A_518 = arith.addi %gather3A_517, %unique3A_516 : vector<16xi32>
      %sub3A_519 = arith.constant 1 : i32
      %sub3A_520 = vector.broadcast %sub3A_519 : i32 to vector<16xi32>
      %sub3A_521 = arith.subi %add3A_518, %sub3A_520 : vector<16xi32>
      %swap3A_522 = arith.constant 560 : index
      %swap3A_523 = tpu.vector_load %arg5[%swap3A_522] {strides = array<i32>} : memref<2048xi32, #tpu.memory_space<vmem>>, vector<16xi32>,
      tpu.vector_store %arg5[%swap3A_522], %sub3A_521 {strides = array<i32>} : memref<2048xi32, #tpu.memory_space<vmem>>, vector<16xi32>,
      tpu.vector_store_idx %arg6[%get3A_511], %broadcast_in_dim3A_24 {add = true} : memref<64xi32, #tpu.memory_space<vmem>>[vector<16xi32>], vector<16xi32>,
      %get3A_524 = arith.constant 576 : index
      %get3A_525 = tpu.vector_load %arg4[%get3A_524] {strides = array<i32>} : memref<2048xi32, #tpu.memory_space<vmem>>, vector<16xi32>,
      %convert_element_type3A_526 = arith.sitofp %get3A_525 : vector<16xi32> to vector<16xf32>
      %broadcast_in_dim3A_527 = arith.constant true
      %broadcast_in_dim3A_528 = vector.broadcast %broadcast_in_dim3A_527 : i1 to vector<16xi1>
      %unique3A_529, %unique3A_530 = tpu.scan_count mask(%broadcast_in_dim3A_528 : vector<16xi1>) value(%convert_element_type3A_526 : vector<16xf32>) : vector<16xi1>, vector<16xi32>
      %gather3A_531 = tpu.vector_load_idx %arg6[%get3A_525] : memref<64xi32, #tpu.memory_space<vmem>>[vector<16xi32>], vector<16xi32>,
      %add3A_532 = arith.addi %gather3A_531, %unique3A_530 : vector<16xi32>
      %sub3A_533 = arith.constant 1 : i32
      %sub3A_534 = vector.broadcast %sub3A_533 : i32 to vector<16xi32>
      %sub3A_535 = arith.subi %add3A_532, %sub3A_534 : vector<16xi32>
      %swap3A_536 = arith.constant 576 : index
      %swap3A_537 = tpu.vector_load %arg5[%swap3A_536] {strides = array<i32>} : memref<2048xi32, #tpu.memory_space<vmem>>, vector<16xi32>,
      tpu.vector_store %arg5[%swap3A_536], %sub3A_535 {strides = array<i32>} : memref<2048xi32, #tpu.memory_space<vmem>>, vector<16xi32>,
      tpu.vector_store_idx %arg6[%get3A_525], %broadcast_in_dim3A_24 {add = true} : memref<64xi32, #tpu.memory_space<vmem>>[vector<16xi32>], vector<16xi32>,
      %get3A_538 = arith.constant 592 : index
      %get3A_539 = tpu.vector_load %arg4[%get3A_538] {strides = array<i32>} : memref<2048xi32, #tpu.memory_space<vmem>>, vector<16xi32>,
      %convert_element_type3A_540 = arith.sitofp %get3A_539 : vector<16xi32> to vector<16xf32>
      %broadcast_in_dim3A_541 = arith.constant true
      %broadcast_in_dim3A_542 = vector.broadcast %broadcast_in_dim3A_541 : i1 to vector<16xi1>
      %unique3A_543, %unique3A_544 = tpu.scan_count mask(%broadcast_in_dim3A_542 : vector<16xi1>) value(%convert_element_type3A_540 : vector<16xf32>) : vector<16xi1>, vector<16xi32>
      %gather3A_545 = tpu.vector_load_idx %arg6[%get3A_539] : memref<64xi32, #tpu.memory_space<vmem>>[vector<16xi32>], vector<16xi32>,
      %add3A_546 = arith.addi %gather3A_545, %unique3A_544 : vector<16xi32>
      %sub3A_547 = arith.constant 1 : i32
      %sub3A_548 = vector.broadcast %sub3A_547 : i32 to vector<16xi32>
      %sub3A_549 = arith.subi %add3A_546, %sub3A_548 : vector<16xi32>
      %swap3A_550 = arith.constant 592 : index
      %swap3A_551 = tpu.vector_load %arg5[%swap3A_550] {strides = array<i32>} : memref<2048xi32, #tpu.memory_space<vmem>>, vector<16xi32>,
      tpu.vector_store %arg5[%swap3A_550], %sub3A_549 {strides = array<i32>} : memref<2048xi32, #tpu.memory_space<vmem>>, vector<16xi32>,
      tpu.vector_store_idx %arg6[%get3A_539], %broadcast_in_dim3A_24 {add = true} : memref<64xi32, #tpu.memory_space<vmem>>[vector<16xi32>], vector<16xi32>,
      %get3A_552 = arith.constant 608 : index
      %get3A_553 = tpu.vector_load %arg4[%get3A_552] {strides = array<i32>} : memref<2048xi32, #tpu.memory_space<vmem>>, vector<16xi32>,
      %convert_element_type3A_554 = arith.sitofp %get3A_553 : vector<16xi32> to vector<16xf32>
      %broadcast_in_dim3A_555 = arith.constant true
      %broadcast_in_dim3A_556 = vector.broadcast %broadcast_in_dim3A_555 : i1 to vector<16xi1>
      %unique3A_557, %unique3A_558 = tpu.scan_count mask(%broadcast_in_dim3A_556 : vector<16xi1>) value(%convert_element_type3A_554 : vector<16xf32>) : vector<16xi1>, vector<16xi32>
      %gather3A_559 = tpu.vector_load_idx %arg6[%get3A_553] : memref<64xi32, #tpu.memory_space<vmem>>[vector<16xi32>], vector<16xi32>,
      %add3A_560 = arith.addi %gather3A_559, %unique3A_558 : vector<16xi32>
      %sub3A_561 = arith.constant 1 : i32
      %sub3A_562 = vector.broadcast %sub3A_561 : i32 to vector<16xi32>
      %sub3A_563 = arith.subi %add3A_560, %sub3A_562 : vector<16xi32>
      %swap3A_564 = arith.constant 608 : index
      %swap3A_565 = tpu.vector_load %arg5[%swap3A_564] {strides = array<i32>} : memref<2048xi32, #tpu.memory_space<vmem>>, vector<16xi32>,
      tpu.vector_store %arg5[%swap3A_564], %sub3A_563 {strides = array<i32>} : memref<2048xi32, #tpu.memory_space<vmem>>, vector<16xi32>,
      tpu.vector_store_idx %arg6[%get3A_553], %broadcast_in_dim3A_24 {add = true} : memref<64xi32, #tpu.memory_space<vmem>>[vector<16xi32>], vector<16xi32>,
      %get3A_566 = arith.constant 624 : index
      %get3A_567 = tpu.vector_load %arg4[%get3A_566] {strides = array<i32>} : memref<2048xi32, #tpu.memory_space<vmem>>, vector<16xi32>,
      %convert_element_type3A_568 = arith.sitofp %get3A_567 : vector<16xi32> to vector<16xf32>
      %broadcast_in_dim3A_569 = arith.constant true
      %broadcast_in_dim3A_570 = vector.broadcast %broadcast_in_dim3A_569 : i1 to vector<16xi1>
      %unique3A_571, %unique3A_572 = tpu.scan_count mask(%broadcast_in_dim3A_570 : vector<16xi1>) value(%convert_element_type3A_568 : vector<16xf32>) : vector<16xi1>, vector<16xi32>
      %gather3A_573 = tpu.vector_load_idx %arg6[%get3A_567] : memref<64xi32, #tpu.memory_space<vmem>>[vector<16xi32>], vector<16xi32>,
      %add3A_574 = arith.addi %gather3A_573, %unique3A_572 : vector<16xi32>
      %sub3A_575 = arith.constant 1 : i32
      %sub3A_576 = vector.broadcast %sub3A_575 : i32 to vector<16xi32>
      %sub3A_577 = arith.subi %add3A_574, %sub3A_576 : vector<16xi32>
      %swap3A_578 = arith.constant 624 : index
      %swap3A_579 = tpu.vector_load %arg5[%swap3A_578] {strides = array<i32>} : memref<2048xi32, #tpu.memory_space<vmem>>, vector<16xi32>,
      tpu.vector_store %arg5[%swap3A_578], %sub3A_577 {strides = array<i32>} : memref<2048xi32, #tpu.memory_space<vmem>>, vector<16xi32>,
      tpu.vector_store_idx %arg6[%get3A_567], %broadcast_in_dim3A_24 {add = true} : memref<64xi32, #tpu.memory_space<vmem>>[vector<16xi32>], vector<16xi32>,
      %get3A_580 = arith.constant 640 : index
      %get3A_581 = tpu.vector_load %arg4[%get3A_580] {strides = array<i32>} : memref<2048xi32, #tpu.memory_space<vmem>>, vector<16xi32>,
      %convert_element_type3A_582 = arith.sitofp %get3A_581 : vector<16xi32> to vector<16xf32>
      %broadcast_in_dim3A_583 = arith.constant true
      %broadcast_in_dim3A_584 = vector.broadcast %broadcast_in_dim3A_583 : i1 to vector<16xi1>
      %unique3A_585, %unique3A_586 = tpu.scan_count mask(%broadcast_in_dim3A_584 : vector<16xi1>) value(%convert_element_type3A_582 : vector<16xf32>) : vector<16xi1>, vector<16xi32>
      %gather3A_587 = tpu.vector_load_idx %arg6[%get3A_581] : memref<64xi32, #tpu.memory_space<vmem>>[vector<16xi32>], vector<16xi32>,
      %add3A_588 = arith.addi %gather3A_587, %unique3A_586 : vector<16xi32>
      %sub3A_589 = arith.constant 1 : i32
      %sub3A_590 = vector.broadcast %sub3A_589 : i32 to vector<16xi32>
      %sub3A_591 = arith.subi %add3A_588, %sub3A_590 : vector<16xi32>
      %swap3A_592 = arith.constant 640 : index
      %swap3A_593 = tpu.vector_load %arg5[%swap3A_592] {strides = array<i32>} : memref<2048xi32, #tpu.memory_space<vmem>>, vector<16xi32>,
      tpu.vector_store %arg5[%swap3A_592], %sub3A_591 {strides = array<i32>} : memref<2048xi32, #tpu.memory_space<vmem>>, vector<16xi32>,
      tpu.vector_store_idx %arg6[%get3A_581], %broadcast_in_dim3A_24 {add = true} : memref<64xi32, #tpu.memory_space<vmem>>[vector<16xi32>], vector<16xi32>,
      %get3A_594 = arith.constant 656 : index
      %get3A_595 = tpu.vector_load %arg4[%get3A_594] {strides = array<i32>} : memref<2048xi32, #tpu.memory_space<vmem>>, vector<16xi32>,
      %convert_element_type3A_596 = arith.sitofp %get3A_595 : vector<16xi32> to vector<16xf32>
      %broadcast_in_dim3A_597 = arith.constant true
      %broadcast_in_dim3A_598 = vector.broadcast %broadcast_in_dim3A_597 : i1 to vector<16xi1>
      %unique3A_599, %unique3A_600 = tpu.scan_count mask(%broadcast_in_dim3A_598 : vector<16xi1>) value(%convert_element_type3A_596 : vector<16xf32>) : vector<16xi1>, vector<16xi32>
      %gather3A_601 = tpu.vector_load_idx %arg6[%get3A_595] : memref<64xi32, #tpu.memory_space<vmem>>[vector<16xi32>], vector<16xi32>,
      %add3A_602 = arith.addi %gather3A_601, %unique3A_600 : vector<16xi32>
      %sub3A_603 = arith.constant 1 : i32
      %sub3A_604 = vector.broadcast %sub3A_603 : i32 to vector<16xi32>
      %sub3A_605 = arith.subi %add3A_602, %sub3A_604 : vector<16xi32>
      %swap3A_606 = arith.constant 656 : index
      %swap3A_607 = tpu.vector_load %arg5[%swap3A_606] {strides = array<i32>} : memref<2048xi32, #tpu.memory_space<vmem>>, vector<16xi32>,
      tpu.vector_store %arg5[%swap3A_606], %sub3A_605 {strides = array<i32>} : memref<2048xi32, #tpu.memory_space<vmem>>, vector<16xi32>,
      tpu.vector_store_idx %arg6[%get3A_595], %broadcast_in_dim3A_24 {add = true} : memref<64xi32, #tpu.memory_space<vmem>>[vector<16xi32>], vector<16xi32>,
      %get3A_608 = arith.constant 672 : index
      %get3A_609 = tpu.vector_load %arg4[%get3A_608] {strides = array<i32>} : memref<2048xi32, #tpu.memory_space<vmem>>, vector<16xi32>,
      %convert_element_type3A_610 = arith.sitofp %get3A_609 : vector<16xi32> to vector<16xf32>
      %broadcast_in_dim3A_611 = arith.constant true
      %broadcast_in_dim3A_612 = vector.broadcast %broadcast_in_dim3A_611 : i1 to vector<16xi1>
      %unique3A_613, %unique3A_614 = tpu.scan_count mask(%broadcast_in_dim3A_612 : vector<16xi1>) value(%convert_element_type3A_610 : vector<16xf32>) : vector<16xi1>, vector<16xi32>
      %gather3A_615 = tpu.vector_load_idx %arg6[%get3A_609] : memref<64xi32, #tpu.memory_space<vmem>>[vector<16xi32>], vector<16xi32>,
      %add3A_616 = arith.addi %gather3A_615, %unique3A_614 : vector<16xi32>
      %sub3A_617 = arith.constant 1 : i32
      %sub3A_618 = vector.broadcast %sub3A_617 : i32 to vector<16xi32>
      %sub3A_619 = arith.subi %add3A_616, %sub3A_618 : vector<16xi32>
      %swap3A_620 = arith.constant 672 : index
      %swap3A_621 = tpu.vector_load %arg5[%swap3A_620] {strides = array<i32>} : memref<2048xi32, #tpu.memory_space<vmem>>, vector<16xi32>,
      tpu.vector_store %arg5[%swap3A_620], %sub3A_619 {strides = array<i32>} : memref<2048xi32, #tpu.memory_space<vmem>>, vector<16xi32>,
      tpu.vector_store_idx %arg6[%get3A_609], %broadcast_in_dim3A_24 {add = true} : memref<64xi32, #tpu.memory_space<vmem>>[vector<16xi32>], vector<16xi32>,
      %get3A_622 = arith.constant 688 : index
      %get3A_623 = tpu.vector_load %arg4[%get3A_622] {strides = array<i32>} : memref<2048xi32, #tpu.memory_space<vmem>>, vector<16xi32>,
      %convert_element_type3A_624 = arith.sitofp %get3A_623 : vector<16xi32> to vector<16xf32>
      %broadcast_in_dim3A_625 = arith.constant true
      %broadcast_in_dim3A_626 = vector.broadcast %broadcast_in_dim3A_625 : i1 to vector<16xi1>
      %unique3A_627, %unique3A_628 = tpu.scan_count mask(%broadcast_in_dim3A_626 : vector<16xi1>) value(%convert_element_type3A_624 : vector<16xf32>) : vector<16xi1>, vector<16xi32>
      %gather3A_629 = tpu.vector_load_idx %arg6[%get3A_623] : memref<64xi32, #tpu.memory_space<vmem>>[vector<16xi32>], vector<16xi32>,
      %add3A_630 = arith.addi %gather3A_629, %unique3A_628 : vector<16xi32>
      %sub3A_631 = arith.constant 1 : i32
      %sub3A_632 = vector.broadcast %sub3A_631 : i32 to vector<16xi32>
      %sub3A_633 = arith.subi %add3A_630, %sub3A_632 : vector<16xi32>
      %swap3A_634 = arith.constant 688 : index
      %swap3A_635 = tpu.vector_load %arg5[%swap3A_634] {strides = array<i32>} : memref<2048xi32, #tpu.memory_space<vmem>>, vector<16xi32>,
      tpu.vector_store %arg5[%swap3A_634], %sub3A_633 {strides = array<i32>} : memref<2048xi32, #tpu.memory_space<vmem>>, vector<16xi32>,
      tpu.vector_store_idx %arg6[%get3A_623], %broadcast_in_dim3A_24 {add = true} : memref<64xi32, #tpu.memory_space<vmem>>[vector<16xi32>], vector<16xi32>,
      %get3A_636 = arith.constant 704 : index
      %get3A_637 = tpu.vector_load %arg4[%get3A_636] {strides = array<i32>} : memref<2048xi32, #tpu.memory_space<vmem>>, vector<16xi32>,
      %convert_element_type3A_638 = arith.sitofp %get3A_637 : vector<16xi32> to vector<16xf32>
      %broadcast_in_dim3A_639 = arith.constant true
      %broadcast_in_dim3A_640 = vector.broadcast %broadcast_in_dim3A_639 : i1 to vector<16xi1>
      %unique3A_641, %unique3A_642 = tpu.scan_count mask(%broadcast_in_dim3A_640 : vector<16xi1>) value(%convert_element_type3A_638 : vector<16xf32>) : vector<16xi1>, vector<16xi32>
      %gather3A_643 = tpu.vector_load_idx %arg6[%get3A_637] : memref<64xi32, #tpu.memory_space<vmem>>[vector<16xi32>], vector<16xi32>,
      %add3A_644 = arith.addi %gather3A_643, %unique3A_642 : vector<16xi32>
      %sub3A_645 = arith.constant 1 : i32
      %sub3A_646 = vector.broadcast %sub3A_645 : i32 to vector<16xi32>
      %sub3A_647 = arith.subi %add3A_644, %sub3A_646 : vector<16xi32>
      %swap3A_648 = arith.constant 704 : index
      %swap3A_649 = tpu.vector_load %arg5[%swap3A_648] {strides = array<i32>} : memref<2048xi32, #tpu.memory_space<vmem>>, vector<16xi32>,
      tpu.vector_store %arg5[%swap3A_648], %sub3A_647 {strides = array<i32>} : memref<2048xi32, #tpu.memory_space<vmem>>, vector<16xi32>,
      tpu.vector_store_idx %arg6[%get3A_637], %broadcast_in_dim3A_24 {add = true} : memref<64xi32, #tpu.memory_space<vmem>>[vector<16xi32>], vector<16xi32>,
      %get3A_650 = arith.constant 720 : index
      %get3A_651 = tpu.vector_load %arg4[%get3A_650] {strides = array<i32>} : memref<2048xi32, #tpu.memory_space<vmem>>, vector<16xi32>,
      %convert_element_type3A_652 = arith.sitofp %get3A_651 : vector<16xi32> to vector<16xf32>
      %broadcast_in_dim3A_653 = arith.constant true
      %broadcast_in_dim3A_654 = vector.broadcast %broadcast_in_dim3A_653 : i1 to vector<16xi1>
      %unique3A_655, %unique3A_656 = tpu.scan_count mask(%broadcast_in_dim3A_654 : vector<16xi1>) value(%convert_element_type3A_652 : vector<16xf32>) : vector<16xi1>, vector<16xi32>
      %gather3A_657 = tpu.vector_load_idx %arg6[%get3A_651] : memref<64xi32, #tpu.memory_space<vmem>>[vector<16xi32>], vector<16xi32>,
      %add3A_658 = arith.addi %gather3A_657, %unique3A_656 : vector<16xi32>
      %sub3A_659 = arith.constant 1 : i32
      %sub3A_660 = vector.broadcast %sub3A_659 : i32 to vector<16xi32>
      %sub3A_661 = arith.subi %add3A_658, %sub3A_660 : vector<16xi32>
      %swap3A_662 = arith.constant 720 : index
      %swap3A_663 = tpu.vector_load %arg5[%swap3A_662] {strides = array<i32>} : memref<2048xi32, #tpu.memory_space<vmem>>, vector<16xi32>,
      tpu.vector_store %arg5[%swap3A_662], %sub3A_661 {strides = array<i32>} : memref<2048xi32, #tpu.memory_space<vmem>>, vector<16xi32>,
      tpu.vector_store_idx %arg6[%get3A_651], %broadcast_in_dim3A_24 {add = true} : memref<64xi32, #tpu.memory_space<vmem>>[vector<16xi32>], vector<16xi32>,
      %get3A_664 = arith.constant 736 : index
      %get3A_665 = tpu.vector_load %arg4[%get3A_664] {strides = array<i32>} : memref<2048xi32, #tpu.memory_space<vmem>>, vector<16xi32>,
      %convert_element_type3A_666 = arith.sitofp %get3A_665 : vector<16xi32> to vector<16xf32>
      %broadcast_in_dim3A_667 = arith.constant true
      %broadcast_in_dim3A_668 = vector.broadcast %broadcast_in_dim3A_667 : i1 to vector<16xi1>
      %unique3A_669, %unique3A_670 = tpu.scan_count mask(%broadcast_in_dim3A_668 : vector<16xi1>) value(%convert_element_type3A_666 : vector<16xf32>) : vector<16xi1>, vector<16xi32>
      %gather3A_671 = tpu.vector_load_idx %arg6[%get3A_665] : memref<64xi32, #tpu.memory_space<vmem>>[vector<16xi32>], vector<16xi32>,
      %add3A_672 = arith.addi %gather3A_671, %unique3A_670 : vector<16xi32>
      %sub3A_673 = arith.constant 1 : i32
      %sub3A_674 = vector.broadcast %sub3A_673 : i32 to vector<16xi32>
      %sub3A_675 = arith.subi %add3A_672, %sub3A_674 : vector<16xi32>
      %swap3A_676 = arith.constant 736 : index
      %swap3A_677 = tpu.vector_load %arg5[%swap3A_676] {strides = array<i32>} : memref<2048xi32, #tpu.memory_space<vmem>>, vector<16xi32>,
      tpu.vector_store %arg5[%swap3A_676], %sub3A_675 {strides = array<i32>} : memref<2048xi32, #tpu.memory_space<vmem>>, vector<16xi32>,
      tpu.vector_store_idx %arg6[%get3A_665], %broadcast_in_dim3A_24 {add = true} : memref<64xi32, #tpu.memory_space<vmem>>[vector<16xi32>], vector<16xi32>,
      %get3A_678 = arith.constant 752 : index
      %get3A_679 = tpu.vector_load %arg4[%get3A_678] {strides = array<i32>} : memref<2048xi32, #tpu.memory_space<vmem>>, vector<16xi32>,
      %convert_element_type3A_680 = arith.sitofp %get3A_679 : vector<16xi32> to vector<16xf32>
      %broadcast_in_dim3A_681 = arith.constant true
      %broadcast_in_dim3A_682 = vector.broadcast %broadcast_in_dim3A_681 : i1 to vector<16xi1>
      %unique3A_683, %unique3A_684 = tpu.scan_count mask(%broadcast_in_dim3A_682 : vector<16xi1>) value(%convert_element_type3A_680 : vector<16xf32>) : vector<16xi1>, vector<16xi32>
      %gather3A_685 = tpu.vector_load_idx %arg6[%get3A_679] : memref<64xi32, #tpu.memory_space<vmem>>[vector<16xi32>], vector<16xi32>,
      %add3A_686 = arith.addi %gather3A_685, %unique3A_684 : vector<16xi32>
      %sub3A_687 = arith.constant 1 : i32
      %sub3A_688 = vector.broadcast %sub3A_687 : i32 to vector<16xi32>
      %sub3A_689 = arith.subi %add3A_686, %sub3A_688 : vector<16xi32>
      %swap3A_690 = arith.constant 752 : index
      %swap3A_691 = tpu.vector_load %arg5[%swap3A_690] {strides = array<i32>} : memref<2048xi32, #tpu.memory_space<vmem>>, vector<16xi32>,
      tpu.vector_store %arg5[%swap3A_690], %sub3A_689 {strides = array<i32>} : memref<2048xi32, #tpu.memory_space<vmem>>, vector<16xi32>,
      tpu.vector_store_idx %arg6[%get3A_679], %broadcast_in_dim3A_24 {add = true} : memref<64xi32, #tpu.memory_space<vmem>>[vector<16xi32>], vector<16xi32>,
      %get3A_692 = arith.constant 768 : index
      %get3A_693 = tpu.vector_load %arg4[%get3A_692] {strides = array<i32>} : memref<2048xi32, #tpu.memory_space<vmem>>, vector<16xi32>,
      %convert_element_type3A_694 = arith.sitofp %get3A_693 : vector<16xi32> to vector<16xf32>
      %broadcast_in_dim3A_695 = arith.constant true
      %broadcast_in_dim3A_696 = vector.broadcast %broadcast_in_dim3A_695 : i1 to vector<16xi1>
      %unique3A_697, %unique3A_698 = tpu.scan_count mask(%broadcast_in_dim3A_696 : vector<16xi1>) value(%convert_element_type3A_694 : vector<16xf32>) : vector<16xi1>, vector<16xi32>
      %gather3A_699 = tpu.vector_load_idx %arg6[%get3A_693] : memref<64xi32, #tpu.memory_space<vmem>>[vector<16xi32>], vector<16xi32>,
      %add3A_700 = arith.addi %gather3A_699, %unique3A_698 : vector<16xi32>
      %sub3A_701 = arith.constant 1 : i32
      %sub3A_702 = vector.broadcast %sub3A_701 : i32 to vector<16xi32>
      %sub3A_703 = arith.subi %add3A_700, %sub3A_702 : vector<16xi32>
      %swap3A_704 = arith.constant 768 : index
      %swap3A_705 = tpu.vector_load %arg5[%swap3A_704] {strides = array<i32>} : memref<2048xi32, #tpu.memory_space<vmem>>, vector<16xi32>,
      tpu.vector_store %arg5[%swap3A_704], %sub3A_703 {strides = array<i32>} : memref<2048xi32, #tpu.memory_space<vmem>>, vector<16xi32>,
      tpu.vector_store_idx %arg6[%get3A_693], %broadcast_in_dim3A_24 {add = true} : memref<64xi32, #tpu.memory_space<vmem>>[vector<16xi32>], vector<16xi32>,
      %get3A_706 = arith.constant 784 : index
      %get3A_707 = tpu.vector_load %arg4[%get3A_706] {strides = array<i32>} : memref<2048xi32, #tpu.memory_space<vmem>>, vector<16xi32>,
      %convert_element_type3A_708 = arith.sitofp %get3A_707 : vector<16xi32> to vector<16xf32>
      %broadcast_in_dim3A_709 = arith.constant true
      %broadcast_in_dim3A_710 = vector.broadcast %broadcast_in_dim3A_709 : i1 to vector<16xi1>
      %unique3A_711, %unique3A_712 = tpu.scan_count mask(%broadcast_in_dim3A_710 : vector<16xi1>) value(%convert_element_type3A_708 : vector<16xf32>) : vector<16xi1>, vector<16xi32>
      %gather3A_713 = tpu.vector_load_idx %arg6[%get3A_707] : memref<64xi32, #tpu.memory_space<vmem>>[vector<16xi32>], vector<16xi32>,
      %add3A_714 = arith.addi %gather3A_713, %unique3A_712 : vector<16xi32>
      %sub3A_715 = arith.constant 1 : i32
      %sub3A_716 = vector.broadcast %sub3A_715 : i32 to vector<16xi32>
      %sub3A_717 = arith.subi %add3A_714, %sub3A_716 : vector<16xi32>
      %swap3A_718 = arith.constant 784 : index
      %swap3A_719 = tpu.vector_load %arg5[%swap3A_718] {strides = array<i32>} : memref<2048xi32, #tpu.memory_space<vmem>>, vector<16xi32>,
      tpu.vector_store %arg5[%swap3A_718], %sub3A_717 {strides = array<i32>} : memref<2048xi32, #tpu.memory_space<vmem>>, vector<16xi32>,
      tpu.vector_store_idx %arg6[%get3A_707], %broadcast_in_dim3A_24 {add = true} : memref<64xi32, #tpu.memory_space<vmem>>[vector<16xi32>], vector<16xi32>,
      %get3A_720 = arith.constant 800 : index
      %get3A_721 = tpu.vector_load %arg4[%get3A_720] {strides = array<i32>} : memref<2048xi32, #tpu.memory_space<vmem>>, vector<16xi32>,
      %convert_element_type3A_722 = arith.sitofp %get3A_721 : vector<16xi32> to vector<16xf32>
      %broadcast_in_dim3A_723 = arith.constant true
      %broadcast_in_dim3A_724 = vector.broadcast %broadcast_in_dim3A_723 : i1 to vector<16xi1>
      %unique3A_725, %unique3A_726 = tpu.scan_count mask(%broadcast_in_dim3A_724 : vector<16xi1>) value(%convert_element_type3A_722 : vector<16xf32>) : vector<16xi1>, vector<16xi32>
      %gather3A_727 = tpu.vector_load_idx %arg6[%get3A_721] : memref<64xi32, #tpu.memory_space<vmem>>[vector<16xi32>], vector<16xi32>,
      %add3A_728 = arith.addi %gather3A_727, %unique3A_726 : vector<16xi32>
      %sub3A_729 = arith.constant 1 : i32
      %sub3A_730 = vector.broadcast %sub3A_729 : i32 to vector<16xi32>
      %sub3A_731 = arith.subi %add3A_728, %sub3A_730 : vector<16xi32>
      %swap3A_732 = arith.constant 800 : index
      %swap3A_733 = tpu.vector_load %arg5[%swap3A_732] {strides = array<i32>} : memref<2048xi32, #tpu.memory_space<vmem>>, vector<16xi32>,
      tpu.vector_store %arg5[%swap3A_732], %sub3A_731 {strides = array<i32>} : memref<2048xi32, #tpu.memory_space<vmem>>, vector<16xi32>,
      tpu.vector_store_idx %arg6[%get3A_721], %broadcast_in_dim3A_24 {add = true} : memref<64xi32, #tpu.memory_space<vmem>>[vector<16xi32>], vector<16xi32>,
      %get3A_734 = arith.constant 816 : index
      %get3A_735 = tpu.vector_load %arg4[%get3A_734] {strides = array<i32>} : memref<2048xi32, #tpu.memory_space<vmem>>, vector<16xi32>,
      %convert_element_type3A_736 = arith.sitofp %get3A_735 : vector<16xi32> to vector<16xf32>
      %broadcast_in_dim3A_737 = arith.constant true
      %broadcast_in_dim3A_738 = vector.broadcast %broadcast_in_dim3A_737 : i1 to vector<16xi1>
      %unique3A_739, %unique3A_740 = tpu.scan_count mask(%broadcast_in_dim3A_738 : vector<16xi1>) value(%convert_element_type3A_736 : vector<16xf32>) : vector<16xi1>, vector<16xi32>
      %gather3A_741 = tpu.vector_load_idx %arg6[%get3A_735] : memref<64xi32, #tpu.memory_space<vmem>>[vector<16xi32>], vector<16xi32>,
      %add3A_742 = arith.addi %gather3A_741, %unique3A_740 : vector<16xi32>
      %sub3A_743 = arith.constant 1 : i32
      %sub3A_744 = vector.broadcast %sub3A_743 : i32 to vector<16xi32>
      %sub3A_745 = arith.subi %add3A_742, %sub3A_744 : vector<16xi32>
      %swap3A_746 = arith.constant 816 : index
      %swap3A_747 = tpu.vector_load %arg5[%swap3A_746] {strides = array<i32>} : memref<2048xi32, #tpu.memory_space<vmem>>, vector<16xi32>,
      tpu.vector_store %arg5[%swap3A_746], %sub3A_745 {strides = array<i32>} : memref<2048xi32, #tpu.memory_space<vmem>>, vector<16xi32>,
      tpu.vector_store_idx %arg6[%get3A_735], %broadcast_in_dim3A_24 {add = true} : memref<64xi32, #tpu.memory_space<vmem>>[vector<16xi32>], vector<16xi32>,
      %get3A_748 = arith.constant 832 : index
      %get3A_749 = tpu.vector_load %arg4[%get3A_748] {strides = array<i32>} : memref<2048xi32, #tpu.memory_space<vmem>>, vector<16xi32>,
      %convert_element_type3A_750 = arith.sitofp %get3A_749 : vector<16xi32> to vector<16xf32>
      %broadcast_in_dim3A_751 = arith.constant true
      %broadcast_in_dim3A_752 = vector.broadcast %broadcast_in_dim3A_751 : i1 to vector<16xi1>
      %unique3A_753, %unique3A_754 = tpu.scan_count mask(%broadcast_in_dim3A_752 : vector<16xi1>) value(%convert_element_type3A_750 : vector<16xf32>) : vector<16xi1>, vector<16xi32>
      %gather3A_755 = tpu.vector_load_idx %arg6[%get3A_749] : memref<64xi32, #tpu.memory_space<vmem>>[vector<16xi32>], vector<16xi32>,
      %add3A_756 = arith.addi %gather3A_755, %unique3A_754 : vector<16xi32>
      %sub3A_757 = arith.constant 1 : i32
      %sub3A_758 = vector.broadcast %sub3A_757 : i32 to vector<16xi32>
      %sub3A_759 = arith.subi %add3A_756, %sub3A_758 : vector<16xi32>
      %swap3A_760 = arith.constant 832 : index
      %swap3A_761 = tpu.vector_load %arg5[%swap3A_760] {strides = array<i32>} : memref<2048xi32, #tpu.memory_space<vmem>>, vector<16xi32>,
      tpu.vector_store %arg5[%swap3A_760], %sub3A_759 {strides = array<i32>} : memref<2048xi32, #tpu.memory_space<vmem>>, vector<16xi32>,
      tpu.vector_store_idx %arg6[%get3A_749], %broadcast_in_dim3A_24 {add = true} : memref<64xi32, #tpu.memory_space<vmem>>[vector<16xi32>], vector<16xi32>,
      %get3A_762 = arith.constant 848 : index
      %get3A_763 = tpu.vector_load %arg4[%get3A_762] {strides = array<i32>} : memref<2048xi32, #tpu.memory_space<vmem>>, vector<16xi32>,
      %convert_element_type3A_764 = arith.sitofp %get3A_763 : vector<16xi32> to vector<16xf32>
      %broadcast_in_dim3A_765 = arith.constant true
      %broadcast_in_dim3A_766 = vector.broadcast %broadcast_in_dim3A_765 : i1 to vector<16xi1>
      %unique3A_767, %unique3A_768 = tpu.scan_count mask(%broadcast_in_dim3A_766 : vector<16xi1>) value(%convert_element_type3A_764 : vector<16xf32>) : vector<16xi1>, vector<16xi32>
      %gather3A_769 = tpu.vector_load_idx %arg6[%get3A_763] : memref<64xi32, #tpu.memory_space<vmem>>[vector<16xi32>], vector<16xi32>,
      %add3A_770 = arith.addi %gather3A_769, %unique3A_768 : vector<16xi32>
      %sub3A_771 = arith.constant 1 : i32
      %sub3A_772 = vector.broadcast %sub3A_771 : i32 to vector<16xi32>
      %sub3A_773 = arith.subi %add3A_770, %sub3A_772 : vector<16xi32>
      %swap3A_774 = arith.constant 848 : index
      %swap3A_775 = tpu.vector_load %arg5[%swap3A_774] {strides = array<i32>} : memref<2048xi32, #tpu.memory_space<vmem>>, vector<16xi32>,
      tpu.vector_store %arg5[%swap3A_774], %sub3A_773 {strides = array<i32>} : memref<2048xi32, #tpu.memory_space<vmem>>, vector<16xi32>,
      tpu.vector_store_idx %arg6[%get3A_763], %broadcast_in_dim3A_24 {add = true} : memref<64xi32, #tpu.memory_space<vmem>>[vector<16xi32>], vector<16xi32>,
      %get3A_776 = arith.constant 864 : index
      %get3A_777 = tpu.vector_load %arg4[%get3A_776] {strides = array<i32>} : memref<2048xi32, #tpu.memory_space<vmem>>, vector<16xi32>,
      %convert_element_type3A_778 = arith.sitofp %get3A_777 : vector<16xi32> to vector<16xf32>
      %broadcast_in_dim3A_779 = arith.constant true
      %broadcast_in_dim3A_780 = vector.broadcast %broadcast_in_dim3A_779 : i1 to vector<16xi1>
      %unique3A_781, %unique3A_782 = tpu.scan_count mask(%broadcast_in_dim3A_780 : vector<16xi1>) value(%convert_element_type3A_778 : vector<16xf32>) : vector<16xi1>, vector<16xi32>
      %gather3A_783 = tpu.vector_load_idx %arg6[%get3A_777] : memref<64xi32, #tpu.memory_space<vmem>>[vector<16xi32>], vector<16xi32>,
      %add3A_784 = arith.addi %gather3A_783, %unique3A_782 : vector<16xi32>
      %sub3A_785 = arith.constant 1 : i32
      %sub3A_786 = vector.broadcast %sub3A_785 : i32 to vector<16xi32>
      %sub3A_787 = arith.subi %add3A_784, %sub3A_786 : vector<16xi32>
      %swap3A_788 = arith.constant 864 : index
      %swap3A_789 = tpu.vector_load %arg5[%swap3A_788] {strides = array<i32>} : memref<2048xi32, #tpu.memory_space<vmem>>, vector<16xi32>,
      tpu.vector_store %arg5[%swap3A_788], %sub3A_787 {strides = array<i32>} : memref<2048xi32, #tpu.memory_space<vmem>>, vector<16xi32>,
      tpu.vector_store_idx %arg6[%get3A_777], %broadcast_in_dim3A_24 {add = true} : memref<64xi32, #tpu.memory_space<vmem>>[vector<16xi32>], vector<16xi32>,
      %get3A_790 = arith.constant 880 : index
      %get3A_791 = tpu.vector_load %arg4[%get3A_790] {strides = array<i32>} : memref<2048xi32, #tpu.memory_space<vmem>>, vector<16xi32>,
      %convert_element_type3A_792 = arith.sitofp %get3A_791 : vector<16xi32> to vector<16xf32>
      %broadcast_in_dim3A_793 = arith.constant true
      %broadcast_in_dim3A_794 = vector.broadcast %broadcast_in_dim3A_793 : i1 to vector<16xi1>
      %unique3A_795, %unique3A_796 = tpu.scan_count mask(%broadcast_in_dim3A_794 : vector<16xi1>) value(%convert_element_type3A_792 : vector<16xf32>) : vector<16xi1>, vector<16xi32>
      %gather3A_797 = tpu.vector_load_idx %arg6[%get3A_791] : memref<64xi32, #tpu.memory_space<vmem>>[vector<16xi32>], vector<16xi32>,
      %add3A_798 = arith.addi %gather3A_797, %unique3A_796 : vector<16xi32>
      %sub3A_799 = arith.constant 1 : i32
      %sub3A_800 = vector.broadcast %sub3A_799 : i32 to vector<16xi32>
      %sub3A_801 = arith.subi %add3A_798, %sub3A_800 : vector<16xi32>
      %swap3A_802 = arith.constant 880 : index
      %swap3A_803 = tpu.vector_load %arg5[%swap3A_802] {strides = array<i32>} : memref<2048xi32, #tpu.memory_space<vmem>>, vector<16xi32>,
      tpu.vector_store %arg5[%swap3A_802], %sub3A_801 {strides = array<i32>} : memref<2048xi32, #tpu.memory_space<vmem>>, vector<16xi32>,
      tpu.vector_store_idx %arg6[%get3A_791], %broadcast_in_dim3A_24 {add = true} : memref<64xi32, #tpu.memory_space<vmem>>[vector<16xi32>], vector<16xi32>,
      %get3A_804 = arith.constant 896 : index
      %get3A_805 = tpu.vector_load %arg4[%get3A_804] {strides = array<i32>} : memref<2048xi32, #tpu.memory_space<vmem>>, vector<16xi32>,
      %convert_element_type3A_806 = arith.sitofp %get3A_805 : vector<16xi32> to vector<16xf32>
      %broadcast_in_dim3A_807 = arith.constant true
      %broadcast_in_dim3A_808 = vector.broadcast %broadcast_in_dim3A_807 : i1 to vector<16xi1>
      %unique3A_809, %unique3A_810 = tpu.scan_count mask(%broadcast_in_dim3A_808 : vector<16xi1>) value(%convert_element_type3A_806 : vector<16xf32>) : vector<16xi1>, vector<16xi32>
      %gather3A_811 = tpu.vector_load_idx %arg6[%get3A_805] : memref<64xi32, #tpu.memory_space<vmem>>[vector<16xi32>], vector<16xi32>,
      %add3A_812 = arith.addi %gather3A_811, %unique3A_810 : vector<16xi32>
      %sub3A_813 = arith.constant 1 : i32
      %sub3A_814 = vector.broadcast %sub3A_813 : i32 to vector<16xi32>
      %sub3A_815 = arith.subi %add3A_812, %sub3A_814 : vector<16xi32>
      %swap3A_816 = arith.constant 896 : index
      %swap3A_817 = tpu.vector_load %arg5[%swap3A_816] {strides = array<i32>} : memref<2048xi32, #tpu.memory_space<vmem>>, vector<16xi32>,
      tpu.vector_store %arg5[%swap3A_816], %sub3A_815 {strides = array<i32>} : memref<2048xi32, #tpu.memory_space<vmem>>, vector<16xi32>,
      tpu.vector_store_idx %arg6[%get3A_805], %broadcast_in_dim3A_24 {add = true} : memref<64xi32, #tpu.memory_space<vmem>>[vector<16xi32>], vector<16xi32>,
      %get3A_818 = arith.constant 912 : index
      %get3A_819 = tpu.vector_load %arg4[%get3A_818] {strides = array<i32>} : memref<2048xi32, #tpu.memory_space<vmem>>, vector<16xi32>,
      %convert_element_type3A_820 = arith.sitofp %get3A_819 : vector<16xi32> to vector<16xf32>
      %broadcast_in_dim3A_821 = arith.constant true
      %broadcast_in_dim3A_822 = vector.broadcast %broadcast_in_dim3A_821 : i1 to vector<16xi1>
      %unique3A_823, %unique3A_824 = tpu.scan_count mask(%broadcast_in_dim3A_822 : vector<16xi1>) value(%convert_element_type3A_820 : vector<16xf32>) : vector<16xi1>, vector<16xi32>
      %gather3A_825 = tpu.vector_load_idx %arg6[%get3A_819] : memref<64xi32, #tpu.memory_space<vmem>>[vector<16xi32>], vector<16xi32>,
      %add3A_826 = arith.addi %gather3A_825, %unique3A_824 : vector<16xi32>
      %sub3A_827 = arith.constant 1 : i32
      %sub3A_828 = vector.broadcast %sub3A_827 : i32 to vector<16xi32>
      %sub3A_829 = arith.subi %add3A_826, %sub3A_828 : vector<16xi32>
      %swap3A_830 = arith.constant 912 : index
      %swap3A_831 = tpu.vector_load %arg5[%swap3A_830] {strides = array<i32>} : memref<2048xi32, #tpu.memory_space<vmem>>, vector<16xi32>,
      tpu.vector_store %arg5[%swap3A_830], %sub3A_829 {strides = array<i32>} : memref<2048xi32, #tpu.memory_space<vmem>>, vector<16xi32>,
      tpu.vector_store_idx %arg6[%get3A_819], %broadcast_in_dim3A_24 {add = true} : memref<64xi32, #tpu.memory_space<vmem>>[vector<16xi32>], vector<16xi32>,
      %get3A_832 = arith.constant 928 : index
      %get3A_833 = tpu.vector_load %arg4[%get3A_832] {strides = array<i32>} : memref<2048xi32, #tpu.memory_space<vmem>>, vector<16xi32>,
      %convert_element_type3A_834 = arith.sitofp %get3A_833 : vector<16xi32> to vector<16xf32>
      %broadcast_in_dim3A_835 = arith.constant true
      %broadcast_in_dim3A_836 = vector.broadcast %broadcast_in_dim3A_835 : i1 to vector<16xi1>
      %unique3A_837, %unique3A_838 = tpu.scan_count mask(%broadcast_in_dim3A_836 : vector<16xi1>) value(%convert_element_type3A_834 : vector<16xf32>) : vector<16xi1>, vector<16xi32>
      %gather3A_839 = tpu.vector_load_idx %arg6[%get3A_833] : memref<64xi32, #tpu.memory_space<vmem>>[vector<16xi32>], vector<16xi32>,
      %add3A_840 = arith.addi %gather3A_839, %unique3A_838 : vector<16xi32>
      %sub3A_841 = arith.constant 1 : i32
      %sub3A_842 = vector.broadcast %sub3A_841 : i32 to vector<16xi32>
      %sub3A_843 = arith.subi %add3A_840, %sub3A_842 : vector<16xi32>
      %swap3A_844 = arith.constant 928 : index
      %swap3A_845 = tpu.vector_load %arg5[%swap3A_844] {strides = array<i32>} : memref<2048xi32, #tpu.memory_space<vmem>>, vector<16xi32>,
      tpu.vector_store %arg5[%swap3A_844], %sub3A_843 {strides = array<i32>} : memref<2048xi32, #tpu.memory_space<vmem>>, vector<16xi32>,
      tpu.vector_store_idx %arg6[%get3A_833], %broadcast_in_dim3A_24 {add = true} : memref<64xi32, #tpu.memory_space<vmem>>[vector<16xi32>], vector<16xi32>,
      %get3A_846 = arith.constant 944 : index
      %get3A_847 = tpu.vector_load %arg4[%get3A_846] {strides = array<i32>} : memref<2048xi32, #tpu.memory_space<vmem>>, vector<16xi32>,
      %convert_element_type3A_848 = arith.sitofp %get3A_847 : vector<16xi32> to vector<16xf32>
      %broadcast_in_dim3A_849 = arith.constant true
      %broadcast_in_dim3A_850 = vector.broadcast %broadcast_in_dim3A_849 : i1 to vector<16xi1>
      %unique3A_851, %unique3A_852 = tpu.scan_count mask(%broadcast_in_dim3A_850 : vector<16xi1>) value(%convert_element_type3A_848 : vector<16xf32>) : vector<16xi1>, vector<16xi32>
      %gather3A_853 = tpu.vector_load_idx %arg6[%get3A_847] : memref<64xi32, #tpu.memory_space<vmem>>[vector<16xi32>], vector<16xi32>,
      %add3A_854 = arith.addi %gather3A_853, %unique3A_852 : vector<16xi32>
      %sub3A_855 = arith.constant 1 : i32
      %sub3A_856 = vector.broadcast %sub3A_855 : i32 to vector<16xi32>
      %sub3A_857 = arith.subi %add3A_854, %sub3A_856 : vector<16xi32>
      %swap3A_858 = arith.constant 944 : index
      %swap3A_859 = tpu.vector_load %arg5[%swap3A_858] {strides = array<i32>} : memref<2048xi32, #tpu.memory_space<vmem>>, vector<16xi32>,
      tpu.vector_store %arg5[%swap3A_858], %sub3A_857 {strides = array<i32>} : memref<2048xi32, #tpu.memory_space<vmem>>, vector<16xi32>,
      tpu.vector_store_idx %arg6[%get3A_847], %broadcast_in_dim3A_24 {add = true} : memref<64xi32, #tpu.memory_space<vmem>>[vector<16xi32>], vector<16xi32>,
      %get3A_860 = arith.constant 960 : index
      %get3A_861 = tpu.vector_load %arg4[%get3A_860] {strides = array<i32>} : memref<2048xi32, #tpu.memory_space<vmem>>, vector<16xi32>,
      %convert_element_type3A_862 = arith.sitofp %get3A_861 : vector<16xi32> to vector<16xf32>
      %broadcast_in_dim3A_863 = arith.constant true
      %broadcast_in_dim3A_864 = vector.broadcast %broadcast_in_dim3A_863 : i1 to vector<16xi1>
      %unique3A_865, %unique3A_866 = tpu.scan_count mask(%broadcast_in_dim3A_864 : vector<16xi1>) value(%convert_element_type3A_862 : vector<16xf32>) : vector<16xi1>, vector<16xi32>
      %gather3A_867 = tpu.vector_load_idx %arg6[%get3A_861] : memref<64xi32, #tpu.memory_space<vmem>>[vector<16xi32>], vector<16xi32>,
      %add3A_868 = arith.addi %gather3A_867, %unique3A_866 : vector<16xi32>
      %sub3A_869 = arith.constant 1 : i32
      %sub3A_870 = vector.broadcast %sub3A_869 : i32 to vector<16xi32>
      %sub3A_871 = arith.subi %add3A_868, %sub3A_870 : vector<16xi32>
      %swap3A_872 = arith.constant 960 : index
      %swap3A_873 = tpu.vector_load %arg5[%swap3A_872] {strides = array<i32>} : memref<2048xi32, #tpu.memory_space<vmem>>, vector<16xi32>,
      tpu.vector_store %arg5[%swap3A_872], %sub3A_871 {strides = array<i32>} : memref<2048xi32, #tpu.memory_space<vmem>>, vector<16xi32>,
      tpu.vector_store_idx %arg6[%get3A_861], %broadcast_in_dim3A_24 {add = true} : memref<64xi32, #tpu.memory_space<vmem>>[vector<16xi32>], vector<16xi32>,
      %get3A_874 = arith.constant 976 : index
      %get3A_875 = tpu.vector_load %arg4[%get3A_874] {strides = array<i32>} : memref<2048xi32, #tpu.memory_space<vmem>>, vector<16xi32>,
      %convert_element_type3A_876 = arith.sitofp %get3A_875 : vector<16xi32> to vector<16xf32>
      %broadcast_in_dim3A_877 = arith.constant true
      %broadcast_in_dim3A_878 = vector.broadcast %broadcast_in_dim3A_877 : i1 to vector<16xi1>
      %unique3A_879, %unique3A_880 = tpu.scan_count mask(%broadcast_in_dim3A_878 : vector<16xi1>) value(%convert_element_type3A_876 : vector<16xf32>) : vector<16xi1>, vector<16xi32>
      %gather3A_881 = tpu.vector_load_idx %arg6[%get3A_875] : memref<64xi32, #tpu.memory_space<vmem>>[vector<16xi32>], vector<16xi32>,
      %add3A_882 = arith.addi %gather3A_881, %unique3A_880 : vector<16xi32>
      %sub3A_883 = arith.constant 1 : i32
      %sub3A_884 = vector.broadcast %sub3A_883 : i32 to vector<16xi32>
      %sub3A_885 = arith.subi %add3A_882, %sub3A_884 : vector<16xi32>
      %swap3A_886 = arith.constant 976 : index
      %swap3A_887 = tpu.vector_load %arg5[%swap3A_886] {strides = array<i32>} : memref<2048xi32, #tpu.memory_space<vmem>>, vector<16xi32>,
      tpu.vector_store %arg5[%swap3A_886], %sub3A_885 {strides = array<i32>} : memref<2048xi32, #tpu.memory_space<vmem>>, vector<16xi32>,
      tpu.vector_store_idx %arg6[%get3A_875], %broadcast_in_dim3A_24 {add = true} : memref<64xi32, #tpu.memory_space<vmem>>[vector<16xi32>], vector<16xi32>,
      %get3A_888 = arith.constant 992 : index
      %get3A_889 = tpu.vector_load %arg4[%get3A_888] {strides = array<i32>} : memref<2048xi32, #tpu.memory_space<vmem>>, vector<16xi32>,
      %convert_element_type3A_890 = arith.sitofp %get3A_889 : vector<16xi32> to vector<16xf32>
      %broadcast_in_dim3A_891 = arith.constant true
      %broadcast_in_dim3A_892 = vector.broadcast %broadcast_in_dim3A_891 : i1 to vector<16xi1>
      %unique3A_893, %unique3A_894 = tpu.scan_count mask(%broadcast_in_dim3A_892 : vector<16xi1>) value(%convert_element_type3A_890 : vector<16xf32>) : vector<16xi1>, vector<16xi32>
      %gather3A_895 = tpu.vector_load_idx %arg6[%get3A_889] : memref<64xi32, #tpu.memory_space<vmem>>[vector<16xi32>], vector<16xi32>,
      %add3A_896 = arith.addi %gather3A_895, %unique3A_894 : vector<16xi32>
      %sub3A_897 = arith.constant 1 : i32
      %sub3A_898 = vector.broadcast %sub3A_897 : i32 to vector<16xi32>
      %sub3A_899 = arith.subi %add3A_896, %sub3A_898 : vector<16xi32>
      %swap3A_900 = arith.constant 992 : index
      %swap3A_901 = tpu.vector_load %arg5[%swap3A_900] {strides = array<i32>} : memref<2048xi32, #tpu.memory_space<vmem>>, vector<16xi32>,
      tpu.vector_store %arg5[%swap3A_900], %sub3A_899 {strides = array<i32>} : memref<2048xi32, #tpu.memory_space<vmem>>, vector<16xi32>,
      tpu.vector_store_idx %arg6[%get3A_889], %broadcast_in_dim3A_24 {add = true} : memref<64xi32, #tpu.memory_space<vmem>>[vector<16xi32>], vector<16xi32>,
      %get3A_902 = arith.constant 1008 : index
      %get3A_903 = tpu.vector_load %arg4[%get3A_902] {strides = array<i32>} : memref<2048xi32, #tpu.memory_space<vmem>>, vector<16xi32>,
      %convert_element_type3A_904 = arith.sitofp %get3A_903 : vector<16xi32> to vector<16xf32>
      %broadcast_in_dim3A_905 = arith.constant true
      %broadcast_in_dim3A_906 = vector.broadcast %broadcast_in_dim3A_905 : i1 to vector<16xi1>
      %unique3A_907, %unique3A_908 = tpu.scan_count mask(%broadcast_in_dim3A_906 : vector<16xi1>) value(%convert_element_type3A_904 : vector<16xf32>) : vector<16xi1>, vector<16xi32>
      %gather3A_909 = tpu.vector_load_idx %arg6[%get3A_903] : memref<64xi32, #tpu.memory_space<vmem>>[vector<16xi32>], vector<16xi32>,
      %add3A_910 = arith.addi %gather3A_909, %unique3A_908 : vector<16xi32>
      %sub3A_911 = arith.constant 1 : i32
      %sub3A_912 = vector.broadcast %sub3A_911 : i32 to vector<16xi32>
      %sub3A_913 = arith.subi %add3A_910, %sub3A_912 : vector<16xi32>
      %swap3A_914 = arith.constant 1008 : index
      %swap3A_915 = tpu.vector_load %arg5[%swap3A_914] {strides = array<i32>} : memref<2048xi32, #tpu.memory_space<vmem>>, vector<16xi32>,
      tpu.vector_store %arg5[%swap3A_914], %sub3A_913 {strides = array<i32>} : memref<2048xi32, #tpu.memory_space<vmem>>, vector<16xi32>,
      tpu.vector_store_idx %arg6[%get3A_903], %broadcast_in_dim3A_24 {add = true} : memref<64xi32, #tpu.memory_space<vmem>>[vector<16xi32>], vector<16xi32>,
      %get3A_916 = arith.constant 1024 : index
      %get3A_917 = tpu.vector_load %arg4[%get3A_916] {strides = array<i32>} : memref<2048xi32, #tpu.memory_space<vmem>>, vector<16xi32>,
      %convert_element_type3A_918 = arith.sitofp %get3A_917 : vector<16xi32> to vector<16xf32>
      %broadcast_in_dim3A_919 = arith.constant true
      %broadcast_in_dim3A_920 = vector.broadcast %broadcast_in_dim3A_919 : i1 to vector<16xi1>
      %unique3A_921, %unique3A_922 = tpu.scan_count mask(%broadcast_in_dim3A_920 : vector<16xi1>) value(%convert_element_type3A_918 : vector<16xf32>) : vector<16xi1>, vector<16xi32>
      %gather3A_923 = tpu.vector_load_idx %arg6[%get3A_917] : memref<64xi32, #tpu.memory_space<vmem>>[vector<16xi32>], vector<16xi32>,
      %add3A_924 = arith.addi %gather3A_923, %unique3A_922 : vector<16xi32>
      %sub3A_925 = arith.constant 1 : i32
      %sub3A_926 = vector.broadcast %sub3A_925 : i32 to vector<16xi32>
      %sub3A_927 = arith.subi %add3A_924, %sub3A_926 : vector<16xi32>
      %swap3A_928 = arith.constant 1024 : index
      %swap3A_929 = tpu.vector_load %arg5[%swap3A_928] {strides = array<i32>} : memref<2048xi32, #tpu.memory_space<vmem>>, vector<16xi32>,
      tpu.vector_store %arg5[%swap3A_928], %sub3A_927 {strides = array<i32>} : memref<2048xi32, #tpu.memory_space<vmem>>, vector<16xi32>,
      tpu.vector_store_idx %arg6[%get3A_917], %broadcast_in_dim3A_24 {add = true} : memref<64xi32, #tpu.memory_space<vmem>>[vector<16xi32>], vector<16xi32>,
      %get3A_930 = arith.constant 1040 : index
      %get3A_931 = tpu.vector_load %arg4[%get3A_930] {strides = array<i32>} : memref<2048xi32, #tpu.memory_space<vmem>>, vector<16xi32>,
      %convert_element_type3A_932 = arith.sitofp %get3A_931 : vector<16xi32> to vector<16xf32>
      %broadcast_in_dim3A_933 = arith.constant true
      %broadcast_in_dim3A_934 = vector.broadcast %broadcast_in_dim3A_933 : i1 to vector<16xi1>
      %unique3A_935, %unique3A_936 = tpu.scan_count mask(%broadcast_in_dim3A_934 : vector<16xi1>) value(%convert_element_type3A_932 : vector<16xf32>) : vector<16xi1>, vector<16xi32>
      %gather3A_937 = tpu.vector_load_idx %arg6[%get3A_931] : memref<64xi32, #tpu.memory_space<vmem>>[vector<16xi32>], vector<16xi32>,
      %add3A_938 = arith.addi %gather3A_937, %unique3A_936 : vector<16xi32>
      %sub3A_939 = arith.constant 1 : i32
      %sub3A_940 = vector.broadcast %sub3A_939 : i32 to vector<16xi32>
      %sub3A_941 = arith.subi %add3A_938, %sub3A_940 : vector<16xi32>
      %swap3A_942 = arith.constant 1040 : index
      %swap3A_943 = tpu.vector_load %arg5[%swap3A_942] {strides = array<i32>} : memref<2048xi32, #tpu.memory_space<vmem>>, vector<16xi32>,
      tpu.vector_store %arg5[%swap3A_942], %sub3A_941 {strides = array<i32>} : memref<2048xi32, #tpu.memory_space<vmem>>, vector<16xi32>,
      tpu.vector_store_idx %arg6[%get3A_931], %broadcast_in_dim3A_24 {add = true} : memref<64xi32, #tpu.memory_space<vmem>>[vector<16xi32>], vector<16xi32>,
      %get3A_944 = arith.constant 1056 : index
      %get3A_945 = tpu.vector_load %arg4[%get3A_944] {strides = array<i32>} : memref<2048xi32, #tpu.memory_space<vmem>>, vector<16xi32>,
      %convert_element_type3A_946 = arith.sitofp %get3A_945 : vector<16xi32> to vector<16xf32>
      %broadcast_in_dim3A_947 = arith.constant true
      %broadcast_in_dim3A_948 = vector.broadcast %broadcast_in_dim3A_947 : i1 to vector<16xi1>
      %unique3A_949, %unique3A_950 = tpu.scan_count mask(%broadcast_in_dim3A_948 : vector<16xi1>) value(%convert_element_type3A_946 : vector<16xf32>) : vector<16xi1>, vector<16xi32>
      %gather3A_951 = tpu.vector_load_idx %arg6[%get3A_945] : memref<64xi32, #tpu.memory_space<vmem>>[vector<16xi32>], vector<16xi32>,
      %add3A_952 = arith.addi %gather3A_951, %unique3A_950 : vector<16xi32>
      %sub3A_953 = arith.constant 1 : i32
      %sub3A_954 = vector.broadcast %sub3A_953 : i32 to vector<16xi32>
      %sub3A_955 = arith.subi %add3A_952, %sub3A_954 : vector<16xi32>
      %swap3A_956 = arith.constant 1056 : index
      %swap3A_957 = tpu.vector_load %arg5[%swap3A_956] {strides = array<i32>} : memref<2048xi32, #tpu.memory_space<vmem>>, vector<16xi32>,
      tpu.vector_store %arg5[%swap3A_956], %sub3A_955 {strides = array<i32>} : memref<2048xi32, #tpu.memory_space<vmem>>, vector<16xi32>,
      tpu.vector_store_idx %arg6[%get3A_945], %broadcast_in_dim3A_24 {add = true} : memref<64xi32, #tpu.memory_space<vmem>>[vector<16xi32>], vector<16xi32>,
      %get3A_958 = arith.constant 1072 : index
      %get3A_959 = tpu.vector_load %arg4[%get3A_958] {strides = array<i32>} : memref<2048xi32, #tpu.memory_space<vmem>>, vector<16xi32>,
      %convert_element_type3A_960 = arith.sitofp %get3A_959 : vector<16xi32> to vector<16xf32>
      %broadcast_in_dim3A_961 = arith.constant true
      %broadcast_in_dim3A_962 = vector.broadcast %broadcast_in_dim3A_961 : i1 to vector<16xi1>
      %unique3A_963, %unique3A_964 = tpu.scan_count mask(%broadcast_in_dim3A_962 : vector<16xi1>) value(%convert_element_type3A_960 : vector<16xf32>) : vector<16xi1>, vector<16xi32>
      %gather3A_965 = tpu.vector_load_idx %arg6[%get3A_959] : memref<64xi32, #tpu.memory_space<vmem>>[vector<16xi32>], vector<16xi32>,
      %add3A_966 = arith.addi %gather3A_965, %unique3A_964 : vector<16xi32>
      %sub3A_967 = arith.constant 1 : i32
      %sub3A_968 = vector.broadcast %sub3A_967 : i32 to vector<16xi32>
      %sub3A_969 = arith.subi %add3A_966, %sub3A_968 : vector<16xi32>
      %swap3A_970 = arith.constant 1072 : index
      %swap3A_971 = tpu.vector_load %arg5[%swap3A_970] {strides = array<i32>} : memref<2048xi32, #tpu.memory_space<vmem>>, vector<16xi32>,
      tpu.vector_store %arg5[%swap3A_970], %sub3A_969 {strides = array<i32>} : memref<2048xi32, #tpu.memory_space<vmem>>, vector<16xi32>,
      tpu.vector_store_idx %arg6[%get3A_959], %broadcast_in_dim3A_24 {add = true} : memref<64xi32, #tpu.memory_space<vmem>>[vector<16xi32>], vector<16xi32>,
      %get3A_972 = arith.constant 1088 : index
      %get3A_973 = tpu.vector_load %arg4[%get3A_972] {strides = array<i32>} : memref<2048xi32, #tpu.memory_space<vmem>>, vector<16xi32>,
      %convert_element_type3A_974 = arith.sitofp %get3A_973 : vector<16xi32> to vector<16xf32>
      %broadcast_in_dim3A_975 = arith.constant true
      %broadcast_in_dim3A_976 = vector.broadcast %broadcast_in_dim3A_975 : i1 to vector<16xi1>
      %unique3A_977, %unique3A_978 = tpu.scan_count mask(%broadcast_in_dim3A_976 : vector<16xi1>) value(%convert_element_type3A_974 : vector<16xf32>) : vector<16xi1>, vector<16xi32>
      %gather3A_979 = tpu.vector_load_idx %arg6[%get3A_973] : memref<64xi32, #tpu.memory_space<vmem>>[vector<16xi32>], vector<16xi32>,
      %add3A_980 = arith.addi %gather3A_979, %unique3A_978 : vector<16xi32>
      %sub3A_981 = arith.constant 1 : i32
      %sub3A_982 = vector.broadcast %sub3A_981 : i32 to vector<16xi32>
      %sub3A_983 = arith.subi %add3A_980, %sub3A_982 : vector<16xi32>
      %swap3A_984 = arith.constant 1088 : index
      %swap3A_985 = tpu.vector_load %arg5[%swap3A_984] {strides = array<i32>} : memref<2048xi32, #tpu.memory_space<vmem>>, vector<16xi32>,
      tpu.vector_store %arg5[%swap3A_984], %sub3A_983 {strides = array<i32>} : memref<2048xi32, #tpu.memory_space<vmem>>, vector<16xi32>,
      tpu.vector_store_idx %arg6[%get3A_973], %broadcast_in_dim3A_24 {add = true} : memref<64xi32, #tpu.memory_space<vmem>>[vector<16xi32>], vector<16xi32>,
      %get3A_986 = arith.constant 1104 : index
      %get3A_987 = tpu.vector_load %arg4[%get3A_986] {strides = array<i32>} : memref<2048xi32, #tpu.memory_space<vmem>>, vector<16xi32>,
      %convert_element_type3A_988 = arith.sitofp %get3A_987 : vector<16xi32> to vector<16xf32>
      %broadcast_in_dim3A_989 = arith.constant true
      %broadcast_in_dim3A_990 = vector.broadcast %broadcast_in_dim3A_989 : i1 to vector<16xi1>
      %unique3A_991, %unique3A_992 = tpu.scan_count mask(%broadcast_in_dim3A_990 : vector<16xi1>) value(%convert_element_type3A_988 : vector<16xf32>) : vector<16xi1>, vector<16xi32>
      %gather3A_993 = tpu.vector_load_idx %arg6[%get3A_987] : memref<64xi32, #tpu.memory_space<vmem>>[vector<16xi32>], vector<16xi32>,
      %add3A_994 = arith.addi %gather3A_993, %unique3A_992 : vector<16xi32>
      %sub3A_995 = arith.constant 1 : i32
      %sub3A_996 = vector.broadcast %sub3A_995 : i32 to vector<16xi32>
      %sub3A_997 = arith.subi %add3A_994, %sub3A_996 : vector<16xi32>
      %swap3A_998 = arith.constant 1104 : index
      %swap3A_999 = tpu.vector_load %arg5[%swap3A_998] {strides = array<i32>} : memref<2048xi32, #tpu.memory_space<vmem>>, vector<16xi32>,
      tpu.vector_store %arg5[%swap3A_998], %sub3A_997 {strides = array<i32>} : memref<2048xi32, #tpu.memory_space<vmem>>, vector<16xi32>,
      tpu.vector_store_idx %arg6[%get3A_987], %broadcast_in_dim3A_24 {add = true} : memref<64xi32, #tpu.memory_space<vmem>>[vector<16xi32>], vector<16xi32>,
      %get3A_1000 = arith.constant 1120 : index
      %get3A_1001 = tpu.vector_load %arg4[%get3A_1000] {strides = array<i32>} : memref<2048xi32, #tpu.memory_space<vmem>>, vector<16xi32>,
      %convert_element_type3A_1002 = arith.sitofp %get3A_1001 : vector<16xi32> to vector<16xf32>
      %broadcast_in_dim3A_1003 = arith.constant true
      %broadcast_in_dim3A_1004 = vector.broadcast %broadcast_in_dim3A_1003 : i1 to vector<16xi1>
      %unique3A_1005, %unique3A_1006 = tpu.scan_count mask(%broadcast_in_dim3A_1004 : vector<16xi1>) value(%convert_element_type3A_1002 : vector<16xf32>) : vector<16xi1>, vector<16xi32>
      %gather3A_1007 = tpu.vector_load_idx %arg6[%get3A_1001] : memref<64xi32, #tpu.memory_space<vmem>>[vector<16xi32>], vector<16xi32>,
      %add3A_1008 = arith.addi %gather3A_1007, %unique3A_1006 : vector<16xi32>
      %sub3A_1009 = arith.constant 1 : i32
      %sub3A_1010 = vector.broadcast %sub3A_1009 : i32 to vector<16xi32>
      %sub3A_1011 = arith.subi %add3A_1008, %sub3A_1010 : vector<16xi32>
      %swap3A_1012 = arith.constant 1120 : index
      %swap3A_1013 = tpu.vector_load %arg5[%swap3A_1012] {strides = array<i32>} : memref<2048xi32, #tpu.memory_space<vmem>>, vector<16xi32>,
      tpu.vector_store %arg5[%swap3A_1012], %sub3A_1011 {strides = array<i32>} : memref<2048xi32, #tpu.memory_space<vmem>>, vector<16xi32>,
      tpu.vector_store_idx %arg6[%get3A_1001], %broadcast_in_dim3A_24 {add = true} : memref<64xi32, #tpu.memory_space<vmem>>[vector<16xi32>], vector<16xi32>,
      %get3A_1014 = arith.constant 1136 : index
      %get3A_1015 = tpu.vector_load %arg4[%get3A_1014] {strides = array<i32>} : memref<2048xi32, #tpu.memory_space<vmem>>, vector<16xi32>,
      %convert_element_type3A_1016 = arith.sitofp %get3A_1015 : vector<16xi32> to vector<16xf32>
      %broadcast_in_dim3A_1017 = arith.constant true
      %broadcast_in_dim3A_1018 = vector.broadcast %broadcast_in_dim3A_1017 : i1 to vector<16xi1>
      %unique3A_1019, %unique3A_1020 = tpu.scan_count mask(%broadcast_in_dim3A_1018 : vector<16xi1>) value(%convert_element_type3A_1016 : vector<16xf32>) : vector<16xi1>, vector<16xi32>
      %gather3A_1021 = tpu.vector_load_idx %arg6[%get3A_1015] : memref<64xi32, #tpu.memory_space<vmem>>[vector<16xi32>], vector<16xi32>,
      %add3A_1022 = arith.addi %gather3A_1021, %unique3A_1020 : vector<16xi32>
      %sub3A_1023 = arith.constant 1 : i32
      %sub3A_1024 = vector.broadcast %sub3A_1023 : i32 to vector<16xi32>
      %sub3A_1025 = arith.subi %add3A_1022, %sub3A_1024 : vector<16xi32>
      %swap3A_1026 = arith.constant 1136 : index
      %swap3A_1027 = tpu.vector_load %arg5[%swap3A_1026] {strides = array<i32>} : memref<2048xi32, #tpu.memory_space<vmem>>, vector<16xi32>,
      tpu.vector_store %arg5[%swap3A_1026], %sub3A_1025 {strides = array<i32>} : memref<2048xi32, #tpu.memory_space<vmem>>, vector<16xi32>,
      tpu.vector_store_idx %arg6[%get3A_1015], %broadcast_in_dim3A_24 {add = true} : memref<64xi32, #tpu.memory_space<vmem>>[vector<16xi32>], vector<16xi32>,
      %get3A_1028 = arith.constant 1152 : index
      %get3A_1029 = tpu.vector_load %arg4[%get3A_1028] {strides = array<i32>} : memref<2048xi32, #tpu.memory_space<vmem>>, vector<16xi32>,
      %convert_element_type3A_1030 = arith.sitofp %get3A_1029 : vector<16xi32> to vector<16xf32>
      %broadcast_in_dim3A_1031 = arith.constant true
      %broadcast_in_dim3A_1032 = vector.broadcast %broadcast_in_dim3A_1031 : i1 to vector<16xi1>
      %unique3A_1033, %unique3A_1034 = tpu.scan_count mask(%broadcast_in_dim3A_1032 : vector<16xi1>) value(%convert_element_type3A_1030 : vector<16xf32>) : vector<16xi1>, vector<16xi32>
      %gather3A_1035 = tpu.vector_load_idx %arg6[%get3A_1029] : memref<64xi32, #tpu.memory_space<vmem>>[vector<16xi32>], vector<16xi32>,
      %add3A_1036 = arith.addi %gather3A_1035, %unique3A_1034 : vector<16xi32>
      %sub3A_1037 = arith.constant 1 : i32
      %sub3A_1038 = vector.broadcast %sub3A_1037 : i32 to vector<16xi32>
      %sub3A_1039 = arith.subi %add3A_1036, %sub3A_1038 : vector<16xi32>
      %swap3A_1040 = arith.constant 1152 : index
      %swap3A_1041 = tpu.vector_load %arg5[%swap3A_1040] {strides = array<i32>} : memref<2048xi32, #tpu.memory_space<vmem>>, vector<16xi32>,
      tpu.vector_store %arg5[%swap3A_1040], %sub3A_1039 {strides = array<i32>} : memref<2048xi32, #tpu.memory_space<vmem>>, vector<16xi32>,
      tpu.vector_store_idx %arg6[%get3A_1029], %broadcast_in_dim3A_24 {add = true} : memref<64xi32, #tpu.memory_space<vmem>>[vector<16xi32>], vector<16xi32>,
      %get3A_1042 = arith.constant 1168 : index
      %get3A_1043 = tpu.vector_load %arg4[%get3A_1042] {strides = array<i32>} : memref<2048xi32, #tpu.memory_space<vmem>>, vector<16xi32>,
      %convert_element_type3A_1044 = arith.sitofp %get3A_1043 : vector<16xi32> to vector<16xf32>
      %broadcast_in_dim3A_1045 = arith.constant true
      %broadcast_in_dim3A_1046 = vector.broadcast %broadcast_in_dim3A_1045 : i1 to vector<16xi1>
      %unique3A_1047, %unique3A_1048 = tpu.scan_count mask(%broadcast_in_dim3A_1046 : vector<16xi1>) value(%convert_element_type3A_1044 : vector<16xf32>) : vector<16xi1>, vector<16xi32>
      %gather3A_1049 = tpu.vector_load_idx %arg6[%get3A_1043] : memref<64xi32, #tpu.memory_space<vmem>>[vector<16xi32>], vector<16xi32>,
      %add3A_1050 = arith.addi %gather3A_1049, %unique3A_1048 : vector<16xi32>
      %sub3A_1051 = arith.constant 1 : i32
      %sub3A_1052 = vector.broadcast %sub3A_1051 : i32 to vector<16xi32>
      %sub3A_1053 = arith.subi %add3A_1050, %sub3A_1052 : vector<16xi32>
      %swap3A_1054 = arith.constant 1168 : index
      %swap3A_1055 = tpu.vector_load %arg5[%swap3A_1054] {strides = array<i32>} : memref<2048xi32, #tpu.memory_space<vmem>>, vector<16xi32>,
      tpu.vector_store %arg5[%swap3A_1054], %sub3A_1053 {strides = array<i32>} : memref<2048xi32, #tpu.memory_space<vmem>>, vector<16xi32>,
      tpu.vector_store_idx %arg6[%get3A_1043], %broadcast_in_dim3A_24 {add = true} : memref<64xi32, #tpu.memory_space<vmem>>[vector<16xi32>], vector<16xi32>,
      %get3A_1056 = arith.constant 1184 : index
      %get3A_1057 = tpu.vector_load %arg4[%get3A_1056] {strides = array<i32>} : memref<2048xi32, #tpu.memory_space<vmem>>, vector<16xi32>,
      %convert_element_type3A_1058 = arith.sitofp %get3A_1057 : vector<16xi32> to vector<16xf32>
      %broadcast_in_dim3A_1059 = arith.constant true
      %broadcast_in_dim3A_1060 = vector.broadcast %broadcast_in_dim3A_1059 : i1 to vector<16xi1>
      %unique3A_1061, %unique3A_1062 = tpu.scan_count mask(%broadcast_in_dim3A_1060 : vector<16xi1>) value(%convert_element_type3A_1058 : vector<16xf32>) : vector<16xi1>, vector<16xi32>
      %gather3A_1063 = tpu.vector_load_idx %arg6[%get3A_1057] : memref<64xi32, #tpu.memory_space<vmem>>[vector<16xi32>], vector<16xi32>,
      %add3A_1064 = arith.addi %gather3A_1063, %unique3A_1062 : vector<16xi32>
      %sub3A_1065 = arith.constant 1 : i32
      %sub3A_1066 = vector.broadcast %sub3A_1065 : i32 to vector<16xi32>
      %sub3A_1067 = arith.subi %add3A_1064, %sub3A_1066 : vector<16xi32>
      %swap3A_1068 = arith.constant 1184 : index
      %swap3A_1069 = tpu.vector_load %arg5[%swap3A_1068] {strides = array<i32>} : memref<2048xi32, #tpu.memory_space<vmem>>, vector<16xi32>,
      tpu.vector_store %arg5[%swap3A_1068], %sub3A_1067 {strides = array<i32>} : memref<2048xi32, #tpu.memory_space<vmem>>, vector<16xi32>,
      tpu.vector_store_idx %arg6[%get3A_1057], %broadcast_in_dim3A_24 {add = true} : memref<64xi32, #tpu.memory_space<vmem>>[vector<16xi32>], vector<16xi32>,
      %get3A_1070 = arith.constant 1200 : index
      %get3A_1071 = tpu.vector_load %arg4[%get3A_1070] {strides = array<i32>} : memref<2048xi32, #tpu.memory_space<vmem>>, vector<16xi32>,
      %convert_element_type3A_1072 = arith.sitofp %get3A_1071 : vector<16xi32> to vector<16xf32>
      %broadcast_in_dim3A_1073 = arith.constant true
      %broadcast_in_dim3A_1074 = vector.broadcast %broadcast_in_dim3A_1073 : i1 to vector<16xi1>
      %unique3A_1075, %unique3A_1076 = tpu.scan_count mask(%broadcast_in_dim3A_1074 : vector<16xi1>) value(%convert_element_type3A_1072 : vector<16xf32>) : vector<16xi1>, vector<16xi32>
      %gather3A_1077 = tpu.vector_load_idx %arg6[%get3A_1071] : memref<64xi32, #tpu.memory_space<vmem>>[vector<16xi32>], vector<16xi32>,
      %add3A_1078 = arith.addi %gather3A_1077, %unique3A_1076 : vector<16xi32>
      %sub3A_1079 = arith.constant 1 : i32
      %sub3A_1080 = vector.broadcast %sub3A_1079 : i32 to vector<16xi32>
      %sub3A_1081 = arith.subi %add3A_1078, %sub3A_1080 : vector<16xi32>
      %swap3A_1082 = arith.constant 1200 : index
      %swap3A_1083 = tpu.vector_load %arg5[%swap3A_1082] {strides = array<i32>} : memref<2048xi32, #tpu.memory_space<vmem>>, vector<16xi32>,
      tpu.vector_store %arg5[%swap3A_1082], %sub3A_1081 {strides = array<i32>} : memref<2048xi32, #tpu.memory_space<vmem>>, vector<16xi32>,
      tpu.vector_store_idx %arg6[%get3A_1071], %broadcast_in_dim3A_24 {add = true} : memref<64xi32, #tpu.memory_space<vmem>>[vector<16xi32>], vector<16xi32>,
      %get3A_1084 = arith.constant 1216 : index
      %get3A_1085 = tpu.vector_load %arg4[%get3A_1084] {strides = array<i32>} : memref<2048xi32, #tpu.memory_space<vmem>>, vector<16xi32>,
      %convert_element_type3A_1086 = arith.sitofp %get3A_1085 : vector<16xi32> to vector<16xf32>
      %broadcast_in_dim3A_1087 = arith.constant true
      %broadcast_in_dim3A_1088 = vector.broadcast %broadcast_in_dim3A_1087 : i1 to vector<16xi1>
      %unique3A_1089, %unique3A_1090 = tpu.scan_count mask(%broadcast_in_dim3A_1088 : vector<16xi1>) value(%convert_element_type3A_1086 : vector<16xf32>) : vector<16xi1>, vector<16xi32>
      %gather3A_1091 = tpu.vector_load_idx %arg6[%get3A_1085] : memref<64xi32, #tpu.memory_space<vmem>>[vector<16xi32>], vector<16xi32>,
      %add3A_1092 = arith.addi %gather3A_1091, %unique3A_1090 : vector<16xi32>
      %sub3A_1093 = arith.constant 1 : i32
      %sub3A_1094 = vector.broadcast %sub3A_1093 : i32 to vector<16xi32>
      %sub3A_1095 = arith.subi %add3A_1092, %sub3A_1094 : vector<16xi32>
      %swap3A_1096 = arith.constant 1216 : index
      %swap3A_1097 = tpu.vector_load %arg5[%swap3A_1096] {strides = array<i32>} : memref<2048xi32, #tpu.memory_space<vmem>>, vector<16xi32>,
      tpu.vector_store %arg5[%swap3A_1096], %sub3A_1095 {strides = array<i32>} : memref<2048xi32, #tpu.memory_space<vmem>>, vector<16xi32>,
      tpu.vector_store_idx %arg6[%get3A_1085], %broadcast_in_dim3A_24 {add = true} : memref<64xi32, #tpu.memory_space<vmem>>[vector<16xi32>], vector<16xi32>,
      %get3A_1098 = arith.constant 1232 : index
      %get3A_1099 = tpu.vector_load %arg4[%get3A_1098] {strides = array<i32>} : memref<2048xi32, #tpu.memory_space<vmem>>, vector<16xi32>,
      %convert_element_type3A_1100 = arith.sitofp %get3A_1099 : vector<16xi32> to vector<16xf32>
      %broadcast_in_dim3A_1101 = arith.constant true
      %broadcast_in_dim3A_1102 = vector.broadcast %broadcast_in_dim3A_1101 : i1 to vector<16xi1>
      %unique3A_1103, %unique3A_1104 = tpu.scan_count mask(%broadcast_in_dim3A_1102 : vector<16xi1>) value(%convert_element_type3A_1100 : vector<16xf32>) : vector<16xi1>, vector<16xi32>
      %gather3A_1105 = tpu.vector_load_idx %arg6[%get3A_1099] : memref<64xi32, #tpu.memory_space<vmem>>[vector<16xi32>], vector<16xi32>,
      %add3A_1106 = arith.addi %gather3A_1105, %unique3A_1104 : vector<16xi32>
      %sub3A_1107 = arith.constant 1 : i32
      %sub3A_1108 = vector.broadcast %sub3A_1107 : i32 to vector<16xi32>
      %sub3A_1109 = arith.subi %add3A_1106, %sub3A_1108 : vector<16xi32>
      %swap3A_1110 = arith.constant 1232 : index
      %swap3A_1111 = tpu.vector_load %arg5[%swap3A_1110] {strides = array<i32>} : memref<2048xi32, #tpu.memory_space<vmem>>, vector<16xi32>,
      tpu.vector_store %arg5[%swap3A_1110], %sub3A_1109 {strides = array<i32>} : memref<2048xi32, #tpu.memory_space<vmem>>, vector<16xi32>,
      tpu.vector_store_idx %arg6[%get3A_1099], %broadcast_in_dim3A_24 {add = true} : memref<64xi32, #tpu.memory_space<vmem>>[vector<16xi32>], vector<16xi32>,
      %get3A_1112 = arith.constant 1248 : index
      %get3A_1113 = tpu.vector_load %arg4[%get3A_1112] {strides = array<i32>} : memref<2048xi32, #tpu.memory_space<vmem>>, vector<16xi32>,
      %convert_element_type3A_1114 = arith.sitofp %get3A_1113 : vector<16xi32> to vector<16xf32>
      %broadcast_in_dim3A_1115 = arith.constant true
      %broadcast_in_dim3A_1116 = vector.broadcast %broadcast_in_dim3A_1115 : i1 to vector<16xi1>
      %unique3A_1117, %unique3A_1118 = tpu.scan_count mask(%broadcast_in_dim3A_1116 : vector<16xi1>) value(%convert_element_type3A_1114 : vector<16xf32>) : vector<16xi1>, vector<16xi32>
      %gather3A_1119 = tpu.vector_load_idx %arg6[%get3A_1113] : memref<64xi32, #tpu.memory_space<vmem>>[vector<16xi32>], vector<16xi32>,
      %add3A_1120 = arith.addi %gather3A_1119, %unique3A_1118 : vector<16xi32>
      %sub3A_1121 = arith.constant 1 : i32
      %sub3A_1122 = vector.broadcast %sub3A_1121 : i32 to vector<16xi32>
      %sub3A_1123 = arith.subi %add3A_1120, %sub3A_1122 : vector<16xi32>
      %swap3A_1124 = arith.constant 1248 : index
      %swap3A_1125 = tpu.vector_load %arg5[%swap3A_1124] {strides = array<i32>} : memref<2048xi32, #tpu.memory_space<vmem>>, vector<16xi32>,
      tpu.vector_store %arg5[%swap3A_1124], %sub3A_1123 {strides = array<i32>} : memref<2048xi32, #tpu.memory_space<vmem>>, vector<16xi32>,
      tpu.vector_store_idx %arg6[%get3A_1113], %broadcast_in_dim3A_24 {add = true} : memref<64xi32, #tpu.memory_space<vmem>>[vector<16xi32>], vector<16xi32>,
      %get3A_1126 = arith.constant 1264 : index
      %get3A_1127 = tpu.vector_load %arg4[%get3A_1126] {strides = array<i32>} : memref<2048xi32, #tpu.memory_space<vmem>>, vector<16xi32>,
      %convert_element_type3A_1128 = arith.sitofp %get3A_1127 : vector<16xi32> to vector<16xf32>
      %broadcast_in_dim3A_1129 = arith.constant true
      %broadcast_in_dim3A_1130 = vector.broadcast %broadcast_in_dim3A_1129 : i1 to vector<16xi1>
      %unique3A_1131, %unique3A_1132 = tpu.scan_count mask(%broadcast_in_dim3A_1130 : vector<16xi1>) value(%convert_element_type3A_1128 : vector<16xf32>) : vector<16xi1>, vector<16xi32>
      %gather3A_1133 = tpu.vector_load_idx %arg6[%get3A_1127] : memref<64xi32, #tpu.memory_space<vmem>>[vector<16xi32>], vector<16xi32>,
      %add3A_1134 = arith.addi %gather3A_1133, %unique3A_1132 : vector<16xi32>
      %sub3A_1135 = arith.constant 1 : i32
      %sub3A_1136 = vector.broadcast %sub3A_1135 : i32 to vector<16xi32>
      %sub3A_1137 = arith.subi %add3A_1134, %sub3A_1136 : vector<16xi32>
      %swap3A_1138 = arith.constant 1264 : index
      %swap3A_1139 = tpu.vector_load %arg5[%swap3A_1138] {strides = array<i32>} : memref<2048xi32, #tpu.memory_space<vmem>>, vector<16xi32>,
      tpu.vector_store %arg5[%swap3A_1138], %sub3A_1137 {strides = array<i32>} : memref<2048xi32, #tpu.memory_space<vmem>>, vector<16xi32>,
      tpu.vector_store_idx %arg6[%get3A_1127], %broadcast_in_dim3A_24 {add = true} : memref<64xi32, #tpu.memory_space<vmem>>[vector<16xi32>], vector<16xi32>,
      %get3A_1140 = arith.constant 1280 : index
      %get3A_1141 = tpu.vector_load %arg4[%get3A_1140] {strides = array<i32>} : memref<2048xi32, #tpu.memory_space<vmem>>, vector<16xi32>,
      %convert_element_type3A_1142 = arith.sitofp %get3A_1141 : vector<16xi32> to vector<16xf32>
      %broadcast_in_dim3A_1143 = arith.constant true
      %broadcast_in_dim3A_1144 = vector.broadcast %broadcast_in_dim3A_1143 : i1 to vector<16xi1>
      %unique3A_1145, %unique3A_1146 = tpu.scan_count mask(%broadcast_in_dim3A_1144 : vector<16xi1>) value(%convert_element_type3A_1142 : vector<16xf32>) : vector<16xi1>, vector<16xi32>
      %gather3A_1147 = tpu.vector_load_idx %arg6[%get3A_1141] : memref<64xi32, #tpu.memory_space<vmem>>[vector<16xi32>], vector<16xi32>,
      %add3A_1148 = arith.addi %gather3A_1147, %unique3A_1146 : vector<16xi32>
      %sub3A_1149 = arith.constant 1 : i32
      %sub3A_1150 = vector.broadcast %sub3A_1149 : i32 to vector<16xi32>
      %sub3A_1151 = arith.subi %add3A_1148, %sub3A_1150 : vector<16xi32>
      %swap3A_1152 = arith.constant 1280 : index
      %swap3A_1153 = tpu.vector_load %arg5[%swap3A_1152] {strides = array<i32>} : memref<2048xi32, #tpu.memory_space<vmem>>, vector<16xi32>,
      tpu.vector_store %arg5[%swap3A_1152], %sub3A_1151 {strides = array<i32>} : memref<2048xi32, #tpu.memory_space<vmem>>, vector<16xi32>,
      tpu.vector_store_idx %arg6[%get3A_1141], %broadcast_in_dim3A_24 {add = true} : memref<64xi32, #tpu.memory_space<vmem>>[vector<16xi32>], vector<16xi32>,
      %get3A_1154 = arith.constant 1296 : index
      %get3A_1155 = tpu.vector_load %arg4[%get3A_1154] {strides = array<i32>} : memref<2048xi32, #tpu.memory_space<vmem>>, vector<16xi32>,
      %convert_element_type3A_1156 = arith.sitofp %get3A_1155 : vector<16xi32> to vector<16xf32>
      %broadcast_in_dim3A_1157 = arith.constant true
      %broadcast_in_dim3A_1158 = vector.broadcast %broadcast_in_dim3A_1157 : i1 to vector<16xi1>
      %unique3A_1159, %unique3A_1160 = tpu.scan_count mask(%broadcast_in_dim3A_1158 : vector<16xi1>) value(%convert_element_type3A_1156 : vector<16xf32>) : vector<16xi1>, vector<16xi32>
      %gather3A_1161 = tpu.vector_load_idx %arg6[%get3A_1155] : memref<64xi32, #tpu.memory_space<vmem>>[vector<16xi32>], vector<16xi32>,
      %add3A_1162 = arith.addi %gather3A_1161, %unique3A_1160 : vector<16xi32>
      %sub3A_1163 = arith.constant 1 : i32
      %sub3A_1164 = vector.broadcast %sub3A_1163 : i32 to vector<16xi32>
      %sub3A_1165 = arith.subi %add3A_1162, %sub3A_1164 : vector<16xi32>
      %swap3A_1166 = arith.constant 1296 : index
      %swap3A_1167 = tpu.vector_load %arg5[%swap3A_1166] {strides = array<i32>} : memref<2048xi32, #tpu.memory_space<vmem>>, vector<16xi32>,
      tpu.vector_store %arg5[%swap3A_1166], %sub3A_1165 {strides = array<i32>} : memref<2048xi32, #tpu.memory_space<vmem>>, vector<16xi32>,
      tpu.vector_store_idx %arg6[%get3A_1155], %broadcast_in_dim3A_24 {add = true} : memref<64xi32, #tpu.memory_space<vmem>>[vector<16xi32>], vector<16xi32>,
      %get3A_1168 = arith.constant 1312 : index
      %get3A_1169 = tpu.vector_load %arg4[%get3A_1168] {strides = array<i32>} : memref<2048xi32, #tpu.memory_space<vmem>>, vector<16xi32>,
      %convert_element_type3A_1170 = arith.sitofp %get3A_1169 : vector<16xi32> to vector<16xf32>
      %broadcast_in_dim3A_1171 = arith.constant true
      %broadcast_in_dim3A_1172 = vector.broadcast %broadcast_in_dim3A_1171 : i1 to vector<16xi1>
      %unique3A_1173, %unique3A_1174 = tpu.scan_count mask(%broadcast_in_dim3A_1172 : vector<16xi1>) value(%convert_element_type3A_1170 : vector<16xf32>) : vector<16xi1>, vector<16xi32>
      %gather3A_1175 = tpu.vector_load_idx %arg6[%get3A_1169] : memref<64xi32, #tpu.memory_space<vmem>>[vector<16xi32>], vector<16xi32>,
      %add3A_1176 = arith.addi %gather3A_1175, %unique3A_1174 : vector<16xi32>
      %sub3A_1177 = arith.constant 1 : i32
      %sub3A_1178 = vector.broadcast %sub3A_1177 : i32 to vector<16xi32>
      %sub3A_1179 = arith.subi %add3A_1176, %sub3A_1178 : vector<16xi32>
      %swap3A_1180 = arith.constant 1312 : index
      %swap3A_1181 = tpu.vector_load %arg5[%swap3A_1180] {strides = array<i32>} : memref<2048xi32, #tpu.memory_space<vmem>>, vector<16xi32>,
      tpu.vector_store %arg5[%swap3A_1180], %sub3A_1179 {strides = array<i32>} : memref<2048xi32, #tpu.memory_space<vmem>>, vector<16xi32>,
      tpu.vector_store_idx %arg6[%get3A_1169], %broadcast_in_dim3A_24 {add = true} : memref<64xi32, #tpu.memory_space<vmem>>[vector<16xi32>], vector<16xi32>,
      %get3A_1182 = arith.constant 1328 : index
      %get3A_1183 = tpu.vector_load %arg4[%get3A_1182] {strides = array<i32>} : memref<2048xi32, #tpu.memory_space<vmem>>, vector<16xi32>,
      %convert_element_type3A_1184 = arith.sitofp %get3A_1183 : vector<16xi32> to vector<16xf32>
      %broadcast_in_dim3A_1185 = arith.constant true
      %broadcast_in_dim3A_1186 = vector.broadcast %broadcast_in_dim3A_1185 : i1 to vector<16xi1>
      %unique3A_1187, %unique3A_1188 = tpu.scan_count mask(%broadcast_in_dim3A_1186 : vector<16xi1>) value(%convert_element_type3A_1184 : vector<16xf32>) : vector<16xi1>, vector<16xi32>
      %gather3A_1189 = tpu.vector_load_idx %arg6[%get3A_1183] : memref<64xi32, #tpu.memory_space<vmem>>[vector<16xi32>], vector<16xi32>,
      %add3A_1190 = arith.addi %gather3A_1189, %unique3A_1188 : vector<16xi32>
      %sub3A_1191 = arith.constant 1 : i32
      %sub3A_1192 = vector.broadcast %sub3A_1191 : i32 to vector<16xi32>
      %sub3A_1193 = arith.subi %add3A_1190, %sub3A_1192 : vector<16xi32>
      %swap3A_1194 = arith.constant 1328 : index
      %swap3A_1195 = tpu.vector_load %arg5[%swap3A_1194] {strides = array<i32>} : memref<2048xi32, #tpu.memory_space<vmem>>, vector<16xi32>,
      tpu.vector_store %arg5[%swap3A_1194], %sub3A_1193 {strides = array<i32>} : memref<2048xi32, #tpu.memory_space<vmem>>, vector<16xi32>,
      tpu.vector_store_idx %arg6[%get3A_1183], %broadcast_in_dim3A_24 {add = true} : memref<64xi32, #tpu.memory_space<vmem>>[vector<16xi32>], vector<16xi32>,
      %get3A_1196 = arith.constant 1344 : index
      %get3A_1197 = tpu.vector_load %arg4[%get3A_1196] {strides = array<i32>} : memref<2048xi32, #tpu.memory_space<vmem>>, vector<16xi32>,
      %convert_element_type3A_1198 = arith.sitofp %get3A_1197 : vector<16xi32> to vector<16xf32>
      %broadcast_in_dim3A_1199 = arith.constant true
      %broadcast_in_dim3A_1200 = vector.broadcast %broadcast_in_dim3A_1199 : i1 to vector<16xi1>
      %unique3A_1201, %unique3A_1202 = tpu.scan_count mask(%broadcast_in_dim3A_1200 : vector<16xi1>) value(%convert_element_type3A_1198 : vector<16xf32>) : vector<16xi1>, vector<16xi32>
      %gather3A_1203 = tpu.vector_load_idx %arg6[%get3A_1197] : memref<64xi32, #tpu.memory_space<vmem>>[vector<16xi32>], vector<16xi32>,
      %add3A_1204 = arith.addi %gather3A_1203, %unique3A_1202 : vector<16xi32>
      %sub3A_1205 = arith.constant 1 : i32
      %sub3A_1206 = vector.broadcast %sub3A_1205 : i32 to vector<16xi32>
      %sub3A_1207 = arith.subi %add3A_1204, %sub3A_1206 : vector<16xi32>
      %swap3A_1208 = arith.constant 1344 : index
      %swap3A_1209 = tpu.vector_load %arg5[%swap3A_1208] {strides = array<i32>} : memref<2048xi32, #tpu.memory_space<vmem>>, vector<16xi32>,
      tpu.vector_store %arg5[%swap3A_1208], %sub3A_1207 {strides = array<i32>} : memref<2048xi32, #tpu.memory_space<vmem>>, vector<16xi32>,
      tpu.vector_store_idx %arg6[%get3A_1197], %broadcast_in_dim3A_24 {add = true} : memref<64xi32, #tpu.memory_space<vmem>>[vector<16xi32>], vector<16xi32>,
      %get3A_1210 = arith.constant 1360 : index
      %get3A_1211 = tpu.vector_load %arg4[%get3A_1210] {strides = array<i32>} : memref<2048xi32, #tpu.memory_space<vmem>>, vector<16xi32>,
      %convert_element_type3A_1212 = arith.sitofp %get3A_1211 : vector<16xi32> to vector<16xf32>
      %broadcast_in_dim3A_1213 = arith.constant true
      %broadcast_in_dim3A_1214 = vector.broadcast %broadcast_in_dim3A_1213 : i1 to vector<16xi1>
      %unique3A_1215, %unique3A_1216 = tpu.scan_count mask(%broadcast_in_dim3A_1214 : vector<16xi1>) value(%convert_element_type3A_1212 : vector<16xf32>) : vector<16xi1>, vector<16xi32>
      %gather3A_1217 = tpu.vector_load_idx %arg6[%get3A_1211] : memref<64xi32, #tpu.memory_space<vmem>>[vector<16xi32>], vector<16xi32>,
      %add3A_1218 = arith.addi %gather3A_1217, %unique3A_1216 : vector<16xi32>
      %sub3A_1219 = arith.constant 1 : i32
      %sub3A_1220 = vector.broadcast %sub3A_1219 : i32 to vector<16xi32>
      %sub3A_1221 = arith.subi %add3A_1218, %sub3A_1220 : vector<16xi32>
      %swap3A_1222 = arith.constant 1360 : index
      %swap3A_1223 = tpu.vector_load %arg5[%swap3A_1222] {strides = array<i32>} : memref<2048xi32, #tpu.memory_space<vmem>>, vector<16xi32>,
      tpu.vector_store %arg5[%swap3A_1222], %sub3A_1221 {strides = array<i32>} : memref<2048xi32, #tpu.memory_space<vmem>>, vector<16xi32>,
      tpu.vector_store_idx %arg6[%get3A_1211], %broadcast_in_dim3A_24 {add = true} : memref<64xi32, #tpu.memory_space<vmem>>[vector<16xi32>], vector<16xi32>,
      %get3A_1224 = arith.constant 1376 : index
      %get3A_1225 = tpu.vector_load %arg4[%get3A_1224] {strides = array<i32>} : memref<2048xi32, #tpu.memory_space<vmem>>, vector<16xi32>,
      %convert_element_type3A_1226 = arith.sitofp %get3A_1225 : vector<16xi32> to vector<16xf32>
      %broadcast_in_dim3A_1227 = arith.constant true
      %broadcast_in_dim3A_1228 = vector.broadcast %broadcast_in_dim3A_1227 : i1 to vector<16xi1>
      %unique3A_1229, %unique3A_1230 = tpu.scan_count mask(%broadcast_in_dim3A_1228 : vector<16xi1>) value(%convert_element_type3A_1226 : vector<16xf32>) : vector<16xi1>, vector<16xi32>
      %gather3A_1231 = tpu.vector_load_idx %arg6[%get3A_1225] : memref<64xi32, #tpu.memory_space<vmem>>[vector<16xi32>], vector<16xi32>,
      %add3A_1232 = arith.addi %gather3A_1231, %unique3A_1230 : vector<16xi32>
      %sub3A_1233 = arith.constant 1 : i32
      %sub3A_1234 = vector.broadcast %sub3A_1233 : i32 to vector<16xi32>
      %sub3A_1235 = arith.subi %add3A_1232, %sub3A_1234 : vector<16xi32>
      %swap3A_1236 = arith.constant 1376 : index
      %swap3A_1237 = tpu.vector_load %arg5[%swap3A_1236] {strides = array<i32>} : memref<2048xi32, #tpu.memory_space<vmem>>, vector<16xi32>,
      tpu.vector_store %arg5[%swap3A_1236], %sub3A_1235 {strides = array<i32>} : memref<2048xi32, #tpu.memory_space<vmem>>, vector<16xi32>,
      tpu.vector_store_idx %arg6[%get3A_1225], %broadcast_in_dim3A_24 {add = true} : memref<64xi32, #tpu.memory_space<vmem>>[vector<16xi32>], vector<16xi32>,
      %get3A_1238 = arith.constant 1392 : index
      %get3A_1239 = tpu.vector_load %arg4[%get3A_1238] {strides = array<i32>} : memref<2048xi32, #tpu.memory_space<vmem>>, vector<16xi32>,
      %convert_element_type3A_1240 = arith.sitofp %get3A_1239 : vector<16xi32> to vector<16xf32>
      %broadcast_in_dim3A_1241 = arith.constant true
      %broadcast_in_dim3A_1242 = vector.broadcast %broadcast_in_dim3A_1241 : i1 to vector<16xi1>
      %unique3A_1243, %unique3A_1244 = tpu.scan_count mask(%broadcast_in_dim3A_1242 : vector<16xi1>) value(%convert_element_type3A_1240 : vector<16xf32>) : vector<16xi1>, vector<16xi32>
      %gather3A_1245 = tpu.vector_load_idx %arg6[%get3A_1239] : memref<64xi32, #tpu.memory_space<vmem>>[vector<16xi32>], vector<16xi32>,
      %add3A_1246 = arith.addi %gather3A_1245, %unique3A_1244 : vector<16xi32>
      %sub3A_1247 = arith.constant 1 : i32
      %sub3A_1248 = vector.broadcast %sub3A_1247 : i32 to vector<16xi32>
      %sub3A_1249 = arith.subi %add3A_1246, %sub3A_1248 : vector<16xi32>
      %swap3A_1250 = arith.constant 1392 : index
      %swap3A_1251 = tpu.vector_load %arg5[%swap3A_1250] {strides = array<i32>} : memref<2048xi32, #tpu.memory_space<vmem>>, vector<16xi32>,
      tpu.vector_store %arg5[%swap3A_1250], %sub3A_1249 {strides = array<i32>} : memref<2048xi32, #tpu.memory_space<vmem>>, vector<16xi32>,
      tpu.vector_store_idx %arg6[%get3A_1239], %broadcast_in_dim3A_24 {add = true} : memref<64xi32, #tpu.memory_space<vmem>>[vector<16xi32>], vector<16xi32>,
      %get3A_1252 = arith.constant 1408 : index
      %get3A_1253 = tpu.vector_load %arg4[%get3A_1252] {strides = array<i32>} : memref<2048xi32, #tpu.memory_space<vmem>>, vector<16xi32>,
      %convert_element_type3A_1254 = arith.sitofp %get3A_1253 : vector<16xi32> to vector<16xf32>
      %broadcast_in_dim3A_1255 = arith.constant true
      %broadcast_in_dim3A_1256 = vector.broadcast %broadcast_in_dim3A_1255 : i1 to vector<16xi1>
      %unique3A_1257, %unique3A_1258 = tpu.scan_count mask(%broadcast_in_dim3A_1256 : vector<16xi1>) value(%convert_element_type3A_1254 : vector<16xf32>) : vector<16xi1>, vector<16xi32>
      %gather3A_1259 = tpu.vector_load_idx %arg6[%get3A_1253] : memref<64xi32, #tpu.memory_space<vmem>>[vector<16xi32>], vector<16xi32>,
      %add3A_1260 = arith.addi %gather3A_1259, %unique3A_1258 : vector<16xi32>
      %sub3A_1261 = arith.constant 1 : i32
      %sub3A_1262 = vector.broadcast %sub3A_1261 : i32 to vector<16xi32>
      %sub3A_1263 = arith.subi %add3A_1260, %sub3A_1262 : vector<16xi32>
      %swap3A_1264 = arith.constant 1408 : index
      %swap3A_1265 = tpu.vector_load %arg5[%swap3A_1264] {strides = array<i32>} : memref<2048xi32, #tpu.memory_space<vmem>>, vector<16xi32>,
      tpu.vector_store %arg5[%swap3A_1264], %sub3A_1263 {strides = array<i32>} : memref<2048xi32, #tpu.memory_space<vmem>>, vector<16xi32>,
      tpu.vector_store_idx %arg6[%get3A_1253], %broadcast_in_dim3A_24 {add = true} : memref<64xi32, #tpu.memory_space<vmem>>[vector<16xi32>], vector<16xi32>,
      %get3A_1266 = arith.constant 1424 : index
      %get3A_1267 = tpu.vector_load %arg4[%get3A_1266] {strides = array<i32>} : memref<2048xi32, #tpu.memory_space<vmem>>, vector<16xi32>,
      %convert_element_type3A_1268 = arith.sitofp %get3A_1267 : vector<16xi32> to vector<16xf32>
      %broadcast_in_dim3A_1269 = arith.constant true
      %broadcast_in_dim3A_1270 = vector.broadcast %broadcast_in_dim3A_1269 : i1 to vector<16xi1>
      %unique3A_1271, %unique3A_1272 = tpu.scan_count mask(%broadcast_in_dim3A_1270 : vector<16xi1>) value(%convert_element_type3A_1268 : vector<16xf32>) : vector<16xi1>, vector<16xi32>
      %gather3A_1273 = tpu.vector_load_idx %arg6[%get3A_1267] : memref<64xi32, #tpu.memory_space<vmem>>[vector<16xi32>], vector<16xi32>,
      %add3A_1274 = arith.addi %gather3A_1273, %unique3A_1272 : vector<16xi32>
      %sub3A_1275 = arith.constant 1 : i32
      %sub3A_1276 = vector.broadcast %sub3A_1275 : i32 to vector<16xi32>
      %sub3A_1277 = arith.subi %add3A_1274, %sub3A_1276 : vector<16xi32>
      %swap3A_1278 = arith.constant 1424 : index
      %swap3A_1279 = tpu.vector_load %arg5[%swap3A_1278] {strides = array<i32>} : memref<2048xi32, #tpu.memory_space<vmem>>, vector<16xi32>,
      tpu.vector_store %arg5[%swap3A_1278], %sub3A_1277 {strides = array<i32>} : memref<2048xi32, #tpu.memory_space<vmem>>, vector<16xi32>,
      tpu.vector_store_idx %arg6[%get3A_1267], %broadcast_in_dim3A_24 {add = true} : memref<64xi32, #tpu.memory_space<vmem>>[vector<16xi32>], vector<16xi32>,
      %get3A_1280 = arith.constant 1440 : index
      %get3A_1281 = tpu.vector_load %arg4[%get3A_1280] {strides = array<i32>} : memref<2048xi32, #tpu.memory_space<vmem>>, vector<16xi32>,
      %convert_element_type3A_1282 = arith.sitofp %get3A_1281 : vector<16xi32> to vector<16xf32>
      %broadcast_in_dim3A_1283 = arith.constant true
      %broadcast_in_dim3A_1284 = vector.broadcast %broadcast_in_dim3A_1283 : i1 to vector<16xi1>
      %unique3A_1285, %unique3A_1286 = tpu.scan_count mask(%broadcast_in_dim3A_1284 : vector<16xi1>) value(%convert_element_type3A_1282 : vector<16xf32>) : vector<16xi1>, vector<16xi32>
      %gather3A_1287 = tpu.vector_load_idx %arg6[%get3A_1281] : memref<64xi32, #tpu.memory_space<vmem>>[vector<16xi32>], vector<16xi32>,
      %add3A_1288 = arith.addi %gather3A_1287, %unique3A_1286 : vector<16xi32>
      %sub3A_1289 = arith.constant 1 : i32
      %sub3A_1290 = vector.broadcast %sub3A_1289 : i32 to vector<16xi32>
      %sub3A_1291 = arith.subi %add3A_1288, %sub3A_1290 : vector<16xi32>
      %swap3A_1292 = arith.constant 1440 : index
      %swap3A_1293 = tpu.vector_load %arg5[%swap3A_1292] {strides = array<i32>} : memref<2048xi32, #tpu.memory_space<vmem>>, vector<16xi32>,
      tpu.vector_store %arg5[%swap3A_1292], %sub3A_1291 {strides = array<i32>} : memref<2048xi32, #tpu.memory_space<vmem>>, vector<16xi32>,
      tpu.vector_store_idx %arg6[%get3A_1281], %broadcast_in_dim3A_24 {add = true} : memref<64xi32, #tpu.memory_space<vmem>>[vector<16xi32>], vector<16xi32>,
      %get3A_1294 = arith.constant 1456 : index
      %get3A_1295 = tpu.vector_load %arg4[%get3A_1294] {strides = array<i32>} : memref<2048xi32, #tpu.memory_space<vmem>>, vector<16xi32>,
      %convert_element_type3A_1296 = arith.sitofp %get3A_1295 : vector<16xi32> to vector<16xf32>
      %broadcast_in_dim3A_1297 = arith.constant true
      %broadcast_in_dim3A_1298 = vector.broadcast %broadcast_in_dim3A_1297 : i1 to vector<16xi1>
      %unique3A_1299, %unique3A_1300 = tpu.scan_count mask(%broadcast_in_dim3A_1298 : vector<16xi1>) value(%convert_element_type3A_1296 : vector<16xf32>) : vector<16xi1>, vector<16xi32>
      %gather3A_1301 = tpu.vector_load_idx %arg6[%get3A_1295] : memref<64xi32, #tpu.memory_space<vmem>>[vector<16xi32>], vector<16xi32>,
      %add3A_1302 = arith.addi %gather3A_1301, %unique3A_1300 : vector<16xi32>
      %sub3A_1303 = arith.constant 1 : i32
      %sub3A_1304 = vector.broadcast %sub3A_1303 : i32 to vector<16xi32>
      %sub3A_1305 = arith.subi %add3A_1302, %sub3A_1304 : vector<16xi32>
      %swap3A_1306 = arith.constant 1456 : index
      %swap3A_1307 = tpu.vector_load %arg5[%swap3A_1306] {strides = array<i32>} : memref<2048xi32, #tpu.memory_space<vmem>>, vector<16xi32>,
      tpu.vector_store %arg5[%swap3A_1306], %sub3A_1305 {strides = array<i32>} : memref<2048xi32, #tpu.memory_space<vmem>>, vector<16xi32>,
      tpu.vector_store_idx %arg6[%get3A_1295], %broadcast_in_dim3A_24 {add = true} : memref<64xi32, #tpu.memory_space<vmem>>[vector<16xi32>], vector<16xi32>,
      %get3A_1308 = arith.constant 1472 : index
      %get3A_1309 = tpu.vector_load %arg4[%get3A_1308] {strides = array<i32>} : memref<2048xi32, #tpu.memory_space<vmem>>, vector<16xi32>,
      %convert_element_type3A_1310 = arith.sitofp %get3A_1309 : vector<16xi32> to vector<16xf32>
      %broadcast_in_dim3A_1311 = arith.constant true
      %broadcast_in_dim3A_1312 = vector.broadcast %broadcast_in_dim3A_1311 : i1 to vector<16xi1>
      %unique3A_1313, %unique3A_1314 = tpu.scan_count mask(%broadcast_in_dim3A_1312 : vector<16xi1>) value(%convert_element_type3A_1310 : vector<16xf32>) : vector<16xi1>, vector<16xi32>
      %gather3A_1315 = tpu.vector_load_idx %arg6[%get3A_1309] : memref<64xi32, #tpu.memory_space<vmem>>[vector<16xi32>], vector<16xi32>,
      %add3A_1316 = arith.addi %gather3A_1315, %unique3A_1314 : vector<16xi32>
      %sub3A_1317 = arith.constant 1 : i32
      %sub3A_1318 = vector.broadcast %sub3A_1317 : i32 to vector<16xi32>
      %sub3A_1319 = arith.subi %add3A_1316, %sub3A_1318 : vector<16xi32>
      %swap3A_1320 = arith.constant 1472 : index
      %swap3A_1321 = tpu.vector_load %arg5[%swap3A_1320] {strides = array<i32>} : memref<2048xi32, #tpu.memory_space<vmem>>, vector<16xi32>,
      tpu.vector_store %arg5[%swap3A_1320], %sub3A_1319 {strides = array<i32>} : memref<2048xi32, #tpu.memory_space<vmem>>, vector<16xi32>,
      tpu.vector_store_idx %arg6[%get3A_1309], %broadcast_in_dim3A_24 {add = true} : memref<64xi32, #tpu.memory_space<vmem>>[vector<16xi32>], vector<16xi32>,
      %get3A_1322 = arith.constant 1488 : index
      %get3A_1323 = tpu.vector_load %arg4[%get3A_1322] {strides = array<i32>} : memref<2048xi32, #tpu.memory_space<vmem>>, vector<16xi32>,
      %convert_element_type3A_1324 = arith.sitofp %get3A_1323 : vector<16xi32> to vector<16xf32>
      %broadcast_in_dim3A_1325 = arith.constant true
      %broadcast_in_dim3A_1326 = vector.broadcast %broadcast_in_dim3A_1325 : i1 to vector<16xi1>
      %unique3A_1327, %unique3A_1328 = tpu.scan_count mask(%broadcast_in_dim3A_1326 : vector<16xi1>) value(%convert_element_type3A_1324 : vector<16xf32>) : vector<16xi1>, vector<16xi32>
      %gather3A_1329 = tpu.vector_load_idx %arg6[%get3A_1323] : memref<64xi32, #tpu.memory_space<vmem>>[vector<16xi32>], vector<16xi32>,
      %add3A_1330 = arith.addi %gather3A_1329, %unique3A_1328 : vector<16xi32>
      %sub3A_1331 = arith.constant 1 : i32
      %sub3A_1332 = vector.broadcast %sub3A_1331 : i32 to vector<16xi32>
      %sub3A_1333 = arith.subi %add3A_1330, %sub3A_1332 : vector<16xi32>
      %swap3A_1334 = arith.constant 1488 : index
      %swap3A_1335 = tpu.vector_load %arg5[%swap3A_1334] {strides = array<i32>} : memref<2048xi32, #tpu.memory_space<vmem>>, vector<16xi32>,
      tpu.vector_store %arg5[%swap3A_1334], %sub3A_1333 {strides = array<i32>} : memref<2048xi32, #tpu.memory_space<vmem>>, vector<16xi32>,
      tpu.vector_store_idx %arg6[%get3A_1323], %broadcast_in_dim3A_24 {add = true} : memref<64xi32, #tpu.memory_space<vmem>>[vector<16xi32>], vector<16xi32>,
      %get3A_1336 = arith.constant 1504 : index
      %get3A_1337 = tpu.vector_load %arg4[%get3A_1336] {strides = array<i32>} : memref<2048xi32, #tpu.memory_space<vmem>>, vector<16xi32>,
      %convert_element_type3A_1338 = arith.sitofp %get3A_1337 : vector<16xi32> to vector<16xf32>
      %broadcast_in_dim3A_1339 = arith.constant true
      %broadcast_in_dim3A_1340 = vector.broadcast %broadcast_in_dim3A_1339 : i1 to vector<16xi1>
      %unique3A_1341, %unique3A_1342 = tpu.scan_count mask(%broadcast_in_dim3A_1340 : vector<16xi1>) value(%convert_element_type3A_1338 : vector<16xf32>) : vector<16xi1>, vector<16xi32>
      %gather3A_1343 = tpu.vector_load_idx %arg6[%get3A_1337] : memref<64xi32, #tpu.memory_space<vmem>>[vector<16xi32>], vector<16xi32>,
      %add3A_1344 = arith.addi %gather3A_1343, %unique3A_1342 : vector<16xi32>
      %sub3A_1345 = arith.constant 1 : i32
      %sub3A_1346 = vector.broadcast %sub3A_1345 : i32 to vector<16xi32>
      %sub3A_1347 = arith.subi %add3A_1344, %sub3A_1346 : vector<16xi32>
      %swap3A_1348 = arith.constant 1504 : index
      %swap3A_1349 = tpu.vector_load %arg5[%swap3A_1348] {strides = array<i32>} : memref<2048xi32, #tpu.memory_space<vmem>>, vector<16xi32>,
      tpu.vector_store %arg5[%swap3A_1348], %sub3A_1347 {strides = array<i32>} : memref<2048xi32, #tpu.memory_space<vmem>>, vector<16xi32>,
      tpu.vector_store_idx %arg6[%get3A_1337], %broadcast_in_dim3A_24 {add = true} : memref<64xi32, #tpu.memory_space<vmem>>[vector<16xi32>], vector<16xi32>,
      %get3A_1350 = arith.constant 1520 : index
      %get3A_1351 = tpu.vector_load %arg4[%get3A_1350] {strides = array<i32>} : memref<2048xi32, #tpu.memory_space<vmem>>, vector<16xi32>,
      %convert_element_type3A_1352 = arith.sitofp %get3A_1351 : vector<16xi32> to vector<16xf32>
      %broadcast_in_dim3A_1353 = arith.constant true
      %broadcast_in_dim3A_1354 = vector.broadcast %broadcast_in_dim3A_1353 : i1 to vector<16xi1>
      %unique3A_1355, %unique3A_1356 = tpu.scan_count mask(%broadcast_in_dim3A_1354 : vector<16xi1>) value(%convert_element_type3A_1352 : vector<16xf32>) : vector<16xi1>, vector<16xi32>
      %gather3A_1357 = tpu.vector_load_idx %arg6[%get3A_1351] : memref<64xi32, #tpu.memory_space<vmem>>[vector<16xi32>], vector<16xi32>,
      %add3A_1358 = arith.addi %gather3A_1357, %unique3A_1356 : vector<16xi32>
      %sub3A_1359 = arith.constant 1 : i32
      %sub3A_1360 = vector.broadcast %sub3A_1359 : i32 to vector<16xi32>
      %sub3A_1361 = arith.subi %add3A_1358, %sub3A_1360 : vector<16xi32>
      %swap3A_1362 = arith.constant 1520 : index
      %swap3A_1363 = tpu.vector_load %arg5[%swap3A_1362] {strides = array<i32>} : memref<2048xi32, #tpu.memory_space<vmem>>, vector<16xi32>,
      tpu.vector_store %arg5[%swap3A_1362], %sub3A_1361 {strides = array<i32>} : memref<2048xi32, #tpu.memory_space<vmem>>, vector<16xi32>,
      tpu.vector_store_idx %arg6[%get3A_1351], %broadcast_in_dim3A_24 {add = true} : memref<64xi32, #tpu.memory_space<vmem>>[vector<16xi32>], vector<16xi32>,
      %get3A_1364 = arith.constant 1536 : index
      %get3A_1365 = tpu.vector_load %arg4[%get3A_1364] {strides = array<i32>} : memref<2048xi32, #tpu.memory_space<vmem>>, vector<16xi32>,
      %convert_element_type3A_1366 = arith.sitofp %get3A_1365 : vector<16xi32> to vector<16xf32>
      %broadcast_in_dim3A_1367 = arith.constant true
      %broadcast_in_dim3A_1368 = vector.broadcast %broadcast_in_dim3A_1367 : i1 to vector<16xi1>
      %unique3A_1369, %unique3A_1370 = tpu.scan_count mask(%broadcast_in_dim3A_1368 : vector<16xi1>) value(%convert_element_type3A_1366 : vector<16xf32>) : vector<16xi1>, vector<16xi32>
      %gather3A_1371 = tpu.vector_load_idx %arg6[%get3A_1365] : memref<64xi32, #tpu.memory_space<vmem>>[vector<16xi32>], vector<16xi32>,
      %add3A_1372 = arith.addi %gather3A_1371, %unique3A_1370 : vector<16xi32>
      %sub3A_1373 = arith.constant 1 : i32
      %sub3A_1374 = vector.broadcast %sub3A_1373 : i32 to vector<16xi32>
      %sub3A_1375 = arith.subi %add3A_1372, %sub3A_1374 : vector<16xi32>
      %swap3A_1376 = arith.constant 1536 : index
      %swap3A_1377 = tpu.vector_load %arg5[%swap3A_1376] {strides = array<i32>} : memref<2048xi32, #tpu.memory_space<vmem>>, vector<16xi32>,
      tpu.vector_store %arg5[%swap3A_1376], %sub3A_1375 {strides = array<i32>} : memref<2048xi32, #tpu.memory_space<vmem>>, vector<16xi32>,
      tpu.vector_store_idx %arg6[%get3A_1365], %broadcast_in_dim3A_24 {add = true} : memref<64xi32, #tpu.memory_space<vmem>>[vector<16xi32>], vector<16xi32>,
      %get3A_1378 = arith.constant 1552 : index
      %get3A_1379 = tpu.vector_load %arg4[%get3A_1378] {strides = array<i32>} : memref<2048xi32, #tpu.memory_space<vmem>>, vector<16xi32>,
      %convert_element_type3A_1380 = arith.sitofp %get3A_1379 : vector<16xi32> to vector<16xf32>
      %broadcast_in_dim3A_1381 = arith.constant true
      %broadcast_in_dim3A_1382 = vector.broadcast %broadcast_in_dim3A_1381 : i1 to vector<16xi1>
      %unique3A_1383, %unique3A_1384 = tpu.scan_count mask(%broadcast_in_dim3A_1382 : vector<16xi1>) value(%convert_element_type3A_1380 : vector<16xf32>) : vector<16xi1>, vector<16xi32>
      %gather3A_1385 = tpu.vector_load_idx %arg6[%get3A_1379] : memref<64xi32, #tpu.memory_space<vmem>>[vector<16xi32>], vector<16xi32>,
      %add3A_1386 = arith.addi %gather3A_1385, %unique3A_1384 : vector<16xi32>
      %sub3A_1387 = arith.constant 1 : i32
      %sub3A_1388 = vector.broadcast %sub3A_1387 : i32 to vector<16xi32>
      %sub3A_1389 = arith.subi %add3A_1386, %sub3A_1388 : vector<16xi32>
      %swap3A_1390 = arith.constant 1552 : index
      %swap3A_1391 = tpu.vector_load %arg5[%swap3A_1390] {strides = array<i32>} : memref<2048xi32, #tpu.memory_space<vmem>>, vector<16xi32>,
      tpu.vector_store %arg5[%swap3A_1390], %sub3A_1389 {strides = array<i32>} : memref<2048xi32, #tpu.memory_space<vmem>>, vector<16xi32>,
      tpu.vector_store_idx %arg6[%get3A_1379], %broadcast_in_dim3A_24 {add = true} : memref<64xi32, #tpu.memory_space<vmem>>[vector<16xi32>], vector<16xi32>,
      %get3A_1392 = arith.constant 1568 : index
      %get3A_1393 = tpu.vector_load %arg4[%get3A_1392] {strides = array<i32>} : memref<2048xi32, #tpu.memory_space<vmem>>, vector<16xi32>,
      %convert_element_type3A_1394 = arith.sitofp %get3A_1393 : vector<16xi32> to vector<16xf32>
      %broadcast_in_dim3A_1395 = arith.constant true
      %broadcast_in_dim3A_1396 = vector.broadcast %broadcast_in_dim3A_1395 : i1 to vector<16xi1>
      %unique3A_1397, %unique3A_1398 = tpu.scan_count mask(%broadcast_in_dim3A_1396 : vector<16xi1>) value(%convert_element_type3A_1394 : vector<16xf32>) : vector<16xi1>, vector<16xi32>
      %gather3A_1399 = tpu.vector_load_idx %arg6[%get3A_1393] : memref<64xi32, #tpu.memory_space<vmem>>[vector<16xi32>], vector<16xi32>,
      %add3A_1400 = arith.addi %gather3A_1399, %unique3A_1398 : vector<16xi32>
      %sub3A_1401 = arith.constant 1 : i32
      %sub3A_1402 = vector.broadcast %sub3A_1401 : i32 to vector<16xi32>
      %sub3A_1403 = arith.subi %add3A_1400, %sub3A_1402 : vector<16xi32>
      %swap3A_1404 = arith.constant 1568 : index
      %swap3A_1405 = tpu.vector_load %arg5[%swap3A_1404] {strides = array<i32>} : memref<2048xi32, #tpu.memory_space<vmem>>, vector<16xi32>,
      tpu.vector_store %arg5[%swap3A_1404], %sub3A_1403 {strides = array<i32>} : memref<2048xi32, #tpu.memory_space<vmem>>, vector<16xi32>,
      tpu.vector_store_idx %arg6[%get3A_1393], %broadcast_in_dim3A_24 {add = true} : memref<64xi32, #tpu.memory_space<vmem>>[vector<16xi32>], vector<16xi32>,
      %get3A_1406 = arith.constant 1584 : index
      %get3A_1407 = tpu.vector_load %arg4[%get3A_1406] {strides = array<i32>} : memref<2048xi32, #tpu.memory_space<vmem>>, vector<16xi32>,
      %convert_element_type3A_1408 = arith.sitofp %get3A_1407 : vector<16xi32> to vector<16xf32>
      %broadcast_in_dim3A_1409 = arith.constant true
      %broadcast_in_dim3A_1410 = vector.broadcast %broadcast_in_dim3A_1409 : i1 to vector<16xi1>
      %unique3A_1411, %unique3A_1412 = tpu.scan_count mask(%broadcast_in_dim3A_1410 : vector<16xi1>) value(%convert_element_type3A_1408 : vector<16xf32>) : vector<16xi1>, vector<16xi32>
      %gather3A_1413 = tpu.vector_load_idx %arg6[%get3A_1407] : memref<64xi32, #tpu.memory_space<vmem>>[vector<16xi32>], vector<16xi32>,
      %add3A_1414 = arith.addi %gather3A_1413, %unique3A_1412 : vector<16xi32>
      %sub3A_1415 = arith.constant 1 : i32
      %sub3A_1416 = vector.broadcast %sub3A_1415 : i32 to vector<16xi32>
      %sub3A_1417 = arith.subi %add3A_1414, %sub3A_1416 : vector<16xi32>
      %swap3A_1418 = arith.constant 1584 : index
      %swap3A_1419 = tpu.vector_load %arg5[%swap3A_1418] {strides = array<i32>} : memref<2048xi32, #tpu.memory_space<vmem>>, vector<16xi32>,
      tpu.vector_store %arg5[%swap3A_1418], %sub3A_1417 {strides = array<i32>} : memref<2048xi32, #tpu.memory_space<vmem>>, vector<16xi32>,
      tpu.vector_store_idx %arg6[%get3A_1407], %broadcast_in_dim3A_24 {add = true} : memref<64xi32, #tpu.memory_space<vmem>>[vector<16xi32>], vector<16xi32>,
      %get3A_1420 = arith.constant 1600 : index
      %get3A_1421 = tpu.vector_load %arg4[%get3A_1420] {strides = array<i32>} : memref<2048xi32, #tpu.memory_space<vmem>>, vector<16xi32>,
      %convert_element_type3A_1422 = arith.sitofp %get3A_1421 : vector<16xi32> to vector<16xf32>
      %broadcast_in_dim3A_1423 = arith.constant true
      %broadcast_in_dim3A_1424 = vector.broadcast %broadcast_in_dim3A_1423 : i1 to vector<16xi1>
      %unique3A_1425, %unique3A_1426 = tpu.scan_count mask(%broadcast_in_dim3A_1424 : vector<16xi1>) value(%convert_element_type3A_1422 : vector<16xf32>) : vector<16xi1>, vector<16xi32>
      %gather3A_1427 = tpu.vector_load_idx %arg6[%get3A_1421] : memref<64xi32, #tpu.memory_space<vmem>>[vector<16xi32>], vector<16xi32>,
      %add3A_1428 = arith.addi %gather3A_1427, %unique3A_1426 : vector<16xi32>
      %sub3A_1429 = arith.constant 1 : i32
      %sub3A_1430 = vector.broadcast %sub3A_1429 : i32 to vector<16xi32>
      %sub3A_1431 = arith.subi %add3A_1428, %sub3A_1430 : vector<16xi32>
      %swap3A_1432 = arith.constant 1600 : index
      %swap3A_1433 = tpu.vector_load %arg5[%swap3A_1432] {strides = array<i32>} : memref<2048xi32, #tpu.memory_space<vmem>>, vector<16xi32>,
      tpu.vector_store %arg5[%swap3A_1432], %sub3A_1431 {strides = array<i32>} : memref<2048xi32, #tpu.memory_space<vmem>>, vector<16xi32>,
      tpu.vector_store_idx %arg6[%get3A_1421], %broadcast_in_dim3A_24 {add = true} : memref<64xi32, #tpu.memory_space<vmem>>[vector<16xi32>], vector<16xi32>,
      %get3A_1434 = arith.constant 1616 : index
      %get3A_1435 = tpu.vector_load %arg4[%get3A_1434] {strides = array<i32>} : memref<2048xi32, #tpu.memory_space<vmem>>, vector<16xi32>,
      %convert_element_type3A_1436 = arith.sitofp %get3A_1435 : vector<16xi32> to vector<16xf32>
      %broadcast_in_dim3A_1437 = arith.constant true
      %broadcast_in_dim3A_1438 = vector.broadcast %broadcast_in_dim3A_1437 : i1 to vector<16xi1>
      %unique3A_1439, %unique3A_1440 = tpu.scan_count mask(%broadcast_in_dim3A_1438 : vector<16xi1>) value(%convert_element_type3A_1436 : vector<16xf32>) : vector<16xi1>, vector<16xi32>
      %gather3A_1441 = tpu.vector_load_idx %arg6[%get3A_1435] : memref<64xi32, #tpu.memory_space<vmem>>[vector<16xi32>], vector<16xi32>,
      %add3A_1442 = arith.addi %gather3A_1441, %unique3A_1440 : vector<16xi32>
      %sub3A_1443 = arith.constant 1 : i32
      %sub3A_1444 = vector.broadcast %sub3A_1443 : i32 to vector<16xi32>
      %sub3A_1445 = arith.subi %add3A_1442, %sub3A_1444 : vector<16xi32>
      %swap3A_1446 = arith.constant 1616 : index
      %swap3A_1447 = tpu.vector_load %arg5[%swap3A_1446] {strides = array<i32>} : memref<2048xi32, #tpu.memory_space<vmem>>, vector<16xi32>,
      tpu.vector_store %arg5[%swap3A_1446], %sub3A_1445 {strides = array<i32>} : memref<2048xi32, #tpu.memory_space<vmem>>, vector<16xi32>,
      tpu.vector_store_idx %arg6[%get3A_1435], %broadcast_in_dim3A_24 {add = true} : memref<64xi32, #tpu.memory_space<vmem>>[vector<16xi32>], vector<16xi32>,
      %get3A_1448 = arith.constant 1632 : index
      %get3A_1449 = tpu.vector_load %arg4[%get3A_1448] {strides = array<i32>} : memref<2048xi32, #tpu.memory_space<vmem>>, vector<16xi32>,
      %convert_element_type3A_1450 = arith.sitofp %get3A_1449 : vector<16xi32> to vector<16xf32>
      %broadcast_in_dim3A_1451 = arith.constant true
      %broadcast_in_dim3A_1452 = vector.broadcast %broadcast_in_dim3A_1451 : i1 to vector<16xi1>
      %unique3A_1453, %unique3A_1454 = tpu.scan_count mask(%broadcast_in_dim3A_1452 : vector<16xi1>) value(%convert_element_type3A_1450 : vector<16xf32>) : vector<16xi1>, vector<16xi32>
      %gather3A_1455 = tpu.vector_load_idx %arg6[%get3A_1449] : memref<64xi32, #tpu.memory_space<vmem>>[vector<16xi32>], vector<16xi32>,
      %add3A_1456 = arith.addi %gather3A_1455, %unique3A_1454 : vector<16xi32>
      %sub3A_1457 = arith.constant 1 : i32
      %sub3A_1458 = vector.broadcast %sub3A_1457 : i32 to vector<16xi32>
      %sub3A_1459 = arith.subi %add3A_1456, %sub3A_1458 : vector<16xi32>
      %swap3A_1460 = arith.constant 1632 : index
      %swap3A_1461 = tpu.vector_load %arg5[%swap3A_1460] {strides = array<i32>} : memref<2048xi32, #tpu.memory_space<vmem>>, vector<16xi32>,
      tpu.vector_store %arg5[%swap3A_1460], %sub3A_1459 {strides = array<i32>} : memref<2048xi32, #tpu.memory_space<vmem>>, vector<16xi32>,
      tpu.vector_store_idx %arg6[%get3A_1449], %broadcast_in_dim3A_24 {add = true} : memref<64xi32, #tpu.memory_space<vmem>>[vector<16xi32>], vector<16xi32>,
      %get3A_1462 = arith.constant 1648 : index
      %get3A_1463 = tpu.vector_load %arg4[%get3A_1462] {strides = array<i32>} : memref<2048xi32, #tpu.memory_space<vmem>>, vector<16xi32>,
      %convert_element_type3A_1464 = arith.sitofp %get3A_1463 : vector<16xi32> to vector<16xf32>
      %broadcast_in_dim3A_1465 = arith.constant true
      %broadcast_in_dim3A_1466 = vector.broadcast %broadcast_in_dim3A_1465 : i1 to vector<16xi1>
      %unique3A_1467, %unique3A_1468 = tpu.scan_count mask(%broadcast_in_dim3A_1466 : vector<16xi1>) value(%convert_element_type3A_1464 : vector<16xf32>) : vector<16xi1>, vector<16xi32>
      %gather3A_1469 = tpu.vector_load_idx %arg6[%get3A_1463] : memref<64xi32, #tpu.memory_space<vmem>>[vector<16xi32>], vector<16xi32>,
      %add3A_1470 = arith.addi %gather3A_1469, %unique3A_1468 : vector<16xi32>
      %sub3A_1471 = arith.constant 1 : i32
      %sub3A_1472 = vector.broadcast %sub3A_1471 : i32 to vector<16xi32>
      %sub3A_1473 = arith.subi %add3A_1470, %sub3A_1472 : vector<16xi32>
      %swap3A_1474 = arith.constant 1648 : index
      %swap3A_1475 = tpu.vector_load %arg5[%swap3A_1474] {strides = array<i32>} : memref<2048xi32, #tpu.memory_space<vmem>>, vector<16xi32>,
      tpu.vector_store %arg5[%swap3A_1474], %sub3A_1473 {strides = array<i32>} : memref<2048xi32, #tpu.memory_space<vmem>>, vector<16xi32>,
      tpu.vector_store_idx %arg6[%get3A_1463], %broadcast_in_dim3A_24 {add = true} : memref<64xi32, #tpu.memory_space<vmem>>[vector<16xi32>], vector<16xi32>,
      %get3A_1476 = arith.constant 1664 : index
      %get3A_1477 = tpu.vector_load %arg4[%get3A_1476] {strides = array<i32>} : memref<2048xi32, #tpu.memory_space<vmem>>, vector<16xi32>,
      %convert_element_type3A_1478 = arith.sitofp %get3A_1477 : vector<16xi32> to vector<16xf32>
      %broadcast_in_dim3A_1479 = arith.constant true
      %broadcast_in_dim3A_1480 = vector.broadcast %broadcast_in_dim3A_1479 : i1 to vector<16xi1>
      %unique3A_1481, %unique3A_1482 = tpu.scan_count mask(%broadcast_in_dim3A_1480 : vector<16xi1>) value(%convert_element_type3A_1478 : vector<16xf32>) : vector<16xi1>, vector<16xi32>
      %gather3A_1483 = tpu.vector_load_idx %arg6[%get3A_1477] : memref<64xi32, #tpu.memory_space<vmem>>[vector<16xi32>], vector<16xi32>,
      %add3A_1484 = arith.addi %gather3A_1483, %unique3A_1482 : vector<16xi32>
      %sub3A_1485 = arith.constant 1 : i32
      %sub3A_1486 = vector.broadcast %sub3A_1485 : i32 to vector<16xi32>
      %sub3A_1487 = arith.subi %add3A_1484, %sub3A_1486 : vector<16xi32>
      %swap3A_1488 = arith.constant 1664 : index
      %swap3A_1489 = tpu.vector_load %arg5[%swap3A_1488] {strides = array<i32>} : memref<2048xi32, #tpu.memory_space<vmem>>, vector<16xi32>,
      tpu.vector_store %arg5[%swap3A_1488], %sub3A_1487 {strides = array<i32>} : memref<2048xi32, #tpu.memory_space<vmem>>, vector<16xi32>,
      tpu.vector_store_idx %arg6[%get3A_1477], %broadcast_in_dim3A_24 {add = true} : memref<64xi32, #tpu.memory_space<vmem>>[vector<16xi32>], vector<16xi32>,
      %get3A_1490 = arith.constant 1680 : index
      %get3A_1491 = tpu.vector_load %arg4[%get3A_1490] {strides = array<i32>} : memref<2048xi32, #tpu.memory_space<vmem>>, vector<16xi32>,
      %convert_element_type3A_1492 = arith.sitofp %get3A_1491 : vector<16xi32> to vector<16xf32>
      %broadcast_in_dim3A_1493 = arith.constant true
      %broadcast_in_dim3A_1494 = vector.broadcast %broadcast_in_dim3A_1493 : i1 to vector<16xi1>
      %unique3A_1495, %unique3A_1496 = tpu.scan_count mask(%broadcast_in_dim3A_1494 : vector<16xi1>) value(%convert_element_type3A_1492 : vector<16xf32>) : vector<16xi1>, vector<16xi32>
      %gather3A_1497 = tpu.vector_load_idx %arg6[%get3A_1491] : memref<64xi32, #tpu.memory_space<vmem>>[vector<16xi32>], vector<16xi32>,
      %add3A_1498 = arith.addi %gather3A_1497, %unique3A_1496 : vector<16xi32>
      %sub3A_1499 = arith.constant 1 : i32
      %sub3A_1500 = vector.broadcast %sub3A_1499 : i32 to vector<16xi32>
      %sub3A_1501 = arith.subi %add3A_1498, %sub3A_1500 : vector<16xi32>
      %swap3A_1502 = arith.constant 1680 : index
      %swap3A_1503 = tpu.vector_load %arg5[%swap3A_1502] {strides = array<i32>} : memref<2048xi32, #tpu.memory_space<vmem>>, vector<16xi32>,
      tpu.vector_store %arg5[%swap3A_1502], %sub3A_1501 {strides = array<i32>} : memref<2048xi32, #tpu.memory_space<vmem>>, vector<16xi32>,
      tpu.vector_store_idx %arg6[%get3A_1491], %broadcast_in_dim3A_24 {add = true} : memref<64xi32, #tpu.memory_space<vmem>>[vector<16xi32>], vector<16xi32>,
      %get3A_1504 = arith.constant 1696 : index
      %get3A_1505 = tpu.vector_load %arg4[%get3A_1504] {strides = array<i32>} : memref<2048xi32, #tpu.memory_space<vmem>>, vector<16xi32>,
      %convert_element_type3A_1506 = arith.sitofp %get3A_1505 : vector<16xi32> to vector<16xf32>
      %broadcast_in_dim3A_1507 = arith.constant true
      %broadcast_in_dim3A_1508 = vector.broadcast %broadcast_in_dim3A_1507 : i1 to vector<16xi1>
      %unique3A_1509, %unique3A_1510 = tpu.scan_count mask(%broadcast_in_dim3A_1508 : vector<16xi1>) value(%convert_element_type3A_1506 : vector<16xf32>) : vector<16xi1>, vector<16xi32>
      %gather3A_1511 = tpu.vector_load_idx %arg6[%get3A_1505] : memref<64xi32, #tpu.memory_space<vmem>>[vector<16xi32>], vector<16xi32>,
      %add3A_1512 = arith.addi %gather3A_1511, %unique3A_1510 : vector<16xi32>
      %sub3A_1513 = arith.constant 1 : i32
      %sub3A_1514 = vector.broadcast %sub3A_1513 : i32 to vector<16xi32>
      %sub3A_1515 = arith.subi %add3A_1512, %sub3A_1514 : vector<16xi32>
      %swap3A_1516 = arith.constant 1696 : index
      %swap3A_1517 = tpu.vector_load %arg5[%swap3A_1516] {strides = array<i32>} : memref<2048xi32, #tpu.memory_space<vmem>>, vector<16xi32>,
      tpu.vector_store %arg5[%swap3A_1516], %sub3A_1515 {strides = array<i32>} : memref<2048xi32, #tpu.memory_space<vmem>>, vector<16xi32>,
      tpu.vector_store_idx %arg6[%get3A_1505], %broadcast_in_dim3A_24 {add = true} : memref<64xi32, #tpu.memory_space<vmem>>[vector<16xi32>], vector<16xi32>,
      %get3A_1518 = arith.constant 1712 : index
      %get3A_1519 = tpu.vector_load %arg4[%get3A_1518] {strides = array<i32>} : memref<2048xi32, #tpu.memory_space<vmem>>, vector<16xi32>,
      %convert_element_type3A_1520 = arith.sitofp %get3A_1519 : vector<16xi32> to vector<16xf32>
      %broadcast_in_dim3A_1521 = arith.constant true
      %broadcast_in_dim3A_1522 = vector.broadcast %broadcast_in_dim3A_1521 : i1 to vector<16xi1>
      %unique3A_1523, %unique3A_1524 = tpu.scan_count mask(%broadcast_in_dim3A_1522 : vector<16xi1>) value(%convert_element_type3A_1520 : vector<16xf32>) : vector<16xi1>, vector<16xi32>
      %gather3A_1525 = tpu.vector_load_idx %arg6[%get3A_1519] : memref<64xi32, #tpu.memory_space<vmem>>[vector<16xi32>], vector<16xi32>,
      %add3A_1526 = arith.addi %gather3A_1525, %unique3A_1524 : vector<16xi32>
      %sub3A_1527 = arith.constant 1 : i32
      %sub3A_1528 = vector.broadcast %sub3A_1527 : i32 to vector<16xi32>
      %sub3A_1529 = arith.subi %add3A_1526, %sub3A_1528 : vector<16xi32>
      %swap3A_1530 = arith.constant 1712 : index
      %swap3A_1531 = tpu.vector_load %arg5[%swap3A_1530] {strides = array<i32>} : memref<2048xi32, #tpu.memory_space<vmem>>, vector<16xi32>,
      tpu.vector_store %arg5[%swap3A_1530], %sub3A_1529 {strides = array<i32>} : memref<2048xi32, #tpu.memory_space<vmem>>, vector<16xi32>,
      tpu.vector_store_idx %arg6[%get3A_1519], %broadcast_in_dim3A_24 {add = true} : memref<64xi32, #tpu.memory_space<vmem>>[vector<16xi32>], vector<16xi32>,
      %get3A_1532 = arith.constant 1728 : index
      %get3A_1533 = tpu.vector_load %arg4[%get3A_1532] {strides = array<i32>} : memref<2048xi32, #tpu.memory_space<vmem>>, vector<16xi32>,
      %convert_element_type3A_1534 = arith.sitofp %get3A_1533 : vector<16xi32> to vector<16xf32>
      %broadcast_in_dim3A_1535 = arith.constant true
      %broadcast_in_dim3A_1536 = vector.broadcast %broadcast_in_dim3A_1535 : i1 to vector<16xi1>
      %unique3A_1537, %unique3A_1538 = tpu.scan_count mask(%broadcast_in_dim3A_1536 : vector<16xi1>) value(%convert_element_type3A_1534 : vector<16xf32>) : vector<16xi1>, vector<16xi32>
      %gather3A_1539 = tpu.vector_load_idx %arg6[%get3A_1533] : memref<64xi32, #tpu.memory_space<vmem>>[vector<16xi32>], vector<16xi32>,
      %add3A_1540 = arith.addi %gather3A_1539, %unique3A_1538 : vector<16xi32>
      %sub3A_1541 = arith.constant 1 : i32
      %sub3A_1542 = vector.broadcast %sub3A_1541 : i32 to vector<16xi32>
      %sub3A_1543 = arith.subi %add3A_1540, %sub3A_1542 : vector<16xi32>
      %swap3A_1544 = arith.constant 1728 : index
      %swap3A_1545 = tpu.vector_load %arg5[%swap3A_1544] {strides = array<i32>} : memref<2048xi32, #tpu.memory_space<vmem>>, vector<16xi32>,
      tpu.vector_store %arg5[%swap3A_1544], %sub3A_1543 {strides = array<i32>} : memref<2048xi32, #tpu.memory_space<vmem>>, vector<16xi32>,
      tpu.vector_store_idx %arg6[%get3A_1533], %broadcast_in_dim3A_24 {add = true} : memref<64xi32, #tpu.memory_space<vmem>>[vector<16xi32>], vector<16xi32>,
      %get3A_1546 = arith.constant 1744 : index
      %get3A_1547 = tpu.vector_load %arg4[%get3A_1546] {strides = array<i32>} : memref<2048xi32, #tpu.memory_space<vmem>>, vector<16xi32>,
      %convert_element_type3A_1548 = arith.sitofp %get3A_1547 : vector<16xi32> to vector<16xf32>
      %broadcast_in_dim3A_1549 = arith.constant true
      %broadcast_in_dim3A_1550 = vector.broadcast %broadcast_in_dim3A_1549 : i1 to vector<16xi1>
      %unique3A_1551, %unique3A_1552 = tpu.scan_count mask(%broadcast_in_dim3A_1550 : vector<16xi1>) value(%convert_element_type3A_1548 : vector<16xf32>) : vector<16xi1>, vector<16xi32>
      %gather3A_1553 = tpu.vector_load_idx %arg6[%get3A_1547] : memref<64xi32, #tpu.memory_space<vmem>>[vector<16xi32>], vector<16xi32>,
      %add3A_1554 = arith.addi %gather3A_1553, %unique3A_1552 : vector<16xi32>
      %sub3A_1555 = arith.constant 1 : i32
      %sub3A_1556 = vector.broadcast %sub3A_1555 : i32 to vector<16xi32>
      %sub3A_1557 = arith.subi %add3A_1554, %sub3A_1556 : vector<16xi32>
      %swap3A_1558 = arith.constant 1744 : index
      %swap3A_1559 = tpu.vector_load %arg5[%swap3A_1558] {strides = array<i32>} : memref<2048xi32, #tpu.memory_space<vmem>>, vector<16xi32>,
      tpu.vector_store %arg5[%swap3A_1558], %sub3A_1557 {strides = array<i32>} : memref<2048xi32, #tpu.memory_space<vmem>>, vector<16xi32>,
      tpu.vector_store_idx %arg6[%get3A_1547], %broadcast_in_dim3A_24 {add = true} : memref<64xi32, #tpu.memory_space<vmem>>[vector<16xi32>], vector<16xi32>,
      %get3A_1560 = arith.constant 1760 : index
      %get3A_1561 = tpu.vector_load %arg4[%get3A_1560] {strides = array<i32>} : memref<2048xi32, #tpu.memory_space<vmem>>, vector<16xi32>,
      %convert_element_type3A_1562 = arith.sitofp %get3A_1561 : vector<16xi32> to vector<16xf32>
      %broadcast_in_dim3A_1563 = arith.constant true
      %broadcast_in_dim3A_1564 = vector.broadcast %broadcast_in_dim3A_1563 : i1 to vector<16xi1>
      %unique3A_1565, %unique3A_1566 = tpu.scan_count mask(%broadcast_in_dim3A_1564 : vector<16xi1>) value(%convert_element_type3A_1562 : vector<16xf32>) : vector<16xi1>, vector<16xi32>
      %gather3A_1567 = tpu.vector_load_idx %arg6[%get3A_1561] : memref<64xi32, #tpu.memory_space<vmem>>[vector<16xi32>], vector<16xi32>,
      %add3A_1568 = arith.addi %gather3A_1567, %unique3A_1566 : vector<16xi32>
      %sub3A_1569 = arith.constant 1 : i32
      %sub3A_1570 = vector.broadcast %sub3A_1569 : i32 to vector<16xi32>
      %sub3A_1571 = arith.subi %add3A_1568, %sub3A_1570 : vector<16xi32>
      %swap3A_1572 = arith.constant 1760 : index
      %swap3A_1573 = tpu.vector_load %arg5[%swap3A_1572] {strides = array<i32>} : memref<2048xi32, #tpu.memory_space<vmem>>, vector<16xi32>,
      tpu.vector_store %arg5[%swap3A_1572], %sub3A_1571 {strides = array<i32>} : memref<2048xi32, #tpu.memory_space<vmem>>, vector<16xi32>,
      tpu.vector_store_idx %arg6[%get3A_1561], %broadcast_in_dim3A_24 {add = true} : memref<64xi32, #tpu.memory_space<vmem>>[vector<16xi32>], vector<16xi32>,
      %get3A_1574 = arith.constant 1776 : index
      %get3A_1575 = tpu.vector_load %arg4[%get3A_1574] {strides = array<i32>} : memref<2048xi32, #tpu.memory_space<vmem>>, vector<16xi32>,
      %convert_element_type3A_1576 = arith.sitofp %get3A_1575 : vector<16xi32> to vector<16xf32>
      %broadcast_in_dim3A_1577 = arith.constant true
      %broadcast_in_dim3A_1578 = vector.broadcast %broadcast_in_dim3A_1577 : i1 to vector<16xi1>
      %unique3A_1579, %unique3A_1580 = tpu.scan_count mask(%broadcast_in_dim3A_1578 : vector<16xi1>) value(%convert_element_type3A_1576 : vector<16xf32>) : vector<16xi1>, vector<16xi32>
      %gather3A_1581 = tpu.vector_load_idx %arg6[%get3A_1575] : memref<64xi32, #tpu.memory_space<vmem>>[vector<16xi32>], vector<16xi32>,
      %add3A_1582 = arith.addi %gather3A_1581, %unique3A_1580 : vector<16xi32>
      %sub3A_1583 = arith.constant 1 : i32
      %sub3A_1584 = vector.broadcast %sub3A_1583 : i32 to vector<16xi32>
      %sub3A_1585 = arith.subi %add3A_1582, %sub3A_1584 : vector<16xi32>
      %swap3A_1586 = arith.constant 1776 : index
      %swap3A_1587 = tpu.vector_load %arg5[%swap3A_1586] {strides = array<i32>} : memref<2048xi32, #tpu.memory_space<vmem>>, vector<16xi32>,
      tpu.vector_store %arg5[%swap3A_1586], %sub3A_1585 {strides = array<i32>} : memref<2048xi32, #tpu.memory_space<vmem>>, vector<16xi32>,
      tpu.vector_store_idx %arg6[%get3A_1575], %broadcast_in_dim3A_24 {add = true} : memref<64xi32, #tpu.memory_space<vmem>>[vector<16xi32>], vector<16xi32>,
      %get3A_1588 = arith.constant 1792 : index
      %get3A_1589 = tpu.vector_load %arg4[%get3A_1588] {strides = array<i32>} : memref<2048xi32, #tpu.memory_space<vmem>>, vector<16xi32>,
      %convert_element_type3A_1590 = arith.sitofp %get3A_1589 : vector<16xi32> to vector<16xf32>
      %broadcast_in_dim3A_1591 = arith.constant true
      %broadcast_in_dim3A_1592 = vector.broadcast %broadcast_in_dim3A_1591 : i1 to vector<16xi1>
      %unique3A_1593, %unique3A_1594 = tpu.scan_count mask(%broadcast_in_dim3A_1592 : vector<16xi1>) value(%convert_element_type3A_1590 : vector<16xf32>) : vector<16xi1>, vector<16xi32>
      %gather3A_1595 = tpu.vector_load_idx %arg6[%get3A_1589] : memref<64xi32, #tpu.memory_space<vmem>>[vector<16xi32>], vector<16xi32>,
      %add3A_1596 = arith.addi %gather3A_1595, %unique3A_1594 : vector<16xi32>
      %sub3A_1597 = arith.constant 1 : i32
      %sub3A_1598 = vector.broadcast %sub3A_1597 : i32 to vector<16xi32>
      %sub3A_1599 = arith.subi %add3A_1596, %sub3A_1598 : vector<16xi32>
      %swap3A_1600 = arith.constant 1792 : index
      %swap3A_1601 = tpu.vector_load %arg5[%swap3A_1600] {strides = array<i32>} : memref<2048xi32, #tpu.memory_space<vmem>>, vector<16xi32>,
      tpu.vector_store %arg5[%swap3A_1600], %sub3A_1599 {strides = array<i32>} : memref<2048xi32, #tpu.memory_space<vmem>>, vector<16xi32>,
      tpu.vector_store_idx %arg6[%get3A_1589], %broadcast_in_dim3A_24 {add = true} : memref<64xi32, #tpu.memory_space<vmem>>[vector<16xi32>], vector<16xi32>,
      %get3A_1602 = arith.constant 1808 : index
      %get3A_1603 = tpu.vector_load %arg4[%get3A_1602] {strides = array<i32>} : memref<2048xi32, #tpu.memory_space<vmem>>, vector<16xi32>,
      %convert_element_type3A_1604 = arith.sitofp %get3A_1603 : vector<16xi32> to vector<16xf32>
      %broadcast_in_dim3A_1605 = arith.constant true
      %broadcast_in_dim3A_1606 = vector.broadcast %broadcast_in_dim3A_1605 : i1 to vector<16xi1>
      %unique3A_1607, %unique3A_1608 = tpu.scan_count mask(%broadcast_in_dim3A_1606 : vector<16xi1>) value(%convert_element_type3A_1604 : vector<16xf32>) : vector<16xi1>, vector<16xi32>
      %gather3A_1609 = tpu.vector_load_idx %arg6[%get3A_1603] : memref<64xi32, #tpu.memory_space<vmem>>[vector<16xi32>], vector<16xi32>,
      %add3A_1610 = arith.addi %gather3A_1609, %unique3A_1608 : vector<16xi32>
      %sub3A_1611 = arith.constant 1 : i32
      %sub3A_1612 = vector.broadcast %sub3A_1611 : i32 to vector<16xi32>
      %sub3A_1613 = arith.subi %add3A_1610, %sub3A_1612 : vector<16xi32>
      %swap3A_1614 = arith.constant 1808 : index
      %swap3A_1615 = tpu.vector_load %arg5[%swap3A_1614] {strides = array<i32>} : memref<2048xi32, #tpu.memory_space<vmem>>, vector<16xi32>,
      tpu.vector_store %arg5[%swap3A_1614], %sub3A_1613 {strides = array<i32>} : memref<2048xi32, #tpu.memory_space<vmem>>, vector<16xi32>,
      tpu.vector_store_idx %arg6[%get3A_1603], %broadcast_in_dim3A_24 {add = true} : memref<64xi32, #tpu.memory_space<vmem>>[vector<16xi32>], vector<16xi32>,
      %get3A_1616 = arith.constant 1824 : index
      %get3A_1617 = tpu.vector_load %arg4[%get3A_1616] {strides = array<i32>} : memref<2048xi32, #tpu.memory_space<vmem>>, vector<16xi32>,
      %convert_element_type3A_1618 = arith.sitofp %get3A_1617 : vector<16xi32> to vector<16xf32>
      %broadcast_in_dim3A_1619 = arith.constant true
      %broadcast_in_dim3A_1620 = vector.broadcast %broadcast_in_dim3A_1619 : i1 to vector<16xi1>
      %unique3A_1621, %unique3A_1622 = tpu.scan_count mask(%broadcast_in_dim3A_1620 : vector<16xi1>) value(%convert_element_type3A_1618 : vector<16xf32>) : vector<16xi1>, vector<16xi32>
      %gather3A_1623 = tpu.vector_load_idx %arg6[%get3A_1617] : memref<64xi32, #tpu.memory_space<vmem>>[vector<16xi32>], vector<16xi32>,
      %add3A_1624 = arith.addi %gather3A_1623, %unique3A_1622 : vector<16xi32>
      %sub3A_1625 = arith.constant 1 : i32
      %sub3A_1626 = vector.broadcast %sub3A_1625 : i32 to vector<16xi32>
      %sub3A_1627 = arith.subi %add3A_1624, %sub3A_1626 : vector<16xi32>
      %swap3A_1628 = arith.constant 1824 : index
      %swap3A_1629 = tpu.vector_load %arg5[%swap3A_1628] {strides = array<i32>} : memref<2048xi32, #tpu.memory_space<vmem>>, vector<16xi32>,
      tpu.vector_store %arg5[%swap3A_1628], %sub3A_1627 {strides = array<i32>} : memref<2048xi32, #tpu.memory_space<vmem>>, vector<16xi32>,
      tpu.vector_store_idx %arg6[%get3A_1617], %broadcast_in_dim3A_24 {add = true} : memref<64xi32, #tpu.memory_space<vmem>>[vector<16xi32>], vector<16xi32>,
      %get3A_1630 = arith.constant 1840 : index
      %get3A_1631 = tpu.vector_load %arg4[%get3A_1630] {strides = array<i32>} : memref<2048xi32, #tpu.memory_space<vmem>>, vector<16xi32>,
      %convert_element_type3A_1632 = arith.sitofp %get3A_1631 : vector<16xi32> to vector<16xf32>
      %broadcast_in_dim3A_1633 = arith.constant true
      %broadcast_in_dim3A_1634 = vector.broadcast %broadcast_in_dim3A_1633 : i1 to vector<16xi1>
      %unique3A_1635, %unique3A_1636 = tpu.scan_count mask(%broadcast_in_dim3A_1634 : vector<16xi1>) value(%convert_element_type3A_1632 : vector<16xf32>) : vector<16xi1>, vector<16xi32>
      %gather3A_1637 = tpu.vector_load_idx %arg6[%get3A_1631] : memref<64xi32, #tpu.memory_space<vmem>>[vector<16xi32>], vector<16xi32>,
      %add3A_1638 = arith.addi %gather3A_1637, %unique3A_1636 : vector<16xi32>
      %sub3A_1639 = arith.constant 1 : i32
      %sub3A_1640 = vector.broadcast %sub3A_1639 : i32 to vector<16xi32>
      %sub3A_1641 = arith.subi %add3A_1638, %sub3A_1640 : vector<16xi32>
      %swap3A_1642 = arith.constant 1840 : index
      %swap3A_1643 = tpu.vector_load %arg5[%swap3A_1642] {strides = array<i32>} : memref<2048xi32, #tpu.memory_space<vmem>>, vector<16xi32>,
      tpu.vector_store %arg5[%swap3A_1642], %sub3A_1641 {strides = array<i32>} : memref<2048xi32, #tpu.memory_space<vmem>>, vector<16xi32>,
      tpu.vector_store_idx %arg6[%get3A_1631], %broadcast_in_dim3A_24 {add = true} : memref<64xi32, #tpu.memory_space<vmem>>[vector<16xi32>], vector<16xi32>,
      %get3A_1644 = arith.constant 1856 : index
      %get3A_1645 = tpu.vector_load %arg4[%get3A_1644] {strides = array<i32>} : memref<2048xi32, #tpu.memory_space<vmem>>, vector<16xi32>,
      %convert_element_type3A_1646 = arith.sitofp %get3A_1645 : vector<16xi32> to vector<16xf32>
      %broadcast_in_dim3A_1647 = arith.constant true
      %broadcast_in_dim3A_1648 = vector.broadcast %broadcast_in_dim3A_1647 : i1 to vector<16xi1>
      %unique3A_1649, %unique3A_1650 = tpu.scan_count mask(%broadcast_in_dim3A_1648 : vector<16xi1>) value(%convert_element_type3A_1646 : vector<16xf32>) : vector<16xi1>, vector<16xi32>
      %gather3A_1651 = tpu.vector_load_idx %arg6[%get3A_1645] : memref<64xi32, #tpu.memory_space<vmem>>[vector<16xi32>], vector<16xi32>,
      %add3A_1652 = arith.addi %gather3A_1651, %unique3A_1650 : vector<16xi32>
      %sub3A_1653 = arith.constant 1 : i32
      %sub3A_1654 = vector.broadcast %sub3A_1653 : i32 to vector<16xi32>
      %sub3A_1655 = arith.subi %add3A_1652, %sub3A_1654 : vector<16xi32>
      %swap3A_1656 = arith.constant 1856 : index
      %swap3A_1657 = tpu.vector_load %arg5[%swap3A_1656] {strides = array<i32>} : memref<2048xi32, #tpu.memory_space<vmem>>, vector<16xi32>,
      tpu.vector_store %arg5[%swap3A_1656], %sub3A_1655 {strides = array<i32>} : memref<2048xi32, #tpu.memory_space<vmem>>, vector<16xi32>,
      tpu.vector_store_idx %arg6[%get3A_1645], %broadcast_in_dim3A_24 {add = true} : memref<64xi32, #tpu.memory_space<vmem>>[vector<16xi32>], vector<16xi32>,
      %get3A_1658 = arith.constant 1872 : index
      %get3A_1659 = tpu.vector_load %arg4[%get3A_1658] {strides = array<i32>} : memref<2048xi32, #tpu.memory_space<vmem>>, vector<16xi32>,
      %convert_element_type3A_1660 = arith.sitofp %get3A_1659 : vector<16xi32> to vector<16xf32>
      %broadcast_in_dim3A_1661 = arith.constant true
      %broadcast_in_dim3A_1662 = vector.broadcast %broadcast_in_dim3A_1661 : i1 to vector<16xi1>
      %unique3A_1663, %unique3A_1664 = tpu.scan_count mask(%broadcast_in_dim3A_1662 : vector<16xi1>) value(%convert_element_type3A_1660 : vector<16xf32>) : vector<16xi1>, vector<16xi32>
      %gather3A_1665 = tpu.vector_load_idx %arg6[%get3A_1659] : memref<64xi32, #tpu.memory_space<vmem>>[vector<16xi32>], vector<16xi32>,
      %add3A_1666 = arith.addi %gather3A_1665, %unique3A_1664 : vector<16xi32>
      %sub3A_1667 = arith.constant 1 : i32
      %sub3A_1668 = vector.broadcast %sub3A_1667 : i32 to vector<16xi32>
      %sub3A_1669 = arith.subi %add3A_1666, %sub3A_1668 : vector<16xi32>
      %swap3A_1670 = arith.constant 1872 : index
      %swap3A_1671 = tpu.vector_load %arg5[%swap3A_1670] {strides = array<i32>} : memref<2048xi32, #tpu.memory_space<vmem>>, vector<16xi32>,
      tpu.vector_store %arg5[%swap3A_1670], %sub3A_1669 {strides = array<i32>} : memref<2048xi32, #tpu.memory_space<vmem>>, vector<16xi32>,
      tpu.vector_store_idx %arg6[%get3A_1659], %broadcast_in_dim3A_24 {add = true} : memref<64xi32, #tpu.memory_space<vmem>>[vector<16xi32>], vector<16xi32>,
      %get3A_1672 = arith.constant 1888 : index
      %get3A_1673 = tpu.vector_load %arg4[%get3A_1672] {strides = array<i32>} : memref<2048xi32, #tpu.memory_space<vmem>>, vector<16xi32>,
      %convert_element_type3A_1674 = arith.sitofp %get3A_1673 : vector<16xi32> to vector<16xf32>
      %broadcast_in_dim3A_1675 = arith.constant true
      %broadcast_in_dim3A_1676 = vector.broadcast %broadcast_in_dim3A_1675 : i1 to vector<16xi1>
      %unique3A_1677, %unique3A_1678 = tpu.scan_count mask(%broadcast_in_dim3A_1676 : vector<16xi1>) value(%convert_element_type3A_1674 : vector<16xf32>) : vector<16xi1>, vector<16xi32>
      %gather3A_1679 = tpu.vector_load_idx %arg6[%get3A_1673] : memref<64xi32, #tpu.memory_space<vmem>>[vector<16xi32>], vector<16xi32>,
      %add3A_1680 = arith.addi %gather3A_1679, %unique3A_1678 : vector<16xi32>
      %sub3A_1681 = arith.constant 1 : i32
      %sub3A_1682 = vector.broadcast %sub3A_1681 : i32 to vector<16xi32>
      %sub3A_1683 = arith.subi %add3A_1680, %sub3A_1682 : vector<16xi32>
      %swap3A_1684 = arith.constant 1888 : index
      %swap3A_1685 = tpu.vector_load %arg5[%swap3A_1684] {strides = array<i32>} : memref<2048xi32, #tpu.memory_space<vmem>>, vector<16xi32>,
      tpu.vector_store %arg5[%swap3A_1684], %sub3A_1683 {strides = array<i32>} : memref<2048xi32, #tpu.memory_space<vmem>>, vector<16xi32>,
      tpu.vector_store_idx %arg6[%get3A_1673], %broadcast_in_dim3A_24 {add = true} : memref<64xi32, #tpu.memory_space<vmem>>[vector<16xi32>], vector<16xi32>,
      %get3A_1686 = arith.constant 1904 : index
      %get3A_1687 = tpu.vector_load %arg4[%get3A_1686] {strides = array<i32>} : memref<2048xi32, #tpu.memory_space<vmem>>, vector<16xi32>,
      %convert_element_type3A_1688 = arith.sitofp %get3A_1687 : vector<16xi32> to vector<16xf32>
      %broadcast_in_dim3A_1689 = arith.constant true
      %broadcast_in_dim3A_1690 = vector.broadcast %broadcast_in_dim3A_1689 : i1 to vector<16xi1>
      %unique3A_1691, %unique3A_1692 = tpu.scan_count mask(%broadcast_in_dim3A_1690 : vector<16xi1>) value(%convert_element_type3A_1688 : vector<16xf32>) : vector<16xi1>, vector<16xi32>
      %gather3A_1693 = tpu.vector_load_idx %arg6[%get3A_1687] : memref<64xi32, #tpu.memory_space<vmem>>[vector<16xi32>], vector<16xi32>,
      %add3A_1694 = arith.addi %gather3A_1693, %unique3A_1692 : vector<16xi32>
      %sub3A_1695 = arith.constant 1 : i32
      %sub3A_1696 = vector.broadcast %sub3A_1695 : i32 to vector<16xi32>
      %sub3A_1697 = arith.subi %add3A_1694, %sub3A_1696 : vector<16xi32>
      %swap3A_1698 = arith.constant 1904 : index
      %swap3A_1699 = tpu.vector_load %arg5[%swap3A_1698] {strides = array<i32>} : memref<2048xi32, #tpu.memory_space<vmem>>, vector<16xi32>,
      tpu.vector_store %arg5[%swap3A_1698], %sub3A_1697 {strides = array<i32>} : memref<2048xi32, #tpu.memory_space<vmem>>, vector<16xi32>,
      tpu.vector_store_idx %arg6[%get3A_1687], %broadcast_in_dim3A_24 {add = true} : memref<64xi32, #tpu.memory_space<vmem>>[vector<16xi32>], vector<16xi32>,
      %get3A_1700 = arith.constant 1920 : index
      %get3A_1701 = tpu.vector_load %arg4[%get3A_1700] {strides = array<i32>} : memref<2048xi32, #tpu.memory_space<vmem>>, vector<16xi32>,
      %convert_element_type3A_1702 = arith.sitofp %get3A_1701 : vector<16xi32> to vector<16xf32>
      %broadcast_in_dim3A_1703 = arith.constant true
      %broadcast_in_dim3A_1704 = vector.broadcast %broadcast_in_dim3A_1703 : i1 to vector<16xi1>
      %unique3A_1705, %unique3A_1706 = tpu.scan_count mask(%broadcast_in_dim3A_1704 : vector<16xi1>) value(%convert_element_type3A_1702 : vector<16xf32>) : vector<16xi1>, vector<16xi32>
      %gather3A_1707 = tpu.vector_load_idx %arg6[%get3A_1701] : memref<64xi32, #tpu.memory_space<vmem>>[vector<16xi32>], vector<16xi32>,
      %add3A_1708 = arith.addi %gather3A_1707, %unique3A_1706 : vector<16xi32>
      %sub3A_1709 = arith.constant 1 : i32
      %sub3A_1710 = vector.broadcast %sub3A_1709 : i32 to vector<16xi32>
      %sub3A_1711 = arith.subi %add3A_1708, %sub3A_1710 : vector<16xi32>
      %swap3A_1712 = arith.constant 1920 : index
      %swap3A_1713 = tpu.vector_load %arg5[%swap3A_1712] {strides = array<i32>} : memref<2048xi32, #tpu.memory_space<vmem>>, vector<16xi32>,
      tpu.vector_store %arg5[%swap3A_1712], %sub3A_1711 {strides = array<i32>} : memref<2048xi32, #tpu.memory_space<vmem>>, vector<16xi32>,
      tpu.vector_store_idx %arg6[%get3A_1701], %broadcast_in_dim3A_24 {add = true} : memref<64xi32, #tpu.memory_space<vmem>>[vector<16xi32>], vector<16xi32>,
      %get3A_1714 = arith.constant 1936 : index
      %get3A_1715 = tpu.vector_load %arg4[%get3A_1714] {strides = array<i32>} : memref<2048xi32, #tpu.memory_space<vmem>>, vector<16xi32>,
      %convert_element_type3A_1716 = arith.sitofp %get3A_1715 : vector<16xi32> to vector<16xf32>
      %broadcast_in_dim3A_1717 = arith.constant true
      %broadcast_in_dim3A_1718 = vector.broadcast %broadcast_in_dim3A_1717 : i1 to vector<16xi1>
      %unique3A_1719, %unique3A_1720 = tpu.scan_count mask(%broadcast_in_dim3A_1718 : vector<16xi1>) value(%convert_element_type3A_1716 : vector<16xf32>) : vector<16xi1>, vector<16xi32>
      %gather3A_1721 = tpu.vector_load_idx %arg6[%get3A_1715] : memref<64xi32, #tpu.memory_space<vmem>>[vector<16xi32>], vector<16xi32>,
      %add3A_1722 = arith.addi %gather3A_1721, %unique3A_1720 : vector<16xi32>
      %sub3A_1723 = arith.constant 1 : i32
      %sub3A_1724 = vector.broadcast %sub3A_1723 : i32 to vector<16xi32>
      %sub3A_1725 = arith.subi %add3A_1722, %sub3A_1724 : vector<16xi32>
      %swap3A_1726 = arith.constant 1936 : index
      %swap3A_1727 = tpu.vector_load %arg5[%swap3A_1726] {strides = array<i32>} : memref<2048xi32, #tpu.memory_space<vmem>>, vector<16xi32>,
      tpu.vector_store %arg5[%swap3A_1726], %sub3A_1725 {strides = array<i32>} : memref<2048xi32, #tpu.memory_space<vmem>>, vector<16xi32>,
      tpu.vector_store_idx %arg6[%get3A_1715], %broadcast_in_dim3A_24 {add = true} : memref<64xi32, #tpu.memory_space<vmem>>[vector<16xi32>], vector<16xi32>,
      %get3A_1728 = arith.constant 1952 : index
      %get3A_1729 = tpu.vector_load %arg4[%get3A_1728] {strides = array<i32>} : memref<2048xi32, #tpu.memory_space<vmem>>, vector<16xi32>,
      %convert_element_type3A_1730 = arith.sitofp %get3A_1729 : vector<16xi32> to vector<16xf32>
      %broadcast_in_dim3A_1731 = arith.constant true
      %broadcast_in_dim3A_1732 = vector.broadcast %broadcast_in_dim3A_1731 : i1 to vector<16xi1>
      %unique3A_1733, %unique3A_1734 = tpu.scan_count mask(%broadcast_in_dim3A_1732 : vector<16xi1>) value(%convert_element_type3A_1730 : vector<16xf32>) : vector<16xi1>, vector<16xi32>
      %gather3A_1735 = tpu.vector_load_idx %arg6[%get3A_1729] : memref<64xi32, #tpu.memory_space<vmem>>[vector<16xi32>], vector<16xi32>,
      %add3A_1736 = arith.addi %gather3A_1735, %unique3A_1734 : vector<16xi32>
      %sub3A_1737 = arith.constant 1 : i32
      %sub3A_1738 = vector.broadcast %sub3A_1737 : i32 to vector<16xi32>
      %sub3A_1739 = arith.subi %add3A_1736, %sub3A_1738 : vector<16xi32>
      %swap3A_1740 = arith.constant 1952 : index
      %swap3A_1741 = tpu.vector_load %arg5[%swap3A_1740] {strides = array<i32>} : memref<2048xi32, #tpu.memory_space<vmem>>, vector<16xi32>,
      tpu.vector_store %arg5[%swap3A_1740], %sub3A_1739 {strides = array<i32>} : memref<2048xi32, #tpu.memory_space<vmem>>, vector<16xi32>,
      tpu.vector_store_idx %arg6[%get3A_1729], %broadcast_in_dim3A_24 {add = true} : memref<64xi32, #tpu.memory_space<vmem>>[vector<16xi32>], vector<16xi32>,
      %get3A_1742 = arith.constant 1968 : index
      %get3A_1743 = tpu.vector_load %arg4[%get3A_1742] {strides = array<i32>} : memref<2048xi32, #tpu.memory_space<vmem>>, vector<16xi32>,
      %convert_element_type3A_1744 = arith.sitofp %get3A_1743 : vector<16xi32> to vector<16xf32>
      %broadcast_in_dim3A_1745 = arith.constant true
      %broadcast_in_dim3A_1746 = vector.broadcast %broadcast_in_dim3A_1745 : i1 to vector<16xi1>
      %unique3A_1747, %unique3A_1748 = tpu.scan_count mask(%broadcast_in_dim3A_1746 : vector<16xi1>) value(%convert_element_type3A_1744 : vector<16xf32>) : vector<16xi1>, vector<16xi32>
      %gather3A_1749 = tpu.vector_load_idx %arg6[%get3A_1743] : memref<64xi32, #tpu.memory_space<vmem>>[vector<16xi32>], vector<16xi32>,
      %add3A_1750 = arith.addi %gather3A_1749, %unique3A_1748 : vector<16xi32>
      %sub3A_1751 = arith.constant 1 : i32
      %sub3A_1752 = vector.broadcast %sub3A_1751 : i32 to vector<16xi32>
      %sub3A_1753 = arith.subi %add3A_1750, %sub3A_1752 : vector<16xi32>
      %swap3A_1754 = arith.constant 1968 : index
      %swap3A_1755 = tpu.vector_load %arg5[%swap3A_1754] {strides = array<i32>} : memref<2048xi32, #tpu.memory_space<vmem>>, vector<16xi32>,
      tpu.vector_store %arg5[%swap3A_1754], %sub3A_1753 {strides = array<i32>} : memref<2048xi32, #tpu.memory_space<vmem>>, vector<16xi32>,
      tpu.vector_store_idx %arg6[%get3A_1743], %broadcast_in_dim3A_24 {add = true} : memref<64xi32, #tpu.memory_space<vmem>>[vector<16xi32>], vector<16xi32>,
      %get3A_1756 = arith.constant 1984 : index
      %get3A_1757 = tpu.vector_load %arg4[%get3A_1756] {strides = array<i32>} : memref<2048xi32, #tpu.memory_space<vmem>>, vector<16xi32>,
      %convert_element_type3A_1758 = arith.sitofp %get3A_1757 : vector<16xi32> to vector<16xf32>
      %broadcast_in_dim3A_1759 = arith.constant true
      %broadcast_in_dim3A_1760 = vector.broadcast %broadcast_in_dim3A_1759 : i1 to vector<16xi1>
      %unique3A_1761, %unique3A_1762 = tpu.scan_count mask(%broadcast_in_dim3A_1760 : vector<16xi1>) value(%convert_element_type3A_1758 : vector<16xf32>) : vector<16xi1>, vector<16xi32>
      %gather3A_1763 = tpu.vector_load_idx %arg6[%get3A_1757] : memref<64xi32, #tpu.memory_space<vmem>>[vector<16xi32>], vector<16xi32>,
      %add3A_1764 = arith.addi %gather3A_1763, %unique3A_1762 : vector<16xi32>
      %sub3A_1765 = arith.constant 1 : i32
      %sub3A_1766 = vector.broadcast %sub3A_1765 : i32 to vector<16xi32>
      %sub3A_1767 = arith.subi %add3A_1764, %sub3A_1766 : vector<16xi32>
      %swap3A_1768 = arith.constant 1984 : index
      %swap3A_1769 = tpu.vector_load %arg5[%swap3A_1768] {strides = array<i32>} : memref<2048xi32, #tpu.memory_space<vmem>>, vector<16xi32>,
      tpu.vector_store %arg5[%swap3A_1768], %sub3A_1767 {strides = array<i32>} : memref<2048xi32, #tpu.memory_space<vmem>>, vector<16xi32>,
      tpu.vector_store_idx %arg6[%get3A_1757], %broadcast_in_dim3A_24 {add = true} : memref<64xi32, #tpu.memory_space<vmem>>[vector<16xi32>], vector<16xi32>,
      %get3A_1770 = arith.constant 2000 : index
      %get3A_1771 = tpu.vector_load %arg4[%get3A_1770] {strides = array<i32>} : memref<2048xi32, #tpu.memory_space<vmem>>, vector<16xi32>,
      %convert_element_type3A_1772 = arith.sitofp %get3A_1771 : vector<16xi32> to vector<16xf32>
      %broadcast_in_dim3A_1773 = arith.constant true
      %broadcast_in_dim3A_1774 = vector.broadcast %broadcast_in_dim3A_1773 : i1 to vector<16xi1>
      %unique3A_1775, %unique3A_1776 = tpu.scan_count mask(%broadcast_in_dim3A_1774 : vector<16xi1>) value(%convert_element_type3A_1772 : vector<16xf32>) : vector<16xi1>, vector<16xi32>
      %gather3A_1777 = tpu.vector_load_idx %arg6[%get3A_1771] : memref<64xi32, #tpu.memory_space<vmem>>[vector<16xi32>], vector<16xi32>,
      %add3A_1778 = arith.addi %gather3A_1777, %unique3A_1776 : vector<16xi32>
      %sub3A_1779 = arith.constant 1 : i32
      %sub3A_1780 = vector.broadcast %sub3A_1779 : i32 to vector<16xi32>
      %sub3A_1781 = arith.subi %add3A_1778, %sub3A_1780 : vector<16xi32>
      %swap3A_1782 = arith.constant 2000 : index
      %swap3A_1783 = tpu.vector_load %arg5[%swap3A_1782] {strides = array<i32>} : memref<2048xi32, #tpu.memory_space<vmem>>, vector<16xi32>,
      tpu.vector_store %arg5[%swap3A_1782], %sub3A_1781 {strides = array<i32>} : memref<2048xi32, #tpu.memory_space<vmem>>, vector<16xi32>,
      tpu.vector_store_idx %arg6[%get3A_1771], %broadcast_in_dim3A_24 {add = true} : memref<64xi32, #tpu.memory_space<vmem>>[vector<16xi32>], vector<16xi32>,
      %get3A_1784 = arith.constant 2016 : index
      %get3A_1785 = tpu.vector_load %arg4[%get3A_1784] {strides = array<i32>} : memref<2048xi32, #tpu.memory_space<vmem>>, vector<16xi32>,
      %convert_element_type3A_1786 = arith.sitofp %get3A_1785 : vector<16xi32> to vector<16xf32>
      %broadcast_in_dim3A_1787 = arith.constant true
      %broadcast_in_dim3A_1788 = vector.broadcast %broadcast_in_dim3A_1787 : i1 to vector<16xi1>
      %unique3A_1789, %unique3A_1790 = tpu.scan_count mask(%broadcast_in_dim3A_1788 : vector<16xi1>) value(%convert_element_type3A_1786 : vector<16xf32>) : vector<16xi1>, vector<16xi32>
      %gather3A_1791 = tpu.vector_load_idx %arg6[%get3A_1785] : memref<64xi32, #tpu.memory_space<vmem>>[vector<16xi32>], vector<16xi32>,
      %add3A_1792 = arith.addi %gather3A_1791, %unique3A_1790 : vector<16xi32>
      %sub3A_1793 = arith.constant 1 : i32
      %sub3A_1794 = vector.broadcast %sub3A_1793 : i32 to vector<16xi32>
      %sub3A_1795 = arith.subi %add3A_1792, %sub3A_1794 : vector<16xi32>
      %swap3A_1796 = arith.constant 2016 : index
      %swap3A_1797 = tpu.vector_load %arg5[%swap3A_1796] {strides = array<i32>} : memref<2048xi32, #tpu.memory_space<vmem>>, vector<16xi32>,
      tpu.vector_store %arg5[%swap3A_1796], %sub3A_1795 {strides = array<i32>} : memref<2048xi32, #tpu.memory_space<vmem>>, vector<16xi32>,
      tpu.vector_store_idx %arg6[%get3A_1785], %broadcast_in_dim3A_24 {add = true} : memref<64xi32, #tpu.memory_space<vmem>>[vector<16xi32>], vector<16xi32>,
      %get3A_1798 = arith.constant 2032 : index
      %get3A_1799 = tpu.vector_load %arg4[%get3A_1798] {strides = array<i32>} : memref<2048xi32, #tpu.memory_space<vmem>>, vector<16xi32>,
      %convert_element_type3A_1800 = arith.sitofp %get3A_1799 : vector<16xi32> to vector<16xf32>
      %broadcast_in_dim3A_1801 = arith.constant true
      %broadcast_in_dim3A_1802 = vector.broadcast %broadcast_in_dim3A_1801 : i1 to vector<16xi1>
      %unique3A_1803, %unique3A_1804 = tpu.scan_count mask(%broadcast_in_dim3A_1802 : vector<16xi1>) value(%convert_element_type3A_1800 : vector<16xf32>) : vector<16xi1>, vector<16xi32>
      %gather3A_1805 = tpu.vector_load_idx %arg6[%get3A_1799] : memref<64xi32, #tpu.memory_space<vmem>>[vector<16xi32>], vector<16xi32>,
      %add3A_1806 = arith.addi %gather3A_1805, %unique3A_1804 : vector<16xi32>
      %sub3A_1807 = arith.constant 1 : i32
      %sub3A_1808 = vector.broadcast %sub3A_1807 : i32 to vector<16xi32>
      %sub3A_1809 = arith.subi %add3A_1806, %sub3A_1808 : vector<16xi32>
      %swap3A_1810 = arith.constant 2032 : index
      %swap3A_1811 = tpu.vector_load %arg5[%swap3A_1810] {strides = array<i32>} : memref<2048xi32, #tpu.memory_space<vmem>>, vector<16xi32>,
      tpu.vector_store %arg5[%swap3A_1810], %sub3A_1809 {strides = array<i32>} : memref<2048xi32, #tpu.memory_space<vmem>>, vector<16xi32>,
      tpu.vector_store_idx %arg6[%get3A_1799], %broadcast_in_dim3A_24 {add = true} : memref<64xi32, #tpu.memory_space<vmem>>[vector<16xi32>], vector<16xi32>,
      %mul3A_1812 = arith.constant 64 : i32
      %mul3A_1813 = arith.muli %arg1, %mul3A_1812 : i32
      "tpu.region"() ({
        %run_scoped3A = tpu.sem_alloc : memref<!tpu.dma_semaphore, #tpu.memory_space<semaphore_mem>>
        %dma_start3A = tpu.memref_slice %arg9[%mul3A_1813] : memref<1024xi32, #tpu.memory_space<vmem_shared>> -> memref<64xi32, #tpu.memory_space<vmem_shared>>
        %dma_start3A_1814 = tpu.memref_slice %arg9[%mul3A_1813] : memref<1024xi32, #tpu.memory_space<vmem_shared>> -> memref<64xi32, #tpu.memory_space<vmem_shared>>
        tpu.enqueue_dma source(%arg6 : memref<64xi32, #tpu.memory_space<vmem>>) target(%dma_start3A_1814 : memref<64xi32, #tpu.memory_space<vmem_shared>>) target_semaphore(%run_scoped3A : memref<!tpu.dma_semaphore, #tpu.memory_space<semaphore_mem>>)
        %dma_wait3A = tpu.memref_slice %arg9[%mul3A_1813] : memref<1024xi32, #tpu.memory_space<vmem_shared>> -> memref<64xi32, #tpu.memory_space<vmem_shared>>
        %dma_wait3A_1815 = tpu.memref_slice %arg9[%mul3A_1813] : memref<1024xi32, #tpu.memory_space<vmem_shared>> -> memref<64xi32, #tpu.memory_space<vmem_shared>>
        tpu.wait_dma2 semaphore(%run_scoped3A : memref<!tpu.dma_semaphore, #tpu.memory_space<semaphore_mem>>) src(%arg6 : memref<64xi32, #tpu.memory_space<vmem>>) dst(%dma_wait3A_1815 : memref<64xi32, #tpu.memory_space<vmem_shared>>)
        tpu.yield
      }) : () -> ()
    } else {
    }
    %barrier3A = arith.constant 0 : index
    tpu.barrier barrier_id(%barrier3A)
    %barrier3A_2 = arith.constant 0 : index
    tpu.barrier barrier_id(%barrier3A_2)
    %eq3A_3 = arith.constant 0 : i32
    %eq3A_4 = arith.cmpi eq, %arg0, %eq3A_3 : i32
    %convert_element_type3A_5 = arith.extui %eq3A_4 : i1 to i32
    %cond3A_6 = arith.constant 0 : i32
    %cond3A_7 = arith.cmpi ne, %convert_element_type3A_5, %cond3A_6 : i32
    scf.if %cond3A_7 {
      %mul3A = arith.constant 2048 : i32
      %mul3A_8 = arith.muli %arg1, %mul3A : i32
      "tpu.region"() ({
        %run_scoped3A = tpu.sem_alloc : memref<!tpu.dma_semaphore, #tpu.memory_space<semaphore_mem>>
        tpu.enqueue_dma source(%arg9 : memref<1024xi32, #tpu.memory_space<vmem_shared>>) target(%arg8 : memref<1024xi32, #tpu.memory_space<vmem>>) target_semaphore(%run_scoped3A : memref<!tpu.dma_semaphore, #tpu.memory_space<semaphore_mem>>)
        tpu.wait_dma2 semaphore(%run_scoped3A : memref<!tpu.dma_semaphore, #tpu.memory_space<semaphore_mem>>) src(%arg9 : memref<1024xi32, #tpu.memory_space<vmem_shared>>) dst(%arg8 : memref<1024xi32, #tpu.memory_space<vmem>>)
        tpu.yield
      }) : () -> ()
      %broadcast_in_dim3A = arith.constant 0 : i32
      %broadcast_in_dim3A_9 = vector.broadcast %broadcast_in_dim3A : i32 to vector<16xi32>
      %swap3A = arith.constant 0 : index
      %swap3A_10 = tpu.vector_load %arg7[%swap3A] {strides = array<i32>} : memref<64xi32, #tpu.memory_space<vmem>>, vector<16xi32>,
      tpu.vector_store %arg7[%swap3A], %broadcast_in_dim3A_9 {strides = array<i32>} : memref<64xi32, #tpu.memory_space<vmem>>, vector<16xi32>,
      %broadcast_in_dim3A_11 = arith.constant 0 : i32
      %broadcast_in_dim3A_12 = vector.broadcast %broadcast_in_dim3A_11 : i32 to vector<16xi32>
      %swap3A_13 = arith.constant 16 : index
      %swap3A_14 = tpu.vector_load %arg7[%swap3A_13] {strides = array<i32>} : memref<64xi32, #tpu.memory_space<vmem>>, vector<16xi32>,
      tpu.vector_store %arg7[%swap3A_13], %broadcast_in_dim3A_12 {strides = array<i32>} : memref<64xi32, #tpu.memory_space<vmem>>, vector<16xi32>,
      %broadcast_in_dim3A_15 = arith.constant 0 : i32
      %broadcast_in_dim3A_16 = vector.broadcast %broadcast_in_dim3A_15 : i32 to vector<16xi32>
      %swap3A_17 = arith.constant 32 : index
      %swap3A_18 = tpu.vector_load %arg7[%swap3A_17] {strides = array<i32>} : memref<64xi32, #tpu.memory_space<vmem>>, vector<16xi32>,
      tpu.vector_store %arg7[%swap3A_17], %broadcast_in_dim3A_16 {strides = array<i32>} : memref<64xi32, #tpu.memory_space<vmem>>, vector<16xi32>,
      %broadcast_in_dim3A_19 = arith.constant 0 : i32
      %broadcast_in_dim3A_20 = vector.broadcast %broadcast_in_dim3A_19 : i32 to vector<16xi32>
      %swap3A_21 = arith.constant 48 : index
      %swap3A_22 = tpu.vector_load %arg7[%swap3A_21] {strides = array<i32>} : memref<64xi32, #tpu.memory_space<vmem>>, vector<16xi32>,
      tpu.vector_store %arg7[%swap3A_21], %broadcast_in_dim3A_20 {strides = array<i32>} : memref<64xi32, #tpu.memory_space<vmem>>, vector<16xi32>,
      %broadcast_in_dim3A_23 = arith.constant 0 : i32
      %broadcast_in_dim3A_24 = vector.broadcast %broadcast_in_dim3A_23 : i32 to vector<16xi32>
      %broadcast_in_dim3A_25 = arith.constant 1 : i32
      %broadcast_in_dim3A_26 = vector.broadcast %broadcast_in_dim3A_25 : i32 to vector<16xi32>
      %mul3A_27 = vector.broadcast %arg1 : i32 to vector<16xi32>
      %mul3A_28 = arith.muli %broadcast_in_dim3A_26, %mul3A_27 : vector<16xi32>
      %lt3A = arith.cmpi slt, %broadcast_in_dim3A_24, %mul3A_28 : vector<16xi32>
      %get3A = arith.constant 0 : index
      %get3A_29 = tpu.vector_load %arg7[%get3A] {strides = array<i32>} : memref<64xi32, #tpu.memory_space<vmem>>, vector<16xi32>,
      %get3A_30 = arith.constant 0 : index
      %get3A_31 = tpu.vector_load %arg8[%get3A_30] {strides = array<i32>} : memref<1024xi32, #tpu.memory_space<vmem>>, vector<16xi32>,
      %jit3A = arith.constant 0 : i32
      %broadcast_in_dim3A_32 = vector.broadcast %jit3A : i32 to vector<16xi32>
      %select_n3A = arith.select %lt3A, %get3A_31, %broadcast_in_dim3A_32 : vector<16xi1>, vector<16xi32>
      %add3A = arith.addi %get3A_29, %select_n3A : vector<16xi32>
      %swap3A_33 = arith.constant 0 : index
      %swap3A_34 = tpu.vector_load %arg7[%swap3A_33] {strides = array<i32>} : memref<64xi32, #tpu.memory_space<vmem>>, vector<16xi32>,
      tpu.vector_store %arg7[%swap3A_33], %add3A {strides = array<i32>} : memref<64xi32, #tpu.memory_space<vmem>>, vector<16xi32>,
      %get3A_35 = arith.constant 16 : index
      %get3A_36 = tpu.vector_load %arg7[%get3A_35] {strides = array<i32>} : memref<64xi32, #tpu.memory_space<vmem>>, vector<16xi32>,
      %get3A_37 = arith.constant 16 : index
      %get3A_38 = tpu.vector_load %arg8[%get3A_37] {strides = array<i32>} : memref<1024xi32, #tpu.memory_space<vmem>>, vector<16xi32>,
      %jit3A_39 = arith.constant 0 : i32
      %broadcast_in_dim3A_40 = vector.broadcast %jit3A_39 : i32 to vector<16xi32>
      %select_n3A_41 = arith.select %lt3A, %get3A_38, %broadcast_in_dim3A_40 : vector<16xi1>, vector<16xi32>
      %add3A_42 = arith.addi %get3A_36, %select_n3A_41 : vector<16xi32>
      %swap3A_43 = arith.constant 16 : index
      %swap3A_44 = tpu.vector_load %arg7[%swap3A_43] {strides = array<i32>} : memref<64xi32, #tpu.memory_space<vmem>>, vector<16xi32>,
      tpu.vector_store %arg7[%swap3A_43], %add3A_42 {strides = array<i32>} : memref<64xi32, #tpu.memory_space<vmem>>, vector<16xi32>,
      %get3A_45 = arith.constant 32 : index
      %get3A_46 = tpu.vector_load %arg7[%get3A_45] {strides = array<i32>} : memref<64xi32, #tpu.memory_space<vmem>>, vector<16xi32>,
      %get3A_47 = arith.constant 32 : index
      %get3A_48 = tpu.vector_load %arg8[%get3A_47] {strides = array<i32>} : memref<1024xi32, #tpu.memory_space<vmem>>, vector<16xi32>,
      %jit3A_49 = arith.constant 0 : i32
      %broadcast_in_dim3A_50 = vector.broadcast %jit3A_49 : i32 to vector<16xi32>
      %select_n3A_51 = arith.select %lt3A, %get3A_48, %broadcast_in_dim3A_50 : vector<16xi1>, vector<16xi32>
      %add3A_52 = arith.addi %get3A_46, %select_n3A_51 : vector<16xi32>
      %swap3A_53 = arith.constant 32 : index
      %swap3A_54 = tpu.vector_load %arg7[%swap3A_53] {strides = array<i32>} : memref<64xi32, #tpu.memory_space<vmem>>, vector<16xi32>,
      tpu.vector_store %arg7[%swap3A_53], %add3A_52 {strides = array<i32>} : memref<64xi32, #tpu.memory_space<vmem>>, vector<16xi32>,
      %get3A_55 = arith.constant 48 : index
      %get3A_56 = tpu.vector_load %arg7[%get3A_55] {strides = array<i32>} : memref<64xi32, #tpu.memory_space<vmem>>, vector<16xi32>,
      %get3A_57 = arith.constant 48 : index
      %get3A_58 = tpu.vector_load %arg8[%get3A_57] {strides = array<i32>} : memref<1024xi32, #tpu.memory_space<vmem>>, vector<16xi32>,
      %jit3A_59 = arith.constant 0 : i32
      %broadcast_in_dim3A_60 = vector.broadcast %jit3A_59 : i32 to vector<16xi32>
      %select_n3A_61 = arith.select %lt3A, %get3A_58, %broadcast_in_dim3A_60 : vector<16xi1>, vector<16xi32>
      %add3A_62 = arith.addi %get3A_56, %select_n3A_61 : vector<16xi32>
      %swap3A_63 = arith.constant 48 : index
      %swap3A_64 = tpu.vector_load %arg7[%swap3A_63] {strides = array<i32>} : memref<64xi32, #tpu.memory_space<vmem>>, vector<16xi32>,
      tpu.vector_store %arg7[%swap3A_63], %add3A_62 {strides = array<i32>} : memref<64xi32, #tpu.memory_space<vmem>>, vector<16xi32>,
      %broadcast_in_dim3A_65 = arith.constant 1 : i32
      %broadcast_in_dim3A_66 = vector.broadcast %broadcast_in_dim3A_65 : i32 to vector<16xi32>
      %broadcast_in_dim3A_67 = arith.constant 1 : i32
      %broadcast_in_dim3A_68 = vector.broadcast %broadcast_in_dim3A_67 : i32 to vector<16xi32>
      %mul3A_69 = vector.broadcast %arg1 : i32 to vector<16xi32>
      %mul3A_70 = arith.muli %broadcast_in_dim3A_68, %mul3A_69 : vector<16xi32>
      %lt3A_71 = arith.cmpi slt, %broadcast_in_dim3A_66, %mul3A_70 : vector<16xi32>
      %get3A_72 = arith.constant 0 : index
      %get3A_73 = tpu.vector_load %arg7[%get3A_72] {strides = array<i32>} : memref<64xi32, #tpu.memory_space<vmem>>, vector<16xi32>,
      %get3A_74 = arith.constant 64 : index
      %get3A_75 = tpu.vector_load %arg8[%get3A_74] {strides = array<i32>} : memref<1024xi32, #tpu.memory_space<vmem>>, vector<16xi32>,
      %jit3A_76 = arith.constant 0 : i32
      %broadcast_in_dim3A_77 = vector.broadcast %jit3A_76 : i32 to vector<16xi32>
      %select_n3A_78 = arith.select %lt3A_71, %get3A_75, %broadcast_in_dim3A_77 : vector<16xi1>, vector<16xi32>
      %add3A_79 = arith.addi %get3A_73, %select_n3A_78 : vector<16xi32>
      %swap3A_80 = arith.constant 0 : index
      %swap3A_81 = tpu.vector_load %arg7[%swap3A_80] {strides = array<i32>} : memref<64xi32, #tpu.memory_space<vmem>>, vector<16xi32>,
      tpu.vector_store %arg7[%swap3A_80], %add3A_79 {strides = array<i32>} : memref<64xi32, #tpu.memory_space<vmem>>, vector<16xi32>,
      %get3A_82 = arith.constant 16 : index
      %get3A_83 = tpu.vector_load %arg7[%get3A_82] {strides = array<i32>} : memref<64xi32, #tpu.memory_space<vmem>>, vector<16xi32>,
      %get3A_84 = arith.constant 80 : index
      %get3A_85 = tpu.vector_load %arg8[%get3A_84] {strides = array<i32>} : memref<1024xi32, #tpu.memory_space<vmem>>, vector<16xi32>,
      %jit3A_86 = arith.constant 0 : i32
      %broadcast_in_dim3A_87 = vector.broadcast %jit3A_86 : i32 to vector<16xi32>
      %select_n3A_88 = arith.select %lt3A_71, %get3A_85, %broadcast_in_dim3A_87 : vector<16xi1>, vector<16xi32>
      %add3A_89 = arith.addi %get3A_83, %select_n3A_88 : vector<16xi32>
      %swap3A_90 = arith.constant 16 : index
      %swap3A_91 = tpu.vector_load %arg7[%swap3A_90] {strides = array<i32>} : memref<64xi32, #tpu.memory_space<vmem>>, vector<16xi32>,
      tpu.vector_store %arg7[%swap3A_90], %add3A_89 {strides = array<i32>} : memref<64xi32, #tpu.memory_space<vmem>>, vector<16xi32>,
      %get3A_92 = arith.constant 32 : index
      %get3A_93 = tpu.vector_load %arg7[%get3A_92] {strides = array<i32>} : memref<64xi32, #tpu.memory_space<vmem>>, vector<16xi32>,
      %get3A_94 = arith.constant 96 : index
      %get3A_95 = tpu.vector_load %arg8[%get3A_94] {strides = array<i32>} : memref<1024xi32, #tpu.memory_space<vmem>>, vector<16xi32>,
      %jit3A_96 = arith.constant 0 : i32
      %broadcast_in_dim3A_97 = vector.broadcast %jit3A_96 : i32 to vector<16xi32>
      %select_n3A_98 = arith.select %lt3A_71, %get3A_95, %broadcast_in_dim3A_97 : vector<16xi1>, vector<16xi32>
      %add3A_99 = arith.addi %get3A_93, %select_n3A_98 : vector<16xi32>
      %swap3A_100 = arith.constant 32 : index
      %swap3A_101 = tpu.vector_load %arg7[%swap3A_100] {strides = array<i32>} : memref<64xi32, #tpu.memory_space<vmem>>, vector<16xi32>,
      tpu.vector_store %arg7[%swap3A_100], %add3A_99 {strides = array<i32>} : memref<64xi32, #tpu.memory_space<vmem>>, vector<16xi32>,
      %get3A_102 = arith.constant 48 : index
      %get3A_103 = tpu.vector_load %arg7[%get3A_102] {strides = array<i32>} : memref<64xi32, #tpu.memory_space<vmem>>, vector<16xi32>,
      %get3A_104 = arith.constant 112 : index
      %get3A_105 = tpu.vector_load %arg8[%get3A_104] {strides = array<i32>} : memref<1024xi32, #tpu.memory_space<vmem>>, vector<16xi32>,
      %jit3A_106 = arith.constant 0 : i32
      %broadcast_in_dim3A_107 = vector.broadcast %jit3A_106 : i32 to vector<16xi32>
      %select_n3A_108 = arith.select %lt3A_71, %get3A_105, %broadcast_in_dim3A_107 : vector<16xi1>, vector<16xi32>
      %add3A_109 = arith.addi %get3A_103, %select_n3A_108 : vector<16xi32>
      %swap3A_110 = arith.constant 48 : index
      %swap3A_111 = tpu.vector_load %arg7[%swap3A_110] {strides = array<i32>} : memref<64xi32, #tpu.memory_space<vmem>>, vector<16xi32>,
      tpu.vector_store %arg7[%swap3A_110], %add3A_109 {strides = array<i32>} : memref<64xi32, #tpu.memory_space<vmem>>, vector<16xi32>,
      %broadcast_in_dim3A_112 = arith.constant 2 : i32
      %broadcast_in_dim3A_113 = vector.broadcast %broadcast_in_dim3A_112 : i32 to vector<16xi32>
      %broadcast_in_dim3A_114 = arith.constant 1 : i32
      %broadcast_in_dim3A_115 = vector.broadcast %broadcast_in_dim3A_114 : i32 to vector<16xi32>
      %mul3A_116 = vector.broadcast %arg1 : i32 to vector<16xi32>
      %mul3A_117 = arith.muli %broadcast_in_dim3A_115, %mul3A_116 : vector<16xi32>
      %lt3A_118 = arith.cmpi slt, %broadcast_in_dim3A_113, %mul3A_117 : vector<16xi32>
      %get3A_119 = arith.constant 0 : index
      %get3A_120 = tpu.vector_load %arg7[%get3A_119] {strides = array<i32>} : memref<64xi32, #tpu.memory_space<vmem>>, vector<16xi32>,
      %get3A_121 = arith.constant 128 : index
      %get3A_122 = tpu.vector_load %arg8[%get3A_121] {strides = array<i32>} : memref<1024xi32, #tpu.memory_space<vmem>>, vector<16xi32>,
      %jit3A_123 = arith.constant 0 : i32
      %broadcast_in_dim3A_124 = vector.broadcast %jit3A_123 : i32 to vector<16xi32>
      %select_n3A_125 = arith.select %lt3A_118, %get3A_122, %broadcast_in_dim3A_124 : vector<16xi1>, vector<16xi32>
      %add3A_126 = arith.addi %get3A_120, %select_n3A_125 : vector<16xi32>
      %swap3A_127 = arith.constant 0 : index
      %swap3A_128 = tpu.vector_load %arg7[%swap3A_127] {strides = array<i32>} : memref<64xi32, #tpu.memory_space<vmem>>, vector<16xi32>,
      tpu.vector_store %arg7[%swap3A_127], %add3A_126 {strides = array<i32>} : memref<64xi32, #tpu.memory_space<vmem>>, vector<16xi32>,
      %get3A_129 = arith.constant 16 : index
      %get3A_130 = tpu.vector_load %arg7[%get3A_129] {strides = array<i32>} : memref<64xi32, #tpu.memory_space<vmem>>, vector<16xi32>,
      %get3A_131 = arith.constant 144 : index
      %get3A_132 = tpu.vector_load %arg8[%get3A_131] {strides = array<i32>} : memref<1024xi32, #tpu.memory_space<vmem>>, vector<16xi32>,
      %jit3A_133 = arith.constant 0 : i32
      %broadcast_in_dim3A_134 = vector.broadcast %jit3A_133 : i32 to vector<16xi32>
      %select_n3A_135 = arith.select %lt3A_118, %get3A_132, %broadcast_in_dim3A_134 : vector<16xi1>, vector<16xi32>
      %add3A_136 = arith.addi %get3A_130, %select_n3A_135 : vector<16xi32>
      %swap3A_137 = arith.constant 16 : index
      %swap3A_138 = tpu.vector_load %arg7[%swap3A_137] {strides = array<i32>} : memref<64xi32, #tpu.memory_space<vmem>>, vector<16xi32>,
      tpu.vector_store %arg7[%swap3A_137], %add3A_136 {strides = array<i32>} : memref<64xi32, #tpu.memory_space<vmem>>, vector<16xi32>,
      %get3A_139 = arith.constant 32 : index
      %get3A_140 = tpu.vector_load %arg7[%get3A_139] {strides = array<i32>} : memref<64xi32, #tpu.memory_space<vmem>>, vector<16xi32>,
      %get3A_141 = arith.constant 160 : index
      %get3A_142 = tpu.vector_load %arg8[%get3A_141] {strides = array<i32>} : memref<1024xi32, #tpu.memory_space<vmem>>, vector<16xi32>,
      %jit3A_143 = arith.constant 0 : i32
      %broadcast_in_dim3A_144 = vector.broadcast %jit3A_143 : i32 to vector<16xi32>
      %select_n3A_145 = arith.select %lt3A_118, %get3A_142, %broadcast_in_dim3A_144 : vector<16xi1>, vector<16xi32>
      %add3A_146 = arith.addi %get3A_140, %select_n3A_145 : vector<16xi32>
      %swap3A_147 = arith.constant 32 : index
      %swap3A_148 = tpu.vector_load %arg7[%swap3A_147] {strides = array<i32>} : memref<64xi32, #tpu.memory_space<vmem>>, vector<16xi32>,
      tpu.vector_store %arg7[%swap3A_147], %add3A_146 {strides = array<i32>} : memref<64xi32, #tpu.memory_space<vmem>>, vector<16xi32>,
      %get3A_149 = arith.constant 48 : index
      %get3A_150 = tpu.vector_load %arg7[%get3A_149] {strides = array<i32>} : memref<64xi32, #tpu.memory_space<vmem>>, vector<16xi32>,
      %get3A_151 = arith.constant 176 : index
      %get3A_152 = tpu.vector_load %arg8[%get3A_151] {strides = array<i32>} : memref<1024xi32, #tpu.memory_space<vmem>>, vector<16xi32>,
      %jit3A_153 = arith.constant 0 : i32
      %broadcast_in_dim3A_154 = vector.broadcast %jit3A_153 : i32 to vector<16xi32>
      %select_n3A_155 = arith.select %lt3A_118, %get3A_152, %broadcast_in_dim3A_154 : vector<16xi1>, vector<16xi32>
      %add3A_156 = arith.addi %get3A_150, %select_n3A_155 : vector<16xi32>
      %swap3A_157 = arith.constant 48 : index
      %swap3A_158 = tpu.vector_load %arg7[%swap3A_157] {strides = array<i32>} : memref<64xi32, #tpu.memory_space<vmem>>, vector<16xi32>,
      tpu.vector_store %arg7[%swap3A_157], %add3A_156 {strides = array<i32>} : memref<64xi32, #tpu.memory_space<vmem>>, vector<16xi32>,
      %broadcast_in_dim3A_159 = arith.constant 3 : i32
      %broadcast_in_dim3A_160 = vector.broadcast %broadcast_in_dim3A_159 : i32 to vector<16xi32>
      %broadcast_in_dim3A_161 = arith.constant 1 : i32
      %broadcast_in_dim3A_162 = vector.broadcast %broadcast_in_dim3A_161 : i32 to vector<16xi32>
      %mul3A_163 = vector.broadcast %arg1 : i32 to vector<16xi32>
      %mul3A_164 = arith.muli %broadcast_in_dim3A_162, %mul3A_163 : vector<16xi32>
      %lt3A_165 = arith.cmpi slt, %broadcast_in_dim3A_160, %mul3A_164 : vector<16xi32>
      %get3A_166 = arith.constant 0 : index
      %get3A_167 = tpu.vector_load %arg7[%get3A_166] {strides = array<i32>} : memref<64xi32, #tpu.memory_space<vmem>>, vector<16xi32>,
      %get3A_168 = arith.constant 192 : index
      %get3A_169 = tpu.vector_load %arg8[%get3A_168] {strides = array<i32>} : memref<1024xi32, #tpu.memory_space<vmem>>, vector<16xi32>,
      %jit3A_170 = arith.constant 0 : i32
      %broadcast_in_dim3A_171 = vector.broadcast %jit3A_170 : i32 to vector<16xi32>
      %select_n3A_172 = arith.select %lt3A_165, %get3A_169, %broadcast_in_dim3A_171 : vector<16xi1>, vector<16xi32>
      %add3A_173 = arith.addi %get3A_167, %select_n3A_172 : vector<16xi32>
      %swap3A_174 = arith.constant 0 : index
      %swap3A_175 = tpu.vector_load %arg7[%swap3A_174] {strides = array<i32>} : memref<64xi32, #tpu.memory_space<vmem>>, vector<16xi32>,
      tpu.vector_store %arg7[%swap3A_174], %add3A_173 {strides = array<i32>} : memref<64xi32, #tpu.memory_space<vmem>>, vector<16xi32>,
      %get3A_176 = arith.constant 16 : index
      %get3A_177 = tpu.vector_load %arg7[%get3A_176] {strides = array<i32>} : memref<64xi32, #tpu.memory_space<vmem>>, vector<16xi32>,
      %get3A_178 = arith.constant 208 : index
      %get3A_179 = tpu.vector_load %arg8[%get3A_178] {strides = array<i32>} : memref<1024xi32, #tpu.memory_space<vmem>>, vector<16xi32>,
      %jit3A_180 = arith.constant 0 : i32
      %broadcast_in_dim3A_181 = vector.broadcast %jit3A_180 : i32 to vector<16xi32>
      %select_n3A_182 = arith.select %lt3A_165, %get3A_179, %broadcast_in_dim3A_181 : vector<16xi1>, vector<16xi32>
      %add3A_183 = arith.addi %get3A_177, %select_n3A_182 : vector<16xi32>
      %swap3A_184 = arith.constant 16 : index
      %swap3A_185 = tpu.vector_load %arg7[%swap3A_184] {strides = array<i32>} : memref<64xi32, #tpu.memory_space<vmem>>, vector<16xi32>,
      tpu.vector_store %arg7[%swap3A_184], %add3A_183 {strides = array<i32>} : memref<64xi32, #tpu.memory_space<vmem>>, vector<16xi32>,
      %get3A_186 = arith.constant 32 : index
      %get3A_187 = tpu.vector_load %arg7[%get3A_186] {strides = array<i32>} : memref<64xi32, #tpu.memory_space<vmem>>, vector<16xi32>,
      %get3A_188 = arith.constant 224 : index
      %get3A_189 = tpu.vector_load %arg8[%get3A_188] {strides = array<i32>} : memref<1024xi32, #tpu.memory_space<vmem>>, vector<16xi32>,
      %jit3A_190 = arith.constant 0 : i32
      %broadcast_in_dim3A_191 = vector.broadcast %jit3A_190 : i32 to vector<16xi32>
      %select_n3A_192 = arith.select %lt3A_165, %get3A_189, %broadcast_in_dim3A_191 : vector<16xi1>, vector<16xi32>
      %add3A_193 = arith.addi %get3A_187, %select_n3A_192 : vector<16xi32>
      %swap3A_194 = arith.constant 32 : index
      %swap3A_195 = tpu.vector_load %arg7[%swap3A_194] {strides = array<i32>} : memref<64xi32, #tpu.memory_space<vmem>>, vector<16xi32>,
      tpu.vector_store %arg7[%swap3A_194], %add3A_193 {strides = array<i32>} : memref<64xi32, #tpu.memory_space<vmem>>, vector<16xi32>,
      %get3A_196 = arith.constant 48 : index
      %get3A_197 = tpu.vector_load %arg7[%get3A_196] {strides = array<i32>} : memref<64xi32, #tpu.memory_space<vmem>>, vector<16xi32>,
      %get3A_198 = arith.constant 240 : index
      %get3A_199 = tpu.vector_load %arg8[%get3A_198] {strides = array<i32>} : memref<1024xi32, #tpu.memory_space<vmem>>, vector<16xi32>,
      %jit3A_200 = arith.constant 0 : i32
      %broadcast_in_dim3A_201 = vector.broadcast %jit3A_200 : i32 to vector<16xi32>
      %select_n3A_202 = arith.select %lt3A_165, %get3A_199, %broadcast_in_dim3A_201 : vector<16xi1>, vector<16xi32>
      %add3A_203 = arith.addi %get3A_197, %select_n3A_202 : vector<16xi32>
      %swap3A_204 = arith.constant 48 : index
      %swap3A_205 = tpu.vector_load %arg7[%swap3A_204] {strides = array<i32>} : memref<64xi32, #tpu.memory_space<vmem>>, vector<16xi32>,
      tpu.vector_store %arg7[%swap3A_204], %add3A_203 {strides = array<i32>} : memref<64xi32, #tpu.memory_space<vmem>>, vector<16xi32>,
      %broadcast_in_dim3A_206 = arith.constant 4 : i32
      %broadcast_in_dim3A_207 = vector.broadcast %broadcast_in_dim3A_206 : i32 to vector<16xi32>
      %broadcast_in_dim3A_208 = arith.constant 1 : i32
      %broadcast_in_dim3A_209 = vector.broadcast %broadcast_in_dim3A_208 : i32 to vector<16xi32>
      %mul3A_210 = vector.broadcast %arg1 : i32 to vector<16xi32>
      %mul3A_211 = arith.muli %broadcast_in_dim3A_209, %mul3A_210 : vector<16xi32>
      %lt3A_212 = arith.cmpi slt, %broadcast_in_dim3A_207, %mul3A_211 : vector<16xi32>
      %get3A_213 = arith.constant 0 : index
      %get3A_214 = tpu.vector_load %arg7[%get3A_213] {strides = array<i32>} : memref<64xi32, #tpu.memory_space<vmem>>, vector<16xi32>,
      %get3A_215 = arith.constant 256 : index
      %get3A_216 = tpu.vector_load %arg8[%get3A_215] {strides = array<i32>} : memref<1024xi32, #tpu.memory_space<vmem>>, vector<16xi32>,
      %jit3A_217 = arith.constant 0 : i32
      %broadcast_in_dim3A_218 = vector.broadcast %jit3A_217 : i32 to vector<16xi32>
      %select_n3A_219 = arith.select %lt3A_212, %get3A_216, %broadcast_in_dim3A_218 : vector<16xi1>, vector<16xi32>
      %add3A_220 = arith.addi %get3A_214, %select_n3A_219 : vector<16xi32>
      %swap3A_221 = arith.constant 0 : index
      %swap3A_222 = tpu.vector_load %arg7[%swap3A_221] {strides = array<i32>} : memref<64xi32, #tpu.memory_space<vmem>>, vector<16xi32>,
      tpu.vector_store %arg7[%swap3A_221], %add3A_220 {strides = array<i32>} : memref<64xi32, #tpu.memory_space<vmem>>, vector<16xi32>,
      %get3A_223 = arith.constant 16 : index
      %get3A_224 = tpu.vector_load %arg7[%get3A_223] {strides = array<i32>} : memref<64xi32, #tpu.memory_space<vmem>>, vector<16xi32>,
      %get3A_225 = arith.constant 272 : index
      %get3A_226 = tpu.vector_load %arg8[%get3A_225] {strides = array<i32>} : memref<1024xi32, #tpu.memory_space<vmem>>, vector<16xi32>,
      %jit3A_227 = arith.constant 0 : i32
      %broadcast_in_dim3A_228 = vector.broadcast %jit3A_227 : i32 to vector<16xi32>
      %select_n3A_229 = arith.select %lt3A_212, %get3A_226, %broadcast_in_dim3A_228 : vector<16xi1>, vector<16xi32>
      %add3A_230 = arith.addi %get3A_224, %select_n3A_229 : vector<16xi32>
      %swap3A_231 = arith.constant 16 : index
      %swap3A_232 = tpu.vector_load %arg7[%swap3A_231] {strides = array<i32>} : memref<64xi32, #tpu.memory_space<vmem>>, vector<16xi32>,
      tpu.vector_store %arg7[%swap3A_231], %add3A_230 {strides = array<i32>} : memref<64xi32, #tpu.memory_space<vmem>>, vector<16xi32>,
      %get3A_233 = arith.constant 32 : index
      %get3A_234 = tpu.vector_load %arg7[%get3A_233] {strides = array<i32>} : memref<64xi32, #tpu.memory_space<vmem>>, vector<16xi32>,
      %get3A_235 = arith.constant 288 : index
      %get3A_236 = tpu.vector_load %arg8[%get3A_235] {strides = array<i32>} : memref<1024xi32, #tpu.memory_space<vmem>>, vector<16xi32>,
      %jit3A_237 = arith.constant 0 : i32
      %broadcast_in_dim3A_238 = vector.broadcast %jit3A_237 : i32 to vector<16xi32>
      %select_n3A_239 = arith.select %lt3A_212, %get3A_236, %broadcast_in_dim3A_238 : vector<16xi1>, vector<16xi32>
      %add3A_240 = arith.addi %get3A_234, %select_n3A_239 : vector<16xi32>
      %swap3A_241 = arith.constant 32 : index
      %swap3A_242 = tpu.vector_load %arg7[%swap3A_241] {strides = array<i32>} : memref<64xi32, #tpu.memory_space<vmem>>, vector<16xi32>,
      tpu.vector_store %arg7[%swap3A_241], %add3A_240 {strides = array<i32>} : memref<64xi32, #tpu.memory_space<vmem>>, vector<16xi32>,
      %get3A_243 = arith.constant 48 : index
      %get3A_244 = tpu.vector_load %arg7[%get3A_243] {strides = array<i32>} : memref<64xi32, #tpu.memory_space<vmem>>, vector<16xi32>,
      %get3A_245 = arith.constant 304 : index
      %get3A_246 = tpu.vector_load %arg8[%get3A_245] {strides = array<i32>} : memref<1024xi32, #tpu.memory_space<vmem>>, vector<16xi32>,
      %jit3A_247 = arith.constant 0 : i32
      %broadcast_in_dim3A_248 = vector.broadcast %jit3A_247 : i32 to vector<16xi32>
      %select_n3A_249 = arith.select %lt3A_212, %get3A_246, %broadcast_in_dim3A_248 : vector<16xi1>, vector<16xi32>
      %add3A_250 = arith.addi %get3A_244, %select_n3A_249 : vector<16xi32>
      %swap3A_251 = arith.constant 48 : index
      %swap3A_252 = tpu.vector_load %arg7[%swap3A_251] {strides = array<i32>} : memref<64xi32, #tpu.memory_space<vmem>>, vector<16xi32>,
      tpu.vector_store %arg7[%swap3A_251], %add3A_250 {strides = array<i32>} : memref<64xi32, #tpu.memory_space<vmem>>, vector<16xi32>,
      %broadcast_in_dim3A_253 = arith.constant 5 : i32
      %broadcast_in_dim3A_254 = vector.broadcast %broadcast_in_dim3A_253 : i32 to vector<16xi32>
      %broadcast_in_dim3A_255 = arith.constant 1 : i32
      %broadcast_in_dim3A_256 = vector.broadcast %broadcast_in_dim3A_255 : i32 to vector<16xi32>
      %mul3A_257 = vector.broadcast %arg1 : i32 to vector<16xi32>
      %mul3A_258 = arith.muli %broadcast_in_dim3A_256, %mul3A_257 : vector<16xi32>
      %lt3A_259 = arith.cmpi slt, %broadcast_in_dim3A_254, %mul3A_258 : vector<16xi32>
      %get3A_260 = arith.constant 0 : index
      %get3A_261 = tpu.vector_load %arg7[%get3A_260] {strides = array<i32>} : memref<64xi32, #tpu.memory_space<vmem>>, vector<16xi32>,
      %get3A_262 = arith.constant 320 : index
      %get3A_263 = tpu.vector_load %arg8[%get3A_262] {strides = array<i32>} : memref<1024xi32, #tpu.memory_space<vmem>>, vector<16xi32>,
      %jit3A_264 = arith.constant 0 : i32
      %broadcast_in_dim3A_265 = vector.broadcast %jit3A_264 : i32 to vector<16xi32>
      %select_n3A_266 = arith.select %lt3A_259, %get3A_263, %broadcast_in_dim3A_265 : vector<16xi1>, vector<16xi32>
      %add3A_267 = arith.addi %get3A_261, %select_n3A_266 : vector<16xi32>
      %swap3A_268 = arith.constant 0 : index
      %swap3A_269 = tpu.vector_load %arg7[%swap3A_268] {strides = array<i32>} : memref<64xi32, #tpu.memory_space<vmem>>, vector<16xi32>,
      tpu.vector_store %arg7[%swap3A_268], %add3A_267 {strides = array<i32>} : memref<64xi32, #tpu.memory_space<vmem>>, vector<16xi32>,
      %get3A_270 = arith.constant 16 : index
      %get3A_271 = tpu.vector_load %arg7[%get3A_270] {strides = array<i32>} : memref<64xi32, #tpu.memory_space<vmem>>, vector<16xi32>,
      %get3A_272 = arith.constant 336 : index
      %get3A_273 = tpu.vector_load %arg8[%get3A_272] {strides = array<i32>} : memref<1024xi32, #tpu.memory_space<vmem>>, vector<16xi32>,
      %jit3A_274 = arith.constant 0 : i32
      %broadcast_in_dim3A_275 = vector.broadcast %jit3A_274 : i32 to vector<16xi32>
      %select_n3A_276 = arith.select %lt3A_259, %get3A_273, %broadcast_in_dim3A_275 : vector<16xi1>, vector<16xi32>
      %add3A_277 = arith.addi %get3A_271, %select_n3A_276 : vector<16xi32>
      %swap3A_278 = arith.constant 16 : index
      %swap3A_279 = tpu.vector_load %arg7[%swap3A_278] {strides = array<i32>} : memref<64xi32, #tpu.memory_space<vmem>>, vector<16xi32>,
      tpu.vector_store %arg7[%swap3A_278], %add3A_277 {strides = array<i32>} : memref<64xi32, #tpu.memory_space<vmem>>, vector<16xi32>,
      %get3A_280 = arith.constant 32 : index
      %get3A_281 = tpu.vector_load %arg7[%get3A_280] {strides = array<i32>} : memref<64xi32, #tpu.memory_space<vmem>>, vector<16xi32>,
      %get3A_282 = arith.constant 352 : index
      %get3A_283 = tpu.vector_load %arg8[%get3A_282] {strides = array<i32>} : memref<1024xi32, #tpu.memory_space<vmem>>, vector<16xi32>,
      %jit3A_284 = arith.constant 0 : i32
      %broadcast_in_dim3A_285 = vector.broadcast %jit3A_284 : i32 to vector<16xi32>
      %select_n3A_286 = arith.select %lt3A_259, %get3A_283, %broadcast_in_dim3A_285 : vector<16xi1>, vector<16xi32>
      %add3A_287 = arith.addi %get3A_281, %select_n3A_286 : vector<16xi32>
      %swap3A_288 = arith.constant 32 : index
      %swap3A_289 = tpu.vector_load %arg7[%swap3A_288] {strides = array<i32>} : memref<64xi32, #tpu.memory_space<vmem>>, vector<16xi32>,
      tpu.vector_store %arg7[%swap3A_288], %add3A_287 {strides = array<i32>} : memref<64xi32, #tpu.memory_space<vmem>>, vector<16xi32>,
      %get3A_290 = arith.constant 48 : index
      %get3A_291 = tpu.vector_load %arg7[%get3A_290] {strides = array<i32>} : memref<64xi32, #tpu.memory_space<vmem>>, vector<16xi32>,
      %get3A_292 = arith.constant 368 : index
      %get3A_293 = tpu.vector_load %arg8[%get3A_292] {strides = array<i32>} : memref<1024xi32, #tpu.memory_space<vmem>>, vector<16xi32>,
      %jit3A_294 = arith.constant 0 : i32
      %broadcast_in_dim3A_295 = vector.broadcast %jit3A_294 : i32 to vector<16xi32>
      %select_n3A_296 = arith.select %lt3A_259, %get3A_293, %broadcast_in_dim3A_295 : vector<16xi1>, vector<16xi32>
      %add3A_297 = arith.addi %get3A_291, %select_n3A_296 : vector<16xi32>
      %swap3A_298 = arith.constant 48 : index
      %swap3A_299 = tpu.vector_load %arg7[%swap3A_298] {strides = array<i32>} : memref<64xi32, #tpu.memory_space<vmem>>, vector<16xi32>,
      tpu.vector_store %arg7[%swap3A_298], %add3A_297 {strides = array<i32>} : memref<64xi32, #tpu.memory_space<vmem>>, vector<16xi32>,
      %broadcast_in_dim3A_300 = arith.constant 6 : i32
      %broadcast_in_dim3A_301 = vector.broadcast %broadcast_in_dim3A_300 : i32 to vector<16xi32>
      %broadcast_in_dim3A_302 = arith.constant 1 : i32
      %broadcast_in_dim3A_303 = vector.broadcast %broadcast_in_dim3A_302 : i32 to vector<16xi32>
      %mul3A_304 = vector.broadcast %arg1 : i32 to vector<16xi32>
      %mul3A_305 = arith.muli %broadcast_in_dim3A_303, %mul3A_304 : vector<16xi32>
      %lt3A_306 = arith.cmpi slt, %broadcast_in_dim3A_301, %mul3A_305 : vector<16xi32>
      %get3A_307 = arith.constant 0 : index
      %get3A_308 = tpu.vector_load %arg7[%get3A_307] {strides = array<i32>} : memref<64xi32, #tpu.memory_space<vmem>>, vector<16xi32>,
      %get3A_309 = arith.constant 384 : index
      %get3A_310 = tpu.vector_load %arg8[%get3A_309] {strides = array<i32>} : memref<1024xi32, #tpu.memory_space<vmem>>, vector<16xi32>,
      %jit3A_311 = arith.constant 0 : i32
      %broadcast_in_dim3A_312 = vector.broadcast %jit3A_311 : i32 to vector<16xi32>
      %select_n3A_313 = arith.select %lt3A_306, %get3A_310, %broadcast_in_dim3A_312 : vector<16xi1>, vector<16xi32>
      %add3A_314 = arith.addi %get3A_308, %select_n3A_313 : vector<16xi32>
      %swap3A_315 = arith.constant 0 : index
      %swap3A_316 = tpu.vector_load %arg7[%swap3A_315] {strides = array<i32>} : memref<64xi32, #tpu.memory_space<vmem>>, vector<16xi32>,
      tpu.vector_store %arg7[%swap3A_315], %add3A_314 {strides = array<i32>} : memref<64xi32, #tpu.memory_space<vmem>>, vector<16xi32>,
      %get3A_317 = arith.constant 16 : index
      %get3A_318 = tpu.vector_load %arg7[%get3A_317] {strides = array<i32>} : memref<64xi32, #tpu.memory_space<vmem>>, vector<16xi32>,
      %get3A_319 = arith.constant 400 : index
      %get3A_320 = tpu.vector_load %arg8[%get3A_319] {strides = array<i32>} : memref<1024xi32, #tpu.memory_space<vmem>>, vector<16xi32>,
      %jit3A_321 = arith.constant 0 : i32
      %broadcast_in_dim3A_322 = vector.broadcast %jit3A_321 : i32 to vector<16xi32>
      %select_n3A_323 = arith.select %lt3A_306, %get3A_320, %broadcast_in_dim3A_322 : vector<16xi1>, vector<16xi32>
      %add3A_324 = arith.addi %get3A_318, %select_n3A_323 : vector<16xi32>
      %swap3A_325 = arith.constant 16 : index
      %swap3A_326 = tpu.vector_load %arg7[%swap3A_325] {strides = array<i32>} : memref<64xi32, #tpu.memory_space<vmem>>, vector<16xi32>,
      tpu.vector_store %arg7[%swap3A_325], %add3A_324 {strides = array<i32>} : memref<64xi32, #tpu.memory_space<vmem>>, vector<16xi32>,
      %get3A_327 = arith.constant 32 : index
      %get3A_328 = tpu.vector_load %arg7[%get3A_327] {strides = array<i32>} : memref<64xi32, #tpu.memory_space<vmem>>, vector<16xi32>,
      %get3A_329 = arith.constant 416 : index
      %get3A_330 = tpu.vector_load %arg8[%get3A_329] {strides = array<i32>} : memref<1024xi32, #tpu.memory_space<vmem>>, vector<16xi32>,
      %jit3A_331 = arith.constant 0 : i32
      %broadcast_in_dim3A_332 = vector.broadcast %jit3A_331 : i32 to vector<16xi32>
      %select_n3A_333 = arith.select %lt3A_306, %get3A_330, %broadcast_in_dim3A_332 : vector<16xi1>, vector<16xi32>
      %add3A_334 = arith.addi %get3A_328, %select_n3A_333 : vector<16xi32>
      %swap3A_335 = arith.constant 32 : index
      %swap3A_336 = tpu.vector_load %arg7[%swap3A_335] {strides = array<i32>} : memref<64xi32, #tpu.memory_space<vmem>>, vector<16xi32>,
      tpu.vector_store %arg7[%swap3A_335], %add3A_334 {strides = array<i32>} : memref<64xi32, #tpu.memory_space<vmem>>, vector<16xi32>,
      %get3A_337 = arith.constant 48 : index
      %get3A_338 = tpu.vector_load %arg7[%get3A_337] {strides = array<i32>} : memref<64xi32, #tpu.memory_space<vmem>>, vector<16xi32>,
      %get3A_339 = arith.constant 432 : index
      %get3A_340 = tpu.vector_load %arg8[%get3A_339] {strides = array<i32>} : memref<1024xi32, #tpu.memory_space<vmem>>, vector<16xi32>,
      %jit3A_341 = arith.constant 0 : i32
      %broadcast_in_dim3A_342 = vector.broadcast %jit3A_341 : i32 to vector<16xi32>
      %select_n3A_343 = arith.select %lt3A_306, %get3A_340, %broadcast_in_dim3A_342 : vector<16xi1>, vector<16xi32>
      %add3A_344 = arith.addi %get3A_338, %select_n3A_343 : vector<16xi32>
      %swap3A_345 = arith.constant 48 : index
      %swap3A_346 = tpu.vector_load %arg7[%swap3A_345] {strides = array<i32>} : memref<64xi32, #tpu.memory_space<vmem>>, vector<16xi32>,
      tpu.vector_store %arg7[%swap3A_345], %add3A_344 {strides = array<i32>} : memref<64xi32, #tpu.memory_space<vmem>>, vector<16xi32>,
      %broadcast_in_dim3A_347 = arith.constant 7 : i32
      %broadcast_in_dim3A_348 = vector.broadcast %broadcast_in_dim3A_347 : i32 to vector<16xi32>
      %broadcast_in_dim3A_349 = arith.constant 1 : i32
      %broadcast_in_dim3A_350 = vector.broadcast %broadcast_in_dim3A_349 : i32 to vector<16xi32>
      %mul3A_351 = vector.broadcast %arg1 : i32 to vector<16xi32>
      %mul3A_352 = arith.muli %broadcast_in_dim3A_350, %mul3A_351 : vector<16xi32>
      %lt3A_353 = arith.cmpi slt, %broadcast_in_dim3A_348, %mul3A_352 : vector<16xi32>
      %get3A_354 = arith.constant 0 : index
      %get3A_355 = tpu.vector_load %arg7[%get3A_354] {strides = array<i32>} : memref<64xi32, #tpu.memory_space<vmem>>, vector<16xi32>,
      %get3A_356 = arith.constant 448 : index
      %get3A_357 = tpu.vector_load %arg8[%get3A_356] {strides = array<i32>} : memref<1024xi32, #tpu.memory_space<vmem>>, vector<16xi32>,
      %jit3A_358 = arith.constant 0 : i32
      %broadcast_in_dim3A_359 = vector.broadcast %jit3A_358 : i32 to vector<16xi32>
      %select_n3A_360 = arith.select %lt3A_353, %get3A_357, %broadcast_in_dim3A_359 : vector<16xi1>, vector<16xi32>
      %add3A_361 = arith.addi %get3A_355, %select_n3A_360 : vector<16xi32>
      %swap3A_362 = arith.constant 0 : index
      %swap3A_363 = tpu.vector_load %arg7[%swap3A_362] {strides = array<i32>} : memref<64xi32, #tpu.memory_space<vmem>>, vector<16xi32>,
      tpu.vector_store %arg7[%swap3A_362], %add3A_361 {strides = array<i32>} : memref<64xi32, #tpu.memory_space<vmem>>, vector<16xi32>,
      %get3A_364 = arith.constant 16 : index
      %get3A_365 = tpu.vector_load %arg7[%get3A_364] {strides = array<i32>} : memref<64xi32, #tpu.memory_space<vmem>>, vector<16xi32>,
      %get3A_366 = arith.constant 464 : index
      %get3A_367 = tpu.vector_load %arg8[%get3A_366] {strides = array<i32>} : memref<1024xi32, #tpu.memory_space<vmem>>, vector<16xi32>,
      %jit3A_368 = arith.constant 0 : i32
      %broadcast_in_dim3A_369 = vector.broadcast %jit3A_368 : i32 to vector<16xi32>
      %select_n3A_370 = arith.select %lt3A_353, %get3A_367, %broadcast_in_dim3A_369 : vector<16xi1>, vector<16xi32>
      %add3A_371 = arith.addi %get3A_365, %select_n3A_370 : vector<16xi32>
      %swap3A_372 = arith.constant 16 : index
      %swap3A_373 = tpu.vector_load %arg7[%swap3A_372] {strides = array<i32>} : memref<64xi32, #tpu.memory_space<vmem>>, vector<16xi32>,
      tpu.vector_store %arg7[%swap3A_372], %add3A_371 {strides = array<i32>} : memref<64xi32, #tpu.memory_space<vmem>>, vector<16xi32>,
      %get3A_374 = arith.constant 32 : index
      %get3A_375 = tpu.vector_load %arg7[%get3A_374] {strides = array<i32>} : memref<64xi32, #tpu.memory_space<vmem>>, vector<16xi32>,
      %get3A_376 = arith.constant 480 : index
      %get3A_377 = tpu.vector_load %arg8[%get3A_376] {strides = array<i32>} : memref<1024xi32, #tpu.memory_space<vmem>>, vector<16xi32>,
      %jit3A_378 = arith.constant 0 : i32
      %broadcast_in_dim3A_379 = vector.broadcast %jit3A_378 : i32 to vector<16xi32>
      %select_n3A_380 = arith.select %lt3A_353, %get3A_377, %broadcast_in_dim3A_379 : vector<16xi1>, vector<16xi32>
      %add3A_381 = arith.addi %get3A_375, %select_n3A_380 : vector<16xi32>
      %swap3A_382 = arith.constant 32 : index
      %swap3A_383 = tpu.vector_load %arg7[%swap3A_382] {strides = array<i32>} : memref<64xi32, #tpu.memory_space<vmem>>, vector<16xi32>,
      tpu.vector_store %arg7[%swap3A_382], %add3A_381 {strides = array<i32>} : memref<64xi32, #tpu.memory_space<vmem>>, vector<16xi32>,
      %get3A_384 = arith.constant 48 : index
      %get3A_385 = tpu.vector_load %arg7[%get3A_384] {strides = array<i32>} : memref<64xi32, #tpu.memory_space<vmem>>, vector<16xi32>,
      %get3A_386 = arith.constant 496 : index
      %get3A_387 = tpu.vector_load %arg8[%get3A_386] {strides = array<i32>} : memref<1024xi32, #tpu.memory_space<vmem>>, vector<16xi32>,
      %jit3A_388 = arith.constant 0 : i32
      %broadcast_in_dim3A_389 = vector.broadcast %jit3A_388 : i32 to vector<16xi32>
      %select_n3A_390 = arith.select %lt3A_353, %get3A_387, %broadcast_in_dim3A_389 : vector<16xi1>, vector<16xi32>
      %add3A_391 = arith.addi %get3A_385, %select_n3A_390 : vector<16xi32>
      %swap3A_392 = arith.constant 48 : index
      %swap3A_393 = tpu.vector_load %arg7[%swap3A_392] {strides = array<i32>} : memref<64xi32, #tpu.memory_space<vmem>>, vector<16xi32>,
      tpu.vector_store %arg7[%swap3A_392], %add3A_391 {strides = array<i32>} : memref<64xi32, #tpu.memory_space<vmem>>, vector<16xi32>,
      %broadcast_in_dim3A_394 = arith.constant 8 : i32
      %broadcast_in_dim3A_395 = vector.broadcast %broadcast_in_dim3A_394 : i32 to vector<16xi32>
      %broadcast_in_dim3A_396 = arith.constant 1 : i32
      %broadcast_in_dim3A_397 = vector.broadcast %broadcast_in_dim3A_396 : i32 to vector<16xi32>
      %mul3A_398 = vector.broadcast %arg1 : i32 to vector<16xi32>
      %mul3A_399 = arith.muli %broadcast_in_dim3A_397, %mul3A_398 : vector<16xi32>
      %lt3A_400 = arith.cmpi slt, %broadcast_in_dim3A_395, %mul3A_399 : vector<16xi32>
      %get3A_401 = arith.constant 0 : index
      %get3A_402 = tpu.vector_load %arg7[%get3A_401] {strides = array<i32>} : memref<64xi32, #tpu.memory_space<vmem>>, vector<16xi32>,
      %get3A_403 = arith.constant 512 : index
      %get3A_404 = tpu.vector_load %arg8[%get3A_403] {strides = array<i32>} : memref<1024xi32, #tpu.memory_space<vmem>>, vector<16xi32>,
      %jit3A_405 = arith.constant 0 : i32
      %broadcast_in_dim3A_406 = vector.broadcast %jit3A_405 : i32 to vector<16xi32>
      %select_n3A_407 = arith.select %lt3A_400, %get3A_404, %broadcast_in_dim3A_406 : vector<16xi1>, vector<16xi32>
      %add3A_408 = arith.addi %get3A_402, %select_n3A_407 : vector<16xi32>
      %swap3A_409 = arith.constant 0 : index
      %swap3A_410 = tpu.vector_load %arg7[%swap3A_409] {strides = array<i32>} : memref<64xi32, #tpu.memory_space<vmem>>, vector<16xi32>,
      tpu.vector_store %arg7[%swap3A_409], %add3A_408 {strides = array<i32>} : memref<64xi32, #tpu.memory_space<vmem>>, vector<16xi32>,
      %get3A_411 = arith.constant 16 : index
      %get3A_412 = tpu.vector_load %arg7[%get3A_411] {strides = array<i32>} : memref<64xi32, #tpu.memory_space<vmem>>, vector<16xi32>,
      %get3A_413 = arith.constant 528 : index
      %get3A_414 = tpu.vector_load %arg8[%get3A_413] {strides = array<i32>} : memref<1024xi32, #tpu.memory_space<vmem>>, vector<16xi32>,
      %jit3A_415 = arith.constant 0 : i32
      %broadcast_in_dim3A_416 = vector.broadcast %jit3A_415 : i32 to vector<16xi32>
      %select_n3A_417 = arith.select %lt3A_400, %get3A_414, %broadcast_in_dim3A_416 : vector<16xi1>, vector<16xi32>
      %add3A_418 = arith.addi %get3A_412, %select_n3A_417 : vector<16xi32>
      %swap3A_419 = arith.constant 16 : index
      %swap3A_420 = tpu.vector_load %arg7[%swap3A_419] {strides = array<i32>} : memref<64xi32, #tpu.memory_space<vmem>>, vector<16xi32>,
      tpu.vector_store %arg7[%swap3A_419], %add3A_418 {strides = array<i32>} : memref<64xi32, #tpu.memory_space<vmem>>, vector<16xi32>,
      %get3A_421 = arith.constant 32 : index
      %get3A_422 = tpu.vector_load %arg7[%get3A_421] {strides = array<i32>} : memref<64xi32, #tpu.memory_space<vmem>>, vector<16xi32>,
      %get3A_423 = arith.constant 544 : index
      %get3A_424 = tpu.vector_load %arg8[%get3A_423] {strides = array<i32>} : memref<1024xi32, #tpu.memory_space<vmem>>, vector<16xi32>,
      %jit3A_425 = arith.constant 0 : i32
      %broadcast_in_dim3A_426 = vector.broadcast %jit3A_425 : i32 to vector<16xi32>
      %select_n3A_427 = arith.select %lt3A_400, %get3A_424, %broadcast_in_dim3A_426 : vector<16xi1>, vector<16xi32>
      %add3A_428 = arith.addi %get3A_422, %select_n3A_427 : vector<16xi32>
      %swap3A_429 = arith.constant 32 : index
      %swap3A_430 = tpu.vector_load %arg7[%swap3A_429] {strides = array<i32>} : memref<64xi32, #tpu.memory_space<vmem>>, vector<16xi32>,
      tpu.vector_store %arg7[%swap3A_429], %add3A_428 {strides = array<i32>} : memref<64xi32, #tpu.memory_space<vmem>>, vector<16xi32>,
      %get3A_431 = arith.constant 48 : index
      %get3A_432 = tpu.vector_load %arg7[%get3A_431] {strides = array<i32>} : memref<64xi32, #tpu.memory_space<vmem>>, vector<16xi32>,
      %get3A_433 = arith.constant 560 : index
      %get3A_434 = tpu.vector_load %arg8[%get3A_433] {strides = array<i32>} : memref<1024xi32, #tpu.memory_space<vmem>>, vector<16xi32>,
      %jit3A_435 = arith.constant 0 : i32
      %broadcast_in_dim3A_436 = vector.broadcast %jit3A_435 : i32 to vector<16xi32>
      %select_n3A_437 = arith.select %lt3A_400, %get3A_434, %broadcast_in_dim3A_436 : vector<16xi1>, vector<16xi32>
      %add3A_438 = arith.addi %get3A_432, %select_n3A_437 : vector<16xi32>
      %swap3A_439 = arith.constant 48 : index
      %swap3A_440 = tpu.vector_load %arg7[%swap3A_439] {strides = array<i32>} : memref<64xi32, #tpu.memory_space<vmem>>, vector<16xi32>,
      tpu.vector_store %arg7[%swap3A_439], %add3A_438 {strides = array<i32>} : memref<64xi32, #tpu.memory_space<vmem>>, vector<16xi32>,
      %broadcast_in_dim3A_441 = arith.constant 9 : i32
      %broadcast_in_dim3A_442 = vector.broadcast %broadcast_in_dim3A_441 : i32 to vector<16xi32>
      %broadcast_in_dim3A_443 = arith.constant 1 : i32
      %broadcast_in_dim3A_444 = vector.broadcast %broadcast_in_dim3A_443 : i32 to vector<16xi32>
      %mul3A_445 = vector.broadcast %arg1 : i32 to vector<16xi32>
      %mul3A_446 = arith.muli %broadcast_in_dim3A_444, %mul3A_445 : vector<16xi32>
      %lt3A_447 = arith.cmpi slt, %broadcast_in_dim3A_442, %mul3A_446 : vector<16xi32>
      %get3A_448 = arith.constant 0 : index
      %get3A_449 = tpu.vector_load %arg7[%get3A_448] {strides = array<i32>} : memref<64xi32, #tpu.memory_space<vmem>>, vector<16xi32>,
      %get3A_450 = arith.constant 576 : index
      %get3A_451 = tpu.vector_load %arg8[%get3A_450] {strides = array<i32>} : memref<1024xi32, #tpu.memory_space<vmem>>, vector<16xi32>,
      %jit3A_452 = arith.constant 0 : i32
      %broadcast_in_dim3A_453 = vector.broadcast %jit3A_452 : i32 to vector<16xi32>
      %select_n3A_454 = arith.select %lt3A_447, %get3A_451, %broadcast_in_dim3A_453 : vector<16xi1>, vector<16xi32>
      %add3A_455 = arith.addi %get3A_449, %select_n3A_454 : vector<16xi32>
      %swap3A_456 = arith.constant 0 : index
      %swap3A_457 = tpu.vector_load %arg7[%swap3A_456] {strides = array<i32>} : memref<64xi32, #tpu.memory_space<vmem>>, vector<16xi32>,
      tpu.vector_store %arg7[%swap3A_456], %add3A_455 {strides = array<i32>} : memref<64xi32, #tpu.memory_space<vmem>>, vector<16xi32>,
      %get3A_458 = arith.constant 16 : index
      %get3A_459 = tpu.vector_load %arg7[%get3A_458] {strides = array<i32>} : memref<64xi32, #tpu.memory_space<vmem>>, vector<16xi32>,
      %get3A_460 = arith.constant 592 : index
      %get3A_461 = tpu.vector_load %arg8[%get3A_460] {strides = array<i32>} : memref<1024xi32, #tpu.memory_space<vmem>>, vector<16xi32>,
      %jit3A_462 = arith.constant 0 : i32
      %broadcast_in_dim3A_463 = vector.broadcast %jit3A_462 : i32 to vector<16xi32>
      %select_n3A_464 = arith.select %lt3A_447, %get3A_461, %broadcast_in_dim3A_463 : vector<16xi1>, vector<16xi32>
      %add3A_465 = arith.addi %get3A_459, %select_n3A_464 : vector<16xi32>
      %swap3A_466 = arith.constant 16 : index
      %swap3A_467 = tpu.vector_load %arg7[%swap3A_466] {strides = array<i32>} : memref<64xi32, #tpu.memory_space<vmem>>, vector<16xi32>,
      tpu.vector_store %arg7[%swap3A_466], %add3A_465 {strides = array<i32>} : memref<64xi32, #tpu.memory_space<vmem>>, vector<16xi32>,
      %get3A_468 = arith.constant 32 : index
      %get3A_469 = tpu.vector_load %arg7[%get3A_468] {strides = array<i32>} : memref<64xi32, #tpu.memory_space<vmem>>, vector<16xi32>,
      %get3A_470 = arith.constant 608 : index
      %get3A_471 = tpu.vector_load %arg8[%get3A_470] {strides = array<i32>} : memref<1024xi32, #tpu.memory_space<vmem>>, vector<16xi32>,
      %jit3A_472 = arith.constant 0 : i32
      %broadcast_in_dim3A_473 = vector.broadcast %jit3A_472 : i32 to vector<16xi32>
      %select_n3A_474 = arith.select %lt3A_447, %get3A_471, %broadcast_in_dim3A_473 : vector<16xi1>, vector<16xi32>
      %add3A_475 = arith.addi %get3A_469, %select_n3A_474 : vector<16xi32>
      %swap3A_476 = arith.constant 32 : index
      %swap3A_477 = tpu.vector_load %arg7[%swap3A_476] {strides = array<i32>} : memref<64xi32, #tpu.memory_space<vmem>>, vector<16xi32>,
      tpu.vector_store %arg7[%swap3A_476], %add3A_475 {strides = array<i32>} : memref<64xi32, #tpu.memory_space<vmem>>, vector<16xi32>,
      %get3A_478 = arith.constant 48 : index
      %get3A_479 = tpu.vector_load %arg7[%get3A_478] {strides = array<i32>} : memref<64xi32, #tpu.memory_space<vmem>>, vector<16xi32>,
      %get3A_480 = arith.constant 624 : index
      %get3A_481 = tpu.vector_load %arg8[%get3A_480] {strides = array<i32>} : memref<1024xi32, #tpu.memory_space<vmem>>, vector<16xi32>,
      %jit3A_482 = arith.constant 0 : i32
      %broadcast_in_dim3A_483 = vector.broadcast %jit3A_482 : i32 to vector<16xi32>
      %select_n3A_484 = arith.select %lt3A_447, %get3A_481, %broadcast_in_dim3A_483 : vector<16xi1>, vector<16xi32>
      %add3A_485 = arith.addi %get3A_479, %select_n3A_484 : vector<16xi32>
      %swap3A_486 = arith.constant 48 : index
      %swap3A_487 = tpu.vector_load %arg7[%swap3A_486] {strides = array<i32>} : memref<64xi32, #tpu.memory_space<vmem>>, vector<16xi32>,
      tpu.vector_store %arg7[%swap3A_486], %add3A_485 {strides = array<i32>} : memref<64xi32, #tpu.memory_space<vmem>>, vector<16xi32>,
      %broadcast_in_dim3A_488 = arith.constant 10 : i32
      %broadcast_in_dim3A_489 = vector.broadcast %broadcast_in_dim3A_488 : i32 to vector<16xi32>
      %broadcast_in_dim3A_490 = arith.constant 1 : i32
      %broadcast_in_dim3A_491 = vector.broadcast %broadcast_in_dim3A_490 : i32 to vector<16xi32>
      %mul3A_492 = vector.broadcast %arg1 : i32 to vector<16xi32>
      %mul3A_493 = arith.muli %broadcast_in_dim3A_491, %mul3A_492 : vector<16xi32>
      %lt3A_494 = arith.cmpi slt, %broadcast_in_dim3A_489, %mul3A_493 : vector<16xi32>
      %get3A_495 = arith.constant 0 : index
      %get3A_496 = tpu.vector_load %arg7[%get3A_495] {strides = array<i32>} : memref<64xi32, #tpu.memory_space<vmem>>, vector<16xi32>,
      %get3A_497 = arith.constant 640 : index
      %get3A_498 = tpu.vector_load %arg8[%get3A_497] {strides = array<i32>} : memref<1024xi32, #tpu.memory_space<vmem>>, vector<16xi32>,
      %jit3A_499 = arith.constant 0 : i32
      %broadcast_in_dim3A_500 = vector.broadcast %jit3A_499 : i32 to vector<16xi32>
      %select_n3A_501 = arith.select %lt3A_494, %get3A_498, %broadcast_in_dim3A_500 : vector<16xi1>, vector<16xi32>
      %add3A_502 = arith.addi %get3A_496, %select_n3A_501 : vector<16xi32>
      %swap3A_503 = arith.constant 0 : index
      %swap3A_504 = tpu.vector_load %arg7[%swap3A_503] {strides = array<i32>} : memref<64xi32, #tpu.memory_space<vmem>>, vector<16xi32>,
      tpu.vector_store %arg7[%swap3A_503], %add3A_502 {strides = array<i32>} : memref<64xi32, #tpu.memory_space<vmem>>, vector<16xi32>,
      %get3A_505 = arith.constant 16 : index
      %get3A_506 = tpu.vector_load %arg7[%get3A_505] {strides = array<i32>} : memref<64xi32, #tpu.memory_space<vmem>>, vector<16xi32>,
      %get3A_507 = arith.constant 656 : index
      %get3A_508 = tpu.vector_load %arg8[%get3A_507] {strides = array<i32>} : memref<1024xi32, #tpu.memory_space<vmem>>, vector<16xi32>,
      %jit3A_509 = arith.constant 0 : i32
      %broadcast_in_dim3A_510 = vector.broadcast %jit3A_509 : i32 to vector<16xi32>
      %select_n3A_511 = arith.select %lt3A_494, %get3A_508, %broadcast_in_dim3A_510 : vector<16xi1>, vector<16xi32>
      %add3A_512 = arith.addi %get3A_506, %select_n3A_511 : vector<16xi32>
      %swap3A_513 = arith.constant 16 : index
      %swap3A_514 = tpu.vector_load %arg7[%swap3A_513] {strides = array<i32>} : memref<64xi32, #tpu.memory_space<vmem>>, vector<16xi32>,
      tpu.vector_store %arg7[%swap3A_513], %add3A_512 {strides = array<i32>} : memref<64xi32, #tpu.memory_space<vmem>>, vector<16xi32>,
      %get3A_515 = arith.constant 32 : index
      %get3A_516 = tpu.vector_load %arg7[%get3A_515] {strides = array<i32>} : memref<64xi32, #tpu.memory_space<vmem>>, vector<16xi32>,
      %get3A_517 = arith.constant 672 : index
      %get3A_518 = tpu.vector_load %arg8[%get3A_517] {strides = array<i32>} : memref<1024xi32, #tpu.memory_space<vmem>>, vector<16xi32>,
      %jit3A_519 = arith.constant 0 : i32
      %broadcast_in_dim3A_520 = vector.broadcast %jit3A_519 : i32 to vector<16xi32>
      %select_n3A_521 = arith.select %lt3A_494, %get3A_518, %broadcast_in_dim3A_520 : vector<16xi1>, vector<16xi32>
      %add3A_522 = arith.addi %get3A_516, %select_n3A_521 : vector<16xi32>
      %swap3A_523 = arith.constant 32 : index
      %swap3A_524 = tpu.vector_load %arg7[%swap3A_523] {strides = array<i32>} : memref<64xi32, #tpu.memory_space<vmem>>, vector<16xi32>,
      tpu.vector_store %arg7[%swap3A_523], %add3A_522 {strides = array<i32>} : memref<64xi32, #tpu.memory_space<vmem>>, vector<16xi32>,
      %get3A_525 = arith.constant 48 : index
      %get3A_526 = tpu.vector_load %arg7[%get3A_525] {strides = array<i32>} : memref<64xi32, #tpu.memory_space<vmem>>, vector<16xi32>,
      %get3A_527 = arith.constant 688 : index
      %get3A_528 = tpu.vector_load %arg8[%get3A_527] {strides = array<i32>} : memref<1024xi32, #tpu.memory_space<vmem>>, vector<16xi32>,
      %jit3A_529 = arith.constant 0 : i32
      %broadcast_in_dim3A_530 = vector.broadcast %jit3A_529 : i32 to vector<16xi32>
      %select_n3A_531 = arith.select %lt3A_494, %get3A_528, %broadcast_in_dim3A_530 : vector<16xi1>, vector<16xi32>
      %add3A_532 = arith.addi %get3A_526, %select_n3A_531 : vector<16xi32>
      %swap3A_533 = arith.constant 48 : index
      %swap3A_534 = tpu.vector_load %arg7[%swap3A_533] {strides = array<i32>} : memref<64xi32, #tpu.memory_space<vmem>>, vector<16xi32>,
      tpu.vector_store %arg7[%swap3A_533], %add3A_532 {strides = array<i32>} : memref<64xi32, #tpu.memory_space<vmem>>, vector<16xi32>,
      %broadcast_in_dim3A_535 = arith.constant 11 : i32
      %broadcast_in_dim3A_536 = vector.broadcast %broadcast_in_dim3A_535 : i32 to vector<16xi32>
      %broadcast_in_dim3A_537 = arith.constant 1 : i32
      %broadcast_in_dim3A_538 = vector.broadcast %broadcast_in_dim3A_537 : i32 to vector<16xi32>
      %mul3A_539 = vector.broadcast %arg1 : i32 to vector<16xi32>
      %mul3A_540 = arith.muli %broadcast_in_dim3A_538, %mul3A_539 : vector<16xi32>
      %lt3A_541 = arith.cmpi slt, %broadcast_in_dim3A_536, %mul3A_540 : vector<16xi32>
      %get3A_542 = arith.constant 0 : index
      %get3A_543 = tpu.vector_load %arg7[%get3A_542] {strides = array<i32>} : memref<64xi32, #tpu.memory_space<vmem>>, vector<16xi32>,
      %get3A_544 = arith.constant 704 : index
      %get3A_545 = tpu.vector_load %arg8[%get3A_544] {strides = array<i32>} : memref<1024xi32, #tpu.memory_space<vmem>>, vector<16xi32>,
      %jit3A_546 = arith.constant 0 : i32
      %broadcast_in_dim3A_547 = vector.broadcast %jit3A_546 : i32 to vector<16xi32>
      %select_n3A_548 = arith.select %lt3A_541, %get3A_545, %broadcast_in_dim3A_547 : vector<16xi1>, vector<16xi32>
      %add3A_549 = arith.addi %get3A_543, %select_n3A_548 : vector<16xi32>
      %swap3A_550 = arith.constant 0 : index
      %swap3A_551 = tpu.vector_load %arg7[%swap3A_550] {strides = array<i32>} : memref<64xi32, #tpu.memory_space<vmem>>, vector<16xi32>,
      tpu.vector_store %arg7[%swap3A_550], %add3A_549 {strides = array<i32>} : memref<64xi32, #tpu.memory_space<vmem>>, vector<16xi32>,
      %get3A_552 = arith.constant 16 : index
      %get3A_553 = tpu.vector_load %arg7[%get3A_552] {strides = array<i32>} : memref<64xi32, #tpu.memory_space<vmem>>, vector<16xi32>,
      %get3A_554 = arith.constant 720 : index
      %get3A_555 = tpu.vector_load %arg8[%get3A_554] {strides = array<i32>} : memref<1024xi32, #tpu.memory_space<vmem>>, vector<16xi32>,
      %jit3A_556 = arith.constant 0 : i32
      %broadcast_in_dim3A_557 = vector.broadcast %jit3A_556 : i32 to vector<16xi32>
      %select_n3A_558 = arith.select %lt3A_541, %get3A_555, %broadcast_in_dim3A_557 : vector<16xi1>, vector<16xi32>
      %add3A_559 = arith.addi %get3A_553, %select_n3A_558 : vector<16xi32>
      %swap3A_560 = arith.constant 16 : index
      %swap3A_561 = tpu.vector_load %arg7[%swap3A_560] {strides = array<i32>} : memref<64xi32, #tpu.memory_space<vmem>>, vector<16xi32>,
      tpu.vector_store %arg7[%swap3A_560], %add3A_559 {strides = array<i32>} : memref<64xi32, #tpu.memory_space<vmem>>, vector<16xi32>,
      %get3A_562 = arith.constant 32 : index
      %get3A_563 = tpu.vector_load %arg7[%get3A_562] {strides = array<i32>} : memref<64xi32, #tpu.memory_space<vmem>>, vector<16xi32>,
      %get3A_564 = arith.constant 736 : index
      %get3A_565 = tpu.vector_load %arg8[%get3A_564] {strides = array<i32>} : memref<1024xi32, #tpu.memory_space<vmem>>, vector<16xi32>,
      %jit3A_566 = arith.constant 0 : i32
      %broadcast_in_dim3A_567 = vector.broadcast %jit3A_566 : i32 to vector<16xi32>
      %select_n3A_568 = arith.select %lt3A_541, %get3A_565, %broadcast_in_dim3A_567 : vector<16xi1>, vector<16xi32>
      %add3A_569 = arith.addi %get3A_563, %select_n3A_568 : vector<16xi32>
      %swap3A_570 = arith.constant 32 : index
      %swap3A_571 = tpu.vector_load %arg7[%swap3A_570] {strides = array<i32>} : memref<64xi32, #tpu.memory_space<vmem>>, vector<16xi32>,
      tpu.vector_store %arg7[%swap3A_570], %add3A_569 {strides = array<i32>} : memref<64xi32, #tpu.memory_space<vmem>>, vector<16xi32>,
      %get3A_572 = arith.constant 48 : index
      %get3A_573 = tpu.vector_load %arg7[%get3A_572] {strides = array<i32>} : memref<64xi32, #tpu.memory_space<vmem>>, vector<16xi32>,
      %get3A_574 = arith.constant 752 : index
      %get3A_575 = tpu.vector_load %arg8[%get3A_574] {strides = array<i32>} : memref<1024xi32, #tpu.memory_space<vmem>>, vector<16xi32>,
      %jit3A_576 = arith.constant 0 : i32
      %broadcast_in_dim3A_577 = vector.broadcast %jit3A_576 : i32 to vector<16xi32>
      %select_n3A_578 = arith.select %lt3A_541, %get3A_575, %broadcast_in_dim3A_577 : vector<16xi1>, vector<16xi32>
      %add3A_579 = arith.addi %get3A_573, %select_n3A_578 : vector<16xi32>
      %swap3A_580 = arith.constant 48 : index
      %swap3A_581 = tpu.vector_load %arg7[%swap3A_580] {strides = array<i32>} : memref<64xi32, #tpu.memory_space<vmem>>, vector<16xi32>,
      tpu.vector_store %arg7[%swap3A_580], %add3A_579 {strides = array<i32>} : memref<64xi32, #tpu.memory_space<vmem>>, vector<16xi32>,
      %broadcast_in_dim3A_582 = arith.constant 12 : i32
      %broadcast_in_dim3A_583 = vector.broadcast %broadcast_in_dim3A_582 : i32 to vector<16xi32>
      %broadcast_in_dim3A_584 = arith.constant 1 : i32
      %broadcast_in_dim3A_585 = vector.broadcast %broadcast_in_dim3A_584 : i32 to vector<16xi32>
      %mul3A_586 = vector.broadcast %arg1 : i32 to vector<16xi32>
      %mul3A_587 = arith.muli %broadcast_in_dim3A_585, %mul3A_586 : vector<16xi32>
      %lt3A_588 = arith.cmpi slt, %broadcast_in_dim3A_583, %mul3A_587 : vector<16xi32>
      %get3A_589 = arith.constant 0 : index
      %get3A_590 = tpu.vector_load %arg7[%get3A_589] {strides = array<i32>} : memref<64xi32, #tpu.memory_space<vmem>>, vector<16xi32>,
      %get3A_591 = arith.constant 768 : index
      %get3A_592 = tpu.vector_load %arg8[%get3A_591] {strides = array<i32>} : memref<1024xi32, #tpu.memory_space<vmem>>, vector<16xi32>,
      %jit3A_593 = arith.constant 0 : i32
      %broadcast_in_dim3A_594 = vector.broadcast %jit3A_593 : i32 to vector<16xi32>
      %select_n3A_595 = arith.select %lt3A_588, %get3A_592, %broadcast_in_dim3A_594 : vector<16xi1>, vector<16xi32>
      %add3A_596 = arith.addi %get3A_590, %select_n3A_595 : vector<16xi32>
      %swap3A_597 = arith.constant 0 : index
      %swap3A_598 = tpu.vector_load %arg7[%swap3A_597] {strides = array<i32>} : memref<64xi32, #tpu.memory_space<vmem>>, vector<16xi32>,
      tpu.vector_store %arg7[%swap3A_597], %add3A_596 {strides = array<i32>} : memref<64xi32, #tpu.memory_space<vmem>>, vector<16xi32>,
      %get3A_599 = arith.constant 16 : index
      %get3A_600 = tpu.vector_load %arg7[%get3A_599] {strides = array<i32>} : memref<64xi32, #tpu.memory_space<vmem>>, vector<16xi32>,
      %get3A_601 = arith.constant 784 : index
      %get3A_602 = tpu.vector_load %arg8[%get3A_601] {strides = array<i32>} : memref<1024xi32, #tpu.memory_space<vmem>>, vector<16xi32>,
      %jit3A_603 = arith.constant 0 : i32
      %broadcast_in_dim3A_604 = vector.broadcast %jit3A_603 : i32 to vector<16xi32>
      %select_n3A_605 = arith.select %lt3A_588, %get3A_602, %broadcast_in_dim3A_604 : vector<16xi1>, vector<16xi32>
      %add3A_606 = arith.addi %get3A_600, %select_n3A_605 : vector<16xi32>
      %swap3A_607 = arith.constant 16 : index
      %swap3A_608 = tpu.vector_load %arg7[%swap3A_607] {strides = array<i32>} : memref<64xi32, #tpu.memory_space<vmem>>, vector<16xi32>,
      tpu.vector_store %arg7[%swap3A_607], %add3A_606 {strides = array<i32>} : memref<64xi32, #tpu.memory_space<vmem>>, vector<16xi32>,
      %get3A_609 = arith.constant 32 : index
      %get3A_610 = tpu.vector_load %arg7[%get3A_609] {strides = array<i32>} : memref<64xi32, #tpu.memory_space<vmem>>, vector<16xi32>,
      %get3A_611 = arith.constant 800 : index
      %get3A_612 = tpu.vector_load %arg8[%get3A_611] {strides = array<i32>} : memref<1024xi32, #tpu.memory_space<vmem>>, vector<16xi32>,
      %jit3A_613 = arith.constant 0 : i32
      %broadcast_in_dim3A_614 = vector.broadcast %jit3A_613 : i32 to vector<16xi32>
      %select_n3A_615 = arith.select %lt3A_588, %get3A_612, %broadcast_in_dim3A_614 : vector<16xi1>, vector<16xi32>
      %add3A_616 = arith.addi %get3A_610, %select_n3A_615 : vector<16xi32>
      %swap3A_617 = arith.constant 32 : index
      %swap3A_618 = tpu.vector_load %arg7[%swap3A_617] {strides = array<i32>} : memref<64xi32, #tpu.memory_space<vmem>>, vector<16xi32>,
      tpu.vector_store %arg7[%swap3A_617], %add3A_616 {strides = array<i32>} : memref<64xi32, #tpu.memory_space<vmem>>, vector<16xi32>,
      %get3A_619 = arith.constant 48 : index
      %get3A_620 = tpu.vector_load %arg7[%get3A_619] {strides = array<i32>} : memref<64xi32, #tpu.memory_space<vmem>>, vector<16xi32>,
      %get3A_621 = arith.constant 816 : index
      %get3A_622 = tpu.vector_load %arg8[%get3A_621] {strides = array<i32>} : memref<1024xi32, #tpu.memory_space<vmem>>, vector<16xi32>,
      %jit3A_623 = arith.constant 0 : i32
      %broadcast_in_dim3A_624 = vector.broadcast %jit3A_623 : i32 to vector<16xi32>
      %select_n3A_625 = arith.select %lt3A_588, %get3A_622, %broadcast_in_dim3A_624 : vector<16xi1>, vector<16xi32>
      %add3A_626 = arith.addi %get3A_620, %select_n3A_625 : vector<16xi32>
      %swap3A_627 = arith.constant 48 : index
      %swap3A_628 = tpu.vector_load %arg7[%swap3A_627] {strides = array<i32>} : memref<64xi32, #tpu.memory_space<vmem>>, vector<16xi32>,
      tpu.vector_store %arg7[%swap3A_627], %add3A_626 {strides = array<i32>} : memref<64xi32, #tpu.memory_space<vmem>>, vector<16xi32>,
      %broadcast_in_dim3A_629 = arith.constant 13 : i32
      %broadcast_in_dim3A_630 = vector.broadcast %broadcast_in_dim3A_629 : i32 to vector<16xi32>
      %broadcast_in_dim3A_631 = arith.constant 1 : i32
      %broadcast_in_dim3A_632 = vector.broadcast %broadcast_in_dim3A_631 : i32 to vector<16xi32>
      %mul3A_633 = vector.broadcast %arg1 : i32 to vector<16xi32>
      %mul3A_634 = arith.muli %broadcast_in_dim3A_632, %mul3A_633 : vector<16xi32>
      %lt3A_635 = arith.cmpi slt, %broadcast_in_dim3A_630, %mul3A_634 : vector<16xi32>
      %get3A_636 = arith.constant 0 : index
      %get3A_637 = tpu.vector_load %arg7[%get3A_636] {strides = array<i32>} : memref<64xi32, #tpu.memory_space<vmem>>, vector<16xi32>,
      %get3A_638 = arith.constant 832 : index
      %get3A_639 = tpu.vector_load %arg8[%get3A_638] {strides = array<i32>} : memref<1024xi32, #tpu.memory_space<vmem>>, vector<16xi32>,
      %jit3A_640 = arith.constant 0 : i32
      %broadcast_in_dim3A_641 = vector.broadcast %jit3A_640 : i32 to vector<16xi32>
      %select_n3A_642 = arith.select %lt3A_635, %get3A_639, %broadcast_in_dim3A_641 : vector<16xi1>, vector<16xi32>
      %add3A_643 = arith.addi %get3A_637, %select_n3A_642 : vector<16xi32>
      %swap3A_644 = arith.constant 0 : index
      %swap3A_645 = tpu.vector_load %arg7[%swap3A_644] {strides = array<i32>} : memref<64xi32, #tpu.memory_space<vmem>>, vector<16xi32>,
      tpu.vector_store %arg7[%swap3A_644], %add3A_643 {strides = array<i32>} : memref<64xi32, #tpu.memory_space<vmem>>, vector<16xi32>,
      %get3A_646 = arith.constant 16 : index
      %get3A_647 = tpu.vector_load %arg7[%get3A_646] {strides = array<i32>} : memref<64xi32, #tpu.memory_space<vmem>>, vector<16xi32>,
      %get3A_648 = arith.constant 848 : index
      %get3A_649 = tpu.vector_load %arg8[%get3A_648] {strides = array<i32>} : memref<1024xi32, #tpu.memory_space<vmem>>, vector<16xi32>,
      %jit3A_650 = arith.constant 0 : i32
      %broadcast_in_dim3A_651 = vector.broadcast %jit3A_650 : i32 to vector<16xi32>
      %select_n3A_652 = arith.select %lt3A_635, %get3A_649, %broadcast_in_dim3A_651 : vector<16xi1>, vector<16xi32>
      %add3A_653 = arith.addi %get3A_647, %select_n3A_652 : vector<16xi32>
      %swap3A_654 = arith.constant 16 : index
      %swap3A_655 = tpu.vector_load %arg7[%swap3A_654] {strides = array<i32>} : memref<64xi32, #tpu.memory_space<vmem>>, vector<16xi32>,
      tpu.vector_store %arg7[%swap3A_654], %add3A_653 {strides = array<i32>} : memref<64xi32, #tpu.memory_space<vmem>>, vector<16xi32>,
      %get3A_656 = arith.constant 32 : index
      %get3A_657 = tpu.vector_load %arg7[%get3A_656] {strides = array<i32>} : memref<64xi32, #tpu.memory_space<vmem>>, vector<16xi32>,
      %get3A_658 = arith.constant 864 : index
      %get3A_659 = tpu.vector_load %arg8[%get3A_658] {strides = array<i32>} : memref<1024xi32, #tpu.memory_space<vmem>>, vector<16xi32>,
      %jit3A_660 = arith.constant 0 : i32
      %broadcast_in_dim3A_661 = vector.broadcast %jit3A_660 : i32 to vector<16xi32>
      %select_n3A_662 = arith.select %lt3A_635, %get3A_659, %broadcast_in_dim3A_661 : vector<16xi1>, vector<16xi32>
      %add3A_663 = arith.addi %get3A_657, %select_n3A_662 : vector<16xi32>
      %swap3A_664 = arith.constant 32 : index
      %swap3A_665 = tpu.vector_load %arg7[%swap3A_664] {strides = array<i32>} : memref<64xi32, #tpu.memory_space<vmem>>, vector<16xi32>,
      tpu.vector_store %arg7[%swap3A_664], %add3A_663 {strides = array<i32>} : memref<64xi32, #tpu.memory_space<vmem>>, vector<16xi32>,
      %get3A_666 = arith.constant 48 : index
      %get3A_667 = tpu.vector_load %arg7[%get3A_666] {strides = array<i32>} : memref<64xi32, #tpu.memory_space<vmem>>, vector<16xi32>,
      %get3A_668 = arith.constant 880 : index
      %get3A_669 = tpu.vector_load %arg8[%get3A_668] {strides = array<i32>} : memref<1024xi32, #tpu.memory_space<vmem>>, vector<16xi32>,
      %jit3A_670 = arith.constant 0 : i32
      %broadcast_in_dim3A_671 = vector.broadcast %jit3A_670 : i32 to vector<16xi32>
      %select_n3A_672 = arith.select %lt3A_635, %get3A_669, %broadcast_in_dim3A_671 : vector<16xi1>, vector<16xi32>
      %add3A_673 = arith.addi %get3A_667, %select_n3A_672 : vector<16xi32>
      %swap3A_674 = arith.constant 48 : index
      %swap3A_675 = tpu.vector_load %arg7[%swap3A_674] {strides = array<i32>} : memref<64xi32, #tpu.memory_space<vmem>>, vector<16xi32>,
      tpu.vector_store %arg7[%swap3A_674], %add3A_673 {strides = array<i32>} : memref<64xi32, #tpu.memory_space<vmem>>, vector<16xi32>,
      %broadcast_in_dim3A_676 = arith.constant 14 : i32
      %broadcast_in_dim3A_677 = vector.broadcast %broadcast_in_dim3A_676 : i32 to vector<16xi32>
      %broadcast_in_dim3A_678 = arith.constant 1 : i32
      %broadcast_in_dim3A_679 = vector.broadcast %broadcast_in_dim3A_678 : i32 to vector<16xi32>
      %mul3A_680 = vector.broadcast %arg1 : i32 to vector<16xi32>
      %mul3A_681 = arith.muli %broadcast_in_dim3A_679, %mul3A_680 : vector<16xi32>
      %lt3A_682 = arith.cmpi slt, %broadcast_in_dim3A_677, %mul3A_681 : vector<16xi32>
      %get3A_683 = arith.constant 0 : index
      %get3A_684 = tpu.vector_load %arg7[%get3A_683] {strides = array<i32>} : memref<64xi32, #tpu.memory_space<vmem>>, vector<16xi32>,
      %get3A_685 = arith.constant 896 : index
      %get3A_686 = tpu.vector_load %arg8[%get3A_685] {strides = array<i32>} : memref<1024xi32, #tpu.memory_space<vmem>>, vector<16xi32>,
      %jit3A_687 = arith.constant 0 : i32
      %broadcast_in_dim3A_688 = vector.broadcast %jit3A_687 : i32 to vector<16xi32>
      %select_n3A_689 = arith.select %lt3A_682, %get3A_686, %broadcast_in_dim3A_688 : vector<16xi1>, vector<16xi32>
      %add3A_690 = arith.addi %get3A_684, %select_n3A_689 : vector<16xi32>
      %swap3A_691 = arith.constant 0 : index
      %swap3A_692 = tpu.vector_load %arg7[%swap3A_691] {strides = array<i32>} : memref<64xi32, #tpu.memory_space<vmem>>, vector<16xi32>,
      tpu.vector_store %arg7[%swap3A_691], %add3A_690 {strides = array<i32>} : memref<64xi32, #tpu.memory_space<vmem>>, vector<16xi32>,
      %get3A_693 = arith.constant 16 : index
      %get3A_694 = tpu.vector_load %arg7[%get3A_693] {strides = array<i32>} : memref<64xi32, #tpu.memory_space<vmem>>, vector<16xi32>,
      %get3A_695 = arith.constant 912 : index
      %get3A_696 = tpu.vector_load %arg8[%get3A_695] {strides = array<i32>} : memref<1024xi32, #tpu.memory_space<vmem>>, vector<16xi32>,
      %jit3A_697 = arith.constant 0 : i32
      %broadcast_in_dim3A_698 = vector.broadcast %jit3A_697 : i32 to vector<16xi32>
      %select_n3A_699 = arith.select %lt3A_682, %get3A_696, %broadcast_in_dim3A_698 : vector<16xi1>, vector<16xi32>
      %add3A_700 = arith.addi %get3A_694, %select_n3A_699 : vector<16xi32>
      %swap3A_701 = arith.constant 16 : index
      %swap3A_702 = tpu.vector_load %arg7[%swap3A_701] {strides = array<i32>} : memref<64xi32, #tpu.memory_space<vmem>>, vector<16xi32>,
      tpu.vector_store %arg7[%swap3A_701], %add3A_700 {strides = array<i32>} : memref<64xi32, #tpu.memory_space<vmem>>, vector<16xi32>,
      %get3A_703 = arith.constant 32 : index
      %get3A_704 = tpu.vector_load %arg7[%get3A_703] {strides = array<i32>} : memref<64xi32, #tpu.memory_space<vmem>>, vector<16xi32>,
      %get3A_705 = arith.constant 928 : index
      %get3A_706 = tpu.vector_load %arg8[%get3A_705] {strides = array<i32>} : memref<1024xi32, #tpu.memory_space<vmem>>, vector<16xi32>,
      %jit3A_707 = arith.constant 0 : i32
      %broadcast_in_dim3A_708 = vector.broadcast %jit3A_707 : i32 to vector<16xi32>
      %select_n3A_709 = arith.select %lt3A_682, %get3A_706, %broadcast_in_dim3A_708 : vector<16xi1>, vector<16xi32>
      %add3A_710 = arith.addi %get3A_704, %select_n3A_709 : vector<16xi32>
      %swap3A_711 = arith.constant 32 : index
      %swap3A_712 = tpu.vector_load %arg7[%swap3A_711] {strides = array<i32>} : memref<64xi32, #tpu.memory_space<vmem>>, vector<16xi32>,
      tpu.vector_store %arg7[%swap3A_711], %add3A_710 {strides = array<i32>} : memref<64xi32, #tpu.memory_space<vmem>>, vector<16xi32>,
      %get3A_713 = arith.constant 48 : index
      %get3A_714 = tpu.vector_load %arg7[%get3A_713] {strides = array<i32>} : memref<64xi32, #tpu.memory_space<vmem>>, vector<16xi32>,
      %get3A_715 = arith.constant 944 : index
      %get3A_716 = tpu.vector_load %arg8[%get3A_715] {strides = array<i32>} : memref<1024xi32, #tpu.memory_space<vmem>>, vector<16xi32>,
      %jit3A_717 = arith.constant 0 : i32
      %broadcast_in_dim3A_718 = vector.broadcast %jit3A_717 : i32 to vector<16xi32>
      %select_n3A_719 = arith.select %lt3A_682, %get3A_716, %broadcast_in_dim3A_718 : vector<16xi1>, vector<16xi32>
      %add3A_720 = arith.addi %get3A_714, %select_n3A_719 : vector<16xi32>
      %swap3A_721 = arith.constant 48 : index
      %swap3A_722 = tpu.vector_load %arg7[%swap3A_721] {strides = array<i32>} : memref<64xi32, #tpu.memory_space<vmem>>, vector<16xi32>,
      tpu.vector_store %arg7[%swap3A_721], %add3A_720 {strides = array<i32>} : memref<64xi32, #tpu.memory_space<vmem>>, vector<16xi32>,
      %broadcast_in_dim3A_723 = arith.constant 15 : i32
      %broadcast_in_dim3A_724 = vector.broadcast %broadcast_in_dim3A_723 : i32 to vector<16xi32>
      %broadcast_in_dim3A_725 = arith.constant 1 : i32
      %broadcast_in_dim3A_726 = vector.broadcast %broadcast_in_dim3A_725 : i32 to vector<16xi32>
      %mul3A_727 = vector.broadcast %arg1 : i32 to vector<16xi32>
      %mul3A_728 = arith.muli %broadcast_in_dim3A_726, %mul3A_727 : vector<16xi32>
      %lt3A_729 = arith.cmpi slt, %broadcast_in_dim3A_724, %mul3A_728 : vector<16xi32>
      %get3A_730 = arith.constant 0 : index
      %get3A_731 = tpu.vector_load %arg7[%get3A_730] {strides = array<i32>} : memref<64xi32, #tpu.memory_space<vmem>>, vector<16xi32>,
      %get3A_732 = arith.constant 960 : index
      %get3A_733 = tpu.vector_load %arg8[%get3A_732] {strides = array<i32>} : memref<1024xi32, #tpu.memory_space<vmem>>, vector<16xi32>,
      %jit3A_734 = arith.constant 0 : i32
      %broadcast_in_dim3A_735 = vector.broadcast %jit3A_734 : i32 to vector<16xi32>
      %select_n3A_736 = arith.select %lt3A_729, %get3A_733, %broadcast_in_dim3A_735 : vector<16xi1>, vector<16xi32>
      %add3A_737 = arith.addi %get3A_731, %select_n3A_736 : vector<16xi32>
      %swap3A_738 = arith.constant 0 : index
      %swap3A_739 = tpu.vector_load %arg7[%swap3A_738] {strides = array<i32>} : memref<64xi32, #tpu.memory_space<vmem>>, vector<16xi32>,
      tpu.vector_store %arg7[%swap3A_738], %add3A_737 {strides = array<i32>} : memref<64xi32, #tpu.memory_space<vmem>>, vector<16xi32>,
      %get3A_740 = arith.constant 16 : index
      %get3A_741 = tpu.vector_load %arg7[%get3A_740] {strides = array<i32>} : memref<64xi32, #tpu.memory_space<vmem>>, vector<16xi32>,
      %get3A_742 = arith.constant 976 : index
      %get3A_743 = tpu.vector_load %arg8[%get3A_742] {strides = array<i32>} : memref<1024xi32, #tpu.memory_space<vmem>>, vector<16xi32>,
      %jit3A_744 = arith.constant 0 : i32
      %broadcast_in_dim3A_745 = vector.broadcast %jit3A_744 : i32 to vector<16xi32>
      %select_n3A_746 = arith.select %lt3A_729, %get3A_743, %broadcast_in_dim3A_745 : vector<16xi1>, vector<16xi32>
      %add3A_747 = arith.addi %get3A_741, %select_n3A_746 : vector<16xi32>
      %swap3A_748 = arith.constant 16 : index
      %swap3A_749 = tpu.vector_load %arg7[%swap3A_748] {strides = array<i32>} : memref<64xi32, #tpu.memory_space<vmem>>, vector<16xi32>,
      tpu.vector_store %arg7[%swap3A_748], %add3A_747 {strides = array<i32>} : memref<64xi32, #tpu.memory_space<vmem>>, vector<16xi32>,
      %get3A_750 = arith.constant 32 : index
      %get3A_751 = tpu.vector_load %arg7[%get3A_750] {strides = array<i32>} : memref<64xi32, #tpu.memory_space<vmem>>, vector<16xi32>,
      %get3A_752 = arith.constant 992 : index
      %get3A_753 = tpu.vector_load %arg8[%get3A_752] {strides = array<i32>} : memref<1024xi32, #tpu.memory_space<vmem>>, vector<16xi32>,
      %jit3A_754 = arith.constant 0 : i32
      %broadcast_in_dim3A_755 = vector.broadcast %jit3A_754 : i32 to vector<16xi32>
      %select_n3A_756 = arith.select %lt3A_729, %get3A_753, %broadcast_in_dim3A_755 : vector<16xi1>, vector<16xi32>
      %add3A_757 = arith.addi %get3A_751, %select_n3A_756 : vector<16xi32>
      %swap3A_758 = arith.constant 32 : index
      %swap3A_759 = tpu.vector_load %arg7[%swap3A_758] {strides = array<i32>} : memref<64xi32, #tpu.memory_space<vmem>>, vector<16xi32>,
      tpu.vector_store %arg7[%swap3A_758], %add3A_757 {strides = array<i32>} : memref<64xi32, #tpu.memory_space<vmem>>, vector<16xi32>,
      %get3A_760 = arith.constant 48 : index
      %get3A_761 = tpu.vector_load %arg7[%get3A_760] {strides = array<i32>} : memref<64xi32, #tpu.memory_space<vmem>>, vector<16xi32>,
      %get3A_762 = arith.constant 1008 : index
      %get3A_763 = tpu.vector_load %arg8[%get3A_762] {strides = array<i32>} : memref<1024xi32, #tpu.memory_space<vmem>>, vector<16xi32>,
      %jit3A_764 = arith.constant 0 : i32
      %broadcast_in_dim3A_765 = vector.broadcast %jit3A_764 : i32 to vector<16xi32>
      %select_n3A_766 = arith.select %lt3A_729, %get3A_763, %broadcast_in_dim3A_765 : vector<16xi1>, vector<16xi32>
      %add3A_767 = arith.addi %get3A_761, %select_n3A_766 : vector<16xi32>
      %swap3A_768 = arith.constant 48 : index
      %swap3A_769 = tpu.vector_load %arg7[%swap3A_768] {strides = array<i32>} : memref<64xi32, #tpu.memory_space<vmem>>, vector<16xi32>,
      tpu.vector_store %arg7[%swap3A_768], %add3A_767 {strides = array<i32>} : memref<64xi32, #tpu.memory_space<vmem>>, vector<16xi32>,
      %get3A_770 = arith.constant 0 : index
      %get3A_771 = tpu.vector_load %arg4[%get3A_770] {strides = array<i32>} : memref<2048xi32, #tpu.memory_space<vmem>>, vector<16xi32>,
      %gather3A = tpu.vector_load_idx %arg7[%get3A_771] : memref<64xi32, #tpu.memory_space<vmem>>[vector<16xi32>], vector<16xi32>,
      %get3A_772 = arith.constant 0 : index
      %get3A_773 = tpu.vector_load %arg5[%get3A_772] {strides = array<i32>} : memref<2048xi32, #tpu.memory_space<vmem>>, vector<16xi32>,
      %add3A_774 = arith.addi %get3A_773, %gather3A : vector<16xi32>
      %swap3A_775 = arith.constant 0 : index
      %swap3A_776 = tpu.vector_load %arg5[%swap3A_775] {strides = array<i32>} : memref<2048xi32, #tpu.memory_space<vmem>>, vector<16xi32>,
      tpu.vector_store %arg5[%swap3A_775], %add3A_774 {strides = array<i32>} : memref<2048xi32, #tpu.memory_space<vmem>>, vector<16xi32>,
      %get3A_777 = arith.constant 16 : index
      %get3A_778 = tpu.vector_load %arg4[%get3A_777] {strides = array<i32>} : memref<2048xi32, #tpu.memory_space<vmem>>, vector<16xi32>,
      %gather3A_779 = tpu.vector_load_idx %arg7[%get3A_778] : memref<64xi32, #tpu.memory_space<vmem>>[vector<16xi32>], vector<16xi32>,
      %get3A_780 = arith.constant 16 : index
      %get3A_781 = tpu.vector_load %arg5[%get3A_780] {strides = array<i32>} : memref<2048xi32, #tpu.memory_space<vmem>>, vector<16xi32>,
      %add3A_782 = arith.addi %get3A_781, %gather3A_779 : vector<16xi32>
      %swap3A_783 = arith.constant 16 : index
      %swap3A_784 = tpu.vector_load %arg5[%swap3A_783] {strides = array<i32>} : memref<2048xi32, #tpu.memory_space<vmem>>, vector<16xi32>,
      tpu.vector_store %arg5[%swap3A_783], %add3A_782 {strides = array<i32>} : memref<2048xi32, #tpu.memory_space<vmem>>, vector<16xi32>,
      %get3A_785 = arith.constant 32 : index
      %get3A_786 = tpu.vector_load %arg4[%get3A_785] {strides = array<i32>} : memref<2048xi32, #tpu.memory_space<vmem>>, vector<16xi32>,
      %gather3A_787 = tpu.vector_load_idx %arg7[%get3A_786] : memref<64xi32, #tpu.memory_space<vmem>>[vector<16xi32>], vector<16xi32>,
      %get3A_788 = arith.constant 32 : index
      %get3A_789 = tpu.vector_load %arg5[%get3A_788] {strides = array<i32>} : memref<2048xi32, #tpu.memory_space<vmem>>, vector<16xi32>,
      %add3A_790 = arith.addi %get3A_789, %gather3A_787 : vector<16xi32>
      %swap3A_791 = arith.constant 32 : index
      %swap3A_792 = tpu.vector_load %arg5[%swap3A_791] {strides = array<i32>} : memref<2048xi32, #tpu.memory_space<vmem>>, vector<16xi32>,
      tpu.vector_store %arg5[%swap3A_791], %add3A_790 {strides = array<i32>} : memref<2048xi32, #tpu.memory_space<vmem>>, vector<16xi32>,
      %get3A_793 = arith.constant 48 : index
      %get3A_794 = tpu.vector_load %arg4[%get3A_793] {strides = array<i32>} : memref<2048xi32, #tpu.memory_space<vmem>>, vector<16xi32>,
      %gather3A_795 = tpu.vector_load_idx %arg7[%get3A_794] : memref<64xi32, #tpu.memory_space<vmem>>[vector<16xi32>], vector<16xi32>,
      %get3A_796 = arith.constant 48 : index
      %get3A_797 = tpu.vector_load %arg5[%get3A_796] {strides = array<i32>} : memref<2048xi32, #tpu.memory_space<vmem>>, vector<16xi32>,
      %add3A_798 = arith.addi %get3A_797, %gather3A_795 : vector<16xi32>
      %swap3A_799 = arith.constant 48 : index
      %swap3A_800 = tpu.vector_load %arg5[%swap3A_799] {strides = array<i32>} : memref<2048xi32, #tpu.memory_space<vmem>>, vector<16xi32>,
      tpu.vector_store %arg5[%swap3A_799], %add3A_798 {strides = array<i32>} : memref<2048xi32, #tpu.memory_space<vmem>>, vector<16xi32>,
      %get3A_801 = arith.constant 64 : index
      %get3A_802 = tpu.vector_load %arg4[%get3A_801] {strides = array<i32>} : memref<2048xi32, #tpu.memory_space<vmem>>, vector<16xi32>,
      %gather3A_803 = tpu.vector_load_idx %arg7[%get3A_802] : memref<64xi32, #tpu.memory_space<vmem>>[vector<16xi32>], vector<16xi32>,
      %get3A_804 = arith.constant 64 : index
      %get3A_805 = tpu.vector_load %arg5[%get3A_804] {strides = array<i32>} : memref<2048xi32, #tpu.memory_space<vmem>>, vector<16xi32>,
      %add3A_806 = arith.addi %get3A_805, %gather3A_803 : vector<16xi32>
      %swap3A_807 = arith.constant 64 : index
      %swap3A_808 = tpu.vector_load %arg5[%swap3A_807] {strides = array<i32>} : memref<2048xi32, #tpu.memory_space<vmem>>, vector<16xi32>,
      tpu.vector_store %arg5[%swap3A_807], %add3A_806 {strides = array<i32>} : memref<2048xi32, #tpu.memory_space<vmem>>, vector<16xi32>,
      %get3A_809 = arith.constant 80 : index
      %get3A_810 = tpu.vector_load %arg4[%get3A_809] {strides = array<i32>} : memref<2048xi32, #tpu.memory_space<vmem>>, vector<16xi32>,
      %gather3A_811 = tpu.vector_load_idx %arg7[%get3A_810] : memref<64xi32, #tpu.memory_space<vmem>>[vector<16xi32>], vector<16xi32>,
      %get3A_812 = arith.constant 80 : index
      %get3A_813 = tpu.vector_load %arg5[%get3A_812] {strides = array<i32>} : memref<2048xi32, #tpu.memory_space<vmem>>, vector<16xi32>,
      %add3A_814 = arith.addi %get3A_813, %gather3A_811 : vector<16xi32>
      %swap3A_815 = arith.constant 80 : index
      %swap3A_816 = tpu.vector_load %arg5[%swap3A_815] {strides = array<i32>} : memref<2048xi32, #tpu.memory_space<vmem>>, vector<16xi32>,
      tpu.vector_store %arg5[%swap3A_815], %add3A_814 {strides = array<i32>} : memref<2048xi32, #tpu.memory_space<vmem>>, vector<16xi32>,
      %get3A_817 = arith.constant 96 : index
      %get3A_818 = tpu.vector_load %arg4[%get3A_817] {strides = array<i32>} : memref<2048xi32, #tpu.memory_space<vmem>>, vector<16xi32>,
      %gather3A_819 = tpu.vector_load_idx %arg7[%get3A_818] : memref<64xi32, #tpu.memory_space<vmem>>[vector<16xi32>], vector<16xi32>,
      %get3A_820 = arith.constant 96 : index
      %get3A_821 = tpu.vector_load %arg5[%get3A_820] {strides = array<i32>} : memref<2048xi32, #tpu.memory_space<vmem>>, vector<16xi32>,
      %add3A_822 = arith.addi %get3A_821, %gather3A_819 : vector<16xi32>
      %swap3A_823 = arith.constant 96 : index
      %swap3A_824 = tpu.vector_load %arg5[%swap3A_823] {strides = array<i32>} : memref<2048xi32, #tpu.memory_space<vmem>>, vector<16xi32>,
      tpu.vector_store %arg5[%swap3A_823], %add3A_822 {strides = array<i32>} : memref<2048xi32, #tpu.memory_space<vmem>>, vector<16xi32>,
      %get3A_825 = arith.constant 112 : index
      %get3A_826 = tpu.vector_load %arg4[%get3A_825] {strides = array<i32>} : memref<2048xi32, #tpu.memory_space<vmem>>, vector<16xi32>,
      %gather3A_827 = tpu.vector_load_idx %arg7[%get3A_826] : memref<64xi32, #tpu.memory_space<vmem>>[vector<16xi32>], vector<16xi32>,
      %get3A_828 = arith.constant 112 : index
      %get3A_829 = tpu.vector_load %arg5[%get3A_828] {strides = array<i32>} : memref<2048xi32, #tpu.memory_space<vmem>>, vector<16xi32>,
      %add3A_830 = arith.addi %get3A_829, %gather3A_827 : vector<16xi32>
      %swap3A_831 = arith.constant 112 : index
      %swap3A_832 = tpu.vector_load %arg5[%swap3A_831] {strides = array<i32>} : memref<2048xi32, #tpu.memory_space<vmem>>, vector<16xi32>,
      tpu.vector_store %arg5[%swap3A_831], %add3A_830 {strides = array<i32>} : memref<2048xi32, #tpu.memory_space<vmem>>, vector<16xi32>,
      %get3A_833 = arith.constant 128 : index
      %get3A_834 = tpu.vector_load %arg4[%get3A_833] {strides = array<i32>} : memref<2048xi32, #tpu.memory_space<vmem>>, vector<16xi32>,
      %gather3A_835 = tpu.vector_load_idx %arg7[%get3A_834] : memref<64xi32, #tpu.memory_space<vmem>>[vector<16xi32>], vector<16xi32>,
      %get3A_836 = arith.constant 128 : index
      %get3A_837 = tpu.vector_load %arg5[%get3A_836] {strides = array<i32>} : memref<2048xi32, #tpu.memory_space<vmem>>, vector<16xi32>,
      %add3A_838 = arith.addi %get3A_837, %gather3A_835 : vector<16xi32>
      %swap3A_839 = arith.constant 128 : index
      %swap3A_840 = tpu.vector_load %arg5[%swap3A_839] {strides = array<i32>} : memref<2048xi32, #tpu.memory_space<vmem>>, vector<16xi32>,
      tpu.vector_store %arg5[%swap3A_839], %add3A_838 {strides = array<i32>} : memref<2048xi32, #tpu.memory_space<vmem>>, vector<16xi32>,
      %get3A_841 = arith.constant 144 : index
      %get3A_842 = tpu.vector_load %arg4[%get3A_841] {strides = array<i32>} : memref<2048xi32, #tpu.memory_space<vmem>>, vector<16xi32>,
      %gather3A_843 = tpu.vector_load_idx %arg7[%get3A_842] : memref<64xi32, #tpu.memory_space<vmem>>[vector<16xi32>], vector<16xi32>,
      %get3A_844 = arith.constant 144 : index
      %get3A_845 = tpu.vector_load %arg5[%get3A_844] {strides = array<i32>} : memref<2048xi32, #tpu.memory_space<vmem>>, vector<16xi32>,
      %add3A_846 = arith.addi %get3A_845, %gather3A_843 : vector<16xi32>
      %swap3A_847 = arith.constant 144 : index
      %swap3A_848 = tpu.vector_load %arg5[%swap3A_847] {strides = array<i32>} : memref<2048xi32, #tpu.memory_space<vmem>>, vector<16xi32>,
      tpu.vector_store %arg5[%swap3A_847], %add3A_846 {strides = array<i32>} : memref<2048xi32, #tpu.memory_space<vmem>>, vector<16xi32>,
      %get3A_849 = arith.constant 160 : index
      %get3A_850 = tpu.vector_load %arg4[%get3A_849] {strides = array<i32>} : memref<2048xi32, #tpu.memory_space<vmem>>, vector<16xi32>,
      %gather3A_851 = tpu.vector_load_idx %arg7[%get3A_850] : memref<64xi32, #tpu.memory_space<vmem>>[vector<16xi32>], vector<16xi32>,
      %get3A_852 = arith.constant 160 : index
      %get3A_853 = tpu.vector_load %arg5[%get3A_852] {strides = array<i32>} : memref<2048xi32, #tpu.memory_space<vmem>>, vector<16xi32>,
      %add3A_854 = arith.addi %get3A_853, %gather3A_851 : vector<16xi32>
      %swap3A_855 = arith.constant 160 : index
      %swap3A_856 = tpu.vector_load %arg5[%swap3A_855] {strides = array<i32>} : memref<2048xi32, #tpu.memory_space<vmem>>, vector<16xi32>,
      tpu.vector_store %arg5[%swap3A_855], %add3A_854 {strides = array<i32>} : memref<2048xi32, #tpu.memory_space<vmem>>, vector<16xi32>,
      %get3A_857 = arith.constant 176 : index
      %get3A_858 = tpu.vector_load %arg4[%get3A_857] {strides = array<i32>} : memref<2048xi32, #tpu.memory_space<vmem>>, vector<16xi32>,
      %gather3A_859 = tpu.vector_load_idx %arg7[%get3A_858] : memref<64xi32, #tpu.memory_space<vmem>>[vector<16xi32>], vector<16xi32>,
      %get3A_860 = arith.constant 176 : index
      %get3A_861 = tpu.vector_load %arg5[%get3A_860] {strides = array<i32>} : memref<2048xi32, #tpu.memory_space<vmem>>, vector<16xi32>,
      %add3A_862 = arith.addi %get3A_861, %gather3A_859 : vector<16xi32>
      %swap3A_863 = arith.constant 176 : index
      %swap3A_864 = tpu.vector_load %arg5[%swap3A_863] {strides = array<i32>} : memref<2048xi32, #tpu.memory_space<vmem>>, vector<16xi32>,
      tpu.vector_store %arg5[%swap3A_863], %add3A_862 {strides = array<i32>} : memref<2048xi32, #tpu.memory_space<vmem>>, vector<16xi32>,
      %get3A_865 = arith.constant 192 : index
      %get3A_866 = tpu.vector_load %arg4[%get3A_865] {strides = array<i32>} : memref<2048xi32, #tpu.memory_space<vmem>>, vector<16xi32>,
      %gather3A_867 = tpu.vector_load_idx %arg7[%get3A_866] : memref<64xi32, #tpu.memory_space<vmem>>[vector<16xi32>], vector<16xi32>,
      %get3A_868 = arith.constant 192 : index
      %get3A_869 = tpu.vector_load %arg5[%get3A_868] {strides = array<i32>} : memref<2048xi32, #tpu.memory_space<vmem>>, vector<16xi32>,
      %add3A_870 = arith.addi %get3A_869, %gather3A_867 : vector<16xi32>
      %swap3A_871 = arith.constant 192 : index
      %swap3A_872 = tpu.vector_load %arg5[%swap3A_871] {strides = array<i32>} : memref<2048xi32, #tpu.memory_space<vmem>>, vector<16xi32>,
      tpu.vector_store %arg5[%swap3A_871], %add3A_870 {strides = array<i32>} : memref<2048xi32, #tpu.memory_space<vmem>>, vector<16xi32>,
      %get3A_873 = arith.constant 208 : index
      %get3A_874 = tpu.vector_load %arg4[%get3A_873] {strides = array<i32>} : memref<2048xi32, #tpu.memory_space<vmem>>, vector<16xi32>,
      %gather3A_875 = tpu.vector_load_idx %arg7[%get3A_874] : memref<64xi32, #tpu.memory_space<vmem>>[vector<16xi32>], vector<16xi32>,
      %get3A_876 = arith.constant 208 : index
      %get3A_877 = tpu.vector_load %arg5[%get3A_876] {strides = array<i32>} : memref<2048xi32, #tpu.memory_space<vmem>>, vector<16xi32>,
      %add3A_878 = arith.addi %get3A_877, %gather3A_875 : vector<16xi32>
      %swap3A_879 = arith.constant 208 : index
      %swap3A_880 = tpu.vector_load %arg5[%swap3A_879] {strides = array<i32>} : memref<2048xi32, #tpu.memory_space<vmem>>, vector<16xi32>,
      tpu.vector_store %arg5[%swap3A_879], %add3A_878 {strides = array<i32>} : memref<2048xi32, #tpu.memory_space<vmem>>, vector<16xi32>,
      %get3A_881 = arith.constant 224 : index
      %get3A_882 = tpu.vector_load %arg4[%get3A_881] {strides = array<i32>} : memref<2048xi32, #tpu.memory_space<vmem>>, vector<16xi32>,
      %gather3A_883 = tpu.vector_load_idx %arg7[%get3A_882] : memref<64xi32, #tpu.memory_space<vmem>>[vector<16xi32>], vector<16xi32>,
      %get3A_884 = arith.constant 224 : index
      %get3A_885 = tpu.vector_load %arg5[%get3A_884] {strides = array<i32>} : memref<2048xi32, #tpu.memory_space<vmem>>, vector<16xi32>,
      %add3A_886 = arith.addi %get3A_885, %gather3A_883 : vector<16xi32>
      %swap3A_887 = arith.constant 224 : index
      %swap3A_888 = tpu.vector_load %arg5[%swap3A_887] {strides = array<i32>} : memref<2048xi32, #tpu.memory_space<vmem>>, vector<16xi32>,
      tpu.vector_store %arg5[%swap3A_887], %add3A_886 {strides = array<i32>} : memref<2048xi32, #tpu.memory_space<vmem>>, vector<16xi32>,
      %get3A_889 = arith.constant 240 : index
      %get3A_890 = tpu.vector_load %arg4[%get3A_889] {strides = array<i32>} : memref<2048xi32, #tpu.memory_space<vmem>>, vector<16xi32>,
      %gather3A_891 = tpu.vector_load_idx %arg7[%get3A_890] : memref<64xi32, #tpu.memory_space<vmem>>[vector<16xi32>], vector<16xi32>,
      %get3A_892 = arith.constant 240 : index
      %get3A_893 = tpu.vector_load %arg5[%get3A_892] {strides = array<i32>} : memref<2048xi32, #tpu.memory_space<vmem>>, vector<16xi32>,
      %add3A_894 = arith.addi %get3A_893, %gather3A_891 : vector<16xi32>
      %swap3A_895 = arith.constant 240 : index
      %swap3A_896 = tpu.vector_load %arg5[%swap3A_895] {strides = array<i32>} : memref<2048xi32, #tpu.memory_space<vmem>>, vector<16xi32>,
      tpu.vector_store %arg5[%swap3A_895], %add3A_894 {strides = array<i32>} : memref<2048xi32, #tpu.memory_space<vmem>>, vector<16xi32>,
      %get3A_897 = arith.constant 256 : index
      %get3A_898 = tpu.vector_load %arg4[%get3A_897] {strides = array<i32>} : memref<2048xi32, #tpu.memory_space<vmem>>, vector<16xi32>,
      %gather3A_899 = tpu.vector_load_idx %arg7[%get3A_898] : memref<64xi32, #tpu.memory_space<vmem>>[vector<16xi32>], vector<16xi32>,
      %get3A_900 = arith.constant 256 : index
      %get3A_901 = tpu.vector_load %arg5[%get3A_900] {strides = array<i32>} : memref<2048xi32, #tpu.memory_space<vmem>>, vector<16xi32>,
      %add3A_902 = arith.addi %get3A_901, %gather3A_899 : vector<16xi32>
      %swap3A_903 = arith.constant 256 : index
      %swap3A_904 = tpu.vector_load %arg5[%swap3A_903] {strides = array<i32>} : memref<2048xi32, #tpu.memory_space<vmem>>, vector<16xi32>,
      tpu.vector_store %arg5[%swap3A_903], %add3A_902 {strides = array<i32>} : memref<2048xi32, #tpu.memory_space<vmem>>, vector<16xi32>,
      %get3A_905 = arith.constant 272 : index
      %get3A_906 = tpu.vector_load %arg4[%get3A_905] {strides = array<i32>} : memref<2048xi32, #tpu.memory_space<vmem>>, vector<16xi32>,
      %gather3A_907 = tpu.vector_load_idx %arg7[%get3A_906] : memref<64xi32, #tpu.memory_space<vmem>>[vector<16xi32>], vector<16xi32>,
      %get3A_908 = arith.constant 272 : index
      %get3A_909 = tpu.vector_load %arg5[%get3A_908] {strides = array<i32>} : memref<2048xi32, #tpu.memory_space<vmem>>, vector<16xi32>,
      %add3A_910 = arith.addi %get3A_909, %gather3A_907 : vector<16xi32>
      %swap3A_911 = arith.constant 272 : index
      %swap3A_912 = tpu.vector_load %arg5[%swap3A_911] {strides = array<i32>} : memref<2048xi32, #tpu.memory_space<vmem>>, vector<16xi32>,
      tpu.vector_store %arg5[%swap3A_911], %add3A_910 {strides = array<i32>} : memref<2048xi32, #tpu.memory_space<vmem>>, vector<16xi32>,
      %get3A_913 = arith.constant 288 : index
      %get3A_914 = tpu.vector_load %arg4[%get3A_913] {strides = array<i32>} : memref<2048xi32, #tpu.memory_space<vmem>>, vector<16xi32>,
      %gather3A_915 = tpu.vector_load_idx %arg7[%get3A_914] : memref<64xi32, #tpu.memory_space<vmem>>[vector<16xi32>], vector<16xi32>,
      %get3A_916 = arith.constant 288 : index
      %get3A_917 = tpu.vector_load %arg5[%get3A_916] {strides = array<i32>} : memref<2048xi32, #tpu.memory_space<vmem>>, vector<16xi32>,
      %add3A_918 = arith.addi %get3A_917, %gather3A_915 : vector<16xi32>
      %swap3A_919 = arith.constant 288 : index
      %swap3A_920 = tpu.vector_load %arg5[%swap3A_919] {strides = array<i32>} : memref<2048xi32, #tpu.memory_space<vmem>>, vector<16xi32>,
      tpu.vector_store %arg5[%swap3A_919], %add3A_918 {strides = array<i32>} : memref<2048xi32, #tpu.memory_space<vmem>>, vector<16xi32>,
      %get3A_921 = arith.constant 304 : index
      %get3A_922 = tpu.vector_load %arg4[%get3A_921] {strides = array<i32>} : memref<2048xi32, #tpu.memory_space<vmem>>, vector<16xi32>,
      %gather3A_923 = tpu.vector_load_idx %arg7[%get3A_922] : memref<64xi32, #tpu.memory_space<vmem>>[vector<16xi32>], vector<16xi32>,
      %get3A_924 = arith.constant 304 : index
      %get3A_925 = tpu.vector_load %arg5[%get3A_924] {strides = array<i32>} : memref<2048xi32, #tpu.memory_space<vmem>>, vector<16xi32>,
      %add3A_926 = arith.addi %get3A_925, %gather3A_923 : vector<16xi32>
      %swap3A_927 = arith.constant 304 : index
      %swap3A_928 = tpu.vector_load %arg5[%swap3A_927] {strides = array<i32>} : memref<2048xi32, #tpu.memory_space<vmem>>, vector<16xi32>,
      tpu.vector_store %arg5[%swap3A_927], %add3A_926 {strides = array<i32>} : memref<2048xi32, #tpu.memory_space<vmem>>, vector<16xi32>,
      %get3A_929 = arith.constant 320 : index
      %get3A_930 = tpu.vector_load %arg4[%get3A_929] {strides = array<i32>} : memref<2048xi32, #tpu.memory_space<vmem>>, vector<16xi32>,
      %gather3A_931 = tpu.vector_load_idx %arg7[%get3A_930] : memref<64xi32, #tpu.memory_space<vmem>>[vector<16xi32>], vector<16xi32>,
      %get3A_932 = arith.constant 320 : index
      %get3A_933 = tpu.vector_load %arg5[%get3A_932] {strides = array<i32>} : memref<2048xi32, #tpu.memory_space<vmem>>, vector<16xi32>,
      %add3A_934 = arith.addi %get3A_933, %gather3A_931 : vector<16xi32>
      %swap3A_935 = arith.constant 320 : index
      %swap3A_936 = tpu.vector_load %arg5[%swap3A_935] {strides = array<i32>} : memref<2048xi32, #tpu.memory_space<vmem>>, vector<16xi32>,
      tpu.vector_store %arg5[%swap3A_935], %add3A_934 {strides = array<i32>} : memref<2048xi32, #tpu.memory_space<vmem>>, vector<16xi32>,
      %get3A_937 = arith.constant 336 : index
      %get3A_938 = tpu.vector_load %arg4[%get3A_937] {strides = array<i32>} : memref<2048xi32, #tpu.memory_space<vmem>>, vector<16xi32>,
      %gather3A_939 = tpu.vector_load_idx %arg7[%get3A_938] : memref<64xi32, #tpu.memory_space<vmem>>[vector<16xi32>], vector<16xi32>,
      %get3A_940 = arith.constant 336 : index
      %get3A_941 = tpu.vector_load %arg5[%get3A_940] {strides = array<i32>} : memref<2048xi32, #tpu.memory_space<vmem>>, vector<16xi32>,
      %add3A_942 = arith.addi %get3A_941, %gather3A_939 : vector<16xi32>
      %swap3A_943 = arith.constant 336 : index
      %swap3A_944 = tpu.vector_load %arg5[%swap3A_943] {strides = array<i32>} : memref<2048xi32, #tpu.memory_space<vmem>>, vector<16xi32>,
      tpu.vector_store %arg5[%swap3A_943], %add3A_942 {strides = array<i32>} : memref<2048xi32, #tpu.memory_space<vmem>>, vector<16xi32>,
      %get3A_945 = arith.constant 352 : index
      %get3A_946 = tpu.vector_load %arg4[%get3A_945] {strides = array<i32>} : memref<2048xi32, #tpu.memory_space<vmem>>, vector<16xi32>,
      %gather3A_947 = tpu.vector_load_idx %arg7[%get3A_946] : memref<64xi32, #tpu.memory_space<vmem>>[vector<16xi32>], vector<16xi32>,
      %get3A_948 = arith.constant 352 : index
      %get3A_949 = tpu.vector_load %arg5[%get3A_948] {strides = array<i32>} : memref<2048xi32, #tpu.memory_space<vmem>>, vector<16xi32>,
      %add3A_950 = arith.addi %get3A_949, %gather3A_947 : vector<16xi32>
      %swap3A_951 = arith.constant 352 : index
      %swap3A_952 = tpu.vector_load %arg5[%swap3A_951] {strides = array<i32>} : memref<2048xi32, #tpu.memory_space<vmem>>, vector<16xi32>,
      tpu.vector_store %arg5[%swap3A_951], %add3A_950 {strides = array<i32>} : memref<2048xi32, #tpu.memory_space<vmem>>, vector<16xi32>,
      %get3A_953 = arith.constant 368 : index
      %get3A_954 = tpu.vector_load %arg4[%get3A_953] {strides = array<i32>} : memref<2048xi32, #tpu.memory_space<vmem>>, vector<16xi32>,
      %gather3A_955 = tpu.vector_load_idx %arg7[%get3A_954] : memref<64xi32, #tpu.memory_space<vmem>>[vector<16xi32>], vector<16xi32>,
      %get3A_956 = arith.constant 368 : index
      %get3A_957 = tpu.vector_load %arg5[%get3A_956] {strides = array<i32>} : memref<2048xi32, #tpu.memory_space<vmem>>, vector<16xi32>,
      %add3A_958 = arith.addi %get3A_957, %gather3A_955 : vector<16xi32>
      %swap3A_959 = arith.constant 368 : index
      %swap3A_960 = tpu.vector_load %arg5[%swap3A_959] {strides = array<i32>} : memref<2048xi32, #tpu.memory_space<vmem>>, vector<16xi32>,
      tpu.vector_store %arg5[%swap3A_959], %add3A_958 {strides = array<i32>} : memref<2048xi32, #tpu.memory_space<vmem>>, vector<16xi32>,
      %get3A_961 = arith.constant 384 : index
      %get3A_962 = tpu.vector_load %arg4[%get3A_961] {strides = array<i32>} : memref<2048xi32, #tpu.memory_space<vmem>>, vector<16xi32>,
      %gather3A_963 = tpu.vector_load_idx %arg7[%get3A_962] : memref<64xi32, #tpu.memory_space<vmem>>[vector<16xi32>], vector<16xi32>,
      %get3A_964 = arith.constant 384 : index
      %get3A_965 = tpu.vector_load %arg5[%get3A_964] {strides = array<i32>} : memref<2048xi32, #tpu.memory_space<vmem>>, vector<16xi32>,
      %add3A_966 = arith.addi %get3A_965, %gather3A_963 : vector<16xi32>
      %swap3A_967 = arith.constant 384 : index
      %swap3A_968 = tpu.vector_load %arg5[%swap3A_967] {strides = array<i32>} : memref<2048xi32, #tpu.memory_space<vmem>>, vector<16xi32>,
      tpu.vector_store %arg5[%swap3A_967], %add3A_966 {strides = array<i32>} : memref<2048xi32, #tpu.memory_space<vmem>>, vector<16xi32>,
      %get3A_969 = arith.constant 400 : index
      %get3A_970 = tpu.vector_load %arg4[%get3A_969] {strides = array<i32>} : memref<2048xi32, #tpu.memory_space<vmem>>, vector<16xi32>,
      %gather3A_971 = tpu.vector_load_idx %arg7[%get3A_970] : memref<64xi32, #tpu.memory_space<vmem>>[vector<16xi32>], vector<16xi32>,
      %get3A_972 = arith.constant 400 : index
      %get3A_973 = tpu.vector_load %arg5[%get3A_972] {strides = array<i32>} : memref<2048xi32, #tpu.memory_space<vmem>>, vector<16xi32>,
      %add3A_974 = arith.addi %get3A_973, %gather3A_971 : vector<16xi32>
      %swap3A_975 = arith.constant 400 : index
      %swap3A_976 = tpu.vector_load %arg5[%swap3A_975] {strides = array<i32>} : memref<2048xi32, #tpu.memory_space<vmem>>, vector<16xi32>,
      tpu.vector_store %arg5[%swap3A_975], %add3A_974 {strides = array<i32>} : memref<2048xi32, #tpu.memory_space<vmem>>, vector<16xi32>,
      %get3A_977 = arith.constant 416 : index
      %get3A_978 = tpu.vector_load %arg4[%get3A_977] {strides = array<i32>} : memref<2048xi32, #tpu.memory_space<vmem>>, vector<16xi32>,
      %gather3A_979 = tpu.vector_load_idx %arg7[%get3A_978] : memref<64xi32, #tpu.memory_space<vmem>>[vector<16xi32>], vector<16xi32>,
      %get3A_980 = arith.constant 416 : index
      %get3A_981 = tpu.vector_load %arg5[%get3A_980] {strides = array<i32>} : memref<2048xi32, #tpu.memory_space<vmem>>, vector<16xi32>,
      %add3A_982 = arith.addi %get3A_981, %gather3A_979 : vector<16xi32>
      %swap3A_983 = arith.constant 416 : index
      %swap3A_984 = tpu.vector_load %arg5[%swap3A_983] {strides = array<i32>} : memref<2048xi32, #tpu.memory_space<vmem>>, vector<16xi32>,
      tpu.vector_store %arg5[%swap3A_983], %add3A_982 {strides = array<i32>} : memref<2048xi32, #tpu.memory_space<vmem>>, vector<16xi32>,
      %get3A_985 = arith.constant 432 : index
      %get3A_986 = tpu.vector_load %arg4[%get3A_985] {strides = array<i32>} : memref<2048xi32, #tpu.memory_space<vmem>>, vector<16xi32>,
      %gather3A_987 = tpu.vector_load_idx %arg7[%get3A_986] : memref<64xi32, #tpu.memory_space<vmem>>[vector<16xi32>], vector<16xi32>,
      %get3A_988 = arith.constant 432 : index
      %get3A_989 = tpu.vector_load %arg5[%get3A_988] {strides = array<i32>} : memref<2048xi32, #tpu.memory_space<vmem>>, vector<16xi32>,
      %add3A_990 = arith.addi %get3A_989, %gather3A_987 : vector<16xi32>
      %swap3A_991 = arith.constant 432 : index
      %swap3A_992 = tpu.vector_load %arg5[%swap3A_991] {strides = array<i32>} : memref<2048xi32, #tpu.memory_space<vmem>>, vector<16xi32>,
      tpu.vector_store %arg5[%swap3A_991], %add3A_990 {strides = array<i32>} : memref<2048xi32, #tpu.memory_space<vmem>>, vector<16xi32>,
      %get3A_993 = arith.constant 448 : index
      %get3A_994 = tpu.vector_load %arg4[%get3A_993] {strides = array<i32>} : memref<2048xi32, #tpu.memory_space<vmem>>, vector<16xi32>,
      %gather3A_995 = tpu.vector_load_idx %arg7[%get3A_994] : memref<64xi32, #tpu.memory_space<vmem>>[vector<16xi32>], vector<16xi32>,
      %get3A_996 = arith.constant 448 : index
      %get3A_997 = tpu.vector_load %arg5[%get3A_996] {strides = array<i32>} : memref<2048xi32, #tpu.memory_space<vmem>>, vector<16xi32>,
      %add3A_998 = arith.addi %get3A_997, %gather3A_995 : vector<16xi32>
      %swap3A_999 = arith.constant 448 : index
      %swap3A_1000 = tpu.vector_load %arg5[%swap3A_999] {strides = array<i32>} : memref<2048xi32, #tpu.memory_space<vmem>>, vector<16xi32>,
      tpu.vector_store %arg5[%swap3A_999], %add3A_998 {strides = array<i32>} : memref<2048xi32, #tpu.memory_space<vmem>>, vector<16xi32>,
      %get3A_1001 = arith.constant 464 : index
      %get3A_1002 = tpu.vector_load %arg4[%get3A_1001] {strides = array<i32>} : memref<2048xi32, #tpu.memory_space<vmem>>, vector<16xi32>,
      %gather3A_1003 = tpu.vector_load_idx %arg7[%get3A_1002] : memref<64xi32, #tpu.memory_space<vmem>>[vector<16xi32>], vector<16xi32>,
      %get3A_1004 = arith.constant 464 : index
      %get3A_1005 = tpu.vector_load %arg5[%get3A_1004] {strides = array<i32>} : memref<2048xi32, #tpu.memory_space<vmem>>, vector<16xi32>,
      %add3A_1006 = arith.addi %get3A_1005, %gather3A_1003 : vector<16xi32>
      %swap3A_1007 = arith.constant 464 : index
      %swap3A_1008 = tpu.vector_load %arg5[%swap3A_1007] {strides = array<i32>} : memref<2048xi32, #tpu.memory_space<vmem>>, vector<16xi32>,
      tpu.vector_store %arg5[%swap3A_1007], %add3A_1006 {strides = array<i32>} : memref<2048xi32, #tpu.memory_space<vmem>>, vector<16xi32>,
      %get3A_1009 = arith.constant 480 : index
      %get3A_1010 = tpu.vector_load %arg4[%get3A_1009] {strides = array<i32>} : memref<2048xi32, #tpu.memory_space<vmem>>, vector<16xi32>,
      %gather3A_1011 = tpu.vector_load_idx %arg7[%get3A_1010] : memref<64xi32, #tpu.memory_space<vmem>>[vector<16xi32>], vector<16xi32>,
      %get3A_1012 = arith.constant 480 : index
      %get3A_1013 = tpu.vector_load %arg5[%get3A_1012] {strides = array<i32>} : memref<2048xi32, #tpu.memory_space<vmem>>, vector<16xi32>,
      %add3A_1014 = arith.addi %get3A_1013, %gather3A_1011 : vector<16xi32>
      %swap3A_1015 = arith.constant 480 : index
      %swap3A_1016 = tpu.vector_load %arg5[%swap3A_1015] {strides = array<i32>} : memref<2048xi32, #tpu.memory_space<vmem>>, vector<16xi32>,
      tpu.vector_store %arg5[%swap3A_1015], %add3A_1014 {strides = array<i32>} : memref<2048xi32, #tpu.memory_space<vmem>>, vector<16xi32>,
      %get3A_1017 = arith.constant 496 : index
      %get3A_1018 = tpu.vector_load %arg4[%get3A_1017] {strides = array<i32>} : memref<2048xi32, #tpu.memory_space<vmem>>, vector<16xi32>,
      %gather3A_1019 = tpu.vector_load_idx %arg7[%get3A_1018] : memref<64xi32, #tpu.memory_space<vmem>>[vector<16xi32>], vector<16xi32>,
      %get3A_1020 = arith.constant 496 : index
      %get3A_1021 = tpu.vector_load %arg5[%get3A_1020] {strides = array<i32>} : memref<2048xi32, #tpu.memory_space<vmem>>, vector<16xi32>,
      %add3A_1022 = arith.addi %get3A_1021, %gather3A_1019 : vector<16xi32>
      %swap3A_1023 = arith.constant 496 : index
      %swap3A_1024 = tpu.vector_load %arg5[%swap3A_1023] {strides = array<i32>} : memref<2048xi32, #tpu.memory_space<vmem>>, vector<16xi32>,
      tpu.vector_store %arg5[%swap3A_1023], %add3A_1022 {strides = array<i32>} : memref<2048xi32, #tpu.memory_space<vmem>>, vector<16xi32>,
      %get3A_1025 = arith.constant 512 : index
      %get3A_1026 = tpu.vector_load %arg4[%get3A_1025] {strides = array<i32>} : memref<2048xi32, #tpu.memory_space<vmem>>, vector<16xi32>,
      %gather3A_1027 = tpu.vector_load_idx %arg7[%get3A_1026] : memref<64xi32, #tpu.memory_space<vmem>>[vector<16xi32>], vector<16xi32>,
      %get3A_1028 = arith.constant 512 : index
      %get3A_1029 = tpu.vector_load %arg5[%get3A_1028] {strides = array<i32>} : memref<2048xi32, #tpu.memory_space<vmem>>, vector<16xi32>,
      %add3A_1030 = arith.addi %get3A_1029, %gather3A_1027 : vector<16xi32>
      %swap3A_1031 = arith.constant 512 : index
      %swap3A_1032 = tpu.vector_load %arg5[%swap3A_1031] {strides = array<i32>} : memref<2048xi32, #tpu.memory_space<vmem>>, vector<16xi32>,
      tpu.vector_store %arg5[%swap3A_1031], %add3A_1030 {strides = array<i32>} : memref<2048xi32, #tpu.memory_space<vmem>>, vector<16xi32>,
      %get3A_1033 = arith.constant 528 : index
      %get3A_1034 = tpu.vector_load %arg4[%get3A_1033] {strides = array<i32>} : memref<2048xi32, #tpu.memory_space<vmem>>, vector<16xi32>,
      %gather3A_1035 = tpu.vector_load_idx %arg7[%get3A_1034] : memref<64xi32, #tpu.memory_space<vmem>>[vector<16xi32>], vector<16xi32>,
      %get3A_1036 = arith.constant 528 : index
      %get3A_1037 = tpu.vector_load %arg5[%get3A_1036] {strides = array<i32>} : memref<2048xi32, #tpu.memory_space<vmem>>, vector<16xi32>,
      %add3A_1038 = arith.addi %get3A_1037, %gather3A_1035 : vector<16xi32>
      %swap3A_1039 = arith.constant 528 : index
      %swap3A_1040 = tpu.vector_load %arg5[%swap3A_1039] {strides = array<i32>} : memref<2048xi32, #tpu.memory_space<vmem>>, vector<16xi32>,
      tpu.vector_store %arg5[%swap3A_1039], %add3A_1038 {strides = array<i32>} : memref<2048xi32, #tpu.memory_space<vmem>>, vector<16xi32>,
      %get3A_1041 = arith.constant 544 : index
      %get3A_1042 = tpu.vector_load %arg4[%get3A_1041] {strides = array<i32>} : memref<2048xi32, #tpu.memory_space<vmem>>, vector<16xi32>,
      %gather3A_1043 = tpu.vector_load_idx %arg7[%get3A_1042] : memref<64xi32, #tpu.memory_space<vmem>>[vector<16xi32>], vector<16xi32>,
      %get3A_1044 = arith.constant 544 : index
      %get3A_1045 = tpu.vector_load %arg5[%get3A_1044] {strides = array<i32>} : memref<2048xi32, #tpu.memory_space<vmem>>, vector<16xi32>,
      %add3A_1046 = arith.addi %get3A_1045, %gather3A_1043 : vector<16xi32>
      %swap3A_1047 = arith.constant 544 : index
      %swap3A_1048 = tpu.vector_load %arg5[%swap3A_1047] {strides = array<i32>} : memref<2048xi32, #tpu.memory_space<vmem>>, vector<16xi32>,
      tpu.vector_store %arg5[%swap3A_1047], %add3A_1046 {strides = array<i32>} : memref<2048xi32, #tpu.memory_space<vmem>>, vector<16xi32>,
      %get3A_1049 = arith.constant 560 : index
      %get3A_1050 = tpu.vector_load %arg4[%get3A_1049] {strides = array<i32>} : memref<2048xi32, #tpu.memory_space<vmem>>, vector<16xi32>,
      %gather3A_1051 = tpu.vector_load_idx %arg7[%get3A_1050] : memref<64xi32, #tpu.memory_space<vmem>>[vector<16xi32>], vector<16xi32>,
      %get3A_1052 = arith.constant 560 : index
      %get3A_1053 = tpu.vector_load %arg5[%get3A_1052] {strides = array<i32>} : memref<2048xi32, #tpu.memory_space<vmem>>, vector<16xi32>,
      %add3A_1054 = arith.addi %get3A_1053, %gather3A_1051 : vector<16xi32>
      %swap3A_1055 = arith.constant 560 : index
      %swap3A_1056 = tpu.vector_load %arg5[%swap3A_1055] {strides = array<i32>} : memref<2048xi32, #tpu.memory_space<vmem>>, vector<16xi32>,
      tpu.vector_store %arg5[%swap3A_1055], %add3A_1054 {strides = array<i32>} : memref<2048xi32, #tpu.memory_space<vmem>>, vector<16xi32>,
      %get3A_1057 = arith.constant 576 : index
      %get3A_1058 = tpu.vector_load %arg4[%get3A_1057] {strides = array<i32>} : memref<2048xi32, #tpu.memory_space<vmem>>, vector<16xi32>,
      %gather3A_1059 = tpu.vector_load_idx %arg7[%get3A_1058] : memref<64xi32, #tpu.memory_space<vmem>>[vector<16xi32>], vector<16xi32>,
      %get3A_1060 = arith.constant 576 : index
      %get3A_1061 = tpu.vector_load %arg5[%get3A_1060] {strides = array<i32>} : memref<2048xi32, #tpu.memory_space<vmem>>, vector<16xi32>,
      %add3A_1062 = arith.addi %get3A_1061, %gather3A_1059 : vector<16xi32>
      %swap3A_1063 = arith.constant 576 : index
      %swap3A_1064 = tpu.vector_load %arg5[%swap3A_1063] {strides = array<i32>} : memref<2048xi32, #tpu.memory_space<vmem>>, vector<16xi32>,
      tpu.vector_store %arg5[%swap3A_1063], %add3A_1062 {strides = array<i32>} : memref<2048xi32, #tpu.memory_space<vmem>>, vector<16xi32>,
      %get3A_1065 = arith.constant 592 : index
      %get3A_1066 = tpu.vector_load %arg4[%get3A_1065] {strides = array<i32>} : memref<2048xi32, #tpu.memory_space<vmem>>, vector<16xi32>,
      %gather3A_1067 = tpu.vector_load_idx %arg7[%get3A_1066] : memref<64xi32, #tpu.memory_space<vmem>>[vector<16xi32>], vector<16xi32>,
      %get3A_1068 = arith.constant 592 : index
      %get3A_1069 = tpu.vector_load %arg5[%get3A_1068] {strides = array<i32>} : memref<2048xi32, #tpu.memory_space<vmem>>, vector<16xi32>,
      %add3A_1070 = arith.addi %get3A_1069, %gather3A_1067 : vector<16xi32>
      %swap3A_1071 = arith.constant 592 : index
      %swap3A_1072 = tpu.vector_load %arg5[%swap3A_1071] {strides = array<i32>} : memref<2048xi32, #tpu.memory_space<vmem>>, vector<16xi32>,
      tpu.vector_store %arg5[%swap3A_1071], %add3A_1070 {strides = array<i32>} : memref<2048xi32, #tpu.memory_space<vmem>>, vector<16xi32>,
      %get3A_1073 = arith.constant 608 : index
      %get3A_1074 = tpu.vector_load %arg4[%get3A_1073] {strides = array<i32>} : memref<2048xi32, #tpu.memory_space<vmem>>, vector<16xi32>,
      %gather3A_1075 = tpu.vector_load_idx %arg7[%get3A_1074] : memref<64xi32, #tpu.memory_space<vmem>>[vector<16xi32>], vector<16xi32>,
      %get3A_1076 = arith.constant 608 : index
      %get3A_1077 = tpu.vector_load %arg5[%get3A_1076] {strides = array<i32>} : memref<2048xi32, #tpu.memory_space<vmem>>, vector<16xi32>,
      %add3A_1078 = arith.addi %get3A_1077, %gather3A_1075 : vector<16xi32>
      %swap3A_1079 = arith.constant 608 : index
      %swap3A_1080 = tpu.vector_load %arg5[%swap3A_1079] {strides = array<i32>} : memref<2048xi32, #tpu.memory_space<vmem>>, vector<16xi32>,
      tpu.vector_store %arg5[%swap3A_1079], %add3A_1078 {strides = array<i32>} : memref<2048xi32, #tpu.memory_space<vmem>>, vector<16xi32>,
      %get3A_1081 = arith.constant 624 : index
      %get3A_1082 = tpu.vector_load %arg4[%get3A_1081] {strides = array<i32>} : memref<2048xi32, #tpu.memory_space<vmem>>, vector<16xi32>,
      %gather3A_1083 = tpu.vector_load_idx %arg7[%get3A_1082] : memref<64xi32, #tpu.memory_space<vmem>>[vector<16xi32>], vector<16xi32>,
      %get3A_1084 = arith.constant 624 : index
      %get3A_1085 = tpu.vector_load %arg5[%get3A_1084] {strides = array<i32>} : memref<2048xi32, #tpu.memory_space<vmem>>, vector<16xi32>,
      %add3A_1086 = arith.addi %get3A_1085, %gather3A_1083 : vector<16xi32>
      %swap3A_1087 = arith.constant 624 : index
      %swap3A_1088 = tpu.vector_load %arg5[%swap3A_1087] {strides = array<i32>} : memref<2048xi32, #tpu.memory_space<vmem>>, vector<16xi32>,
      tpu.vector_store %arg5[%swap3A_1087], %add3A_1086 {strides = array<i32>} : memref<2048xi32, #tpu.memory_space<vmem>>, vector<16xi32>,
      %get3A_1089 = arith.constant 640 : index
      %get3A_1090 = tpu.vector_load %arg4[%get3A_1089] {strides = array<i32>} : memref<2048xi32, #tpu.memory_space<vmem>>, vector<16xi32>,
      %gather3A_1091 = tpu.vector_load_idx %arg7[%get3A_1090] : memref<64xi32, #tpu.memory_space<vmem>>[vector<16xi32>], vector<16xi32>,
      %get3A_1092 = arith.constant 640 : index
      %get3A_1093 = tpu.vector_load %arg5[%get3A_1092] {strides = array<i32>} : memref<2048xi32, #tpu.memory_space<vmem>>, vector<16xi32>,
      %add3A_1094 = arith.addi %get3A_1093, %gather3A_1091 : vector<16xi32>
      %swap3A_1095 = arith.constant 640 : index
      %swap3A_1096 = tpu.vector_load %arg5[%swap3A_1095] {strides = array<i32>} : memref<2048xi32, #tpu.memory_space<vmem>>, vector<16xi32>,
      tpu.vector_store %arg5[%swap3A_1095], %add3A_1094 {strides = array<i32>} : memref<2048xi32, #tpu.memory_space<vmem>>, vector<16xi32>,
      %get3A_1097 = arith.constant 656 : index
      %get3A_1098 = tpu.vector_load %arg4[%get3A_1097] {strides = array<i32>} : memref<2048xi32, #tpu.memory_space<vmem>>, vector<16xi32>,
      %gather3A_1099 = tpu.vector_load_idx %arg7[%get3A_1098] : memref<64xi32, #tpu.memory_space<vmem>>[vector<16xi32>], vector<16xi32>,
      %get3A_1100 = arith.constant 656 : index
      %get3A_1101 = tpu.vector_load %arg5[%get3A_1100] {strides = array<i32>} : memref<2048xi32, #tpu.memory_space<vmem>>, vector<16xi32>,
      %add3A_1102 = arith.addi %get3A_1101, %gather3A_1099 : vector<16xi32>
      %swap3A_1103 = arith.constant 656 : index
      %swap3A_1104 = tpu.vector_load %arg5[%swap3A_1103] {strides = array<i32>} : memref<2048xi32, #tpu.memory_space<vmem>>, vector<16xi32>,
      tpu.vector_store %arg5[%swap3A_1103], %add3A_1102 {strides = array<i32>} : memref<2048xi32, #tpu.memory_space<vmem>>, vector<16xi32>,
      %get3A_1105 = arith.constant 672 : index
      %get3A_1106 = tpu.vector_load %arg4[%get3A_1105] {strides = array<i32>} : memref<2048xi32, #tpu.memory_space<vmem>>, vector<16xi32>,
      %gather3A_1107 = tpu.vector_load_idx %arg7[%get3A_1106] : memref<64xi32, #tpu.memory_space<vmem>>[vector<16xi32>], vector<16xi32>,
      %get3A_1108 = arith.constant 672 : index
      %get3A_1109 = tpu.vector_load %arg5[%get3A_1108] {strides = array<i32>} : memref<2048xi32, #tpu.memory_space<vmem>>, vector<16xi32>,
      %add3A_1110 = arith.addi %get3A_1109, %gather3A_1107 : vector<16xi32>
      %swap3A_1111 = arith.constant 672 : index
      %swap3A_1112 = tpu.vector_load %arg5[%swap3A_1111] {strides = array<i32>} : memref<2048xi32, #tpu.memory_space<vmem>>, vector<16xi32>,
      tpu.vector_store %arg5[%swap3A_1111], %add3A_1110 {strides = array<i32>} : memref<2048xi32, #tpu.memory_space<vmem>>, vector<16xi32>,
      %get3A_1113 = arith.constant 688 : index
      %get3A_1114 = tpu.vector_load %arg4[%get3A_1113] {strides = array<i32>} : memref<2048xi32, #tpu.memory_space<vmem>>, vector<16xi32>,
      %gather3A_1115 = tpu.vector_load_idx %arg7[%get3A_1114] : memref<64xi32, #tpu.memory_space<vmem>>[vector<16xi32>], vector<16xi32>,
      %get3A_1116 = arith.constant 688 : index
      %get3A_1117 = tpu.vector_load %arg5[%get3A_1116] {strides = array<i32>} : memref<2048xi32, #tpu.memory_space<vmem>>, vector<16xi32>,
      %add3A_1118 = arith.addi %get3A_1117, %gather3A_1115 : vector<16xi32>
      %swap3A_1119 = arith.constant 688 : index
      %swap3A_1120 = tpu.vector_load %arg5[%swap3A_1119] {strides = array<i32>} : memref<2048xi32, #tpu.memory_space<vmem>>, vector<16xi32>,
      tpu.vector_store %arg5[%swap3A_1119], %add3A_1118 {strides = array<i32>} : memref<2048xi32, #tpu.memory_space<vmem>>, vector<16xi32>,
      %get3A_1121 = arith.constant 704 : index
      %get3A_1122 = tpu.vector_load %arg4[%get3A_1121] {strides = array<i32>} : memref<2048xi32, #tpu.memory_space<vmem>>, vector<16xi32>,
      %gather3A_1123 = tpu.vector_load_idx %arg7[%get3A_1122] : memref<64xi32, #tpu.memory_space<vmem>>[vector<16xi32>], vector<16xi32>,
      %get3A_1124 = arith.constant 704 : index
      %get3A_1125 = tpu.vector_load %arg5[%get3A_1124] {strides = array<i32>} : memref<2048xi32, #tpu.memory_space<vmem>>, vector<16xi32>,
      %add3A_1126 = arith.addi %get3A_1125, %gather3A_1123 : vector<16xi32>
      %swap3A_1127 = arith.constant 704 : index
      %swap3A_1128 = tpu.vector_load %arg5[%swap3A_1127] {strides = array<i32>} : memref<2048xi32, #tpu.memory_space<vmem>>, vector<16xi32>,
      tpu.vector_store %arg5[%swap3A_1127], %add3A_1126 {strides = array<i32>} : memref<2048xi32, #tpu.memory_space<vmem>>, vector<16xi32>,
      %get3A_1129 = arith.constant 720 : index
      %get3A_1130 = tpu.vector_load %arg4[%get3A_1129] {strides = array<i32>} : memref<2048xi32, #tpu.memory_space<vmem>>, vector<16xi32>,
      %gather3A_1131 = tpu.vector_load_idx %arg7[%get3A_1130] : memref<64xi32, #tpu.memory_space<vmem>>[vector<16xi32>], vector<16xi32>,
      %get3A_1132 = arith.constant 720 : index
      %get3A_1133 = tpu.vector_load %arg5[%get3A_1132] {strides = array<i32>} : memref<2048xi32, #tpu.memory_space<vmem>>, vector<16xi32>,
      %add3A_1134 = arith.addi %get3A_1133, %gather3A_1131 : vector<16xi32>
      %swap3A_1135 = arith.constant 720 : index
      %swap3A_1136 = tpu.vector_load %arg5[%swap3A_1135] {strides = array<i32>} : memref<2048xi32, #tpu.memory_space<vmem>>, vector<16xi32>,
      tpu.vector_store %arg5[%swap3A_1135], %add3A_1134 {strides = array<i32>} : memref<2048xi32, #tpu.memory_space<vmem>>, vector<16xi32>,
      %get3A_1137 = arith.constant 736 : index
      %get3A_1138 = tpu.vector_load %arg4[%get3A_1137] {strides = array<i32>} : memref<2048xi32, #tpu.memory_space<vmem>>, vector<16xi32>,
      %gather3A_1139 = tpu.vector_load_idx %arg7[%get3A_1138] : memref<64xi32, #tpu.memory_space<vmem>>[vector<16xi32>], vector<16xi32>,
      %get3A_1140 = arith.constant 736 : index
      %get3A_1141 = tpu.vector_load %arg5[%get3A_1140] {strides = array<i32>} : memref<2048xi32, #tpu.memory_space<vmem>>, vector<16xi32>,
      %add3A_1142 = arith.addi %get3A_1141, %gather3A_1139 : vector<16xi32>
      %swap3A_1143 = arith.constant 736 : index
      %swap3A_1144 = tpu.vector_load %arg5[%swap3A_1143] {strides = array<i32>} : memref<2048xi32, #tpu.memory_space<vmem>>, vector<16xi32>,
      tpu.vector_store %arg5[%swap3A_1143], %add3A_1142 {strides = array<i32>} : memref<2048xi32, #tpu.memory_space<vmem>>, vector<16xi32>,
      %get3A_1145 = arith.constant 752 : index
      %get3A_1146 = tpu.vector_load %arg4[%get3A_1145] {strides = array<i32>} : memref<2048xi32, #tpu.memory_space<vmem>>, vector<16xi32>,
      %gather3A_1147 = tpu.vector_load_idx %arg7[%get3A_1146] : memref<64xi32, #tpu.memory_space<vmem>>[vector<16xi32>], vector<16xi32>,
      %get3A_1148 = arith.constant 752 : index
      %get3A_1149 = tpu.vector_load %arg5[%get3A_1148] {strides = array<i32>} : memref<2048xi32, #tpu.memory_space<vmem>>, vector<16xi32>,
      %add3A_1150 = arith.addi %get3A_1149, %gather3A_1147 : vector<16xi32>
      %swap3A_1151 = arith.constant 752 : index
      %swap3A_1152 = tpu.vector_load %arg5[%swap3A_1151] {strides = array<i32>} : memref<2048xi32, #tpu.memory_space<vmem>>, vector<16xi32>,
      tpu.vector_store %arg5[%swap3A_1151], %add3A_1150 {strides = array<i32>} : memref<2048xi32, #tpu.memory_space<vmem>>, vector<16xi32>,
      %get3A_1153 = arith.constant 768 : index
      %get3A_1154 = tpu.vector_load %arg4[%get3A_1153] {strides = array<i32>} : memref<2048xi32, #tpu.memory_space<vmem>>, vector<16xi32>,
      %gather3A_1155 = tpu.vector_load_idx %arg7[%get3A_1154] : memref<64xi32, #tpu.memory_space<vmem>>[vector<16xi32>], vector<16xi32>,
      %get3A_1156 = arith.constant 768 : index
      %get3A_1157 = tpu.vector_load %arg5[%get3A_1156] {strides = array<i32>} : memref<2048xi32, #tpu.memory_space<vmem>>, vector<16xi32>,
      %add3A_1158 = arith.addi %get3A_1157, %gather3A_1155 : vector<16xi32>
      %swap3A_1159 = arith.constant 768 : index
      %swap3A_1160 = tpu.vector_load %arg5[%swap3A_1159] {strides = array<i32>} : memref<2048xi32, #tpu.memory_space<vmem>>, vector<16xi32>,
      tpu.vector_store %arg5[%swap3A_1159], %add3A_1158 {strides = array<i32>} : memref<2048xi32, #tpu.memory_space<vmem>>, vector<16xi32>,
      %get3A_1161 = arith.constant 784 : index
      %get3A_1162 = tpu.vector_load %arg4[%get3A_1161] {strides = array<i32>} : memref<2048xi32, #tpu.memory_space<vmem>>, vector<16xi32>,
      %gather3A_1163 = tpu.vector_load_idx %arg7[%get3A_1162] : memref<64xi32, #tpu.memory_space<vmem>>[vector<16xi32>], vector<16xi32>,
      %get3A_1164 = arith.constant 784 : index
      %get3A_1165 = tpu.vector_load %arg5[%get3A_1164] {strides = array<i32>} : memref<2048xi32, #tpu.memory_space<vmem>>, vector<16xi32>,
      %add3A_1166 = arith.addi %get3A_1165, %gather3A_1163 : vector<16xi32>
      %swap3A_1167 = arith.constant 784 : index
      %swap3A_1168 = tpu.vector_load %arg5[%swap3A_1167] {strides = array<i32>} : memref<2048xi32, #tpu.memory_space<vmem>>, vector<16xi32>,
      tpu.vector_store %arg5[%swap3A_1167], %add3A_1166 {strides = array<i32>} : memref<2048xi32, #tpu.memory_space<vmem>>, vector<16xi32>,
      %get3A_1169 = arith.constant 800 : index
      %get3A_1170 = tpu.vector_load %arg4[%get3A_1169] {strides = array<i32>} : memref<2048xi32, #tpu.memory_space<vmem>>, vector<16xi32>,
      %gather3A_1171 = tpu.vector_load_idx %arg7[%get3A_1170] : memref<64xi32, #tpu.memory_space<vmem>>[vector<16xi32>], vector<16xi32>,
      %get3A_1172 = arith.constant 800 : index
      %get3A_1173 = tpu.vector_load %arg5[%get3A_1172] {strides = array<i32>} : memref<2048xi32, #tpu.memory_space<vmem>>, vector<16xi32>,
      %add3A_1174 = arith.addi %get3A_1173, %gather3A_1171 : vector<16xi32>
      %swap3A_1175 = arith.constant 800 : index
      %swap3A_1176 = tpu.vector_load %arg5[%swap3A_1175] {strides = array<i32>} : memref<2048xi32, #tpu.memory_space<vmem>>, vector<16xi32>,
      tpu.vector_store %arg5[%swap3A_1175], %add3A_1174 {strides = array<i32>} : memref<2048xi32, #tpu.memory_space<vmem>>, vector<16xi32>,
      %get3A_1177 = arith.constant 816 : index
      %get3A_1178 = tpu.vector_load %arg4[%get3A_1177] {strides = array<i32>} : memref<2048xi32, #tpu.memory_space<vmem>>, vector<16xi32>,
      %gather3A_1179 = tpu.vector_load_idx %arg7[%get3A_1178] : memref<64xi32, #tpu.memory_space<vmem>>[vector<16xi32>], vector<16xi32>,
      %get3A_1180 = arith.constant 816 : index
      %get3A_1181 = tpu.vector_load %arg5[%get3A_1180] {strides = array<i32>} : memref<2048xi32, #tpu.memory_space<vmem>>, vector<16xi32>,
      %add3A_1182 = arith.addi %get3A_1181, %gather3A_1179 : vector<16xi32>
      %swap3A_1183 = arith.constant 816 : index
      %swap3A_1184 = tpu.vector_load %arg5[%swap3A_1183] {strides = array<i32>} : memref<2048xi32, #tpu.memory_space<vmem>>, vector<16xi32>,
      tpu.vector_store %arg5[%swap3A_1183], %add3A_1182 {strides = array<i32>} : memref<2048xi32, #tpu.memory_space<vmem>>, vector<16xi32>,
      %get3A_1185 = arith.constant 832 : index
      %get3A_1186 = tpu.vector_load %arg4[%get3A_1185] {strides = array<i32>} : memref<2048xi32, #tpu.memory_space<vmem>>, vector<16xi32>,
      %gather3A_1187 = tpu.vector_load_idx %arg7[%get3A_1186] : memref<64xi32, #tpu.memory_space<vmem>>[vector<16xi32>], vector<16xi32>,
      %get3A_1188 = arith.constant 832 : index
      %get3A_1189 = tpu.vector_load %arg5[%get3A_1188] {strides = array<i32>} : memref<2048xi32, #tpu.memory_space<vmem>>, vector<16xi32>,
      %add3A_1190 = arith.addi %get3A_1189, %gather3A_1187 : vector<16xi32>
      %swap3A_1191 = arith.constant 832 : index
      %swap3A_1192 = tpu.vector_load %arg5[%swap3A_1191] {strides = array<i32>} : memref<2048xi32, #tpu.memory_space<vmem>>, vector<16xi32>,
      tpu.vector_store %arg5[%swap3A_1191], %add3A_1190 {strides = array<i32>} : memref<2048xi32, #tpu.memory_space<vmem>>, vector<16xi32>,
      %get3A_1193 = arith.constant 848 : index
      %get3A_1194 = tpu.vector_load %arg4[%get3A_1193] {strides = array<i32>} : memref<2048xi32, #tpu.memory_space<vmem>>, vector<16xi32>,
      %gather3A_1195 = tpu.vector_load_idx %arg7[%get3A_1194] : memref<64xi32, #tpu.memory_space<vmem>>[vector<16xi32>], vector<16xi32>,
      %get3A_1196 = arith.constant 848 : index
      %get3A_1197 = tpu.vector_load %arg5[%get3A_1196] {strides = array<i32>} : memref<2048xi32, #tpu.memory_space<vmem>>, vector<16xi32>,
      %add3A_1198 = arith.addi %get3A_1197, %gather3A_1195 : vector<16xi32>
      %swap3A_1199 = arith.constant 848 : index
      %swap3A_1200 = tpu.vector_load %arg5[%swap3A_1199] {strides = array<i32>} : memref<2048xi32, #tpu.memory_space<vmem>>, vector<16xi32>,
      tpu.vector_store %arg5[%swap3A_1199], %add3A_1198 {strides = array<i32>} : memref<2048xi32, #tpu.memory_space<vmem>>, vector<16xi32>,
      %get3A_1201 = arith.constant 864 : index
      %get3A_1202 = tpu.vector_load %arg4[%get3A_1201] {strides = array<i32>} : memref<2048xi32, #tpu.memory_space<vmem>>, vector<16xi32>,
      %gather3A_1203 = tpu.vector_load_idx %arg7[%get3A_1202] : memref<64xi32, #tpu.memory_space<vmem>>[vector<16xi32>], vector<16xi32>,
      %get3A_1204 = arith.constant 864 : index
      %get3A_1205 = tpu.vector_load %arg5[%get3A_1204] {strides = array<i32>} : memref<2048xi32, #tpu.memory_space<vmem>>, vector<16xi32>,
      %add3A_1206 = arith.addi %get3A_1205, %gather3A_1203 : vector<16xi32>
      %swap3A_1207 = arith.constant 864 : index
      %swap3A_1208 = tpu.vector_load %arg5[%swap3A_1207] {strides = array<i32>} : memref<2048xi32, #tpu.memory_space<vmem>>, vector<16xi32>,
      tpu.vector_store %arg5[%swap3A_1207], %add3A_1206 {strides = array<i32>} : memref<2048xi32, #tpu.memory_space<vmem>>, vector<16xi32>,
      %get3A_1209 = arith.constant 880 : index
      %get3A_1210 = tpu.vector_load %arg4[%get3A_1209] {strides = array<i32>} : memref<2048xi32, #tpu.memory_space<vmem>>, vector<16xi32>,
      %gather3A_1211 = tpu.vector_load_idx %arg7[%get3A_1210] : memref<64xi32, #tpu.memory_space<vmem>>[vector<16xi32>], vector<16xi32>,
      %get3A_1212 = arith.constant 880 : index
      %get3A_1213 = tpu.vector_load %arg5[%get3A_1212] {strides = array<i32>} : memref<2048xi32, #tpu.memory_space<vmem>>, vector<16xi32>,
      %add3A_1214 = arith.addi %get3A_1213, %gather3A_1211 : vector<16xi32>
      %swap3A_1215 = arith.constant 880 : index
      %swap3A_1216 = tpu.vector_load %arg5[%swap3A_1215] {strides = array<i32>} : memref<2048xi32, #tpu.memory_space<vmem>>, vector<16xi32>,
      tpu.vector_store %arg5[%swap3A_1215], %add3A_1214 {strides = array<i32>} : memref<2048xi32, #tpu.memory_space<vmem>>, vector<16xi32>,
      %get3A_1217 = arith.constant 896 : index
      %get3A_1218 = tpu.vector_load %arg4[%get3A_1217] {strides = array<i32>} : memref<2048xi32, #tpu.memory_space<vmem>>, vector<16xi32>,
      %gather3A_1219 = tpu.vector_load_idx %arg7[%get3A_1218] : memref<64xi32, #tpu.memory_space<vmem>>[vector<16xi32>], vector<16xi32>,
      %get3A_1220 = arith.constant 896 : index
      %get3A_1221 = tpu.vector_load %arg5[%get3A_1220] {strides = array<i32>} : memref<2048xi32, #tpu.memory_space<vmem>>, vector<16xi32>,
      %add3A_1222 = arith.addi %get3A_1221, %gather3A_1219 : vector<16xi32>
      %swap3A_1223 = arith.constant 896 : index
      %swap3A_1224 = tpu.vector_load %arg5[%swap3A_1223] {strides = array<i32>} : memref<2048xi32, #tpu.memory_space<vmem>>, vector<16xi32>,
      tpu.vector_store %arg5[%swap3A_1223], %add3A_1222 {strides = array<i32>} : memref<2048xi32, #tpu.memory_space<vmem>>, vector<16xi32>,
      %get3A_1225 = arith.constant 912 : index
      %get3A_1226 = tpu.vector_load %arg4[%get3A_1225] {strides = array<i32>} : memref<2048xi32, #tpu.memory_space<vmem>>, vector<16xi32>,
      %gather3A_1227 = tpu.vector_load_idx %arg7[%get3A_1226] : memref<64xi32, #tpu.memory_space<vmem>>[vector<16xi32>], vector<16xi32>,
      %get3A_1228 = arith.constant 912 : index
      %get3A_1229 = tpu.vector_load %arg5[%get3A_1228] {strides = array<i32>} : memref<2048xi32, #tpu.memory_space<vmem>>, vector<16xi32>,
      %add3A_1230 = arith.addi %get3A_1229, %gather3A_1227 : vector<16xi32>
      %swap3A_1231 = arith.constant 912 : index
      %swap3A_1232 = tpu.vector_load %arg5[%swap3A_1231] {strides = array<i32>} : memref<2048xi32, #tpu.memory_space<vmem>>, vector<16xi32>,
      tpu.vector_store %arg5[%swap3A_1231], %add3A_1230 {strides = array<i32>} : memref<2048xi32, #tpu.memory_space<vmem>>, vector<16xi32>,
      %get3A_1233 = arith.constant 928 : index
      %get3A_1234 = tpu.vector_load %arg4[%get3A_1233] {strides = array<i32>} : memref<2048xi32, #tpu.memory_space<vmem>>, vector<16xi32>,
      %gather3A_1235 = tpu.vector_load_idx %arg7[%get3A_1234] : memref<64xi32, #tpu.memory_space<vmem>>[vector<16xi32>], vector<16xi32>,
      %get3A_1236 = arith.constant 928 : index
      %get3A_1237 = tpu.vector_load %arg5[%get3A_1236] {strides = array<i32>} : memref<2048xi32, #tpu.memory_space<vmem>>, vector<16xi32>,
      %add3A_1238 = arith.addi %get3A_1237, %gather3A_1235 : vector<16xi32>
      %swap3A_1239 = arith.constant 928 : index
      %swap3A_1240 = tpu.vector_load %arg5[%swap3A_1239] {strides = array<i32>} : memref<2048xi32, #tpu.memory_space<vmem>>, vector<16xi32>,
      tpu.vector_store %arg5[%swap3A_1239], %add3A_1238 {strides = array<i32>} : memref<2048xi32, #tpu.memory_space<vmem>>, vector<16xi32>,
      %get3A_1241 = arith.constant 944 : index
      %get3A_1242 = tpu.vector_load %arg4[%get3A_1241] {strides = array<i32>} : memref<2048xi32, #tpu.memory_space<vmem>>, vector<16xi32>,
      %gather3A_1243 = tpu.vector_load_idx %arg7[%get3A_1242] : memref<64xi32, #tpu.memory_space<vmem>>[vector<16xi32>], vector<16xi32>,
      %get3A_1244 = arith.constant 944 : index
      %get3A_1245 = tpu.vector_load %arg5[%get3A_1244] {strides = array<i32>} : memref<2048xi32, #tpu.memory_space<vmem>>, vector<16xi32>,
      %add3A_1246 = arith.addi %get3A_1245, %gather3A_1243 : vector<16xi32>
      %swap3A_1247 = arith.constant 944 : index
      %swap3A_1248 = tpu.vector_load %arg5[%swap3A_1247] {strides = array<i32>} : memref<2048xi32, #tpu.memory_space<vmem>>, vector<16xi32>,
      tpu.vector_store %arg5[%swap3A_1247], %add3A_1246 {strides = array<i32>} : memref<2048xi32, #tpu.memory_space<vmem>>, vector<16xi32>,
      %get3A_1249 = arith.constant 960 : index
      %get3A_1250 = tpu.vector_load %arg4[%get3A_1249] {strides = array<i32>} : memref<2048xi32, #tpu.memory_space<vmem>>, vector<16xi32>,
      %gather3A_1251 = tpu.vector_load_idx %arg7[%get3A_1250] : memref<64xi32, #tpu.memory_space<vmem>>[vector<16xi32>], vector<16xi32>,
      %get3A_1252 = arith.constant 960 : index
      %get3A_1253 = tpu.vector_load %arg5[%get3A_1252] {strides = array<i32>} : memref<2048xi32, #tpu.memory_space<vmem>>, vector<16xi32>,
      %add3A_1254 = arith.addi %get3A_1253, %gather3A_1251 : vector<16xi32>
      %swap3A_1255 = arith.constant 960 : index
      %swap3A_1256 = tpu.vector_load %arg5[%swap3A_1255] {strides = array<i32>} : memref<2048xi32, #tpu.memory_space<vmem>>, vector<16xi32>,
      tpu.vector_store %arg5[%swap3A_1255], %add3A_1254 {strides = array<i32>} : memref<2048xi32, #tpu.memory_space<vmem>>, vector<16xi32>,
      %get3A_1257 = arith.constant 976 : index
      %get3A_1258 = tpu.vector_load %arg4[%get3A_1257] {strides = array<i32>} : memref<2048xi32, #tpu.memory_space<vmem>>, vector<16xi32>,
      %gather3A_1259 = tpu.vector_load_idx %arg7[%get3A_1258] : memref<64xi32, #tpu.memory_space<vmem>>[vector<16xi32>], vector<16xi32>,
      %get3A_1260 = arith.constant 976 : index
      %get3A_1261 = tpu.vector_load %arg5[%get3A_1260] {strides = array<i32>} : memref<2048xi32, #tpu.memory_space<vmem>>, vector<16xi32>,
      %add3A_1262 = arith.addi %get3A_1261, %gather3A_1259 : vector<16xi32>
      %swap3A_1263 = arith.constant 976 : index
      %swap3A_1264 = tpu.vector_load %arg5[%swap3A_1263] {strides = array<i32>} : memref<2048xi32, #tpu.memory_space<vmem>>, vector<16xi32>,
      tpu.vector_store %arg5[%swap3A_1263], %add3A_1262 {strides = array<i32>} : memref<2048xi32, #tpu.memory_space<vmem>>, vector<16xi32>,
      %get3A_1265 = arith.constant 992 : index
      %get3A_1266 = tpu.vector_load %arg4[%get3A_1265] {strides = array<i32>} : memref<2048xi32, #tpu.memory_space<vmem>>, vector<16xi32>,
      %gather3A_1267 = tpu.vector_load_idx %arg7[%get3A_1266] : memref<64xi32, #tpu.memory_space<vmem>>[vector<16xi32>], vector<16xi32>,
      %get3A_1268 = arith.constant 992 : index
      %get3A_1269 = tpu.vector_load %arg5[%get3A_1268] {strides = array<i32>} : memref<2048xi32, #tpu.memory_space<vmem>>, vector<16xi32>,
      %add3A_1270 = arith.addi %get3A_1269, %gather3A_1267 : vector<16xi32>
      %swap3A_1271 = arith.constant 992 : index
      %swap3A_1272 = tpu.vector_load %arg5[%swap3A_1271] {strides = array<i32>} : memref<2048xi32, #tpu.memory_space<vmem>>, vector<16xi32>,
      tpu.vector_store %arg5[%swap3A_1271], %add3A_1270 {strides = array<i32>} : memref<2048xi32, #tpu.memory_space<vmem>>, vector<16xi32>,
      %get3A_1273 = arith.constant 1008 : index
      %get3A_1274 = tpu.vector_load %arg4[%get3A_1273] {strides = array<i32>} : memref<2048xi32, #tpu.memory_space<vmem>>, vector<16xi32>,
      %gather3A_1275 = tpu.vector_load_idx %arg7[%get3A_1274] : memref<64xi32, #tpu.memory_space<vmem>>[vector<16xi32>], vector<16xi32>,
      %get3A_1276 = arith.constant 1008 : index
      %get3A_1277 = tpu.vector_load %arg5[%get3A_1276] {strides = array<i32>} : memref<2048xi32, #tpu.memory_space<vmem>>, vector<16xi32>,
      %add3A_1278 = arith.addi %get3A_1277, %gather3A_1275 : vector<16xi32>
      %swap3A_1279 = arith.constant 1008 : index
      %swap3A_1280 = tpu.vector_load %arg5[%swap3A_1279] {strides = array<i32>} : memref<2048xi32, #tpu.memory_space<vmem>>, vector<16xi32>,
      tpu.vector_store %arg5[%swap3A_1279], %add3A_1278 {strides = array<i32>} : memref<2048xi32, #tpu.memory_space<vmem>>, vector<16xi32>,
      %get3A_1281 = arith.constant 1024 : index
      %get3A_1282 = tpu.vector_load %arg4[%get3A_1281] {strides = array<i32>} : memref<2048xi32, #tpu.memory_space<vmem>>, vector<16xi32>,
      %gather3A_1283 = tpu.vector_load_idx %arg7[%get3A_1282] : memref<64xi32, #tpu.memory_space<vmem>>[vector<16xi32>], vector<16xi32>,
      %get3A_1284 = arith.constant 1024 : index
      %get3A_1285 = tpu.vector_load %arg5[%get3A_1284] {strides = array<i32>} : memref<2048xi32, #tpu.memory_space<vmem>>, vector<16xi32>,
      %add3A_1286 = arith.addi %get3A_1285, %gather3A_1283 : vector<16xi32>
      %swap3A_1287 = arith.constant 1024 : index
      %swap3A_1288 = tpu.vector_load %arg5[%swap3A_1287] {strides = array<i32>} : memref<2048xi32, #tpu.memory_space<vmem>>, vector<16xi32>,
      tpu.vector_store %arg5[%swap3A_1287], %add3A_1286 {strides = array<i32>} : memref<2048xi32, #tpu.memory_space<vmem>>, vector<16xi32>,
      %get3A_1289 = arith.constant 1040 : index
      %get3A_1290 = tpu.vector_load %arg4[%get3A_1289] {strides = array<i32>} : memref<2048xi32, #tpu.memory_space<vmem>>, vector<16xi32>,
      %gather3A_1291 = tpu.vector_load_idx %arg7[%get3A_1290] : memref<64xi32, #tpu.memory_space<vmem>>[vector<16xi32>], vector<16xi32>,
      %get3A_1292 = arith.constant 1040 : index
      %get3A_1293 = tpu.vector_load %arg5[%get3A_1292] {strides = array<i32>} : memref<2048xi32, #tpu.memory_space<vmem>>, vector<16xi32>,
      %add3A_1294 = arith.addi %get3A_1293, %gather3A_1291 : vector<16xi32>
      %swap3A_1295 = arith.constant 1040 : index
      %swap3A_1296 = tpu.vector_load %arg5[%swap3A_1295] {strides = array<i32>} : memref<2048xi32, #tpu.memory_space<vmem>>, vector<16xi32>,
      tpu.vector_store %arg5[%swap3A_1295], %add3A_1294 {strides = array<i32>} : memref<2048xi32, #tpu.memory_space<vmem>>, vector<16xi32>,
      %get3A_1297 = arith.constant 1056 : index
      %get3A_1298 = tpu.vector_load %arg4[%get3A_1297] {strides = array<i32>} : memref<2048xi32, #tpu.memory_space<vmem>>, vector<16xi32>,
      %gather3A_1299 = tpu.vector_load_idx %arg7[%get3A_1298] : memref<64xi32, #tpu.memory_space<vmem>>[vector<16xi32>], vector<16xi32>,
      %get3A_1300 = arith.constant 1056 : index
      %get3A_1301 = tpu.vector_load %arg5[%get3A_1300] {strides = array<i32>} : memref<2048xi32, #tpu.memory_space<vmem>>, vector<16xi32>,
      %add3A_1302 = arith.addi %get3A_1301, %gather3A_1299 : vector<16xi32>
      %swap3A_1303 = arith.constant 1056 : index
      %swap3A_1304 = tpu.vector_load %arg5[%swap3A_1303] {strides = array<i32>} : memref<2048xi32, #tpu.memory_space<vmem>>, vector<16xi32>,
      tpu.vector_store %arg5[%swap3A_1303], %add3A_1302 {strides = array<i32>} : memref<2048xi32, #tpu.memory_space<vmem>>, vector<16xi32>,
      %get3A_1305 = arith.constant 1072 : index
      %get3A_1306 = tpu.vector_load %arg4[%get3A_1305] {strides = array<i32>} : memref<2048xi32, #tpu.memory_space<vmem>>, vector<16xi32>,
      %gather3A_1307 = tpu.vector_load_idx %arg7[%get3A_1306] : memref<64xi32, #tpu.memory_space<vmem>>[vector<16xi32>], vector<16xi32>,
      %get3A_1308 = arith.constant 1072 : index
      %get3A_1309 = tpu.vector_load %arg5[%get3A_1308] {strides = array<i32>} : memref<2048xi32, #tpu.memory_space<vmem>>, vector<16xi32>,
      %add3A_1310 = arith.addi %get3A_1309, %gather3A_1307 : vector<16xi32>
      %swap3A_1311 = arith.constant 1072 : index
      %swap3A_1312 = tpu.vector_load %arg5[%swap3A_1311] {strides = array<i32>} : memref<2048xi32, #tpu.memory_space<vmem>>, vector<16xi32>,
      tpu.vector_store %arg5[%swap3A_1311], %add3A_1310 {strides = array<i32>} : memref<2048xi32, #tpu.memory_space<vmem>>, vector<16xi32>,
      %get3A_1313 = arith.constant 1088 : index
      %get3A_1314 = tpu.vector_load %arg4[%get3A_1313] {strides = array<i32>} : memref<2048xi32, #tpu.memory_space<vmem>>, vector<16xi32>,
      %gather3A_1315 = tpu.vector_load_idx %arg7[%get3A_1314] : memref<64xi32, #tpu.memory_space<vmem>>[vector<16xi32>], vector<16xi32>,
      %get3A_1316 = arith.constant 1088 : index
      %get3A_1317 = tpu.vector_load %arg5[%get3A_1316] {strides = array<i32>} : memref<2048xi32, #tpu.memory_space<vmem>>, vector<16xi32>,
      %add3A_1318 = arith.addi %get3A_1317, %gather3A_1315 : vector<16xi32>
      %swap3A_1319 = arith.constant 1088 : index
      %swap3A_1320 = tpu.vector_load %arg5[%swap3A_1319] {strides = array<i32>} : memref<2048xi32, #tpu.memory_space<vmem>>, vector<16xi32>,
      tpu.vector_store %arg5[%swap3A_1319], %add3A_1318 {strides = array<i32>} : memref<2048xi32, #tpu.memory_space<vmem>>, vector<16xi32>,
      %get3A_1321 = arith.constant 1104 : index
      %get3A_1322 = tpu.vector_load %arg4[%get3A_1321] {strides = array<i32>} : memref<2048xi32, #tpu.memory_space<vmem>>, vector<16xi32>,
      %gather3A_1323 = tpu.vector_load_idx %arg7[%get3A_1322] : memref<64xi32, #tpu.memory_space<vmem>>[vector<16xi32>], vector<16xi32>,
      %get3A_1324 = arith.constant 1104 : index
      %get3A_1325 = tpu.vector_load %arg5[%get3A_1324] {strides = array<i32>} : memref<2048xi32, #tpu.memory_space<vmem>>, vector<16xi32>,
      %add3A_1326 = arith.addi %get3A_1325, %gather3A_1323 : vector<16xi32>
      %swap3A_1327 = arith.constant 1104 : index
      %swap3A_1328 = tpu.vector_load %arg5[%swap3A_1327] {strides = array<i32>} : memref<2048xi32, #tpu.memory_space<vmem>>, vector<16xi32>,
      tpu.vector_store %arg5[%swap3A_1327], %add3A_1326 {strides = array<i32>} : memref<2048xi32, #tpu.memory_space<vmem>>, vector<16xi32>,
      %get3A_1329 = arith.constant 1120 : index
      %get3A_1330 = tpu.vector_load %arg4[%get3A_1329] {strides = array<i32>} : memref<2048xi32, #tpu.memory_space<vmem>>, vector<16xi32>,
      %gather3A_1331 = tpu.vector_load_idx %arg7[%get3A_1330] : memref<64xi32, #tpu.memory_space<vmem>>[vector<16xi32>], vector<16xi32>,
      %get3A_1332 = arith.constant 1120 : index
      %get3A_1333 = tpu.vector_load %arg5[%get3A_1332] {strides = array<i32>} : memref<2048xi32, #tpu.memory_space<vmem>>, vector<16xi32>,
      %add3A_1334 = arith.addi %get3A_1333, %gather3A_1331 : vector<16xi32>
      %swap3A_1335 = arith.constant 1120 : index
      %swap3A_1336 = tpu.vector_load %arg5[%swap3A_1335] {strides = array<i32>} : memref<2048xi32, #tpu.memory_space<vmem>>, vector<16xi32>,
      tpu.vector_store %arg5[%swap3A_1335], %add3A_1334 {strides = array<i32>} : memref<2048xi32, #tpu.memory_space<vmem>>, vector<16xi32>,
      %get3A_1337 = arith.constant 1136 : index
      %get3A_1338 = tpu.vector_load %arg4[%get3A_1337] {strides = array<i32>} : memref<2048xi32, #tpu.memory_space<vmem>>, vector<16xi32>,
      %gather3A_1339 = tpu.vector_load_idx %arg7[%get3A_1338] : memref<64xi32, #tpu.memory_space<vmem>>[vector<16xi32>], vector<16xi32>,
      %get3A_1340 = arith.constant 1136 : index
      %get3A_1341 = tpu.vector_load %arg5[%get3A_1340] {strides = array<i32>} : memref<2048xi32, #tpu.memory_space<vmem>>, vector<16xi32>,
      %add3A_1342 = arith.addi %get3A_1341, %gather3A_1339 : vector<16xi32>
      %swap3A_1343 = arith.constant 1136 : index
      %swap3A_1344 = tpu.vector_load %arg5[%swap3A_1343] {strides = array<i32>} : memref<2048xi32, #tpu.memory_space<vmem>>, vector<16xi32>,
      tpu.vector_store %arg5[%swap3A_1343], %add3A_1342 {strides = array<i32>} : memref<2048xi32, #tpu.memory_space<vmem>>, vector<16xi32>,
      %get3A_1345 = arith.constant 1152 : index
      %get3A_1346 = tpu.vector_load %arg4[%get3A_1345] {strides = array<i32>} : memref<2048xi32, #tpu.memory_space<vmem>>, vector<16xi32>,
      %gather3A_1347 = tpu.vector_load_idx %arg7[%get3A_1346] : memref<64xi32, #tpu.memory_space<vmem>>[vector<16xi32>], vector<16xi32>,
      %get3A_1348 = arith.constant 1152 : index
      %get3A_1349 = tpu.vector_load %arg5[%get3A_1348] {strides = array<i32>} : memref<2048xi32, #tpu.memory_space<vmem>>, vector<16xi32>,
      %add3A_1350 = arith.addi %get3A_1349, %gather3A_1347 : vector<16xi32>
      %swap3A_1351 = arith.constant 1152 : index
      %swap3A_1352 = tpu.vector_load %arg5[%swap3A_1351] {strides = array<i32>} : memref<2048xi32, #tpu.memory_space<vmem>>, vector<16xi32>,
      tpu.vector_store %arg5[%swap3A_1351], %add3A_1350 {strides = array<i32>} : memref<2048xi32, #tpu.memory_space<vmem>>, vector<16xi32>,
      %get3A_1353 = arith.constant 1168 : index
      %get3A_1354 = tpu.vector_load %arg4[%get3A_1353] {strides = array<i32>} : memref<2048xi32, #tpu.memory_space<vmem>>, vector<16xi32>,
      %gather3A_1355 = tpu.vector_load_idx %arg7[%get3A_1354] : memref<64xi32, #tpu.memory_space<vmem>>[vector<16xi32>], vector<16xi32>,
      %get3A_1356 = arith.constant 1168 : index
      %get3A_1357 = tpu.vector_load %arg5[%get3A_1356] {strides = array<i32>} : memref<2048xi32, #tpu.memory_space<vmem>>, vector<16xi32>,
      %add3A_1358 = arith.addi %get3A_1357, %gather3A_1355 : vector<16xi32>
      %swap3A_1359 = arith.constant 1168 : index
      %swap3A_1360 = tpu.vector_load %arg5[%swap3A_1359] {strides = array<i32>} : memref<2048xi32, #tpu.memory_space<vmem>>, vector<16xi32>,
      tpu.vector_store %arg5[%swap3A_1359], %add3A_1358 {strides = array<i32>} : memref<2048xi32, #tpu.memory_space<vmem>>, vector<16xi32>,
      %get3A_1361 = arith.constant 1184 : index
      %get3A_1362 = tpu.vector_load %arg4[%get3A_1361] {strides = array<i32>} : memref<2048xi32, #tpu.memory_space<vmem>>, vector<16xi32>,
      %gather3A_1363 = tpu.vector_load_idx %arg7[%get3A_1362] : memref<64xi32, #tpu.memory_space<vmem>>[vector<16xi32>], vector<16xi32>,
      %get3A_1364 = arith.constant 1184 : index
      %get3A_1365 = tpu.vector_load %arg5[%get3A_1364] {strides = array<i32>} : memref<2048xi32, #tpu.memory_space<vmem>>, vector<16xi32>,
      %add3A_1366 = arith.addi %get3A_1365, %gather3A_1363 : vector<16xi32>
      %swap3A_1367 = arith.constant 1184 : index
      %swap3A_1368 = tpu.vector_load %arg5[%swap3A_1367] {strides = array<i32>} : memref<2048xi32, #tpu.memory_space<vmem>>, vector<16xi32>,
      tpu.vector_store %arg5[%swap3A_1367], %add3A_1366 {strides = array<i32>} : memref<2048xi32, #tpu.memory_space<vmem>>, vector<16xi32>,
      %get3A_1369 = arith.constant 1200 : index
      %get3A_1370 = tpu.vector_load %arg4[%get3A_1369] {strides = array<i32>} : memref<2048xi32, #tpu.memory_space<vmem>>, vector<16xi32>,
      %gather3A_1371 = tpu.vector_load_idx %arg7[%get3A_1370] : memref<64xi32, #tpu.memory_space<vmem>>[vector<16xi32>], vector<16xi32>,
      %get3A_1372 = arith.constant 1200 : index
      %get3A_1373 = tpu.vector_load %arg5[%get3A_1372] {strides = array<i32>} : memref<2048xi32, #tpu.memory_space<vmem>>, vector<16xi32>,
      %add3A_1374 = arith.addi %get3A_1373, %gather3A_1371 : vector<16xi32>
      %swap3A_1375 = arith.constant 1200 : index
      %swap3A_1376 = tpu.vector_load %arg5[%swap3A_1375] {strides = array<i32>} : memref<2048xi32, #tpu.memory_space<vmem>>, vector<16xi32>,
      tpu.vector_store %arg5[%swap3A_1375], %add3A_1374 {strides = array<i32>} : memref<2048xi32, #tpu.memory_space<vmem>>, vector<16xi32>,
      %get3A_1377 = arith.constant 1216 : index
      %get3A_1378 = tpu.vector_load %arg4[%get3A_1377] {strides = array<i32>} : memref<2048xi32, #tpu.memory_space<vmem>>, vector<16xi32>,
      %gather3A_1379 = tpu.vector_load_idx %arg7[%get3A_1378] : memref<64xi32, #tpu.memory_space<vmem>>[vector<16xi32>], vector<16xi32>,
      %get3A_1380 = arith.constant 1216 : index
      %get3A_1381 = tpu.vector_load %arg5[%get3A_1380] {strides = array<i32>} : memref<2048xi32, #tpu.memory_space<vmem>>, vector<16xi32>,
      %add3A_1382 = arith.addi %get3A_1381, %gather3A_1379 : vector<16xi32>
      %swap3A_1383 = arith.constant 1216 : index
      %swap3A_1384 = tpu.vector_load %arg5[%swap3A_1383] {strides = array<i32>} : memref<2048xi32, #tpu.memory_space<vmem>>, vector<16xi32>,
      tpu.vector_store %arg5[%swap3A_1383], %add3A_1382 {strides = array<i32>} : memref<2048xi32, #tpu.memory_space<vmem>>, vector<16xi32>,
      %get3A_1385 = arith.constant 1232 : index
      %get3A_1386 = tpu.vector_load %arg4[%get3A_1385] {strides = array<i32>} : memref<2048xi32, #tpu.memory_space<vmem>>, vector<16xi32>,
      %gather3A_1387 = tpu.vector_load_idx %arg7[%get3A_1386] : memref<64xi32, #tpu.memory_space<vmem>>[vector<16xi32>], vector<16xi32>,
      %get3A_1388 = arith.constant 1232 : index
      %get3A_1389 = tpu.vector_load %arg5[%get3A_1388] {strides = array<i32>} : memref<2048xi32, #tpu.memory_space<vmem>>, vector<16xi32>,
      %add3A_1390 = arith.addi %get3A_1389, %gather3A_1387 : vector<16xi32>
      %swap3A_1391 = arith.constant 1232 : index
      %swap3A_1392 = tpu.vector_load %arg5[%swap3A_1391] {strides = array<i32>} : memref<2048xi32, #tpu.memory_space<vmem>>, vector<16xi32>,
      tpu.vector_store %arg5[%swap3A_1391], %add3A_1390 {strides = array<i32>} : memref<2048xi32, #tpu.memory_space<vmem>>, vector<16xi32>,
      %get3A_1393 = arith.constant 1248 : index
      %get3A_1394 = tpu.vector_load %arg4[%get3A_1393] {strides = array<i32>} : memref<2048xi32, #tpu.memory_space<vmem>>, vector<16xi32>,
      %gather3A_1395 = tpu.vector_load_idx %arg7[%get3A_1394] : memref<64xi32, #tpu.memory_space<vmem>>[vector<16xi32>], vector<16xi32>,
      %get3A_1396 = arith.constant 1248 : index
      %get3A_1397 = tpu.vector_load %arg5[%get3A_1396] {strides = array<i32>} : memref<2048xi32, #tpu.memory_space<vmem>>, vector<16xi32>,
      %add3A_1398 = arith.addi %get3A_1397, %gather3A_1395 : vector<16xi32>
      %swap3A_1399 = arith.constant 1248 : index
      %swap3A_1400 = tpu.vector_load %arg5[%swap3A_1399] {strides = array<i32>} : memref<2048xi32, #tpu.memory_space<vmem>>, vector<16xi32>,
      tpu.vector_store %arg5[%swap3A_1399], %add3A_1398 {strides = array<i32>} : memref<2048xi32, #tpu.memory_space<vmem>>, vector<16xi32>,
      %get3A_1401 = arith.constant 1264 : index
      %get3A_1402 = tpu.vector_load %arg4[%get3A_1401] {strides = array<i32>} : memref<2048xi32, #tpu.memory_space<vmem>>, vector<16xi32>,
      %gather3A_1403 = tpu.vector_load_idx %arg7[%get3A_1402] : memref<64xi32, #tpu.memory_space<vmem>>[vector<16xi32>], vector<16xi32>,
      %get3A_1404 = arith.constant 1264 : index
      %get3A_1405 = tpu.vector_load %arg5[%get3A_1404] {strides = array<i32>} : memref<2048xi32, #tpu.memory_space<vmem>>, vector<16xi32>,
      %add3A_1406 = arith.addi %get3A_1405, %gather3A_1403 : vector<16xi32>
      %swap3A_1407 = arith.constant 1264 : index
      %swap3A_1408 = tpu.vector_load %arg5[%swap3A_1407] {strides = array<i32>} : memref<2048xi32, #tpu.memory_space<vmem>>, vector<16xi32>,
      tpu.vector_store %arg5[%swap3A_1407], %add3A_1406 {strides = array<i32>} : memref<2048xi32, #tpu.memory_space<vmem>>, vector<16xi32>,
      %get3A_1409 = arith.constant 1280 : index
      %get3A_1410 = tpu.vector_load %arg4[%get3A_1409] {strides = array<i32>} : memref<2048xi32, #tpu.memory_space<vmem>>, vector<16xi32>,
      %gather3A_1411 = tpu.vector_load_idx %arg7[%get3A_1410] : memref<64xi32, #tpu.memory_space<vmem>>[vector<16xi32>], vector<16xi32>,
      %get3A_1412 = arith.constant 1280 : index
      %get3A_1413 = tpu.vector_load %arg5[%get3A_1412] {strides = array<i32>} : memref<2048xi32, #tpu.memory_space<vmem>>, vector<16xi32>,
      %add3A_1414 = arith.addi %get3A_1413, %gather3A_1411 : vector<16xi32>
      %swap3A_1415 = arith.constant 1280 : index
      %swap3A_1416 = tpu.vector_load %arg5[%swap3A_1415] {strides = array<i32>} : memref<2048xi32, #tpu.memory_space<vmem>>, vector<16xi32>,
      tpu.vector_store %arg5[%swap3A_1415], %add3A_1414 {strides = array<i32>} : memref<2048xi32, #tpu.memory_space<vmem>>, vector<16xi32>,
      %get3A_1417 = arith.constant 1296 : index
      %get3A_1418 = tpu.vector_load %arg4[%get3A_1417] {strides = array<i32>} : memref<2048xi32, #tpu.memory_space<vmem>>, vector<16xi32>,
      %gather3A_1419 = tpu.vector_load_idx %arg7[%get3A_1418] : memref<64xi32, #tpu.memory_space<vmem>>[vector<16xi32>], vector<16xi32>,
      %get3A_1420 = arith.constant 1296 : index
      %get3A_1421 = tpu.vector_load %arg5[%get3A_1420] {strides = array<i32>} : memref<2048xi32, #tpu.memory_space<vmem>>, vector<16xi32>,
      %add3A_1422 = arith.addi %get3A_1421, %gather3A_1419 : vector<16xi32>
      %swap3A_1423 = arith.constant 1296 : index
      %swap3A_1424 = tpu.vector_load %arg5[%swap3A_1423] {strides = array<i32>} : memref<2048xi32, #tpu.memory_space<vmem>>, vector<16xi32>,
      tpu.vector_store %arg5[%swap3A_1423], %add3A_1422 {strides = array<i32>} : memref<2048xi32, #tpu.memory_space<vmem>>, vector<16xi32>,
      %get3A_1425 = arith.constant 1312 : index
      %get3A_1426 = tpu.vector_load %arg4[%get3A_1425] {strides = array<i32>} : memref<2048xi32, #tpu.memory_space<vmem>>, vector<16xi32>,
      %gather3A_1427 = tpu.vector_load_idx %arg7[%get3A_1426] : memref<64xi32, #tpu.memory_space<vmem>>[vector<16xi32>], vector<16xi32>,
      %get3A_1428 = arith.constant 1312 : index
      %get3A_1429 = tpu.vector_load %arg5[%get3A_1428] {strides = array<i32>} : memref<2048xi32, #tpu.memory_space<vmem>>, vector<16xi32>,
      %add3A_1430 = arith.addi %get3A_1429, %gather3A_1427 : vector<16xi32>
      %swap3A_1431 = arith.constant 1312 : index
      %swap3A_1432 = tpu.vector_load %arg5[%swap3A_1431] {strides = array<i32>} : memref<2048xi32, #tpu.memory_space<vmem>>, vector<16xi32>,
      tpu.vector_store %arg5[%swap3A_1431], %add3A_1430 {strides = array<i32>} : memref<2048xi32, #tpu.memory_space<vmem>>, vector<16xi32>,
      %get3A_1433 = arith.constant 1328 : index
      %get3A_1434 = tpu.vector_load %arg4[%get3A_1433] {strides = array<i32>} : memref<2048xi32, #tpu.memory_space<vmem>>, vector<16xi32>,
      %gather3A_1435 = tpu.vector_load_idx %arg7[%get3A_1434] : memref<64xi32, #tpu.memory_space<vmem>>[vector<16xi32>], vector<16xi32>,
      %get3A_1436 = arith.constant 1328 : index
      %get3A_1437 = tpu.vector_load %arg5[%get3A_1436] {strides = array<i32>} : memref<2048xi32, #tpu.memory_space<vmem>>, vector<16xi32>,
      %add3A_1438 = arith.addi %get3A_1437, %gather3A_1435 : vector<16xi32>
      %swap3A_1439 = arith.constant 1328 : index
      %swap3A_1440 = tpu.vector_load %arg5[%swap3A_1439] {strides = array<i32>} : memref<2048xi32, #tpu.memory_space<vmem>>, vector<16xi32>,
      tpu.vector_store %arg5[%swap3A_1439], %add3A_1438 {strides = array<i32>} : memref<2048xi32, #tpu.memory_space<vmem>>, vector<16xi32>,
      %get3A_1441 = arith.constant 1344 : index
      %get3A_1442 = tpu.vector_load %arg4[%get3A_1441] {strides = array<i32>} : memref<2048xi32, #tpu.memory_space<vmem>>, vector<16xi32>,
      %gather3A_1443 = tpu.vector_load_idx %arg7[%get3A_1442] : memref<64xi32, #tpu.memory_space<vmem>>[vector<16xi32>], vector<16xi32>,
      %get3A_1444 = arith.constant 1344 : index
      %get3A_1445 = tpu.vector_load %arg5[%get3A_1444] {strides = array<i32>} : memref<2048xi32, #tpu.memory_space<vmem>>, vector<16xi32>,
      %add3A_1446 = arith.addi %get3A_1445, %gather3A_1443 : vector<16xi32>
      %swap3A_1447 = arith.constant 1344 : index
      %swap3A_1448 = tpu.vector_load %arg5[%swap3A_1447] {strides = array<i32>} : memref<2048xi32, #tpu.memory_space<vmem>>, vector<16xi32>,
      tpu.vector_store %arg5[%swap3A_1447], %add3A_1446 {strides = array<i32>} : memref<2048xi32, #tpu.memory_space<vmem>>, vector<16xi32>,
      %get3A_1449 = arith.constant 1360 : index
      %get3A_1450 = tpu.vector_load %arg4[%get3A_1449] {strides = array<i32>} : memref<2048xi32, #tpu.memory_space<vmem>>, vector<16xi32>,
      %gather3A_1451 = tpu.vector_load_idx %arg7[%get3A_1450] : memref<64xi32, #tpu.memory_space<vmem>>[vector<16xi32>], vector<16xi32>,
      %get3A_1452 = arith.constant 1360 : index
      %get3A_1453 = tpu.vector_load %arg5[%get3A_1452] {strides = array<i32>} : memref<2048xi32, #tpu.memory_space<vmem>>, vector<16xi32>,
      %add3A_1454 = arith.addi %get3A_1453, %gather3A_1451 : vector<16xi32>
      %swap3A_1455 = arith.constant 1360 : index
      %swap3A_1456 = tpu.vector_load %arg5[%swap3A_1455] {strides = array<i32>} : memref<2048xi32, #tpu.memory_space<vmem>>, vector<16xi32>,
      tpu.vector_store %arg5[%swap3A_1455], %add3A_1454 {strides = array<i32>} : memref<2048xi32, #tpu.memory_space<vmem>>, vector<16xi32>,
      %get3A_1457 = arith.constant 1376 : index
      %get3A_1458 = tpu.vector_load %arg4[%get3A_1457] {strides = array<i32>} : memref<2048xi32, #tpu.memory_space<vmem>>, vector<16xi32>,
      %gather3A_1459 = tpu.vector_load_idx %arg7[%get3A_1458] : memref<64xi32, #tpu.memory_space<vmem>>[vector<16xi32>], vector<16xi32>,
      %get3A_1460 = arith.constant 1376 : index
      %get3A_1461 = tpu.vector_load %arg5[%get3A_1460] {strides = array<i32>} : memref<2048xi32, #tpu.memory_space<vmem>>, vector<16xi32>,
      %add3A_1462 = arith.addi %get3A_1461, %gather3A_1459 : vector<16xi32>
      %swap3A_1463 = arith.constant 1376 : index
      %swap3A_1464 = tpu.vector_load %arg5[%swap3A_1463] {strides = array<i32>} : memref<2048xi32, #tpu.memory_space<vmem>>, vector<16xi32>,
      tpu.vector_store %arg5[%swap3A_1463], %add3A_1462 {strides = array<i32>} : memref<2048xi32, #tpu.memory_space<vmem>>, vector<16xi32>,
      %get3A_1465 = arith.constant 1392 : index
      %get3A_1466 = tpu.vector_load %arg4[%get3A_1465] {strides = array<i32>} : memref<2048xi32, #tpu.memory_space<vmem>>, vector<16xi32>,
      %gather3A_1467 = tpu.vector_load_idx %arg7[%get3A_1466] : memref<64xi32, #tpu.memory_space<vmem>>[vector<16xi32>], vector<16xi32>,
      %get3A_1468 = arith.constant 1392 : index
      %get3A_1469 = tpu.vector_load %arg5[%get3A_1468] {strides = array<i32>} : memref<2048xi32, #tpu.memory_space<vmem>>, vector<16xi32>,
      %add3A_1470 = arith.addi %get3A_1469, %gather3A_1467 : vector<16xi32>
      %swap3A_1471 = arith.constant 1392 : index
      %swap3A_1472 = tpu.vector_load %arg5[%swap3A_1471] {strides = array<i32>} : memref<2048xi32, #tpu.memory_space<vmem>>, vector<16xi32>,
      tpu.vector_store %arg5[%swap3A_1471], %add3A_1470 {strides = array<i32>} : memref<2048xi32, #tpu.memory_space<vmem>>, vector<16xi32>,
      %get3A_1473 = arith.constant 1408 : index
      %get3A_1474 = tpu.vector_load %arg4[%get3A_1473] {strides = array<i32>} : memref<2048xi32, #tpu.memory_space<vmem>>, vector<16xi32>,
      %gather3A_1475 = tpu.vector_load_idx %arg7[%get3A_1474] : memref<64xi32, #tpu.memory_space<vmem>>[vector<16xi32>], vector<16xi32>,
      %get3A_1476 = arith.constant 1408 : index
      %get3A_1477 = tpu.vector_load %arg5[%get3A_1476] {strides = array<i32>} : memref<2048xi32, #tpu.memory_space<vmem>>, vector<16xi32>,
      %add3A_1478 = arith.addi %get3A_1477, %gather3A_1475 : vector<16xi32>
      %swap3A_1479 = arith.constant 1408 : index
      %swap3A_1480 = tpu.vector_load %arg5[%swap3A_1479] {strides = array<i32>} : memref<2048xi32, #tpu.memory_space<vmem>>, vector<16xi32>,
      tpu.vector_store %arg5[%swap3A_1479], %add3A_1478 {strides = array<i32>} : memref<2048xi32, #tpu.memory_space<vmem>>, vector<16xi32>,
      %get3A_1481 = arith.constant 1424 : index
      %get3A_1482 = tpu.vector_load %arg4[%get3A_1481] {strides = array<i32>} : memref<2048xi32, #tpu.memory_space<vmem>>, vector<16xi32>,
      %gather3A_1483 = tpu.vector_load_idx %arg7[%get3A_1482] : memref<64xi32, #tpu.memory_space<vmem>>[vector<16xi32>], vector<16xi32>,
      %get3A_1484 = arith.constant 1424 : index
      %get3A_1485 = tpu.vector_load %arg5[%get3A_1484] {strides = array<i32>} : memref<2048xi32, #tpu.memory_space<vmem>>, vector<16xi32>,
      %add3A_1486 = arith.addi %get3A_1485, %gather3A_1483 : vector<16xi32>
      %swap3A_1487 = arith.constant 1424 : index
      %swap3A_1488 = tpu.vector_load %arg5[%swap3A_1487] {strides = array<i32>} : memref<2048xi32, #tpu.memory_space<vmem>>, vector<16xi32>,
      tpu.vector_store %arg5[%swap3A_1487], %add3A_1486 {strides = array<i32>} : memref<2048xi32, #tpu.memory_space<vmem>>, vector<16xi32>,
      %get3A_1489 = arith.constant 1440 : index
      %get3A_1490 = tpu.vector_load %arg4[%get3A_1489] {strides = array<i32>} : memref<2048xi32, #tpu.memory_space<vmem>>, vector<16xi32>,
      %gather3A_1491 = tpu.vector_load_idx %arg7[%get3A_1490] : memref<64xi32, #tpu.memory_space<vmem>>[vector<16xi32>], vector<16xi32>,
      %get3A_1492 = arith.constant 1440 : index
      %get3A_1493 = tpu.vector_load %arg5[%get3A_1492] {strides = array<i32>} : memref<2048xi32, #tpu.memory_space<vmem>>, vector<16xi32>,
      %add3A_1494 = arith.addi %get3A_1493, %gather3A_1491 : vector<16xi32>
      %swap3A_1495 = arith.constant 1440 : index
      %swap3A_1496 = tpu.vector_load %arg5[%swap3A_1495] {strides = array<i32>} : memref<2048xi32, #tpu.memory_space<vmem>>, vector<16xi32>,
      tpu.vector_store %arg5[%swap3A_1495], %add3A_1494 {strides = array<i32>} : memref<2048xi32, #tpu.memory_space<vmem>>, vector<16xi32>,
      %get3A_1497 = arith.constant 1456 : index
      %get3A_1498 = tpu.vector_load %arg4[%get3A_1497] {strides = array<i32>} : memref<2048xi32, #tpu.memory_space<vmem>>, vector<16xi32>,
      %gather3A_1499 = tpu.vector_load_idx %arg7[%get3A_1498] : memref<64xi32, #tpu.memory_space<vmem>>[vector<16xi32>], vector<16xi32>,
      %get3A_1500 = arith.constant 1456 : index
      %get3A_1501 = tpu.vector_load %arg5[%get3A_1500] {strides = array<i32>} : memref<2048xi32, #tpu.memory_space<vmem>>, vector<16xi32>,
      %add3A_1502 = arith.addi %get3A_1501, %gather3A_1499 : vector<16xi32>
      %swap3A_1503 = arith.constant 1456 : index
      %swap3A_1504 = tpu.vector_load %arg5[%swap3A_1503] {strides = array<i32>} : memref<2048xi32, #tpu.memory_space<vmem>>, vector<16xi32>,
      tpu.vector_store %arg5[%swap3A_1503], %add3A_1502 {strides = array<i32>} : memref<2048xi32, #tpu.memory_space<vmem>>, vector<16xi32>,
      %get3A_1505 = arith.constant 1472 : index
      %get3A_1506 = tpu.vector_load %arg4[%get3A_1505] {strides = array<i32>} : memref<2048xi32, #tpu.memory_space<vmem>>, vector<16xi32>,
      %gather3A_1507 = tpu.vector_load_idx %arg7[%get3A_1506] : memref<64xi32, #tpu.memory_space<vmem>>[vector<16xi32>], vector<16xi32>,
      %get3A_1508 = arith.constant 1472 : index
      %get3A_1509 = tpu.vector_load %arg5[%get3A_1508] {strides = array<i32>} : memref<2048xi32, #tpu.memory_space<vmem>>, vector<16xi32>,
      %add3A_1510 = arith.addi %get3A_1509, %gather3A_1507 : vector<16xi32>
      %swap3A_1511 = arith.constant 1472 : index
      %swap3A_1512 = tpu.vector_load %arg5[%swap3A_1511] {strides = array<i32>} : memref<2048xi32, #tpu.memory_space<vmem>>, vector<16xi32>,
      tpu.vector_store %arg5[%swap3A_1511], %add3A_1510 {strides = array<i32>} : memref<2048xi32, #tpu.memory_space<vmem>>, vector<16xi32>,
      %get3A_1513 = arith.constant 1488 : index
      %get3A_1514 = tpu.vector_load %arg4[%get3A_1513] {strides = array<i32>} : memref<2048xi32, #tpu.memory_space<vmem>>, vector<16xi32>,
      %gather3A_1515 = tpu.vector_load_idx %arg7[%get3A_1514] : memref<64xi32, #tpu.memory_space<vmem>>[vector<16xi32>], vector<16xi32>,
      %get3A_1516 = arith.constant 1488 : index
      %get3A_1517 = tpu.vector_load %arg5[%get3A_1516] {strides = array<i32>} : memref<2048xi32, #tpu.memory_space<vmem>>, vector<16xi32>,
      %add3A_1518 = arith.addi %get3A_1517, %gather3A_1515 : vector<16xi32>
      %swap3A_1519 = arith.constant 1488 : index
      %swap3A_1520 = tpu.vector_load %arg5[%swap3A_1519] {strides = array<i32>} : memref<2048xi32, #tpu.memory_space<vmem>>, vector<16xi32>,
      tpu.vector_store %arg5[%swap3A_1519], %add3A_1518 {strides = array<i32>} : memref<2048xi32, #tpu.memory_space<vmem>>, vector<16xi32>,
      %get3A_1521 = arith.constant 1504 : index
      %get3A_1522 = tpu.vector_load %arg4[%get3A_1521] {strides = array<i32>} : memref<2048xi32, #tpu.memory_space<vmem>>, vector<16xi32>,
      %gather3A_1523 = tpu.vector_load_idx %arg7[%get3A_1522] : memref<64xi32, #tpu.memory_space<vmem>>[vector<16xi32>], vector<16xi32>,
      %get3A_1524 = arith.constant 1504 : index
      %get3A_1525 = tpu.vector_load %arg5[%get3A_1524] {strides = array<i32>} : memref<2048xi32, #tpu.memory_space<vmem>>, vector<16xi32>,
      %add3A_1526 = arith.addi %get3A_1525, %gather3A_1523 : vector<16xi32>
      %swap3A_1527 = arith.constant 1504 : index
      %swap3A_1528 = tpu.vector_load %arg5[%swap3A_1527] {strides = array<i32>} : memref<2048xi32, #tpu.memory_space<vmem>>, vector<16xi32>,
      tpu.vector_store %arg5[%swap3A_1527], %add3A_1526 {strides = array<i32>} : memref<2048xi32, #tpu.memory_space<vmem>>, vector<16xi32>,
      %get3A_1529 = arith.constant 1520 : index
      %get3A_1530 = tpu.vector_load %arg4[%get3A_1529] {strides = array<i32>} : memref<2048xi32, #tpu.memory_space<vmem>>, vector<16xi32>,
      %gather3A_1531 = tpu.vector_load_idx %arg7[%get3A_1530] : memref<64xi32, #tpu.memory_space<vmem>>[vector<16xi32>], vector<16xi32>,
      %get3A_1532 = arith.constant 1520 : index
      %get3A_1533 = tpu.vector_load %arg5[%get3A_1532] {strides = array<i32>} : memref<2048xi32, #tpu.memory_space<vmem>>, vector<16xi32>,
      %add3A_1534 = arith.addi %get3A_1533, %gather3A_1531 : vector<16xi32>
      %swap3A_1535 = arith.constant 1520 : index
      %swap3A_1536 = tpu.vector_load %arg5[%swap3A_1535] {strides = array<i32>} : memref<2048xi32, #tpu.memory_space<vmem>>, vector<16xi32>,
      tpu.vector_store %arg5[%swap3A_1535], %add3A_1534 {strides = array<i32>} : memref<2048xi32, #tpu.memory_space<vmem>>, vector<16xi32>,
      %get3A_1537 = arith.constant 1536 : index
      %get3A_1538 = tpu.vector_load %arg4[%get3A_1537] {strides = array<i32>} : memref<2048xi32, #tpu.memory_space<vmem>>, vector<16xi32>,
      %gather3A_1539 = tpu.vector_load_idx %arg7[%get3A_1538] : memref<64xi32, #tpu.memory_space<vmem>>[vector<16xi32>], vector<16xi32>,
      %get3A_1540 = arith.constant 1536 : index
      %get3A_1541 = tpu.vector_load %arg5[%get3A_1540] {strides = array<i32>} : memref<2048xi32, #tpu.memory_space<vmem>>, vector<16xi32>,
      %add3A_1542 = arith.addi %get3A_1541, %gather3A_1539 : vector<16xi32>
      %swap3A_1543 = arith.constant 1536 : index
      %swap3A_1544 = tpu.vector_load %arg5[%swap3A_1543] {strides = array<i32>} : memref<2048xi32, #tpu.memory_space<vmem>>, vector<16xi32>,
      tpu.vector_store %arg5[%swap3A_1543], %add3A_1542 {strides = array<i32>} : memref<2048xi32, #tpu.memory_space<vmem>>, vector<16xi32>,
      %get3A_1545 = arith.constant 1552 : index
      %get3A_1546 = tpu.vector_load %arg4[%get3A_1545] {strides = array<i32>} : memref<2048xi32, #tpu.memory_space<vmem>>, vector<16xi32>,
      %gather3A_1547 = tpu.vector_load_idx %arg7[%get3A_1546] : memref<64xi32, #tpu.memory_space<vmem>>[vector<16xi32>], vector<16xi32>,
      %get3A_1548 = arith.constant 1552 : index
      %get3A_1549 = tpu.vector_load %arg5[%get3A_1548] {strides = array<i32>} : memref<2048xi32, #tpu.memory_space<vmem>>, vector<16xi32>,
      %add3A_1550 = arith.addi %get3A_1549, %gather3A_1547 : vector<16xi32>
      %swap3A_1551 = arith.constant 1552 : index
      %swap3A_1552 = tpu.vector_load %arg5[%swap3A_1551] {strides = array<i32>} : memref<2048xi32, #tpu.memory_space<vmem>>, vector<16xi32>,
      tpu.vector_store %arg5[%swap3A_1551], %add3A_1550 {strides = array<i32>} : memref<2048xi32, #tpu.memory_space<vmem>>, vector<16xi32>,
      %get3A_1553 = arith.constant 1568 : index
      %get3A_1554 = tpu.vector_load %arg4[%get3A_1553] {strides = array<i32>} : memref<2048xi32, #tpu.memory_space<vmem>>, vector<16xi32>,
      %gather3A_1555 = tpu.vector_load_idx %arg7[%get3A_1554] : memref<64xi32, #tpu.memory_space<vmem>>[vector<16xi32>], vector<16xi32>,
      %get3A_1556 = arith.constant 1568 : index
      %get3A_1557 = tpu.vector_load %arg5[%get3A_1556] {strides = array<i32>} : memref<2048xi32, #tpu.memory_space<vmem>>, vector<16xi32>,
      %add3A_1558 = arith.addi %get3A_1557, %gather3A_1555 : vector<16xi32>
      %swap3A_1559 = arith.constant 1568 : index
      %swap3A_1560 = tpu.vector_load %arg5[%swap3A_1559] {strides = array<i32>} : memref<2048xi32, #tpu.memory_space<vmem>>, vector<16xi32>,
      tpu.vector_store %arg5[%swap3A_1559], %add3A_1558 {strides = array<i32>} : memref<2048xi32, #tpu.memory_space<vmem>>, vector<16xi32>,
      %get3A_1561 = arith.constant 1584 : index
      %get3A_1562 = tpu.vector_load %arg4[%get3A_1561] {strides = array<i32>} : memref<2048xi32, #tpu.memory_space<vmem>>, vector<16xi32>,
      %gather3A_1563 = tpu.vector_load_idx %arg7[%get3A_1562] : memref<64xi32, #tpu.memory_space<vmem>>[vector<16xi32>], vector<16xi32>,
      %get3A_1564 = arith.constant 1584 : index
      %get3A_1565 = tpu.vector_load %arg5[%get3A_1564] {strides = array<i32>} : memref<2048xi32, #tpu.memory_space<vmem>>, vector<16xi32>,
      %add3A_1566 = arith.addi %get3A_1565, %gather3A_1563 : vector<16xi32>
      %swap3A_1567 = arith.constant 1584 : index
      %swap3A_1568 = tpu.vector_load %arg5[%swap3A_1567] {strides = array<i32>} : memref<2048xi32, #tpu.memory_space<vmem>>, vector<16xi32>,
      tpu.vector_store %arg5[%swap3A_1567], %add3A_1566 {strides = array<i32>} : memref<2048xi32, #tpu.memory_space<vmem>>, vector<16xi32>,
      %get3A_1569 = arith.constant 1600 : index
      %get3A_1570 = tpu.vector_load %arg4[%get3A_1569] {strides = array<i32>} : memref<2048xi32, #tpu.memory_space<vmem>>, vector<16xi32>,
      %gather3A_1571 = tpu.vector_load_idx %arg7[%get3A_1570] : memref<64xi32, #tpu.memory_space<vmem>>[vector<16xi32>], vector<16xi32>,
      %get3A_1572 = arith.constant 1600 : index
      %get3A_1573 = tpu.vector_load %arg5[%get3A_1572] {strides = array<i32>} : memref<2048xi32, #tpu.memory_space<vmem>>, vector<16xi32>,
      %add3A_1574 = arith.addi %get3A_1573, %gather3A_1571 : vector<16xi32>
      %swap3A_1575 = arith.constant 1600 : index
      %swap3A_1576 = tpu.vector_load %arg5[%swap3A_1575] {strides = array<i32>} : memref<2048xi32, #tpu.memory_space<vmem>>, vector<16xi32>,
      tpu.vector_store %arg5[%swap3A_1575], %add3A_1574 {strides = array<i32>} : memref<2048xi32, #tpu.memory_space<vmem>>, vector<16xi32>,
      %get3A_1577 = arith.constant 1616 : index
      %get3A_1578 = tpu.vector_load %arg4[%get3A_1577] {strides = array<i32>} : memref<2048xi32, #tpu.memory_space<vmem>>, vector<16xi32>,
      %gather3A_1579 = tpu.vector_load_idx %arg7[%get3A_1578] : memref<64xi32, #tpu.memory_space<vmem>>[vector<16xi32>], vector<16xi32>,
      %get3A_1580 = arith.constant 1616 : index
      %get3A_1581 = tpu.vector_load %arg5[%get3A_1580] {strides = array<i32>} : memref<2048xi32, #tpu.memory_space<vmem>>, vector<16xi32>,
      %add3A_1582 = arith.addi %get3A_1581, %gather3A_1579 : vector<16xi32>
      %swap3A_1583 = arith.constant 1616 : index
      %swap3A_1584 = tpu.vector_load %arg5[%swap3A_1583] {strides = array<i32>} : memref<2048xi32, #tpu.memory_space<vmem>>, vector<16xi32>,
      tpu.vector_store %arg5[%swap3A_1583], %add3A_1582 {strides = array<i32>} : memref<2048xi32, #tpu.memory_space<vmem>>, vector<16xi32>,
      %get3A_1585 = arith.constant 1632 : index
      %get3A_1586 = tpu.vector_load %arg4[%get3A_1585] {strides = array<i32>} : memref<2048xi32, #tpu.memory_space<vmem>>, vector<16xi32>,
      %gather3A_1587 = tpu.vector_load_idx %arg7[%get3A_1586] : memref<64xi32, #tpu.memory_space<vmem>>[vector<16xi32>], vector<16xi32>,
      %get3A_1588 = arith.constant 1632 : index
      %get3A_1589 = tpu.vector_load %arg5[%get3A_1588] {strides = array<i32>} : memref<2048xi32, #tpu.memory_space<vmem>>, vector<16xi32>,
      %add3A_1590 = arith.addi %get3A_1589, %gather3A_1587 : vector<16xi32>
      %swap3A_1591 = arith.constant 1632 : index
      %swap3A_1592 = tpu.vector_load %arg5[%swap3A_1591] {strides = array<i32>} : memref<2048xi32, #tpu.memory_space<vmem>>, vector<16xi32>,
      tpu.vector_store %arg5[%swap3A_1591], %add3A_1590 {strides = array<i32>} : memref<2048xi32, #tpu.memory_space<vmem>>, vector<16xi32>,
      %get3A_1593 = arith.constant 1648 : index
      %get3A_1594 = tpu.vector_load %arg4[%get3A_1593] {strides = array<i32>} : memref<2048xi32, #tpu.memory_space<vmem>>, vector<16xi32>,
      %gather3A_1595 = tpu.vector_load_idx %arg7[%get3A_1594] : memref<64xi32, #tpu.memory_space<vmem>>[vector<16xi32>], vector<16xi32>,
      %get3A_1596 = arith.constant 1648 : index
      %get3A_1597 = tpu.vector_load %arg5[%get3A_1596] {strides = array<i32>} : memref<2048xi32, #tpu.memory_space<vmem>>, vector<16xi32>,
      %add3A_1598 = arith.addi %get3A_1597, %gather3A_1595 : vector<16xi32>
      %swap3A_1599 = arith.constant 1648 : index
      %swap3A_1600 = tpu.vector_load %arg5[%swap3A_1599] {strides = array<i32>} : memref<2048xi32, #tpu.memory_space<vmem>>, vector<16xi32>,
      tpu.vector_store %arg5[%swap3A_1599], %add3A_1598 {strides = array<i32>} : memref<2048xi32, #tpu.memory_space<vmem>>, vector<16xi32>,
      %get3A_1601 = arith.constant 1664 : index
      %get3A_1602 = tpu.vector_load %arg4[%get3A_1601] {strides = array<i32>} : memref<2048xi32, #tpu.memory_space<vmem>>, vector<16xi32>,
      %gather3A_1603 = tpu.vector_load_idx %arg7[%get3A_1602] : memref<64xi32, #tpu.memory_space<vmem>>[vector<16xi32>], vector<16xi32>,
      %get3A_1604 = arith.constant 1664 : index
      %get3A_1605 = tpu.vector_load %arg5[%get3A_1604] {strides = array<i32>} : memref<2048xi32, #tpu.memory_space<vmem>>, vector<16xi32>,
      %add3A_1606 = arith.addi %get3A_1605, %gather3A_1603 : vector<16xi32>
      %swap3A_1607 = arith.constant 1664 : index
      %swap3A_1608 = tpu.vector_load %arg5[%swap3A_1607] {strides = array<i32>} : memref<2048xi32, #tpu.memory_space<vmem>>, vector<16xi32>,
      tpu.vector_store %arg5[%swap3A_1607], %add3A_1606 {strides = array<i32>} : memref<2048xi32, #tpu.memory_space<vmem>>, vector<16xi32>,
      %get3A_1609 = arith.constant 1680 : index
      %get3A_1610 = tpu.vector_load %arg4[%get3A_1609] {strides = array<i32>} : memref<2048xi32, #tpu.memory_space<vmem>>, vector<16xi32>,
      %gather3A_1611 = tpu.vector_load_idx %arg7[%get3A_1610] : memref<64xi32, #tpu.memory_space<vmem>>[vector<16xi32>], vector<16xi32>,
      %get3A_1612 = arith.constant 1680 : index
      %get3A_1613 = tpu.vector_load %arg5[%get3A_1612] {strides = array<i32>} : memref<2048xi32, #tpu.memory_space<vmem>>, vector<16xi32>,
      %add3A_1614 = arith.addi %get3A_1613, %gather3A_1611 : vector<16xi32>
      %swap3A_1615 = arith.constant 1680 : index
      %swap3A_1616 = tpu.vector_load %arg5[%swap3A_1615] {strides = array<i32>} : memref<2048xi32, #tpu.memory_space<vmem>>, vector<16xi32>,
      tpu.vector_store %arg5[%swap3A_1615], %add3A_1614 {strides = array<i32>} : memref<2048xi32, #tpu.memory_space<vmem>>, vector<16xi32>,
      %get3A_1617 = arith.constant 1696 : index
      %get3A_1618 = tpu.vector_load %arg4[%get3A_1617] {strides = array<i32>} : memref<2048xi32, #tpu.memory_space<vmem>>, vector<16xi32>,
      %gather3A_1619 = tpu.vector_load_idx %arg7[%get3A_1618] : memref<64xi32, #tpu.memory_space<vmem>>[vector<16xi32>], vector<16xi32>,
      %get3A_1620 = arith.constant 1696 : index
      %get3A_1621 = tpu.vector_load %arg5[%get3A_1620] {strides = array<i32>} : memref<2048xi32, #tpu.memory_space<vmem>>, vector<16xi32>,
      %add3A_1622 = arith.addi %get3A_1621, %gather3A_1619 : vector<16xi32>
      %swap3A_1623 = arith.constant 1696 : index
      %swap3A_1624 = tpu.vector_load %arg5[%swap3A_1623] {strides = array<i32>} : memref<2048xi32, #tpu.memory_space<vmem>>, vector<16xi32>,
      tpu.vector_store %arg5[%swap3A_1623], %add3A_1622 {strides = array<i32>} : memref<2048xi32, #tpu.memory_space<vmem>>, vector<16xi32>,
      %get3A_1625 = arith.constant 1712 : index
      %get3A_1626 = tpu.vector_load %arg4[%get3A_1625] {strides = array<i32>} : memref<2048xi32, #tpu.memory_space<vmem>>, vector<16xi32>,
      %gather3A_1627 = tpu.vector_load_idx %arg7[%get3A_1626] : memref<64xi32, #tpu.memory_space<vmem>>[vector<16xi32>], vector<16xi32>,
      %get3A_1628 = arith.constant 1712 : index
      %get3A_1629 = tpu.vector_load %arg5[%get3A_1628] {strides = array<i32>} : memref<2048xi32, #tpu.memory_space<vmem>>, vector<16xi32>,
      %add3A_1630 = arith.addi %get3A_1629, %gather3A_1627 : vector<16xi32>
      %swap3A_1631 = arith.constant 1712 : index
      %swap3A_1632 = tpu.vector_load %arg5[%swap3A_1631] {strides = array<i32>} : memref<2048xi32, #tpu.memory_space<vmem>>, vector<16xi32>,
      tpu.vector_store %arg5[%swap3A_1631], %add3A_1630 {strides = array<i32>} : memref<2048xi32, #tpu.memory_space<vmem>>, vector<16xi32>,
      %get3A_1633 = arith.constant 1728 : index
      %get3A_1634 = tpu.vector_load %arg4[%get3A_1633] {strides = array<i32>} : memref<2048xi32, #tpu.memory_space<vmem>>, vector<16xi32>,
      %gather3A_1635 = tpu.vector_load_idx %arg7[%get3A_1634] : memref<64xi32, #tpu.memory_space<vmem>>[vector<16xi32>], vector<16xi32>,
      %get3A_1636 = arith.constant 1728 : index
      %get3A_1637 = tpu.vector_load %arg5[%get3A_1636] {strides = array<i32>} : memref<2048xi32, #tpu.memory_space<vmem>>, vector<16xi32>,
      %add3A_1638 = arith.addi %get3A_1637, %gather3A_1635 : vector<16xi32>
      %swap3A_1639 = arith.constant 1728 : index
      %swap3A_1640 = tpu.vector_load %arg5[%swap3A_1639] {strides = array<i32>} : memref<2048xi32, #tpu.memory_space<vmem>>, vector<16xi32>,
      tpu.vector_store %arg5[%swap3A_1639], %add3A_1638 {strides = array<i32>} : memref<2048xi32, #tpu.memory_space<vmem>>, vector<16xi32>,
      %get3A_1641 = arith.constant 1744 : index
      %get3A_1642 = tpu.vector_load %arg4[%get3A_1641] {strides = array<i32>} : memref<2048xi32, #tpu.memory_space<vmem>>, vector<16xi32>,
      %gather3A_1643 = tpu.vector_load_idx %arg7[%get3A_1642] : memref<64xi32, #tpu.memory_space<vmem>>[vector<16xi32>], vector<16xi32>,
      %get3A_1644 = arith.constant 1744 : index
      %get3A_1645 = tpu.vector_load %arg5[%get3A_1644] {strides = array<i32>} : memref<2048xi32, #tpu.memory_space<vmem>>, vector<16xi32>,
      %add3A_1646 = arith.addi %get3A_1645, %gather3A_1643 : vector<16xi32>
      %swap3A_1647 = arith.constant 1744 : index
      %swap3A_1648 = tpu.vector_load %arg5[%swap3A_1647] {strides = array<i32>} : memref<2048xi32, #tpu.memory_space<vmem>>, vector<16xi32>,
      tpu.vector_store %arg5[%swap3A_1647], %add3A_1646 {strides = array<i32>} : memref<2048xi32, #tpu.memory_space<vmem>>, vector<16xi32>,
      %get3A_1649 = arith.constant 1760 : index
      %get3A_1650 = tpu.vector_load %arg4[%get3A_1649] {strides = array<i32>} : memref<2048xi32, #tpu.memory_space<vmem>>, vector<16xi32>,
      %gather3A_1651 = tpu.vector_load_idx %arg7[%get3A_1650] : memref<64xi32, #tpu.memory_space<vmem>>[vector<16xi32>], vector<16xi32>,
      %get3A_1652 = arith.constant 1760 : index
      %get3A_1653 = tpu.vector_load %arg5[%get3A_1652] {strides = array<i32>} : memref<2048xi32, #tpu.memory_space<vmem>>, vector<16xi32>,
      %add3A_1654 = arith.addi %get3A_1653, %gather3A_1651 : vector<16xi32>
      %swap3A_1655 = arith.constant 1760 : index
      %swap3A_1656 = tpu.vector_load %arg5[%swap3A_1655] {strides = array<i32>} : memref<2048xi32, #tpu.memory_space<vmem>>, vector<16xi32>,
      tpu.vector_store %arg5[%swap3A_1655], %add3A_1654 {strides = array<i32>} : memref<2048xi32, #tpu.memory_space<vmem>>, vector<16xi32>,
      %get3A_1657 = arith.constant 1776 : index
      %get3A_1658 = tpu.vector_load %arg4[%get3A_1657] {strides = array<i32>} : memref<2048xi32, #tpu.memory_space<vmem>>, vector<16xi32>,
      %gather3A_1659 = tpu.vector_load_idx %arg7[%get3A_1658] : memref<64xi32, #tpu.memory_space<vmem>>[vector<16xi32>], vector<16xi32>,
      %get3A_1660 = arith.constant 1776 : index
      %get3A_1661 = tpu.vector_load %arg5[%get3A_1660] {strides = array<i32>} : memref<2048xi32, #tpu.memory_space<vmem>>, vector<16xi32>,
      %add3A_1662 = arith.addi %get3A_1661, %gather3A_1659 : vector<16xi32>
      %swap3A_1663 = arith.constant 1776 : index
      %swap3A_1664 = tpu.vector_load %arg5[%swap3A_1663] {strides = array<i32>} : memref<2048xi32, #tpu.memory_space<vmem>>, vector<16xi32>,
      tpu.vector_store %arg5[%swap3A_1663], %add3A_1662 {strides = array<i32>} : memref<2048xi32, #tpu.memory_space<vmem>>, vector<16xi32>,
      %get3A_1665 = arith.constant 1792 : index
      %get3A_1666 = tpu.vector_load %arg4[%get3A_1665] {strides = array<i32>} : memref<2048xi32, #tpu.memory_space<vmem>>, vector<16xi32>,
      %gather3A_1667 = tpu.vector_load_idx %arg7[%get3A_1666] : memref<64xi32, #tpu.memory_space<vmem>>[vector<16xi32>], vector<16xi32>,
      %get3A_1668 = arith.constant 1792 : index
      %get3A_1669 = tpu.vector_load %arg5[%get3A_1668] {strides = array<i32>} : memref<2048xi32, #tpu.memory_space<vmem>>, vector<16xi32>,
      %add3A_1670 = arith.addi %get3A_1669, %gather3A_1667 : vector<16xi32>
      %swap3A_1671 = arith.constant 1792 : index
      %swap3A_1672 = tpu.vector_load %arg5[%swap3A_1671] {strides = array<i32>} : memref<2048xi32, #tpu.memory_space<vmem>>, vector<16xi32>,
      tpu.vector_store %arg5[%swap3A_1671], %add3A_1670 {strides = array<i32>} : memref<2048xi32, #tpu.memory_space<vmem>>, vector<16xi32>,
      %get3A_1673 = arith.constant 1808 : index
      %get3A_1674 = tpu.vector_load %arg4[%get3A_1673] {strides = array<i32>} : memref<2048xi32, #tpu.memory_space<vmem>>, vector<16xi32>,
      %gather3A_1675 = tpu.vector_load_idx %arg7[%get3A_1674] : memref<64xi32, #tpu.memory_space<vmem>>[vector<16xi32>], vector<16xi32>,
      %get3A_1676 = arith.constant 1808 : index
      %get3A_1677 = tpu.vector_load %arg5[%get3A_1676] {strides = array<i32>} : memref<2048xi32, #tpu.memory_space<vmem>>, vector<16xi32>,
      %add3A_1678 = arith.addi %get3A_1677, %gather3A_1675 : vector<16xi32>
      %swap3A_1679 = arith.constant 1808 : index
      %swap3A_1680 = tpu.vector_load %arg5[%swap3A_1679] {strides = array<i32>} : memref<2048xi32, #tpu.memory_space<vmem>>, vector<16xi32>,
      tpu.vector_store %arg5[%swap3A_1679], %add3A_1678 {strides = array<i32>} : memref<2048xi32, #tpu.memory_space<vmem>>, vector<16xi32>,
      %get3A_1681 = arith.constant 1824 : index
      %get3A_1682 = tpu.vector_load %arg4[%get3A_1681] {strides = array<i32>} : memref<2048xi32, #tpu.memory_space<vmem>>, vector<16xi32>,
      %gather3A_1683 = tpu.vector_load_idx %arg7[%get3A_1682] : memref<64xi32, #tpu.memory_space<vmem>>[vector<16xi32>], vector<16xi32>,
      %get3A_1684 = arith.constant 1824 : index
      %get3A_1685 = tpu.vector_load %arg5[%get3A_1684] {strides = array<i32>} : memref<2048xi32, #tpu.memory_space<vmem>>, vector<16xi32>,
      %add3A_1686 = arith.addi %get3A_1685, %gather3A_1683 : vector<16xi32>
      %swap3A_1687 = arith.constant 1824 : index
      %swap3A_1688 = tpu.vector_load %arg5[%swap3A_1687] {strides = array<i32>} : memref<2048xi32, #tpu.memory_space<vmem>>, vector<16xi32>,
      tpu.vector_store %arg5[%swap3A_1687], %add3A_1686 {strides = array<i32>} : memref<2048xi32, #tpu.memory_space<vmem>>, vector<16xi32>,
      %get3A_1689 = arith.constant 1840 : index
      %get3A_1690 = tpu.vector_load %arg4[%get3A_1689] {strides = array<i32>} : memref<2048xi32, #tpu.memory_space<vmem>>, vector<16xi32>,
      %gather3A_1691 = tpu.vector_load_idx %arg7[%get3A_1690] : memref<64xi32, #tpu.memory_space<vmem>>[vector<16xi32>], vector<16xi32>,
      %get3A_1692 = arith.constant 1840 : index
      %get3A_1693 = tpu.vector_load %arg5[%get3A_1692] {strides = array<i32>} : memref<2048xi32, #tpu.memory_space<vmem>>, vector<16xi32>,
      %add3A_1694 = arith.addi %get3A_1693, %gather3A_1691 : vector<16xi32>
      %swap3A_1695 = arith.constant 1840 : index
      %swap3A_1696 = tpu.vector_load %arg5[%swap3A_1695] {strides = array<i32>} : memref<2048xi32, #tpu.memory_space<vmem>>, vector<16xi32>,
      tpu.vector_store %arg5[%swap3A_1695], %add3A_1694 {strides = array<i32>} : memref<2048xi32, #tpu.memory_space<vmem>>, vector<16xi32>,
      %get3A_1697 = arith.constant 1856 : index
      %get3A_1698 = tpu.vector_load %arg4[%get3A_1697] {strides = array<i32>} : memref<2048xi32, #tpu.memory_space<vmem>>, vector<16xi32>,
      %gather3A_1699 = tpu.vector_load_idx %arg7[%get3A_1698] : memref<64xi32, #tpu.memory_space<vmem>>[vector<16xi32>], vector<16xi32>,
      %get3A_1700 = arith.constant 1856 : index
      %get3A_1701 = tpu.vector_load %arg5[%get3A_1700] {strides = array<i32>} : memref<2048xi32, #tpu.memory_space<vmem>>, vector<16xi32>,
      %add3A_1702 = arith.addi %get3A_1701, %gather3A_1699 : vector<16xi32>
      %swap3A_1703 = arith.constant 1856 : index
      %swap3A_1704 = tpu.vector_load %arg5[%swap3A_1703] {strides = array<i32>} : memref<2048xi32, #tpu.memory_space<vmem>>, vector<16xi32>,
      tpu.vector_store %arg5[%swap3A_1703], %add3A_1702 {strides = array<i32>} : memref<2048xi32, #tpu.memory_space<vmem>>, vector<16xi32>,
      %get3A_1705 = arith.constant 1872 : index
      %get3A_1706 = tpu.vector_load %arg4[%get3A_1705] {strides = array<i32>} : memref<2048xi32, #tpu.memory_space<vmem>>, vector<16xi32>,
      %gather3A_1707 = tpu.vector_load_idx %arg7[%get3A_1706] : memref<64xi32, #tpu.memory_space<vmem>>[vector<16xi32>], vector<16xi32>,
      %get3A_1708 = arith.constant 1872 : index
      %get3A_1709 = tpu.vector_load %arg5[%get3A_1708] {strides = array<i32>} : memref<2048xi32, #tpu.memory_space<vmem>>, vector<16xi32>,
      %add3A_1710 = arith.addi %get3A_1709, %gather3A_1707 : vector<16xi32>
      %swap3A_1711 = arith.constant 1872 : index
      %swap3A_1712 = tpu.vector_load %arg5[%swap3A_1711] {strides = array<i32>} : memref<2048xi32, #tpu.memory_space<vmem>>, vector<16xi32>,
      tpu.vector_store %arg5[%swap3A_1711], %add3A_1710 {strides = array<i32>} : memref<2048xi32, #tpu.memory_space<vmem>>, vector<16xi32>,
      %get3A_1713 = arith.constant 1888 : index
      %get3A_1714 = tpu.vector_load %arg4[%get3A_1713] {strides = array<i32>} : memref<2048xi32, #tpu.memory_space<vmem>>, vector<16xi32>,
      %gather3A_1715 = tpu.vector_load_idx %arg7[%get3A_1714] : memref<64xi32, #tpu.memory_space<vmem>>[vector<16xi32>], vector<16xi32>,
      %get3A_1716 = arith.constant 1888 : index
      %get3A_1717 = tpu.vector_load %arg5[%get3A_1716] {strides = array<i32>} : memref<2048xi32, #tpu.memory_space<vmem>>, vector<16xi32>,
      %add3A_1718 = arith.addi %get3A_1717, %gather3A_1715 : vector<16xi32>
      %swap3A_1719 = arith.constant 1888 : index
      %swap3A_1720 = tpu.vector_load %arg5[%swap3A_1719] {strides = array<i32>} : memref<2048xi32, #tpu.memory_space<vmem>>, vector<16xi32>,
      tpu.vector_store %arg5[%swap3A_1719], %add3A_1718 {strides = array<i32>} : memref<2048xi32, #tpu.memory_space<vmem>>, vector<16xi32>,
      %get3A_1721 = arith.constant 1904 : index
      %get3A_1722 = tpu.vector_load %arg4[%get3A_1721] {strides = array<i32>} : memref<2048xi32, #tpu.memory_space<vmem>>, vector<16xi32>,
      %gather3A_1723 = tpu.vector_load_idx %arg7[%get3A_1722] : memref<64xi32, #tpu.memory_space<vmem>>[vector<16xi32>], vector<16xi32>,
      %get3A_1724 = arith.constant 1904 : index
      %get3A_1725 = tpu.vector_load %arg5[%get3A_1724] {strides = array<i32>} : memref<2048xi32, #tpu.memory_space<vmem>>, vector<16xi32>,
      %add3A_1726 = arith.addi %get3A_1725, %gather3A_1723 : vector<16xi32>
      %swap3A_1727 = arith.constant 1904 : index
      %swap3A_1728 = tpu.vector_load %arg5[%swap3A_1727] {strides = array<i32>} : memref<2048xi32, #tpu.memory_space<vmem>>, vector<16xi32>,
      tpu.vector_store %arg5[%swap3A_1727], %add3A_1726 {strides = array<i32>} : memref<2048xi32, #tpu.memory_space<vmem>>, vector<16xi32>,
      %get3A_1729 = arith.constant 1920 : index
      %get3A_1730 = tpu.vector_load %arg4[%get3A_1729] {strides = array<i32>} : memref<2048xi32, #tpu.memory_space<vmem>>, vector<16xi32>,
      %gather3A_1731 = tpu.vector_load_idx %arg7[%get3A_1730] : memref<64xi32, #tpu.memory_space<vmem>>[vector<16xi32>], vector<16xi32>,
      %get3A_1732 = arith.constant 1920 : index
      %get3A_1733 = tpu.vector_load %arg5[%get3A_1732] {strides = array<i32>} : memref<2048xi32, #tpu.memory_space<vmem>>, vector<16xi32>,
      %add3A_1734 = arith.addi %get3A_1733, %gather3A_1731 : vector<16xi32>
      %swap3A_1735 = arith.constant 1920 : index
      %swap3A_1736 = tpu.vector_load %arg5[%swap3A_1735] {strides = array<i32>} : memref<2048xi32, #tpu.memory_space<vmem>>, vector<16xi32>,
      tpu.vector_store %arg5[%swap3A_1735], %add3A_1734 {strides = array<i32>} : memref<2048xi32, #tpu.memory_space<vmem>>, vector<16xi32>,
      %get3A_1737 = arith.constant 1936 : index
      %get3A_1738 = tpu.vector_load %arg4[%get3A_1737] {strides = array<i32>} : memref<2048xi32, #tpu.memory_space<vmem>>, vector<16xi32>,
      %gather3A_1739 = tpu.vector_load_idx %arg7[%get3A_1738] : memref<64xi32, #tpu.memory_space<vmem>>[vector<16xi32>], vector<16xi32>,
      %get3A_1740 = arith.constant 1936 : index
      %get3A_1741 = tpu.vector_load %arg5[%get3A_1740] {strides = array<i32>} : memref<2048xi32, #tpu.memory_space<vmem>>, vector<16xi32>,
      %add3A_1742 = arith.addi %get3A_1741, %gather3A_1739 : vector<16xi32>
      %swap3A_1743 = arith.constant 1936 : index
      %swap3A_1744 = tpu.vector_load %arg5[%swap3A_1743] {strides = array<i32>} : memref<2048xi32, #tpu.memory_space<vmem>>, vector<16xi32>,
      tpu.vector_store %arg5[%swap3A_1743], %add3A_1742 {strides = array<i32>} : memref<2048xi32, #tpu.memory_space<vmem>>, vector<16xi32>,
      %get3A_1745 = arith.constant 1952 : index
      %get3A_1746 = tpu.vector_load %arg4[%get3A_1745] {strides = array<i32>} : memref<2048xi32, #tpu.memory_space<vmem>>, vector<16xi32>,
      %gather3A_1747 = tpu.vector_load_idx %arg7[%get3A_1746] : memref<64xi32, #tpu.memory_space<vmem>>[vector<16xi32>], vector<16xi32>,
      %get3A_1748 = arith.constant 1952 : index
      %get3A_1749 = tpu.vector_load %arg5[%get3A_1748] {strides = array<i32>} : memref<2048xi32, #tpu.memory_space<vmem>>, vector<16xi32>,
      %add3A_1750 = arith.addi %get3A_1749, %gather3A_1747 : vector<16xi32>
      %swap3A_1751 = arith.constant 1952 : index
      %swap3A_1752 = tpu.vector_load %arg5[%swap3A_1751] {strides = array<i32>} : memref<2048xi32, #tpu.memory_space<vmem>>, vector<16xi32>,
      tpu.vector_store %arg5[%swap3A_1751], %add3A_1750 {strides = array<i32>} : memref<2048xi32, #tpu.memory_space<vmem>>, vector<16xi32>,
      %get3A_1753 = arith.constant 1968 : index
      %get3A_1754 = tpu.vector_load %arg4[%get3A_1753] {strides = array<i32>} : memref<2048xi32, #tpu.memory_space<vmem>>, vector<16xi32>,
      %gather3A_1755 = tpu.vector_load_idx %arg7[%get3A_1754] : memref<64xi32, #tpu.memory_space<vmem>>[vector<16xi32>], vector<16xi32>,
      %get3A_1756 = arith.constant 1968 : index
      %get3A_1757 = tpu.vector_load %arg5[%get3A_1756] {strides = array<i32>} : memref<2048xi32, #tpu.memory_space<vmem>>, vector<16xi32>,
      %add3A_1758 = arith.addi %get3A_1757, %gather3A_1755 : vector<16xi32>
      %swap3A_1759 = arith.constant 1968 : index
      %swap3A_1760 = tpu.vector_load %arg5[%swap3A_1759] {strides = array<i32>} : memref<2048xi32, #tpu.memory_space<vmem>>, vector<16xi32>,
      tpu.vector_store %arg5[%swap3A_1759], %add3A_1758 {strides = array<i32>} : memref<2048xi32, #tpu.memory_space<vmem>>, vector<16xi32>,
      %get3A_1761 = arith.constant 1984 : index
      %get3A_1762 = tpu.vector_load %arg4[%get3A_1761] {strides = array<i32>} : memref<2048xi32, #tpu.memory_space<vmem>>, vector<16xi32>,
      %gather3A_1763 = tpu.vector_load_idx %arg7[%get3A_1762] : memref<64xi32, #tpu.memory_space<vmem>>[vector<16xi32>], vector<16xi32>,
      %get3A_1764 = arith.constant 1984 : index
      %get3A_1765 = tpu.vector_load %arg5[%get3A_1764] {strides = array<i32>} : memref<2048xi32, #tpu.memory_space<vmem>>, vector<16xi32>,
      %add3A_1766 = arith.addi %get3A_1765, %gather3A_1763 : vector<16xi32>
      %swap3A_1767 = arith.constant 1984 : index
      %swap3A_1768 = tpu.vector_load %arg5[%swap3A_1767] {strides = array<i32>} : memref<2048xi32, #tpu.memory_space<vmem>>, vector<16xi32>,
      tpu.vector_store %arg5[%swap3A_1767], %add3A_1766 {strides = array<i32>} : memref<2048xi32, #tpu.memory_space<vmem>>, vector<16xi32>,
      %get3A_1769 = arith.constant 2000 : index
      %get3A_1770 = tpu.vector_load %arg4[%get3A_1769] {strides = array<i32>} : memref<2048xi32, #tpu.memory_space<vmem>>, vector<16xi32>,
      %gather3A_1771 = tpu.vector_load_idx %arg7[%get3A_1770] : memref<64xi32, #tpu.memory_space<vmem>>[vector<16xi32>], vector<16xi32>,
      %get3A_1772 = arith.constant 2000 : index
      %get3A_1773 = tpu.vector_load %arg5[%get3A_1772] {strides = array<i32>} : memref<2048xi32, #tpu.memory_space<vmem>>, vector<16xi32>,
      %add3A_1774 = arith.addi %get3A_1773, %gather3A_1771 : vector<16xi32>
      %swap3A_1775 = arith.constant 2000 : index
      %swap3A_1776 = tpu.vector_load %arg5[%swap3A_1775] {strides = array<i32>} : memref<2048xi32, #tpu.memory_space<vmem>>, vector<16xi32>,
      tpu.vector_store %arg5[%swap3A_1775], %add3A_1774 {strides = array<i32>} : memref<2048xi32, #tpu.memory_space<vmem>>, vector<16xi32>,
      %get3A_1777 = arith.constant 2016 : index
      %get3A_1778 = tpu.vector_load %arg4[%get3A_1777] {strides = array<i32>} : memref<2048xi32, #tpu.memory_space<vmem>>, vector<16xi32>,
      %gather3A_1779 = tpu.vector_load_idx %arg7[%get3A_1778] : memref<64xi32, #tpu.memory_space<vmem>>[vector<16xi32>], vector<16xi32>,
      %get3A_1780 = arith.constant 2016 : index
      %get3A_1781 = tpu.vector_load %arg5[%get3A_1780] {strides = array<i32>} : memref<2048xi32, #tpu.memory_space<vmem>>, vector<16xi32>,
      %add3A_1782 = arith.addi %get3A_1781, %gather3A_1779 : vector<16xi32>
      %swap3A_1783 = arith.constant 2016 : index
      %swap3A_1784 = tpu.vector_load %arg5[%swap3A_1783] {strides = array<i32>} : memref<2048xi32, #tpu.memory_space<vmem>>, vector<16xi32>,
      tpu.vector_store %arg5[%swap3A_1783], %add3A_1782 {strides = array<i32>} : memref<2048xi32, #tpu.memory_space<vmem>>, vector<16xi32>,
      %get3A_1785 = arith.constant 2032 : index
      %get3A_1786 = tpu.vector_load %arg4[%get3A_1785] {strides = array<i32>} : memref<2048xi32, #tpu.memory_space<vmem>>, vector<16xi32>,
      %gather3A_1787 = tpu.vector_load_idx %arg7[%get3A_1786] : memref<64xi32, #tpu.memory_space<vmem>>[vector<16xi32>], vector<16xi32>,
      %get3A_1788 = arith.constant 2032 : index
      %get3A_1789 = tpu.vector_load %arg5[%get3A_1788] {strides = array<i32>} : memref<2048xi32, #tpu.memory_space<vmem>>, vector<16xi32>,
      %add3A_1790 = arith.addi %get3A_1789, %gather3A_1787 : vector<16xi32>
      %swap3A_1791 = arith.constant 2032 : index
      %swap3A_1792 = tpu.vector_load %arg5[%swap3A_1791] {strides = array<i32>} : memref<2048xi32, #tpu.memory_space<vmem>>, vector<16xi32>,
      tpu.vector_store %arg5[%swap3A_1791], %add3A_1790 {strides = array<i32>} : memref<2048xi32, #tpu.memory_space<vmem>>, vector<16xi32>,
      "tpu.region"() ({
        %run_scoped3A = tpu.sem_alloc : memref<!tpu.dma_semaphore, #tpu.memory_space<semaphore_mem>>
        %dma_start3A = tpu.memref_slice %arg3[%mul3A_8] : memref<32768xi32, #tpu.memory_space<hbm>> -> memref<2048xi32, #tpu.memory_space<hbm>>
        %dma_start3A_1793 = tpu.memref_slice %arg3[%mul3A_8] : memref<32768xi32, #tpu.memory_space<hbm>> -> memref<2048xi32, #tpu.memory_space<hbm>>
        tpu.enqueue_dma source(%arg5 : memref<2048xi32, #tpu.memory_space<vmem>>) target(%dma_start3A_1793 : memref<2048xi32, #tpu.memory_space<hbm>>) target_semaphore(%run_scoped3A : memref<!tpu.dma_semaphore, #tpu.memory_space<semaphore_mem>>)
        %dma_wait3A = tpu.memref_slice %arg3[%mul3A_8] : memref<32768xi32, #tpu.memory_space<hbm>> -> memref<2048xi32, #tpu.memory_space<hbm>>
        %dma_wait3A_1794 = tpu.memref_slice %arg3[%mul3A_8] : memref<32768xi32, #tpu.memory_space<hbm>> -> memref<2048xi32, #tpu.memory_space<hbm>>
        tpu.wait_dma2 semaphore(%run_scoped3A : memref<!tpu.dma_semaphore, #tpu.memory_space<semaphore_mem>>) src(%arg5 : memref<2048xi32, #tpu.memory_space<vmem>>) dst(%dma_wait3A_1794 : memref<2048xi32, #tpu.memory_space<hbm>>)
        tpu.yield
      }) : () -> ()
    } else {
    }
    return
  }
}

module attributes {stable_mosaic.version = 14 : i64} {
  func.func @_gate_body(%arg0: i32, %arg1: memref<1024x1024xf32, #tpu.memory_space<vmem>>, %arg2: memref<1024x1024xf32, #tpu.memory_space<vmem>>, %arg3: memref<64x1024xf32, #tpu.memory_space<vmem>>, %arg4: memref<64x1024xf32, #tpu.memory_space<vmem>>, %arg5: memref<1x2x1024xi32, #tpu.memory_space<vmem>>, %arg6: memref<1x2x1024xf32, #tpu.memory_space<vmem>>, %arg7: memref<1x1xf32, #tpu.memory_space<smem>>, %arg8: memref<1x64xf32, #tpu.memory_space<vmem>>, %arg9: memref<1x64xf32, #tpu.memory_space<vmem>>) attributes {dimension_semantics = [#tpu.dimension_semantics<arbitrary>], iteration_bounds = array<i64: 16>, scalar_prefetch = 0 : i64, scratch_operands = 2 : i64, tpu.core_type = #tpu.core_type<tc>, window_params = [{transform_indices = @transform_0, window_bounds = array<i64: 1024, 1024>}, {transform_indices = @transform_1, window_bounds = array<i64: 1024, 1024>}, {pipeline_mode = #tpu.pipeline_mode<synchronous>, transform_indices = @transform_2, window_bounds = array<i64: 64, 1024>}, {pipeline_mode = #tpu.pipeline_mode<synchronous>, transform_indices = @transform_3, window_bounds = array<i64: 64, 1024>}, {transform_indices = @transform_4, window_bounds = array<i64: 1, 2, 1024>}, {transform_indices = @transform_5, window_bounds = array<i64: 1, 2, 1024>}, {transform_indices = @transform_6, window_bounds = array<i64: 1, 1>}]} {
    %eq3A = arith.constant 0 : i32
    %eq3A_0 = arith.cmpi eq, %arg0, %eq3A : i32
    %convert_element_type3A = arith.extui %eq3A_0 : i1 to i32
    %cond3A = arith.constant 0 : i32
    %cond3A_1 = arith.cmpi ne, %convert_element_type3A, %cond3A : i32
    scf.if %cond3A_1 {
      %broadcast_in_dim3A_115 = arith.constant 0.000000e+00 : f32
      %broadcast_in_dim3A_116 = vector.broadcast %broadcast_in_dim3A_115 : f32 to vector<1x64xf32>
      %swap3A_117 = arith.constant 0 : index
      %swap3A_118 = arith.constant 0 : index
      %swap3A_119 = vector.load %arg8[%swap3A_117, %swap3A_118] : memref<1x64xf32, #tpu.memory_space<vmem>>, vector<1x64xf32>
      tpu.vector_store %arg8[%swap3A_117, %swap3A_118], %broadcast_in_dim3A_116 {strides = array<i32>} : memref<1x64xf32, #tpu.memory_space<vmem>>, vector<1x64xf32>,
      %broadcast_in_dim3A_120 = arith.constant 0.000000e+00 : f32
      %broadcast_in_dim3A_121 = vector.broadcast %broadcast_in_dim3A_120 : f32 to vector<1x64xf32>
      %swap3A_122 = arith.constant 0 : index
      %swap3A_123 = arith.constant 0 : index
      %swap3A_124 = vector.load %arg9[%swap3A_122, %swap3A_123] : memref<1x64xf32, #tpu.memory_space<vmem>>, vector<1x64xf32>
      tpu.vector_store %arg9[%swap3A_122, %swap3A_123], %broadcast_in_dim3A_121 {strides = array<i32>} : memref<1x64xf32, #tpu.memory_space<vmem>>, vector<1x64xf32>,
    } else {
    }
    %get3A = arith.constant 0 : index
    %get3A_2 = arith.constant 0 : index
    %get3A_3 = vector.load %arg3[%get3A, %get3A_2] : memref<64x1024xf32, #tpu.memory_space<vmem>>, vector<64x1024xf32>
    %get3A_4 = arith.constant 0 : index
    %get3A_5 = arith.constant 0 : index
    %get3A_6 = vector.load %arg4[%get3A_4, %get3A_5] : memref<64x1024xf32, #tpu.memory_space<vmem>>, vector<64x1024xf32>
    %get3A_7 = arith.constant 0 : index
    %get3A_8 = arith.constant 0 : index
    %get3A_9 = vector.load %arg1[%get3A_7, %get3A_8] : memref<1024x1024xf32, #tpu.memory_space<vmem>>, vector<1024x1024xf32>
    %dot_general3A = arith.constant dense<0.000000e+00> : vector<64x1024xf32>
    %dot_general3A_10 = tpu.matmul %get3A_3, %get3A_9, %dot_general3A {dimension_numbers = #tpu.dot_dimension_numbers<[1], [1], [0], [0], [0, 0, 1, 0], [], []>, transpose_lhs_hint = false} : vector<64x1024xf32>, vector<1024x1024xf32>, vector<64x1024xf32> -> vector<64x1024xf32>
    %reduce_max3A = arith.constant dense<0xFF800000> : vector<1024xf32>
    %reduce_max3A_11 = vector.multi_reduction <maximumf>, %dot_general3A_10, %reduce_max3A [0] : vector<64x1024xf32> to vector<1024xf32>
    %broadcast_in_dim3A = vector.shape_cast %reduce_max3A_11 : vector<1024xf32> to vector<1x1024xf32>
    %eq3A_12 = vector.broadcast %broadcast_in_dim3A : vector<1x1024xf32> to vector<64x1024xf32>
    %eq3A_13 = arith.cmpf oeq, %dot_general3A_10, %eq3A_12 : vector<64x1024xf32>
    %jit3A = arith.constant 6.400000e+01 : f32
    %broadcast_in_dim3A_14 = vector.broadcast %jit3A : f32 to vector<64x1024xf32>
    %select_n3A = arith.select %eq3A_13, %get3A_6, %broadcast_in_dim3A_14 : vector<64x1024xi1>, vector<64x1024xf32>
    %reduce_min3A = arith.constant dense<0x7F800000> : vector<1024xf32>
    %reduce_min3A_15 = vector.multi_reduction <minimumf>, %select_n3A, %reduce_min3A [0] : vector<64x1024xf32> to vector<1024xf32>
    %broadcast_in_dim3A_16 = vector.shape_cast %reduce_min3A_15 : vector<1024xf32> to vector<1x1024xf32>
    %sub3A = vector.broadcast %broadcast_in_dim3A : vector<1x1024xf32> to vector<64x1024xf32>
    %sub3A_17 = arith.subf %dot_general3A_10, %sub3A : vector<64x1024xf32>
    %exp3A = math.exp %sub3A_17 : vector<64x1024xf32>
    %reduce_sum3A = arith.constant dense<0.000000e+00> : vector<1024xf32>
    %reduce_sum3A_18 = vector.multi_reduction <add>, %exp3A, %reduce_sum3A [0] : vector<64x1024xf32> to vector<1024xf32>
    %broadcast_in_dim3A_19 = vector.shape_cast %reduce_sum3A_18 : vector<1024xf32> to vector<1x1024xf32>
    %div3A = arith.constant 1.000000e+00 : f32
    %div3A_20 = vector.broadcast %div3A : f32 to vector<1x1024xf32>
    %div3A_21 = arith.divf %div3A_20, %broadcast_in_dim3A_19 : vector<1x1024xf32>
    %eq3A_22 = vector.broadcast %broadcast_in_dim3A_16 : vector<1x1024xf32> to vector<64x1024xf32>
    %eq3A_23 = arith.cmpf oeq, %get3A_6, %eq3A_22 : vector<64x1024xf32>
    %convert_element_type3A_24 = arith.extui %eq3A_23 : vector<64x1024xi1> to vector<64x1024xi32>
    %convert_element_type3A_25 = arith.sitofp %convert_element_type3A_24 : vector<64x1024xi32> to vector<64x1024xf32>
    %broadcast_in_dim3A_26 = arith.constant 1.000000e+00 : f32
    %broadcast_in_dim3A_27 = vector.broadcast %broadcast_in_dim3A_26 : f32 to vector<1x1024xf32>
    %dot_general3A_28 = arith.constant dense<0.000000e+00> : vector<1x64xf32>
    %dot_general3A_29 = tpu.matmul %div3A_21, %exp3A, %dot_general3A_28 {dimension_numbers = #tpu.dot_dimension_numbers<[1], [1], [0], [0], [0, 0, 1, 0], [], []>, transpose_lhs_hint = false} : vector<1x1024xf32>, vector<64x1024xf32>, vector<1x64xf32> -> vector<1x64xf32>
    %dot_general3A_30 = arith.constant dense<0.000000e+00> : vector<1x64xf32>
    %dot_general3A_31 = tpu.matmul %broadcast_in_dim3A_27, %convert_element_type3A_25, %dot_general3A_30 {dimension_numbers = #tpu.dot_dimension_numbers<[1], [1], [0], [0], [0, 0, 1, 0], [], []>, transpose_lhs_hint = false} : vector<1x1024xf32>, vector<64x1024xf32>, vector<1x64xf32> -> vector<1x64xf32>
    %get3A_32 = arith.constant 0 : index
    %get3A_33 = arith.constant 0 : index
    %get3A_34 = vector.load %arg2[%get3A_32, %get3A_33] : memref<1024x1024xf32, #tpu.memory_space<vmem>>, vector<1024x1024xf32>
    %dot_general3A_35 = arith.constant dense<0.000000e+00> : vector<64x1024xf32>
    %dot_general3A_36 = tpu.matmul %get3A_3, %get3A_34, %dot_general3A_35 {dimension_numbers = #tpu.dot_dimension_numbers<[1], [1], [0], [0], [0, 0, 1, 0], [], []>, transpose_lhs_hint = false} : vector<64x1024xf32>, vector<1024x1024xf32>, vector<64x1024xf32> -> vector<64x1024xf32>
    %reduce_max3A_37 = arith.constant dense<0xFF800000> : vector<1024xf32>
    %reduce_max3A_38 = vector.multi_reduction <maximumf>, %dot_general3A_36, %reduce_max3A_37 [0] : vector<64x1024xf32> to vector<1024xf32>
    %broadcast_in_dim3A_39 = vector.shape_cast %reduce_max3A_38 : vector<1024xf32> to vector<1x1024xf32>
    %eq3A_40 = vector.broadcast %broadcast_in_dim3A_39 : vector<1x1024xf32> to vector<64x1024xf32>
    %eq3A_41 = arith.cmpf oeq, %dot_general3A_36, %eq3A_40 : vector<64x1024xf32>
    %jit3A_42 = arith.constant 6.400000e+01 : f32
    %broadcast_in_dim3A_43 = vector.broadcast %jit3A_42 : f32 to vector<64x1024xf32>
    %select_n3A_44 = arith.select %eq3A_41, %get3A_6, %broadcast_in_dim3A_43 : vector<64x1024xi1>, vector<64x1024xf32>
    %reduce_min3A_45 = arith.constant dense<0x7F800000> : vector<1024xf32>
    %reduce_min3A_46 = vector.multi_reduction <minimumf>, %select_n3A_44, %reduce_min3A_45 [0] : vector<64x1024xf32> to vector<1024xf32>
    %broadcast_in_dim3A_47 = vector.shape_cast %reduce_min3A_46 : vector<1024xf32> to vector<1x1024xf32>
    %sub3A_48 = vector.broadcast %broadcast_in_dim3A_39 : vector<1x1024xf32> to vector<64x1024xf32>
    %sub3A_49 = arith.subf %dot_general3A_36, %sub3A_48 : vector<64x1024xf32>
    %exp3A_50 = math.exp %sub3A_49 : vector<64x1024xf32>
    %reduce_sum3A_51 = arith.constant dense<0.000000e+00> : vector<1024xf32>
    %reduce_sum3A_52 = vector.multi_reduction <add>, %exp3A_50, %reduce_sum3A_51 [0] : vector<64x1024xf32> to vector<1024xf32>
    %broadcast_in_dim3A_53 = vector.shape_cast %reduce_sum3A_52 : vector<1024xf32> to vector<1x1024xf32>
    %div3A_54 = arith.constant 1.000000e+00 : f32
    %div3A_55 = vector.broadcast %div3A_54 : f32 to vector<1x1024xf32>
    %div3A_56 = arith.divf %div3A_55, %broadcast_in_dim3A_53 : vector<1x1024xf32>
    %eq3A_57 = vector.broadcast %broadcast_in_dim3A_47 : vector<1x1024xf32> to vector<64x1024xf32>
    %eq3A_58 = arith.cmpf oeq, %get3A_6, %eq3A_57 : vector<64x1024xf32>
    %convert_element_type3A_59 = arith.extui %eq3A_58 : vector<64x1024xi1> to vector<64x1024xi32>
    %convert_element_type3A_60 = arith.sitofp %convert_element_type3A_59 : vector<64x1024xi32> to vector<64x1024xf32>
    %broadcast_in_dim3A_61 = arith.constant 1.000000e+00 : f32
    %broadcast_in_dim3A_62 = vector.broadcast %broadcast_in_dim3A_61 : f32 to vector<1x1024xf32>
    %dot_general3A_63 = arith.constant dense<0.000000e+00> : vector<1x64xf32>
    %dot_general3A_64 = tpu.matmul %div3A_56, %exp3A_50, %dot_general3A_63 {dimension_numbers = #tpu.dot_dimension_numbers<[1], [1], [0], [0], [0, 0, 1, 0], [], []>, transpose_lhs_hint = false} : vector<1x1024xf32>, vector<64x1024xf32>, vector<1x64xf32> -> vector<1x64xf32>
    %dot_general3A_65 = arith.constant dense<0.000000e+00> : vector<1x64xf32>
    %dot_general3A_66 = tpu.matmul %broadcast_in_dim3A_62, %convert_element_type3A_60, %dot_general3A_65 {dimension_numbers = #tpu.dot_dimension_numbers<[1], [1], [0], [0], [0, 0, 1, 0], [], []>, transpose_lhs_hint = false} : vector<1x1024xf32>, vector<64x1024xf32>, vector<1x64xf32> -> vector<1x64xf32>
    %convert_element_type3A_67 = arith.fptosi %broadcast_in_dim3A_16 : vector<1x1024xf32> to vector<1x1024xi32>
    %reshape3A = vector.shape_cast %convert_element_type3A_67 : vector<1x1024xi32> to vector<1024xi32>
    %swap3A = arith.constant 0 : index
    %swap3A_68 = arith.constant 0 : index
    %swap3A_69 = arith.constant 0 : index
    %swap3A_70 = vector.load %arg5[%swap3A, %swap3A_68, %swap3A_69] : memref<1x2x1024xi32, #tpu.memory_space<vmem>>, vector<1x1x1024xi32>
    %swap3A_71 = vector.shape_cast %swap3A_70 : vector<1x1x1024xi32> to vector<1024xi32>
    %swap3A_72 = vector.shape_cast %reshape3A : vector<1024xi32> to vector<1x1x1024xi32>
    tpu.vector_store %arg5[%swap3A, %swap3A_68, %swap3A_69], %swap3A_72 {strides = array<i32>} : memref<1x2x1024xi32, #tpu.memory_space<vmem>>, vector<1x1x1024xi32>,
    %convert_element_type3A_73 = arith.fptosi %broadcast_in_dim3A_47 : vector<1x1024xf32> to vector<1x1024xi32>
    %reshape3A_74 = vector.shape_cast %convert_element_type3A_73 : vector<1x1024xi32> to vector<1024xi32>
    %swap3A_75 = arith.constant 0 : index
    %swap3A_76 = arith.constant 1 : index
    %swap3A_77 = arith.constant 0 : index
    %swap3A_78 = vector.load %arg5[%swap3A_75, %swap3A_76, %swap3A_77] : memref<1x2x1024xi32, #tpu.memory_space<vmem>>, vector<1x1x1024xi32>
    %swap3A_79 = vector.shape_cast %swap3A_78 : vector<1x1x1024xi32> to vector<1024xi32>
    %swap3A_80 = vector.shape_cast %reshape3A_74 : vector<1024xi32> to vector<1x1x1024xi32>
    tpu.vector_store %arg5[%swap3A_75, %swap3A_76, %swap3A_77], %swap3A_80 {strides = array<i32>} : memref<1x2x1024xi32, #tpu.memory_space<vmem>>, vector<1x1x1024xi32>,
    %reshape3A_81 = vector.shape_cast %div3A_21 : vector<1x1024xf32> to vector<1024xf32>
    %swap3A_82 = arith.constant 0 : index
    %swap3A_83 = arith.constant 0 : index
    %swap3A_84 = arith.constant 0 : index
    %swap3A_85 = vector.load %arg6[%swap3A_82, %swap3A_83, %swap3A_84] : memref<1x2x1024xf32, #tpu.memory_space<vmem>>, vector<1x1x1024xf32>
    %swap3A_86 = vector.shape_cast %swap3A_85 : vector<1x1x1024xf32> to vector<1024xf32>
    %swap3A_87 = vector.shape_cast %reshape3A_81 : vector<1024xf32> to vector<1x1x1024xf32>
    tpu.vector_store %arg6[%swap3A_82, %swap3A_83, %swap3A_84], %swap3A_87 {strides = array<i32>} : memref<1x2x1024xf32, #tpu.memory_space<vmem>>, vector<1x1x1024xf32>,
    %reshape3A_88 = vector.shape_cast %div3A_56 : vector<1x1024xf32> to vector<1024xf32>
    %swap3A_89 = arith.constant 0 : index
    %swap3A_90 = arith.constant 1 : index
    %swap3A_91 = arith.constant 0 : index
    %swap3A_92 = vector.load %arg6[%swap3A_89, %swap3A_90, %swap3A_91] : memref<1x2x1024xf32, #tpu.memory_space<vmem>>, vector<1x1x1024xf32>
    %swap3A_93 = vector.shape_cast %swap3A_92 : vector<1x1x1024xf32> to vector<1024xf32>
    %swap3A_94 = vector.shape_cast %reshape3A_88 : vector<1024xf32> to vector<1x1x1024xf32>
    tpu.vector_store %arg6[%swap3A_89, %swap3A_90, %swap3A_91], %swap3A_94 {strides = array<i32>} : memref<1x2x1024xf32, #tpu.memory_space<vmem>>, vector<1x1x1024xf32>,
    %get3A_95 = arith.constant 0 : index
    %get3A_96 = arith.constant 0 : index
    %get3A_97 = vector.load %arg8[%get3A_95, %get3A_96] : memref<1x64xf32, #tpu.memory_space<vmem>>, vector<1x64xf32>
    %add3A = arith.addf %dot_general3A_29, %dot_general3A_64 : vector<1x64xf32>
    %add3A_98 = arith.addf %get3A_97, %add3A : vector<1x64xf32>
    %swap3A_99 = arith.constant 0 : index
    %swap3A_100 = arith.constant 0 : index
    %swap3A_101 = vector.load %arg8[%swap3A_99, %swap3A_100] : memref<1x64xf32, #tpu.memory_space<vmem>>, vector<1x64xf32>
    tpu.vector_store %arg8[%swap3A_99, %swap3A_100], %add3A_98 {strides = array<i32>} : memref<1x64xf32, #tpu.memory_space<vmem>>, vector<1x64xf32>,
    %get3A_102 = arith.constant 0 : index
    %get3A_103 = arith.constant 0 : index
    %get3A_104 = vector.load %arg9[%get3A_102, %get3A_103] : memref<1x64xf32, #tpu.memory_space<vmem>>, vector<1x64xf32>
    %add3A_105 = arith.addf %dot_general3A_31, %dot_general3A_66 : vector<1x64xf32>
    %add3A_106 = arith.addf %get3A_104, %add3A_105 : vector<1x64xf32>
    %swap3A_107 = arith.constant 0 : index
    %swap3A_108 = arith.constant 0 : index
    %swap3A_109 = vector.load %arg9[%swap3A_107, %swap3A_108] : memref<1x64xf32, #tpu.memory_space<vmem>>, vector<1x64xf32>
    tpu.vector_store %arg9[%swap3A_107, %swap3A_108], %add3A_106 {strides = array<i32>} : memref<1x64xf32, #tpu.memory_space<vmem>>, vector<1x64xf32>,
    %eq3A_110 = arith.constant 15 : i32
    %eq3A_111 = arith.cmpi eq, %arg0, %eq3A_110 : i32
    %convert_element_type3A_112 = arith.extui %eq3A_111 : i1 to i32
    %cond3A_113 = arith.constant 0 : i32
    %cond3A_114 = arith.cmpi ne, %convert_element_type3A_112, %cond3A_113 : i32
    scf.if %cond3A_114 {
      %get3A_115 = arith.constant 0 : index
      %get3A_116 = arith.constant 0 : index
      %get3A_117 = vector.load %arg8[%get3A_115, %get3A_116] : memref<1x64xf32, #tpu.memory_space<vmem>>, vector<1x64xf32>
      %get3A_118 = arith.constant 0 : index
      %get3A_119 = arith.constant 0 : index
      %get3A_120 = vector.load %arg9[%get3A_118, %get3A_119] : memref<1x64xf32, #tpu.memory_space<vmem>>, vector<1x64xf32>
      %mul3A = arith.mulf %get3A_117, %get3A_120 : vector<1x64xf32>
      %reduce_sum3A_121 = vector.shape_cast %mul3A : vector<1x64xf32> to vector<1x1x64xf32>
      %reduce_sum3A_122 = arith.constant dense<0.000000e+00> : vector<1xf32>
      %reduce_sum3A_123 = vector.multi_reduction <add>, %reduce_sum3A_121, %reduce_sum3A_122 [1, 2] : vector<1x1x64xf32> to vector<1xf32>
      %reduce_sum3A_124 = vector.shape_cast %reduce_sum3A_123 : vector<1xf32> to vector<1x1x1xf32>
      %reduce_sum3A_125 = vector.extract %reduce_sum3A_124[0, 0, 0] : f32 from vector<1x1x1xf32>
      %mul3A_126 = arith.constant 5.96046448E-8 : f32
      %mul3A_127 = arith.mulf %reduce_sum3A_125, %mul3A_126 : f32
      %swap3A_128 = arith.constant 0 : index
      %swap3A_129 = arith.constant 0 : index
      %swap3A_130 = memref.load %arg7[%swap3A_128, %swap3A_129] : memref<1x1xf32, #tpu.memory_space<smem>>
      memref.store %mul3A_127, %arg7[%swap3A_128, %swap3A_129] : memref<1x1xf32, #tpu.memory_space<smem>>
    } else {
    }
    return
  }
  func.func @transform_0(%arg0: i32) -> (i32, i32) {
    %mul3A = arith.constant 2 : i32
    %mul3A_0 = arith.muli %mul3A, %arg0 : i32
    %c0_i32 = arith.constant 0 : i32
    %c0_i32_1 = arith.constant 0 : i32
    return %mul3A_0, %c0_i32 : i32, i32
  }
  func.func @transform_1(%arg0: i32) -> (i32, i32) {
    %mul3A = arith.constant 2 : i32
    %mul3A_0 = arith.muli %mul3A, %arg0 : i32
    %add3A = arith.constant 1 : i32
    %add3A_1 = arith.addi %mul3A_0, %add3A : i32
    %c0_i32 = arith.constant 0 : i32
    %c0_i32_2 = arith.constant 0 : i32
    return %add3A_1, %c0_i32 : i32, i32
  }
  func.func @transform_2(%arg0: i32) -> (i32, i32) {
    %c0_i32 = arith.constant 0 : i32
    %c0_i32_0 = arith.constant 0 : i32
    %c0_i32_1 = arith.constant 0 : i32
    return %c0_i32, %c0_i32_0 : i32, i32
  }
  func.func @transform_3(%arg0: i32) -> (i32, i32) {
    %c0_i32 = arith.constant 0 : i32
    %c0_i32_0 = arith.constant 0 : i32
    %c0_i32_1 = arith.constant 0 : i32
    return %c0_i32, %c0_i32_0 : i32, i32
  }
  func.func @transform_4(%arg0: i32) -> (i32, i32, i32) {
    %c0_i32 = arith.constant 0 : i32
    %c0_i32_0 = arith.constant 0 : i32
    %c0_i32_1 = arith.constant 0 : i32
    return %arg0, %c0_i32, %c0_i32_0 : i32, i32, i32
  }
  func.func @transform_5(%arg0: i32) -> (i32, i32, i32) {
    %c0_i32 = arith.constant 0 : i32
    %c0_i32_0 = arith.constant 0 : i32
    %c0_i32_1 = arith.constant 0 : i32
    return %arg0, %c0_i32, %c0_i32_0 : i32, i32, i32
  }
  func.func @transform_6(%arg0: i32) -> (i32, i32) {
    %c0_i32 = arith.constant 0 : i32
    %c0_i32_0 = arith.constant 0 : i32
    %c0_i32_1 = arith.constant 0 : i32
    return %c0_i32, %c0_i32_0 : i32, i32
  }
}

</mosaic_0001>

<sc_bundles>
// kernel: kernel.4.cloned.1.call-start
scs
__scs_entry_jumppad:
0x0: {  	(pc) =	sbr.rel $0x88, $3  }
0x1: {  	(tag) =	ssettag $0x0;
	lr =	simm.s32 $0x1  }
0x2: {  	[smem:$0x3F9F] =	sst lr;
	_ =	strace $0xD0000000  }
0x3: {  	_ = 	snop  }
0x4: {  	_ = 	snop  }
0x5: {  	_ = 	snop  }
0x6: {  	_ = 	snop  }
0x7: {  	_ = 	snop  }
__scs_overlays_trampoline_lowered:
0x8: {  	[smem:$0x3FAE] =	sst s0  }
0x9: {  	[smem:$0x3FAF] =	sst s1  }
0xa: {  	[smem:$0x3FB0] =	sst s2  }
0xb: {  	[smem:$0x3FB1] =	sst s3  }
0xc: {  	[smem:$0x3FB2] =	sst s4  }
0xd: {  	[smem:$0x3FB3] =	sst s5  }
0xe: {  	[smem:$0x3FB4] =	sst s6  }
0xf: {  	[smem:$0x3FB5] =	sst s7  }
0x10: {  	[smem:$0x3FB6] =	sst s8  }
0x11: {  	[smem:$0x3FB7] =	sst s9;
	s0 =	simm.s32 @!p0 $0x0  }
0x12: {  	s1 =	sld [smem:$0x3F9D];
	s0 =	simm.s32 @p0 $0x1  }
0x13: {  	[smem:$0x3FB8] =	sst s0;
	s0 =	simm.s32 @!p1 $0x0  }
0x14: {  	s2 =	sld [smem:$0x3F9C];
	s0 =	simm.s32 @p1 $0x1  }
0x15: {  	[smem:$0x3FB9] =	sst s0;
	s0 =	simm.s32 @!p2 $0x0  }
0x16: {  	s3 =	sld [smem:$0x3FDB];
	s0 =	simm.s32 @p2 $0x1  }
0x17: {  	s4 =	simm.s32 $0x1BF5;
	[smem:$0x3FBB] =	sst s0  }
0x18: {  	s0 =	sld [smem:$0x3F9E];
	_ =	swait.ge [sflag:s4], $0x0  }
0x19: {  	s7 =	sld [smem:$0x3F9F]  }
0x1a: {  	s8 =	sadd.s32 $0xFFFFE003, lr  }
0x1b: {  	s9 =	sadd.s32 $0xFFFFFEF7, lr;
	s5 =	simm.s32 $0xFFFFFFFF;
	p2 =	slt.u32 s8, $0xFFFFF086  }
0x1c: {  	p1 =	slt.u32 s9, $0xF7A;
	s5 =	simm.s32 @!p2 $0x0  }
0x1d: {  	s5 =	simm.s32 @p1 $0x1;
	p0 =	seq.s32 s7, s2  }
0x1e: {  	s7 =	smul.u32 @!p0 $0xF7A, s2;
	p2 =	seq.s32 @!p0 s5, $0x0  }
0x1f: {  	s9 =	smul.u32 $0xF7A, s1;
	s8 =	simm.s32 @!p0 $0x1BF5;
	p2 =	por !p2, p0  }
0x20: {  	[sflag:s8] =	ssyncset.s32 @!p0 $0xFFFFF086;
	s6 =	sadd.s32 @!p0 s3, s7;
	s7 =	simm.s32 @!p0 $0x108  }
0x21: {  	s3 =	sadd.s32 s3, s9;
	s6 =	sadd.s32 @!p0 $0x88, s6;
	s7 =	simm.s32 @p2 $0x1082  }
0x22: {  	[simem:s7], [sflag:s8] =	dma.local @!p0 [hbm:s6], $0xF7A  }
0x23: {  	s9 =	sor.u32 $0xD0000000, s2;
	s6 =	simm.s32 $0x108;
	_ =	swait.ge @!p0 [sflag:s8], $0x0  }
0x24: {  	s3 =	sadd.s32 $0x88, s3;
	s6 =	simm.s32 @!p1 $0x1082;
	[sflag:s4] =	ssyncset.s32 $0xFFFFF086  }
0x25: {  	[simem:s6], [sflag:s4] =	dma.local [hbm:s3], $0xF7A  }
0x26: {  	[smem:$0x3F9F] =	sst s1;
	(tag) =	ssettag s2;
	_ =	strace s9  }
0x27: {  	s1 =	sld [smem:$0x3FAF]  }
0x28: {  	s2 =	sld [smem:$0x3FB0]  }
0x29: {  	s4 =	sld [smem:$0x3FB2]  }
0x2a: {  	p0 =	seq.s32 s5, $0x0;
	s5 =	sld [smem:$0x3FB3]  }
0x2b: {  	s6 =	sld [smem:$0x3FB4]  }
0x2c: {  	s7 =	sld [smem:$0x3FB5]  }
0x2d: {  	s3 =	simm.s32 $0x108;
	s8 =	sld [smem:$0x3FB6]  }
0x2e: {  	s3 =	simm.s32 @!p0 $0x1082;
	s9 =	sld [smem:$0x3FB7]  }
0x2f: {  	lr =	sadd.s32 s0, s3;
	s0 =	sld [smem:$0x3FAE]  }
0x30: {  	s3 =	sld [smem:$0x3FB1]  }
0x31: {  	[smem:$0x3FBA] =	sst s10  }
0x32: {  	s10 =	sld [smem:$0x3FB8];
	_ =	sdelay $0x3  }
0x33: {  	p0 =	seq.s32 s10, $0x1;
	s10 =	sld [smem:$0x3FBA];
	_ =	sdelay $0x3  }
0x34: {  	[smem:$0x3FBA] =	sst s10  }
0x35: {  	s10 =	sld [smem:$0x3FB9];
	_ =	sdelay $0x3  }
0x36: {  	p1 =	seq.s32 s10, $0x1;
	s10 =	sld [smem:$0x3FBA];
	_ =	sdelay $0x3  }
0x37: {  	[smem:$0x3FBA] =	sst s10  }
0x38: {  	s10 =	sld [smem:$0x3FBB]  }
0x39: {  	_ = 	snop;
	(pc) =	sbr.ind lr, $3  }
0x3a: {  	_ = 	snop  }
0x3b: {  	_ = 	snop  }
0x3c: {  	p2 =	seq.s32 s10, $0x1;
	s10 =	sld [smem:$0x3FBA]  }
0x3d: {  	_ =	shalt  }
0x3e: {  	_ =	shalt  }
0x3f: {  	_ =	shalt  }
0x40: {  	_ =	shalt  }
0x41: {  	_ =	shalt  }
0x42: {  	_ =	shalt  }
0x43: {  	_ =	shalt  }
0x44: {  	_ =	shalt  }
0x45: {  	_ =	shalt  }
0x46: {  	_ =	shalt  }
0x47: {  	_ =	shalt  }
0x48: {  	_ =	shalt  }
0x49: {  	_ =	shalt  }
0x4a: {  	_ =	shalt  }
0x4b: {  	_ =	shalt  }
0x4c: {  	_ =	shalt  }
0x4d: {  	_ =	shalt  }
0x4e: {  	_ =	shalt  }
0x4f: {  	_ =	shalt  }
0x50: {  	_ =	shalt  }
0x51: {  	_ =	shalt  }
0x52: {  	_ =	shalt  }
0x53: {  	_ =	shalt  }
0x54: {  	_ =	shalt  }
0x55: {  	_ =	shalt  }
0x56: {  	_ =	shalt  }
0x57: {  	_ =	shalt  }
0x58: {  	_ =	shalt  }
0x59: {  	_ =	shalt  }
0x5a: {  	_ =	shalt  }
0x5b: {  	_ =	shalt  }
0x5c: {  	_ =	shalt  }
0x5d: {  	_ =	shalt  }
0x5e: {  	_ =	shalt  }
0x5f: {  	_ =	shalt  }
0x60: {  	_ =	shalt  }
0x61: {  	_ =	shalt  }
0x62: {  	_ =	shalt  }
0x63: {  	_ =	shalt  }
0x64: {  	_ =	shalt  }
0x65: {  	_ =	shalt  }
0x66: {  	_ =	shalt  }
0x67: {  	_ =	shalt  }
0x68: {  	_ =	shalt  }
0x69: {  	_ =	shalt  }
0x6a: {  	_ =	shalt  }
0x6b: {  	_ =	shalt  }
0x6c: {  	_ =	shalt  }
0x6d: {  	_ =	shalt  }
0x6e: {  	_ =	shalt  }
0x6f: {  	_ =	shalt  }
0x70: {  	_ =	shalt  }
0x71: {  	_ =	shalt  }
0x72: {  	_ =	shalt  }
0x73: {  	_ =	shalt  }
0x74: {  	_ =	shalt  }
0x75: {  	_ =	shalt  }
0x76: {  	_ =	shalt  }
0x77: {  	_ =	shalt  }
0x78: {  	_ =	shalt  }
0x79: {  	_ =	shalt  }
0x7a: {  	_ =	shalt  }
0x7b: {  	_ =	shalt  }
0x7c: {  	_ =	shalt  }
0x7d: {  	_ =	shalt  }
0x7e: {  	_ =	shalt  }
0x7f: {  	_ =	shalt  }
0x80: {  	_ =	shalt  }
0x81: {  	_ =	shalt  }
0x82: {  	_ =	shalt  }
0x83: {  	_ =	shalt  }
0x84: {  	_ =	shalt  }
0x85: {  	_ =	shalt  }
0x86: {  	_ =	shalt  }
0x87: {  	_ =	shalt  }
.Lfunc_end0:
.L_simem_size_0:
called_computation_lowered:
.L_overlay_start_0:
0x88: {  	s2 =	sld [smem:$0x3FD9]  }
0x89: {  	s3 =	sld [smem:$0x3FFE];
	_ =	sdelay $0x1  }
0x8a: {  	s1 =	srdreg.scid  }
0x8b: {  	s0 =	sand.u32 $0x1, s1  }
0x8c: {  	s15 =	sshll.u32 s0, $0xA;
	s2 =	sadd.s32 s3, s2  }
0x8d: {  	s2 =	sadd.s32 s2, s15  }
0x8e: {  	[smem:$0x3FC6] =	sst s2  }
0x8f: {  	_ = 	snop  }
0x90: {  	s2 =	sld [smem:$0x3FD0];
	_ =	sdelay $0x2  }
0x91: {  	s16 =	simm.s32 $0xA;
	s4 =	simm.s32 $0x10  }
0x92: {  	[smem:s4], [sflag:s16] =	dma.local [hbm:s2], $0x1  }
0x93: {  	_ =	swait.eq [sflag:s16], $0x1  }
0x94: {  	[sflag:s16] =	ssyncset.done $0x0  }
0x95: {  	s17 =	sld [smem:$0x11];
	[sflag:s16] =	ssyncadd.s32 $0xFFFFFFFF  }
0x96: {  	s18 =	sld [smem:$0x13];
	(tm) =	ssettm $0x1  }
0x97: {  	s19 =	sld [smem:$0x3FFB];
	_ =	sdelay $0x3  }
0x98: {  	_ =	strace s19  }
0x99: {  	s4 =	sld [smem:$0x3FFC];
	_ =	sdelay $0x3  }
0x9a: {  	_ =	strace s4  }
0x9b: {  	s4 =	sld [smem:$0x3FFD];
	_ =	sdelay $0x3  }
0x9c: {  	_ =	strace s4  }
0x9d: {  	_ =	strace $0x8FFFFFFF  }
0x9e: {  	s20 =	sld [smem:$0x3FDB];
	_ =	sdelay $0x1  }
0x9f: {  	s5 =	simm.s32 $_scs_section_size  }
0xa0: {  	s6 =	simm.s32 $_size__tile_overlayer_lowered;
	s7 =	simm.s32 $_tile_overlayer_lowered  }
0xa1: {  	s23 =	simm.s32 $0x1BFF;
	s22 =	sshll.u32 s7, $0x1;
	s4 =	sadd.s32 s5, s20  }
0xa2: {  	s8 =	simm.s32 $0x0;
	s21 =	sshll.u32 s6, $0x1;
	s6 =	sadd.s32 s22, s4  }
0xa3: {  	[timem:s8], [sflag:s23] =	dma.local [hbm:s6], s21  }
0xa4: {  	_ =	swait.ge [sflag:s23], s21  }
0xa5: {  	s5 =	ssub.s32 $0x0, s21;
	[sflag:s23] =	ssyncset.done $0x0  }
0xa6: {  	[sflag:s23] =	ssyncadd.s32 s5;
	_ =	sdelay $0x1  }
0xa7: {  	s24 =	simm.s32 $0x1B8B  }
0xa8: {  	_ =	swait.ge [sflag:s24], $0x1  }
0xa9: {  	[sflag:s24] =	ssyncset.done $0x0  }
0xaa: {  	s25 =	simm.s32 $0x1B8E;
	[sflag:s24] =	ssyncadd.s32 $0xFFFFFFFF  }
0xab: {  	s26 =	simm.s32 $execute0_lowered;
	[smem:$0x3FD2] =	sst s25  }
0xac: {  	s5 =	sshll.u32 s26, $0x1;
	_ =	strace $0x80000046;
	[dreg:$0x1] =	wrdreg $0xFFFFFFFF  }
0xad: {  	s28 =	simm.s32 $_size_execute0_lowered;
	s4 =	sadd.s32 s4, s5;
	[dreg:$0x0] =	wrdreg $0x0  }
0xae: {  	s5 =	sshll.u32 s28, $0x1;
	[dreg:$0x2] =	wrdreg s4  }
0xaf: {  	[dreg:$0x3] =	wrdreg s5  }
0xb0: {  	[dreg:$0x4] =	wrdreg $0xC0  }
0xb1: {  	_ =	task [dreg:s8], $0x5FFFF  }
0xb2: {  	[dreg:$0x1] =	wrdreg $0xFFFFFFFF  }
0xb3: {  	[dreg:$0x0] =	wrdreg $0x60  }
0xb4: {  	[dreg:$0x2] =	wrdreg s17  }
0xb5: {  	[dreg:$0x3] =	wrdreg s18  }
0xb6: {  	[dreg:$0x4] =	wrdreg $0x15000  }
0xb7: {  	[dreg:$0x5] =	wrdreg $0x9  }
0xb8: {  	_ =	task.clear_ibuf [dreg:s8], $0x6FFFF;
	_ =	strace $0x90000046  }
0xb9: {  	s29 =	simm.s32 $0x9;
	_ =	strace $0x80000048  }
0xba: {  	_ =	swait.ge [sflag:s29], $0x1  }
0xbb: {  	[sflag:s29] =	ssyncadd.s32 $0xFFFFFFFF  }
0xbc: {  	_ =	strace $0x90000048  }
0xbd: {  	_ =	sfence  }
0xbe: {  	s30 =	sld [smem:$0x0];
	_ =	sdelay $0x2  }
0xbf: {  	s31 =	sshll.u32 s1, $0xD;
	s1 =	sshrl.u32 s1, $0x2  }
0xc0: {  	s3 =	sand.u32 $0x4000, s31;
	s1 =	sadd.s32 s1, s30  }
0xc1: {  	s0 =	sor.u32 s3, s0;
	s1 =	sshll.u32 s1, $0x11  }
0xc2: {  	s0 =	sor.u32 s1, s0  }
0xc3: {  	s0 =	sadd.s32 $0x8F2B, s0  }
0xc4: {  	[sflag:s0] =	ssyncadd.remote.s32 $0x1  }
0xc5: {  	_ =	sfence.sel $0xFFFF  }
0xc6: {  	[dreg:$0x0] =	wrdreg $0xFFFFFFFF;
	(pc) =	sbr.abs _section_cstart, $3  }
0xc7: {  	[dreg:$0x1] =	wrdreg $0xFFFFFFFF  }
0xc8: {  	_ =	task.clear_ibuf [dreg:s8], $0x2FFFF;
	_ =	strace $0x9FFFFFFF  }
0xc9: {  	(tm) =	ssettm $0x7FFFFFFF  }
tec
execute0_lowered:
.L_overlay_start_1:
0x0: {  	(tag) =	ssettag $0x1  }
0x1: {  	s4 =	rddreg [dreg:$0x0]  }
0x2: {  	s6 =	rddreg [dreg:$0x1]  }
0x3: {  	s2 =	rddreg [dreg:$0x2]  }
0x4: {  	s5 =	srdreg.scid;
	s1 =	stileid.u32  }
0x5: {  	s0 =	rddreg [dreg:$0x3];
	s3 =	simm.s32 $0x0;
	s10 =	simm.s32 $0x1100;
	v1 =	vmov s1  }
0x6: {  	v0 =	vimm.s32 $0x1;
	s11 =	simm.s32 $0x1080;
	s12 =	simm.s32 $0x800;
	s8 =	sand.u32 $0x1, s5;
	vm0 =	veq.s32 v1, $0xF  }
.Ltmp0:
0x7: {  	[smem:$0x7FF] =	sst s3;
	s9 =	sshll.u32 s1, $0x8;
	vm1 =	vgt.u32 v1, $0xD;
	vm2 =	vgt.u32 v1, $0xC;
	vm3 =	vgt.u32 v1, $0xB;
	(pc) =	sbr.rel .LBB2_1-.Ltmp0, $4  }
0x8: {  	s5 =	ssub.s32 $0x2, s8;
	_ =	strace $0x80000047;
	vm4 =	vgt.u32 v1, $0xA;
	s4 =	sadd.s32 s4, s9;
	vm5 =	vgt.u32 v1, $0x9;
	vm6 =	vgt.u32 v1, $0x8  }
0x9: {  	s31 =	sshrl.u32 s9, $0x2;
	vm7 =	vgt.u32 v1, $0x7;
	s6 =	sadd.s32 s6, s9;
	vm8 =	vgt.u32 v1, $0x6;
	vm9 =	vgt.u32 v1, $0x5;
	s7 =	sshrl.u32 s5, $0x1  }
0xa: {  	vm10 =	vgt.u32 v1, $0x4;
	p0 =	sne.s32 s8, $0x0;
	vm11 =	vgt.u32 v1, $0x3;
	vm12 =	vgt.u32 v1, $0x2;
	s8 =	simm.s32 $0x1;
	s7 =	ssub.s32 s5, s7  }
0xb: {  	vm13 =	vgt.u32 v1, $0x1;
	s9 =	simm.s32 $0x1000;
	vm14 =	veq.s32 v1, $0x0;
	v1 =	vimm.s32 $0x0;
	s5 =	sadd.s32 s31, s2;
	s7 =	smax.u32 s7, $0x1  }
.LBB2_3:
0xc: {  	[bflag:$0x0] =	sbarrier.arrive $0xFFFF  }
0xd: {  	[bflag:$0x0] =	sbarrier.arrive $0xFFFF  }
.LBB2_4:
0xe: {  	s7 =	sadd.s32 $0xFFFFFFFF, s7  }
0xf: {  	p1 =	sne.s32 s7, $0x0  }
.Ltmp1:
0x10: {  	_ = 	snop;
	(pc) =	sbr.rel @!p1 .LBB2_5-.Ltmp1, $1  }
0x11: {  	_ =	sdelay $0x3  }
.LBB2_1:
.Ltmp2:
0x12: {  	(pc) =	sbr.rel @p0 .LBB2_3-.Ltmp2, $1  }
0x13: {  	_ =	sdelay $0x3  }
0x14: {  	[tilespmem:s3], [sflag:$0x1] =	stream.linear.gather [hbm4b:s4+s3], $0x800, $0x38;
	[tilespmem:$0x1540] =	vst v63  }
0x15: {  	_ =	swait.ge [sflag:s8], $0x800  }
0x16: {  	[sflag:s8] =	ssyncset.done $0x0  }
0x17: {  	[sflag:s8] =	ssyncadd.s32 $0xFFFFF800  }
0x18: {  	v2 =	vld [tilespmem:$0x0];
	_ =	sdelay $0x4  }
0x19: {  	v3 =	vcvt.s32.f32 v2;
	_ =	sdelay $0x1  }
0x1a: {  	(xrf1) =	vunique.msk.f32 $0xffff, v3;
	_ =	sdelay $0x5  }
0x1b: {  	[tilespmem:$0x1000] =	vst v1  }
0x1c: {  	[tilespmem:$0x1010] =	vst v1  }
0x1d: {  	[tilespmem:$0x1020] =	vst v1  }
0x1e: {  	[tilespmem:$0x1030] =	vst v1  }
0x1f: {  	v3 =	vld.idx.msk [tilespmem:v2+s9+$0x0], $0xffff;
	_ =	sdelay $0x3  }
0x20: {  	_, v4, _ =	vpop (xrf1)  }
0x21: {  	v3 =	vadd.s32 v4, v3  }
0x22: {  	v3 =	vadd.s32 $0xFFFFFFFF, v3  }
0x23: {  	[tilespmem:$0x800] =	vst v3  }
0x24: {  	[tilespmem:v2+s9+$0x0] =	vst.idx.add.s32.msk $0xffff, v0  }
0x25: {  	v2 =	vld [tilespmem:$0x10];
	_ =	sdelay $0x4  }
0x26: {  	v3 =	vcvt.s32.f32 v2;
	_ =	sdelay $0x1  }
0x27: {  	(xrf1) =	vunique.msk.f32 $0xffff, v3;
	_ =	sdelay $0x9  }
0x28: {  	v3 =	vld.idx.msk [tilespmem:v2+s9+$0x0], $0xffff;
	_ =	sdelay $0x3  }
0x29: {  	_, v33, _ =	vpop (xrf1)  }
0x2a: {  	v3 =	vadd.s32 v33, v3  }
0x2b: {  	v3 =	vadd.s32 $0xFFFFFFFF, v3  }
0x2c: {  	[tilespmem:$0x810] =	vst v3  }
0x2d: {  	[tilespmem:v2+s9+$0x0] =	vst.idx.add.s32.msk $0xffff, v0  }
0x2e: {  	v2 =	vld [tilespmem:$0x20];
	_ =	sdelay $0x4  }
0x2f: {  	v3 =	vcvt.s32.f32 v2;
	_ =	sdelay $0x1  }
0x30: {  	(xrf1) =	vunique.msk.f32 $0xffff, v3;
	_ =	sdelay $0x9  }
0x31: {  	v3 =	vld.idx.msk [tilespmem:v2+s9+$0x0], $0xffff;
	_ =	sdelay $0x3  }
0x32: {  	_, v34, _ =	vpop (xrf1)  }
0x33: {  	v3 =	vadd.s32 v34, v3  }
0x34: {  	v3 =	vadd.s32 $0xFFFFFFFF, v3  }
0x35: {  	[tilespmem:$0x820] =	vst v3  }
0x36: {  	[tilespmem:v2+s9+$0x0] =	vst.idx.add.s32.msk $0xffff, v0  }
0x37: {  	v2 =	vld [tilespmem:$0x30];
	_ =	sdelay $0x4  }
0x38: {  	v3 =	vcvt.s32.f32 v2;
	_ =	sdelay $0x1  }
0x39: {  	(xrf1) =	vunique.msk.f32 $0xffff, v3;
	_ =	sdelay $0x9  }
0x3a: {  	v3 =	vld.idx.msk [tilespmem:v2+s9+$0x0], $0xffff;
	_ =	sdelay $0x3  }
0x3b: {  	_, v35, _ =	vpop (xrf1)  }
0x3c: {  	v3 =	vadd.s32 v35, v3  }
0x3d: {  	v3 =	vadd.s32 $0xFFFFFFFF, v3  }
0x3e: {  	[tilespmem:$0x830] =	vst v3  }
0x3f: {  	[tilespmem:v2+s9+$0x0] =	vst.idx.add.s32.msk $0xffff, v0  }
0x40: {  	v2 =	vld [tilespmem:$0x40];
	_ =	sdelay $0x4  }
0x41: {  	v3 =	vcvt.s32.f32 v2;
	_ =	sdelay $0x1  }
0x42: {  	(xrf1) =	vunique.msk.f32 $0xffff, v3;
	_ =	sdelay $0x9  }
0x43: {  	v3 =	vld.idx.msk [tilespmem:v2+s9+$0x0], $0xffff;
	_ =	sdelay $0x3  }
0x44: {  	_, v36, _ =	vpop (xrf1)  }
0x45: {  	v3 =	vadd.s32 v36, v3  }
0x46: {  	v3 =	vadd.s32 $0xFFFFFFFF, v3  }
0x47: {  	[tilespmem:$0x840] =	vst v3  }
0x48: {  	[tilespmem:v2+s9+$0x0] =	vst.idx.add.s32.msk $0xffff, v0  }
0x49: {  	v2 =	vld [tilespmem:$0x50];
	_ =	sdelay $0x4  }
0x4a: {  	v3 =	vcvt.s32.f32 v2;
	_ =	sdelay $0x1  }
0x4b: {  	(xrf1) =	vunique.msk.f32 $0xffff, v3;
	_ =	sdelay $0x9  }
0x4c: {  	v3 =	vld.idx.msk [tilespmem:v2+s9+$0x0], $0xffff;
	_ =	sdelay $0x3  }
0x4d: {  	_, v37, _ =	vpop (xrf1)  }
0x4e: {  	v3 =	vadd.s32 v37, v3  }
0x4f: {  	v3 =	vadd.s32 $0xFFFFFFFF, v3  }
0x50: {  	[tilespmem:$0x850] =	vst v3  }
0x51: {  	[tilespmem:v2+s9+$0x0] =	vst.idx.add.s32.msk $0xffff, v0  }
0x52: {  	v2 =	vld [tilespmem:$0x60];
	_ =	sdelay $0x4  }
0x53: {  	v3 =	vcvt.s32.f32 v2;
	_ =	sdelay $0x1  }
0x54: {  	(xrf1) =	vunique.msk.f32 $0xffff, v3;
	_ =	sdelay $0x9  }
0x55: {  	v3 =	vld.idx.msk [tilespmem:v2+s9+$0x0], $0xffff;
	_ =	sdelay $0x3  }
0x56: {  	_, v38, _ =	vpop (xrf1)  }
0x57: {  	v3 =	vadd.s32 v38, v3  }
0x58: {  	v3 =	vadd.s32 $0xFFFFFFFF, v3  }
0x59: {  	[tilespmem:$0x860] =	vst v3  }
0x5a: {  	[tilespmem:v2+s9+$0x0] =	vst.idx.add.s32.msk $0xffff, v0  }
0x5b: {  	v2 =	vld [tilespmem:$0x70];
	_ =	sdelay $0x4  }
0x5c: {  	v3 =	vcvt.s32.f32 v2;
	_ =	sdelay $0x1  }
0x5d: {  	(xrf1) =	vunique.msk.f32 $0xffff, v3;
	_ =	sdelay $0x9  }
0x5e: {  	v3 =	vld.idx.msk [tilespmem:v2+s9+$0x0], $0xffff;
	_ =	sdelay $0x3  }
0x5f: {  	_, v39, _ =	vpop (xrf1)  }
0x60: {  	v3 =	vadd.s32 v39, v3  }
0x61: {  	v3 =	vadd.s32 $0xFFFFFFFF, v3  }
0x62: {  	[tilespmem:$0x870] =	vst v3  }
0x63: {  	[tilespmem:v2+s9+$0x0] =	vst.idx.add.s32.msk $0xffff, v0  }
0x64: {  	v2 =	vld [tilespmem:$0x80];
	_ =	sdelay $0x4  }
0x65: {  	v3 =	vcvt.s32.f32 v2;
	_ =	sdelay $0x1  }
0x66: {  	(xrf1) =	vunique.msk.f32 $0xffff, v3;
	_ =	sdelay $0x9  }
0x67: {  	v3 =	vld.idx.msk [tilespmem:v2+s9+$0x0], $0xffff;
	_ =	sdelay $0x3  }
0x68: {  	_, v40, _ =	vpop (xrf1)  }
0x69: {  	v3 =	vadd.s32 v40, v3  }
0x6a: {  	v3 =	vadd.s32 $0xFFFFFFFF, v3  }
0x6b: {  	[tilespmem:$0x880] =	vst v3  }
0x6c: {  	[tilespmem:v2+s9+$0x0] =	vst.idx.add.s32.msk $0xffff, v0  }
0x6d: {  	v2 =	vld [tilespmem:$0x90];
	_ =	sdelay $0x4  }
0x6e: {  	v3 =	vcvt.s32.f32 v2;
	_ =	sdelay $0x1  }
0x6f: {  	(xrf1) =	vunique.msk.f32 $0xffff, v3;
	_ =	sdelay $0x9  }
0x70: {  	v3 =	vld.idx.msk [tilespmem:v2+s9+$0x0], $0xffff;
	_ =	sdelay $0x3  }
0x71: {  	_, v41, _ =	vpop (xrf1)  }
0x72: {  	v3 =	vadd.s32 v41, v3  }
0x73: {  	v3 =	vadd.s32 $0xFFFFFFFF, v3  }
0x74: {  	[tilespmem:$0x890] =	vst v3  }
0x75: {  	[tilespmem:v2+s9+$0x0] =	vst.idx.add.s32.msk $0xffff, v0  }
0x76: {  	v2 =	vld [tilespmem:$0xA0];
	_ =	sdelay $0x4  }
0x77: {  	v3 =	vcvt.s32.f32 v2;
	_ =	sdelay $0x1  }
0x78: {  	(xrf1) =	vunique.msk.f32 $0xffff, v3;
	_ =	sdelay $0x9  }
0x79: {  	v3 =	vld.idx.msk [tilespmem:v2+s9+$0x0], $0xffff;
	_ =	sdelay $0x3  }
0x7a: {  	_, v42, _ =	vpop (xrf1)  }
0x7b: {  	v3 =	vadd.s32 v42, v3  }
0x7c: {  	v3 =	vadd.s32 $0xFFFFFFFF, v3  }
0x7d: {  	[tilespmem:$0x8A0] =	vst v3  }
0x7e: {  	[tilespmem:v2+s9+$0x0] =	vst.idx.add.s32.msk $0xffff, v0  }
0x7f: {  	v2 =	vld [tilespmem:$0xB0];
	_ =	sdelay $0x4  }
0x80: {  	v3 =	vcvt.s32.f32 v2;
	_ =	sdelay $0x1  }
0x81: {  	(xrf1) =	vunique.msk.f32 $0xffff, v3;
	_ =	sdelay $0x9  }
0x82: {  	v3 =	vld.idx.msk [tilespmem:v2+s9+$0x0], $0xffff;
	_ =	sdelay $0x3  }
0x83: {  	_, v43, _ =	vpop (xrf1)  }
0x84: {  	v3 =	vadd.s32 v43, v3  }
0x85: {  	v3 =	vadd.s32 $0xFFFFFFFF, v3  }
0x86: {  	[tilespmem:$0x8B0] =	vst v3  }
0x87: {  	[tilespmem:v2+s9+$0x0] =	vst.idx.add.s32.msk $0xffff, v0  }
0x88: {  	v2 =	vld [tilespmem:$0xC0];
	_ =	sdelay $0x4  }
0x89: {  	v3 =	vcvt.s32.f32 v2;
	_ =	sdelay $0x1  }
0x8a: {  	(xrf1) =	vunique.msk.f32 $0xffff, v3;
	_ =	sdelay $0x9  }
0x8b: {  	v3 =	vld.idx.msk [tilespmem:v2+s9+$0x0], $0xffff;
	_ =	sdelay $0x3  }
0x8c: {  	_, v44, _ =	vpop (xrf1)  }
0x8d: {  	v3 =	vadd.s32 v44, v3  }
0x8e: {  	v3 =	vadd.s32 $0xFFFFFFFF, v3  }
0x8f: {  	[tilespmem:$0x8C0] =	vst v3  }
0x90: {  	[tilespmem:v2+s9+$0x0] =	vst.idx.add.s32.msk $0xffff, v0  }
0x91: {  	v2 =	vld [tilespmem:$0xD0];
	_ =	sdelay $0x4  }
0x92: {  	v3 =	vcvt.s32.f32 v2;
	_ =	sdelay $0x1  }
0x93: {  	(xrf1) =	vunique.msk.f32 $0xffff, v3;
	_ =	sdelay $0x9  }
0x94: {  	v3 =	vld.idx.msk [tilespmem:v2+s9+$0x0], $0xffff;
	_ =	sdelay $0x3  }
0x95: {  	_, v45, _ =	vpop (xrf1)  }
0x96: {  	v3 =	vadd.s32 v45, v3  }
0x97: {  	v3 =	vadd.s32 $0xFFFFFFFF, v3  }
0x98: {  	[tilespmem:$0x8D0] =	vst v3  }
0x99: {  	[tilespmem:v2+s9+$0x0] =	vst.idx.add.s32.msk $0xffff, v0  }
0x9a: {  	v2 =	vld [tilespmem:$0xE0];
	_ =	sdelay $0x4  }
0x9b: {  	v3 =	vcvt.s32.f32 v2;
	_ =	sdelay $0x1  }
0x9c: {  	(xrf1) =	vunique.msk.f32 $0xffff, v3;
	_ =	sdelay $0x9  }
0x9d: {  	v3 =	vld.idx.msk [tilespmem:v2+s9+$0x0], $0xffff;
	_ =	sdelay $0x3  }
0x9e: {  	_, v46, _ =	vpop (xrf1)  }
0x9f: {  	v3 =	vadd.s32 v46, v3  }
0xa0: {  	v3 =	vadd.s32 $0xFFFFFFFF, v3  }
0xa1: {  	[tilespmem:$0x8E0] =	vst v3  }
0xa2: {  	[tilespmem:v2+s9+$0x0] =	vst.idx.add.s32.msk $0xffff, v0  }
0xa3: {  	v2 =	vld [tilespmem:$0xF0];
	_ =	sdelay $0x4  }
0xa4: {  	v3 =	vcvt.s32.f32 v2;
	_ =	sdelay $0x1  }
0xa5: {  	(xrf1) =	vunique.msk.f32 $0xffff, v3;
	_ =	sdelay $0x9  }
0xa6: {  	v3 =	vld.idx.msk [tilespmem:v2+s9+$0x0], $0xffff;
	_ =	sdelay $0x3  }
0xa7: {  	_, v47, _ =	vpop (xrf1)  }
0xa8: {  	v3 =	vadd.s32 v47, v3  }
0xa9: {  	v3 =	vadd.s32 $0xFFFFFFFF, v3  }
0xaa: {  	[tilespmem:$0x8F0] =	vst v3  }
0xab: {  	[tilespmem:v2+s9+$0x0] =	vst.idx.add.s32.msk $0xffff, v0  }
0xac: {  	v2 =	vld [tilespmem:$0x100];
	_ =	sdelay $0x4  }
0xad: {  	v3 =	vcvt.s32.f32 v2;
	_ =	sdelay $0x1  }
0xae: {  	(xrf1) =	vunique.msk.f32 $0xffff, v3;
	_ =	sdelay $0x9  }
0xaf: {  	v3 =	vld.idx.msk [tilespmem:v2+s9+$0x0], $0xffff;
	_ =	sdelay $0x3  }
0xb0: {  	_, v48, _ =	vpop (xrf1)  }
0xb1: {  	v3 =	vadd.s32 v48, v3  }
0xb2: {  	v3 =	vadd.s32 $0xFFFFFFFF, v3  }
0xb3: {  	[tilespmem:$0x900] =	vst v3  }
0xb4: {  	[tilespmem:v2+s9+$0x0] =	vst.idx.add.s32.msk $0xffff, v0  }
0xb5: {  	v2 =	vld [tilespmem:$0x110];
	_ =	sdelay $0x4  }
0xb6: {  	v3 =	vcvt.s32.f32 v2;
	_ =	sdelay $0x1  }
0xb7: {  	(xrf1) =	vunique.msk.f32 $0xffff, v3;
	_ =	sdelay $0x9  }
0xb8: {  	v3 =	vld.idx.msk [tilespmem:v2+s9+$0x0], $0xffff;
	_ =	sdelay $0x3  }
0xb9: {  	_, v49, _ =	vpop (xrf1)  }
0xba: {  	v3 =	vadd.s32 v49, v3  }
0xbb: {  	v3 =	vadd.s32 $0xFFFFFFFF, v3  }
0xbc: {  	[tilespmem:$0x910] =	vst v3  }
0xbd: {  	[tilespmem:v2+s9+$0x0] =	vst.idx.add.s32.msk $0xffff, v0  }
0xbe: {  	v2 =	vld [tilespmem:$0x120];
	_ =	sdelay $0x4  }
0xbf: {  	v3 =	vcvt.s32.f32 v2;
	_ =	sdelay $0x1  }
0xc0: {  	(xrf1) =	vunique.msk.f32 $0xffff, v3;
	_ =	sdelay $0x9  }
0xc1: {  	v3 =	vld.idx.msk [tilespmem:v2+s9+$0x0], $0xffff;
	_ =	sdelay $0x3  }
0xc2: {  	_, v50, _ =	vpop (xrf1)  }
0xc3: {  	v3 =	vadd.s32 v50, v3  }
0xc4: {  	v3 =	vadd.s32 $0xFFFFFFFF, v3  }
0xc5: {  	[tilespmem:$0x920] =	vst v3  }
0xc6: {  	[tilespmem:v2+s9+$0x0] =	vst.idx.add.s32.msk $0xffff, v0  }
0xc7: {  	v2 =	vld [tilespmem:$0x130];
	_ =	sdelay $0x4  }
0xc8: {  	v3 =	vcvt.s32.f32 v2;
	_ =	sdelay $0x1  }
0xc9: {  	(xrf1) =	vunique.msk.f32 $0xffff, v3;
	_ =	sdelay $0x9  }
0xca: {  	v3 =	vld.idx.msk [tilespmem:v2+s9+$0x0], $0xffff;
	_ =	sdelay $0x3  }
0xcb: {  	_, v51, _ =	vpop (xrf1)  }
0xcc: {  	v3 =	vadd.s32 v51, v3  }
0xcd: {  	v3 =	vadd.s32 $0xFFFFFFFF, v3  }
0xce: {  	[tilespmem:$0x930] =	vst v3  }
0xcf: {  	[tilespmem:v2+s9+$0x0] =	vst.idx.add.s32.msk $0xffff, v0  }
0xd0: {  	v2 =	vld [tilespmem:$0x140];
	_ =	sdelay $0x4  }
0xd1: {  	v3 =	vcvt.s32.f32 v2;
	_ =	sdelay $0x1  }
0xd2: {  	(xrf1) =	vunique.msk.f32 $0xffff, v3;
	_ =	sdelay $0x9  }
0xd3: {  	v3 =	vld.idx.msk [tilespmem:v2+s9+$0x0], $0xffff;
	_ =	sdelay $0x3  }
0xd4: {  	_, v52, _ =	vpop (xrf1)  }
0xd5: {  	v3 =	vadd.s32 v52, v3  }
0xd6: {  	v3 =	vadd.s32 $0xFFFFFFFF, v3  }
0xd7: {  	[tilespmem:$0x940] =	vst v3  }
0xd8: {  	[tilespmem:v2+s9+$0x0] =	vst.idx.add.s32.msk $0xffff, v0  }
0xd9: {  	v2 =	vld [tilespmem:$0x150];
	_ =	sdelay $0x4  }
0xda: {  	v3 =	vcvt.s32.f32 v2;
	_ =	sdelay $0x1  }
0xdb: {  	(xrf1) =	vunique.msk.f32 $0xffff, v3;
	_ =	sdelay $0x9  }
0xdc: {  	v3 =	vld.idx.msk [tilespmem:v2+s9+$0x0], $0xffff;
	_ =	sdelay $0x3  }
0xdd: {  	_, v53, _ =	vpop (xrf1)  }
0xde: {  	v3 =	vadd.s32 v53, v3  }
0xdf: {  	v3 =	vadd.s32 $0xFFFFFFFF, v3  }
0xe0: {  	[tilespmem:$0x950] =	vst v3  }
0xe1: {  	[tilespmem:v2+s9+$0x0] =	vst.idx.add.s32.msk $0xffff, v0  }
0xe2: {  	v2 =	vld [tilespmem:$0x160];
	_ =	sdelay $0x4  }
0xe3: {  	v3 =	vcvt.s32.f32 v2;
	_ =	sdelay $0x1  }
0xe4: {  	(xrf1) =	vunique.msk.f32 $0xffff, v3;
	_ =	sdelay $0x9  }
0xe5: {  	v3 =	vld.idx.msk [tilespmem:v2+s9+$0x0], $0xffff;
	_ =	sdelay $0x3  }
0xe6: {  	_, v54, _ =	vpop (xrf1)  }
0xe7: {  	v3 =	vadd.s32 v54, v3  }
0xe8: {  	v3 =	vadd.s32 $0xFFFFFFFF, v3  }
0xe9: {  	[tilespmem:$0x960] =	vst v3  }
0xea: {  	[tilespmem:v2+s9+$0x0] =	vst.idx.add.s32.msk $0xffff, v0  }
0xeb: {  	v2 =	vld [tilespmem:$0x170];
	_ =	sdelay $0x4  }
0xec: {  	v3 =	vcvt.s32.f32 v2;
	_ =	sdelay $0x1  }
0xed: {  	(xrf1) =	vunique.msk.f32 $0xffff, v3;
	_ =	sdelay $0x9  }
0xee: {  	v3 =	vld.idx.msk [tilespmem:v2+s9+$0x0], $0xffff;
	_ =	sdelay $0x3  }
0xef: {  	_, v55, _ =	vpop (xrf1)  }
0xf0: {  	v3 =	vadd.s32 v55, v3  }
0xf1: {  	v3 =	vadd.s32 $0xFFFFFFFF, v3  }
0xf2: {  	[tilespmem:$0x970] =	vst v3  }
0xf3: {  	[tilespmem:v2+s9+$0x0] =	vst.idx.add.s32.msk $0xffff, v0  }
0xf4: {  	v2 =	vld [tilespmem:$0x180];
	_ =	sdelay $0x4  }
0xf5: {  	v3 =	vcvt.s32.f32 v2;
	_ =	sdelay $0x1  }
0xf6: {  	(xrf1) =	vunique.msk.f32 $0xffff, v3;
	_ =	sdelay $0x9  }
0xf7: {  	v3 =	vld.idx.msk [tilespmem:v2+s9+$0x0], $0xffff;
	_ =	sdelay $0x3  }
0xf8: {  	_, v56, _ =	vpop (xrf1)  }
0xf9: {  	v3 =	vadd.s32 v56, v3  }
0xfa: {  	v3 =	vadd.s32 $0xFFFFFFFF, v3  }
0xfb: {  	[tilespmem:$0x980] =	vst v3  }
0xfc: {  	[tilespmem:v2+s9+$0x0] =	vst.idx.add.s32.msk $0xffff, v0  }
0xfd: {  	v2 =	vld [tilespmem:$0x190];
	_ =	sdelay $0x4  }
0xfe: {  	v3 =	vcvt.s32.f32 v2;
	_ =	sdelay $0x1  }
0xff: {  	(xrf1) =	vunique.msk.f32 $0xffff, v3;
	_ =	sdelay $0x9  }
0x100: {  	v3 =	vld.idx.msk [tilespmem:v2+s9+$0x0], $0xffff;
	_ =	sdelay $0x3  }
0x101: {  	_, v57, _ =	vpop (xrf1)  }
0x102: {  	v3 =	vadd.s32 v57, v3  }
0x103: {  	v3 =	vadd.s32 $0xFFFFFFFF, v3  }
0x104: {  	[tilespmem:$0x990] =	vst v3  }
0x105: {  	[tilespmem:v2+s9+$0x0] =	vst.idx.add.s32.msk $0xffff, v0  }
0x106: {  	v2 =	vld [tilespmem:$0x1A0];
	_ =	sdelay $0x4  }
0x107: {  	v3 =	vcvt.s32.f32 v2;
	_ =	sdelay $0x1  }
0x108: {  	(xrf1) =	vunique.msk.f32 $0xffff, v3;
	_ =	sdelay $0x9  }
0x109: {  	v3 =	vld.idx.msk [tilespmem:v2+s9+$0x0], $0xffff;
	_ =	sdelay $0x3  }
0x10a: {  	_, v58, _ =	vpop (xrf1)  }
0x10b: {  	v3 =	vadd.s32 v58, v3  }
0x10c: {  	v3 =	vadd.s32 $0xFFFFFFFF, v3  }
0x10d: {  	[tilespmem:$0x9A0] =	vst v3  }
0x10e: {  	[tilespmem:v2+s9+$0x0] =	vst.idx.add.s32.msk $0xffff, v0  }
0x10f: {  	v2 =	vld [tilespmem:$0x1B0];
	_ =	sdelay $0x4  }
0x110: {  	v3 =	vcvt.s32.f32 v2;
	_ =	sdelay $0x1  }
0x111: {  	(xrf1) =	vunique.msk.f32 $0xffff, v3;
	_ =	sdelay $0x9  }
0x112: {  	v3 =	vld.idx.msk [tilespmem:v2+s9+$0x0], $0xffff;
	_ =	sdelay $0x3  }
0x113: {  	_, v59, _ =	vpop (xrf1)  }
0x114: {  	v3 =	vadd.s32 v59, v3  }
0x115: {  	v3 =	vadd.s32 $0xFFFFFFFF, v3  }
0x116: {  	[tilespmem:$0x9B0] =	vst v3  }
0x117: {  	[tilespmem:v2+s9+$0x0] =	vst.idx.add.s32.msk $0xffff, v0  }
0x118: {  	v2 =	vld [tilespmem:$0x1C0];
	_ =	sdelay $0x4  }
0x119: {  	v3 =	vcvt.s32.f32 v2;
	_ =	sdelay $0x1  }
0x11a: {  	(xrf1) =	vunique.msk.f32 $0xffff, v3;
	_ =	sdelay $0x9  }
0x11b: {  	v3 =	vld.idx.msk [tilespmem:v2+s9+$0x0], $0xffff;
	_ =	sdelay $0x3  }
0x11c: {  	_, v60, _ =	vpop (xrf1)  }
0x11d: {  	v3 =	vadd.s32 v60, v3  }
0x11e: {  	v3 =	vadd.s32 $0xFFFFFFFF, v3  }
0x11f: {  	[tilespmem:$0x9C0] =	vst v3  }
0x120: {  	[tilespmem:v2+s9+$0x0] =	vst.idx.add.s32.msk $0xffff, v0  }
0x121: {  	v2 =	vld [tilespmem:$0x1D0];
	_ =	sdelay $0x4  }
0x122: {  	v3 =	vcvt.s32.f32 v2;
	_ =	sdelay $0x1  }
0x123: {  	(xrf1) =	vunique.msk.f32 $0xffff, v3;
	_ =	sdelay $0x9  }
0x124: {  	v3 =	vld.idx.msk [tilespmem:v2+s9+$0x0], $0xffff;
	_ =	sdelay $0x3  }
0x125: {  	_, v61, _ =	vpop (xrf1)  }
0x126: {  	v3 =	vadd.s32 v61, v3  }
0x127: {  	v3 =	vadd.s32 $0xFFFFFFFF, v3  }
0x128: {  	[tilespmem:$0x9D0] =	vst v3  }
0x129: {  	[tilespmem:v2+s9+$0x0] =	vst.idx.add.s32.msk $0xffff, v0  }
0x12a: {  	v2 =	vld [tilespmem:$0x1E0];
	_ =	sdelay $0x4  }
0x12b: {  	v3 =	vcvt.s32.f32 v2;
	_ =	sdelay $0x1  }
0x12c: {  	(xrf1) =	vunique.msk.f32 $0xffff, v3;
	_ =	sdelay $0x9  }
0x12d: {  	v3 =	vld.idx.msk [tilespmem:v2+s9+$0x0], $0xffff;
	_ =	sdelay $0x3  }
0x12e: {  	_, v62, _ =	vpop (xrf1)  }
0x12f: {  	v3 =	vadd.s32 v62, v3  }
0x130: {  	v3 =	vadd.s32 $0xFFFFFFFF, v3  }
0x131: {  	[tilespmem:$0x9E0] =	vst v3  }
0x132: {  	[tilespmem:v2+s9+$0x0] =	vst.idx.add.s32.msk $0xffff, v0  }
0x133: {  	v2 =	vld [tilespmem:$0x1F0];
	_ =	sdelay $0x4  }
0x134: {  	v3 =	vcvt.s32.f32 v2;
	_ =	sdelay $0x1  }
0x135: {  	(xrf1) =	vunique.msk.f32 $0xffff, v3;
	_ =	sdelay $0x9  }
0x136: {  	v3 =	vld.idx.msk [tilespmem:v2+s9+$0x0], $0xffff;
	_ =	sdelay $0x3  }
0x137: {  	_, v63, _ =	vpop (xrf1)  }
0x138: {  	v3 =	vadd.s32 v63, v3  }
0x139: {  	v3 =	vadd.s32 $0xFFFFFFFF, v3  }
0x13a: {  	[tilespmem:$0x9F0] =	vst v3  }
0x13b: {  	[tilespmem:v2+s9+$0x0] =	vst.idx.add.s32.msk $0xffff, v0  }
0x13c: {  	v2 =	vld [tilespmem:$0x200];
	_ =	sdelay $0x4  }
0x13d: {  	v3 =	vcvt.s32.f32 v2;
	_ =	sdelay $0x1  }
0x13e: {  	(xrf1) =	vunique.msk.f32 $0xffff, v3;
	_ =	sdelay $0x9  }
0x13f: {  	v3 =	vld.idx.msk [tilespmem:v2+s9+$0x0], $0xffff;
	_ =	sdelay $0x3  }
0x140: {  	_, v8, _ =	vpop (xrf1)  }
0x141: {  	v3 =	vadd.s32 v8, v3  }
0x142: {  	v3 =	vadd.s32 $0xFFFFFFFF, v3  }
0x143: {  	[tilespmem:$0xA00] =	vst v3  }
0x144: {  	[tilespmem:v2+s9+$0x0] =	vst.idx.add.s32.msk $0xffff, v0  }
0x145: {  	v2 =	vld [tilespmem:$0x210];
	_ =	sdelay $0x4  }
0x146: {  	v3 =	vcvt.s32.f32 v2;
	_ =	sdelay $0x1  }
0x147: {  	(xrf1) =	vunique.msk.f32 $0xffff, v3;
	_ =	sdelay $0x9  }
0x148: {  	v3 =	vld.idx.msk [tilespmem:v2+s9+$0x0], $0xffff;
	_ =	sdelay $0x3  }
0x149: {  	_, v9, _ =	vpop (xrf1)  }
0x14a: {  	v3 =	vadd.s32 v9, v3  }
0x14b: {  	v3 =	vadd.s32 $0xFFFFFFFF, v3  }
0x14c: {  	[tilespmem:$0xA10] =	vst v3  }
0x14d: {  	[tilespmem:v2+s9+$0x0] =	vst.idx.add.s32.msk $0xffff, v0  }
0x14e: {  	v2 =	vld [tilespmem:$0x220];
	_ =	sdelay $0x4  }
0x14f: {  	v3 =	vcvt.s32.f32 v2;
	_ =	sdelay $0x1  }
0x150: {  	(xrf1) =	vunique.msk.f32 $0xffff, v3;
	_ =	sdelay $0x9  }
0x151: {  	v3 =	vld.idx.msk [tilespmem:v2+s9+$0x0], $0xffff;
	_ =	sdelay $0x3  }
0x152: {  	_, v10, _ =	vpop (xrf1)  }
0x153: {  	v3 =	vadd.s32 v10, v3  }
0x154: {  	v3 =	vadd.s32 $0xFFFFFFFF, v3  }
0x155: {  	[tilespmem:$0xA20] =	vst v3  }
0x156: {  	[tilespmem:v2+s9+$0x0] =	vst.idx.add.s32.msk $0xffff, v0  }
0x157: {  	v2 =	vld [tilespmem:$0x230];
	_ =	sdelay $0x4  }
0x158: {  	v3 =	vcvt.s32.f32 v2;
	_ =	sdelay $0x1  }
0x159: {  	(xrf1) =	vunique.msk.f32 $0xffff, v3;
	_ =	sdelay $0x9  }
0x15a: {  	v3 =	vld.idx.msk [tilespmem:v2+s9+$0x0], $0xffff;
	_ =	sdelay $0x3  }
0x15b: {  	_, v11, _ =	vpop (xrf1)  }
0x15c: {  	v3 =	vadd.s32 v11, v3  }
0x15d: {  	v3 =	vadd.s32 $0xFFFFFFFF, v3  }
0x15e: {  	[tilespmem:$0xA30] =	vst v3  }
0x15f: {  	[tilespmem:v2+s9+$0x0] =	vst.idx.add.s32.msk $0xffff, v0  }
0x160: {  	v2 =	vld [tilespmem:$0x240];
	_ =	sdelay $0x4  }
0x161: {  	v3 =	vcvt.s32.f32 v2;
	_ =	sdelay $0x1  }
0x162: {  	(xrf1) =	vunique.msk.f32 $0xffff, v3;
	_ =	sdelay $0x9  }
0x163: {  	v3 =	vld.idx.msk [tilespmem:v2+s9+$0x0], $0xffff;
	_ =	sdelay $0x3  }
0x164: {  	_, v12, _ =	vpop (xrf1)  }
0x165: {  	v3 =	vadd.s32 v12, v3  }
0x166: {  	v3 =	vadd.s32 $0xFFFFFFFF, v3  }
0x167: {  	[tilespmem:$0xA40] =	vst v3  }
0x168: {  	[tilespmem:v2+s9+$0x0] =	vst.idx.add.s32.msk $0xffff, v0  }
0x169: {  	v2 =	vld [tilespmem:$0x250];
	_ =	sdelay $0x4  }
0x16a: {  	v3 =	vcvt.s32.f32 v2;
	_ =	sdelay $0x1  }
0x16b: {  	(xrf1) =	vunique.msk.f32 $0xffff, v3;
	_ =	sdelay $0x9  }
0x16c: {  	v3 =	vld.idx.msk [tilespmem:v2+s9+$0x0], $0xffff;
	_ =	sdelay $0x3  }
0x16d: {  	_, v13, _ =	vpop (xrf1)  }
0x16e: {  	v3 =	vadd.s32 v13, v3  }
0x16f: {  	v3 =	vadd.s32 $0xFFFFFFFF, v3  }
0x170: {  	[tilespmem:$0xA50] =	vst v3  }
0x171: {  	[tilespmem:v2+s9+$0x0] =	vst.idx.add.s32.msk $0xffff, v0  }
0x172: {  	v2 =	vld [tilespmem:$0x260];
	_ =	sdelay $0x4  }
0x173: {  	v3 =	vcvt.s32.f32 v2;
	_ =	sdelay $0x1  }
0x174: {  	(xrf1) =	vunique.msk.f32 $0xffff, v3;
	_ =	sdelay $0x9  }
0x175: {  	v3 =	vld.idx.msk [tilespmem:v2+s9+$0x0], $0xffff;
	_ =	sdelay $0x3  }
0x176: {  	_, v14, _ =	vpop (xrf1)  }
0x177: {  	v3 =	vadd.s32 v14, v3  }
0x178: {  	v3 =	vadd.s32 $0xFFFFFFFF, v3  }
0x179: {  	[tilespmem:$0xA60] =	vst v3  }
0x17a: {  	[tilespmem:v2+s9+$0x0] =	vst.idx.add.s32.msk $0xffff, v0  }
0x17b: {  	v2 =	vld [tilespmem:$0x270];
	_ =	sdelay $0x4  }
0x17c: {  	v3 =	vcvt.s32.f32 v2;
	_ =	sdelay $0x1  }
0x17d: {  	(xrf1) =	vunique.msk.f32 $0xffff, v3;
	_ =	sdelay $0x9  }
0x17e: {  	v3 =	vld.idx.msk [tilespmem:v2+s9+$0x0], $0xffff;
	_ =	sdelay $0x3  }
0x17f: {  	_, v15, _ =	vpop (xrf1)  }
0x180: {  	v3 =	vadd.s32 v15, v3  }
0x181: {  	v3 =	vadd.s32 $0xFFFFFFFF, v3  }
0x182: {  	[tilespmem:$0xA70] =	vst v3  }
0x183: {  	[tilespmem:v2+s9+$0x0] =	vst.idx.add.s32.msk $0xffff, v0  }
0x184: {  	v2 =	vld [tilespmem:$0x280];
	_ =	sdelay $0x4  }
0x185: {  	v3 =	vcvt.s32.f32 v2;
	_ =	sdelay $0x1  }
0x186: {  	(xrf1) =	vunique.msk.f32 $0xffff, v3;
	_ =	sdelay $0x9  }
0x187: {  	v3 =	vld.idx.msk [tilespmem:v2+s9+$0x0], $0xffff;
	_ =	sdelay $0x3  }
0x188: {  	_, v16, _ =	vpop (xrf1)  }
0x189: {  	v3 =	vadd.s32 v16, v3  }
0x18a: {  	v3 =	vadd.s32 $0xFFFFFFFF, v3  }
0x18b: {  	[tilespmem:$0xA80] =	vst v3  }
0x18c: {  	[tilespmem:v2+s9+$0x0] =	vst.idx.add.s32.msk $0xffff, v0  }
0x18d: {  	v2 =	vld [tilespmem:$0x290];
	_ =	sdelay $0x4  }
0x18e: {  	v3 =	vcvt.s32.f32 v2;
	_ =	sdelay $0x1  }
0x18f: {  	(xrf1) =	vunique.msk.f32 $0xffff, v3;
	_ =	sdelay $0x9  }
0x190: {  	v3 =	vld.idx.msk [tilespmem:v2+s9+$0x0], $0xffff;
	_ =	sdelay $0x3  }
0x191: {  	_, v17, _ =	vpop (xrf1)  }
0x192: {  	v3 =	vadd.s32 v17, v3  }
0x193: {  	v3 =	vadd.s32 $0xFFFFFFFF, v3  }
0x194: {  	[tilespmem:$0xA90] =	vst v3  }
0x195: {  	[tilespmem:v2+s9+$0x0] =	vst.idx.add.s32.msk $0xffff, v0  }
0x196: {  	v2 =	vld [tilespmem:$0x2A0];
	_ =	sdelay $0x4  }
0x197: {  	v3 =	vcvt.s32.f32 v2;
	_ =	sdelay $0x1  }
0x198: {  	(xrf1) =	vunique.msk.f32 $0xffff, v3;
	_ =	sdelay $0x9  }
0x199: {  	v3 =	vld.idx.msk [tilespmem:v2+s9+$0x0], $0xffff;
	_ =	sdelay $0x3  }
0x19a: {  	_, v18, _ =	vpop (xrf1)  }
0x19b: {  	v3 =	vadd.s32 v18, v3  }
0x19c: {  	v3 =	vadd.s32 $0xFFFFFFFF, v3  }
0x19d: {  	[tilespmem:$0xAA0] =	vst v3  }
0x19e: {  	[tilespmem:v2+s9+$0x0] =	vst.idx.add.s32.msk $0xffff, v0  }
0x19f: {  	v2 =	vld [tilespmem:$0x2B0];
	_ =	sdelay $0x4  }
0x1a0: {  	v3 =	vcvt.s32.f32 v2;
	_ =	sdelay $0x1  }
0x1a1: {  	(xrf1) =	vunique.msk.f32 $0xffff, v3;
	_ =	sdelay $0x9  }
0x1a2: {  	v3 =	vld.idx.msk [tilespmem:v2+s9+$0x0], $0xffff;
	_ =	sdelay $0x3  }
0x1a3: {  	_, v19, _ =	vpop (xrf1)  }
0x1a4: {  	v3 =	vadd.s32 v19, v3  }
0x1a5: {  	v3 =	vadd.s32 $0xFFFFFFFF, v3  }
0x1a6: {  	[tilespmem:$0xAB0] =	vst v3  }
0x1a7: {  	[tilespmem:v2+s9+$0x0] =	vst.idx.add.s32.msk $0xffff, v0  }
0x1a8: {  	v2 =	vld [tilespmem:$0x2C0];
	_ =	sdelay $0x4  }
0x1a9: {  	v3 =	vcvt.s32.f32 v2;
	_ =	sdelay $0x1  }
0x1aa: {  	(xrf1) =	vunique.msk.f32 $0xffff, v3;
	_ =	sdelay $0x9  }
0x1ab: {  	v3 =	vld.idx.msk [tilespmem:v2+s9+$0x0], $0xffff;
	_ =	sdelay $0x3  }
0x1ac: {  	_, v20, _ =	vpop (xrf1)  }
0x1ad: {  	v3 =	vadd.s32 v20, v3  }
0x1ae: {  	v3 =	vadd.s32 $0xFFFFFFFF, v3  }
0x1af: {  	[tilespmem:$0xAC0] =	vst v3  }
0x1b0: {  	[tilespmem:v2+s9+$0x0] =	vst.idx.add.s32.msk $0xffff, v0  }
0x1b1: {  	v2 =	vld [tilespmem:$0x2D0];
	_ =	sdelay $0x4  }
0x1b2: {  	v3 =	vcvt.s32.f32 v2;
	_ =	sdelay $0x1  }
0x1b3: {  	(xrf1) =	vunique.msk.f32 $0xffff, v3;
	_ =	sdelay $0x9  }
0x1b4: {  	v3 =	vld.idx.msk [tilespmem:v2+s9+$0x0], $0xffff;
	_ =	sdelay $0x3  }
0x1b5: {  	_, v21, _ =	vpop (xrf1)  }
0x1b6: {  	v3 =	vadd.s32 v21, v3  }
0x1b7: {  	v3 =	vadd.s32 $0xFFFFFFFF, v3  }
0x1b8: {  	[tilespmem:$0xAD0] =	vst v3  }
0x1b9: {  	[tilespmem:v2+s9+$0x0] =	vst.idx.add.s32.msk $0xffff, v0  }
0x1ba: {  	v2 =	vld [tilespmem:$0x2E0];
	_ =	sdelay $0x4  }
0x1bb: {  	v3 =	vcvt.s32.f32 v2;
	_ =	sdelay $0x1  }
0x1bc: {  	(xrf1) =	vunique.msk.f32 $0xffff, v3;
	_ =	sdelay $0x9  }
0x1bd: {  	v3 =	vld.idx.msk [tilespmem:v2+s9+$0x0], $0xffff;
	_ =	sdelay $0x3  }
0x1be: {  	_, v22, _ =	vpop (xrf1)  }
0x1bf: {  	v3 =	vadd.s32 v22, v3  }
0x1c0: {  	v3 =	vadd.s32 $0xFFFFFFFF, v3  }
0x1c1: {  	[tilespmem:$0xAE0] =	vst v3  }
0x1c2: {  	[tilespmem:v2+s9+$0x0] =	vst.idx.add.s32.msk $0xffff, v0  }
0x1c3: {  	v2 =	vld [tilespmem:$0x2F0];
	_ =	sdelay $0x4  }
0x1c4: {  	v3 =	vcvt.s32.f32 v2;
	_ =	sdelay $0x1  }
0x1c5: {  	(xrf1) =	vunique.msk.f32 $0xffff, v3;
	_ =	sdelay $0x9  }
0x1c6: {  	v3 =	vld.idx.msk [tilespmem:v2+s9+$0x0], $0xffff;
	_ =	sdelay $0x3  }
0x1c7: {  	_, v23, _ =	vpop (xrf1)  }
0x1c8: {  	v3 =	vadd.s32 v23, v3  }
0x1c9: {  	v3 =	vadd.s32 $0xFFFFFFFF, v3  }
0x1ca: {  	[tilespmem:$0xAF0] =	vst v3  }
0x1cb: {  	[tilespmem:v2+s9+$0x0] =	vst.idx.add.s32.msk $0xffff, v0  }
0x1cc: {  	v2 =	vld [tilespmem:$0x300];
	_ =	sdelay $0x4  }
0x1cd: {  	v3 =	vcvt.s32.f32 v2;
	_ =	sdelay $0x1  }
0x1ce: {  	(xrf1) =	vunique.msk.f32 $0xffff, v3;
	_ =	sdelay $0x9  }
0x1cf: {  	v3 =	vld.idx.msk [tilespmem:v2+s9+$0x0], $0xffff;
	_ =	sdelay $0x3  }
0x1d0: {  	_, v24, _ =	vpop (xrf1)  }
0x1d1: {  	v3 =	vadd.s32 v24, v3  }
0x1d2: {  	v3 =	vadd.s32 $0xFFFFFFFF, v3  }
0x1d3: {  	[tilespmem:$0xB00] =	vst v3  }
0x1d4: {  	[tilespmem:v2+s9+$0x0] =	vst.idx.add.s32.msk $0xffff, v0  }
0x1d5: {  	v2 =	vld [tilespmem:$0x310];
	_ =	sdelay $0x4  }
0x1d6: {  	v3 =	vcvt.s32.f32 v2;
	_ =	sdelay $0x1  }
0x1d7: {  	(xrf1) =	vunique.msk.f32 $0xffff, v3;
	_ =	sdelay $0x9  }
0x1d8: {  	v3 =	vld.idx.msk [tilespmem:v2+s9+$0x0], $0xffff;
	_ =	sdelay $0x3  }
0x1d9: {  	_, v25, _ =	vpop (xrf1)  }
0x1da: {  	v3 =	vadd.s32 v25, v3  }
0x1db: {  	v3 =	vadd.s32 $0xFFFFFFFF, v3  }
0x1dc: {  	[tilespmem:$0xB10] =	vst v3  }
0x1dd: {  	[tilespmem:v2+s9+$0x0] =	vst.idx.add.s32.msk $0xffff, v0  }
0x1de: {  	v2 =	vld [tilespmem:$0x320];
	_ =	sdelay $0x4  }
0x1df: {  	v3 =	vcvt.s32.f32 v2;
	_ =	sdelay $0x1  }
0x1e0: {  	(xrf1) =	vunique.msk.f32 $0xffff, v3;
	_ =	sdelay $0x9  }
0x1e1: {  	v3 =	vld.idx.msk [tilespmem:v2+s9+$0x0], $0xffff;
	_ =	sdelay $0x3  }
0x1e2: {  	_, v26, _ =	vpop (xrf1)  }
0x1e3: {  	v3 =	vadd.s32 v26, v3  }
0x1e4: {  	v3 =	vadd.s32 $0xFFFFFFFF, v3  }
0x1e5: {  	[tilespmem:$0xB20] =	vst v3  }
0x1e6: {  	[tilespmem:v2+s9+$0x0] =	vst.idx.add.s32.msk $0xffff, v0  }
0x1e7: {  	v2 =	vld [tilespmem:$0x330];
	_ =	sdelay $0x4  }
0x1e8: {  	v3 =	vcvt.s32.f32 v2;
	_ =	sdelay $0x1  }
0x1e9: {  	(xrf1) =	vunique.msk.f32 $0xffff, v3;
	_ =	sdelay $0x9  }
0x1ea: {  	v3 =	vld.idx.msk [tilespmem:v2+s9+$0x0], $0xffff;
	_ =	sdelay $0x3  }
0x1eb: {  	_, v27, _ =	vpop (xrf1)  }
0x1ec: {  	v3 =	vadd.s32 v27, v3  }
0x1ed: {  	v3 =	vadd.s32 $0xFFFFFFFF, v3  }
0x1ee: {  	[tilespmem:$0xB30] =	vst v3  }
0x1ef: {  	[tilespmem:v2+s9+$0x0] =	vst.idx.add.s32.msk $0xffff, v0  }
0x1f0: {  	v2 =	vld [tilespmem:$0x340];
	_ =	sdelay $0x4  }
0x1f1: {  	v3 =	vcvt.s32.f32 v2;
	_ =	sdelay $0x1  }
0x1f2: {  	(xrf1) =	vunique.msk.f32 $0xffff, v3;
	_ =	sdelay $0x9  }
0x1f3: {  	v3 =	vld.idx.msk [tilespmem:v2+s9+$0x0], $0xffff;
	_ =	sdelay $0x3  }
0x1f4: {  	_, v28, _ =	vpop (xrf1)  }
0x1f5: {  	v3 =	vadd.s32 v28, v3  }
0x1f6: {  	v3 =	vadd.s32 $0xFFFFFFFF, v3  }
0x1f7: {  	[tilespmem:$0xB40] =	vst v3  }
0x1f8: {  	[tilespmem:v2+s9+$0x0] =	vst.idx.add.s32.msk $0xffff, v0  }
0x1f9: {  	v2 =	vld [tilespmem:$0x350];
	_ =	sdelay $0x4  }
0x1fa: {  	v3 =	vcvt.s32.f32 v2;
	_ =	sdelay $0x1  }
0x1fb: {  	(xrf1) =	vunique.msk.f32 $0xffff, v3;
	_ =	sdelay $0x9  }
0x1fc: {  	v3 =	vld.idx.msk [tilespmem:v2+s9+$0x0], $0xffff;
	_ =	sdelay $0x3  }
0x1fd: {  	_, v29, _ =	vpop (xrf1)  }
0x1fe: {  	v3 =	vadd.s32 v29, v3  }
0x1ff: {  	v3 =	vadd.s32 $0xFFFFFFFF, v3  }
0x200: {  	[tilespmem:$0xB50] =	vst v3  }
0x201: {  	[tilespmem:v2+s9+$0x0] =	vst.idx.add.s32.msk $0xffff, v0  }
0x202: {  	v2 =	vld [tilespmem:$0x360];
	_ =	sdelay $0x4  }
0x203: {  	v3 =	vcvt.s32.f32 v2;
	_ =	sdelay $0x1  }
0x204: {  	(xrf1) =	vunique.msk.f32 $0xffff, v3;
	_ =	sdelay $0x9  }
0x205: {  	v3 =	vld.idx.msk [tilespmem:v2+s9+$0x0], $0xffff;
	_ =	sdelay $0x3  }
0x206: {  	_, v30, _ =	vpop (xrf1)  }
0x207: {  	v3 =	vadd.s32 v30, v3  }
0x208: {  	v3 =	vadd.s32 $0xFFFFFFFF, v3  }
0x209: {  	[tilespmem:$0xB60] =	vst v3  }
0x20a: {  	[tilespmem:v2+s9+$0x0] =	vst.idx.add.s32.msk $0xffff, v0  }
0x20b: {  	v2 =	vld [tilespmem:$0x370];
	_ =	sdelay $0x4  }
0x20c: {  	v3 =	vcvt.s32.f32 v2;
	_ =	sdelay $0x1  }
0x20d: {  	(xrf1) =	vunique.msk.f32 $0xffff, v3;
	_ =	sdelay $0x9  }
0x20e: {  	v3 =	vld.idx.msk [tilespmem:v2+s9+$0x0], $0xffff;
	_ =	sdelay $0x3  }
0x20f: {  	_, v31, _ =	vpop (xrf1)  }
0x210: {  	v3 =	vadd.s32 v31, v3  }
0x211: {  	v3 =	vadd.s32 $0xFFFFFFFF, v3  }
0x212: {  	[tilespmem:$0xB70] =	vst v3  }
0x213: {  	[tilespmem:v2+s9+$0x0] =	vst.idx.add.s32.msk $0xffff, v0  }
0x214: {  	v2 =	vld [tilespmem:$0x380];
	_ =	sdelay $0x4  }
0x215: {  	v3 =	vcvt.s32.f32 v2;
	_ =	sdelay $0x1  }
0x216: {  	(xrf1) =	vunique.msk.f32 $0xffff, v3;
	_ =	sdelay $0x9  }
0x217: {  	v3 =	vld.idx.msk [tilespmem:v2+s9+$0x0], $0xffff;
	_ =	sdelay $0x3  }
0x218: {  	_, v32, _ =	vpop (xrf1)  }
0x219: {  	v3 =	vadd.s32 v32, v3  }
0x21a: {  	v3 =	vadd.s32 $0xFFFFFFFF, v3  }
0x21b: {  	[tilespmem:$0xB80] =	vst v3  }
0x21c: {  	[tilespmem:v2+s9+$0x0] =	vst.idx.add.s32.msk $0xffff, v0  }
0x21d: {  	v2 =	vld [tilespmem:$0x390];
	_ =	sdelay $0x4  }
0x21e: {  	v3 =	vcvt.s32.f32 v2;
	_ =	sdelay $0x1  }
0x21f: {  	(xrf1) =	vunique.msk.f32 $0xffff, v3;
	_ =	sdelay $0x9  }
0x220: {  	v3 =	vld.idx.msk [tilespmem:v2+s9+$0x0], $0xffff;
	_ =	sdelay $0x3  }
0x221: {  	_, v33, _ =	vpop (xrf1)  }
0x222: {  	v3 =	vadd.s32 v33, v3  }
0x223: {  	v3 =	vadd.s32 $0xFFFFFFFF, v3  }
0x224: {  	[tilespmem:$0xB90] =	vst v3  }
0x225: {  	[tilespmem:v2+s9+$0x0] =	vst.idx.add.s32.msk $0xffff, v0  }
0x226: {  	v2 =	vld [tilespmem:$0x3A0];
	_ =	sdelay $0x4  }
0x227: {  	v3 =	vcvt.s32.f32 v2;
	_ =	sdelay $0x1  }
0x228: {  	(xrf1) =	vunique.msk.f32 $0xffff, v3;
	_ =	sdelay $0x9  }
0x229: {  	v3 =	vld.idx.msk [tilespmem:v2+s9+$0x0], $0xffff;
	_ =	sdelay $0x3  }
0x22a: {  	_, v34, _ =	vpop (xrf1)  }
0x22b: {  	v3 =	vadd.s32 v34, v3  }
0x22c: {  	v3 =	vadd.s32 $0xFFFFFFFF, v3  }
0x22d: {  	[tilespmem:$0xBA0] =	vst v3  }
0x22e: {  	[tilespmem:v2+s9+$0x0] =	vst.idx.add.s32.msk $0xffff, v0  }
0x22f: {  	v2 =	vld [tilespmem:$0x3B0];
	_ =	sdelay $0x4  }
0x230: {  	v3 =	vcvt.s32.f32 v2;
	_ =	sdelay $0x1  }
0x231: {  	(xrf1) =	vunique.msk.f32 $0xffff, v3;
	_ =	sdelay $0x9  }
0x232: {  	v3 =	vld.idx.msk [tilespmem:v2+s9+$0x0], $0xffff;
	_ =	sdelay $0x3  }
0x233: {  	_, v35, _ =	vpop (xrf1)  }
0x234: {  	v3 =	vadd.s32 v35, v3  }
0x235: {  	v3 =	vadd.s32 $0xFFFFFFFF, v3  }
0x236: {  	[tilespmem:$0xBB0] =	vst v3  }
0x237: {  	[tilespmem:v2+s9+$0x0] =	vst.idx.add.s32.msk $0xffff, v0  }
0x238: {  	v2 =	vld [tilespmem:$0x3C0];
	_ =	sdelay $0x4  }
0x239: {  	v3 =	vcvt.s32.f32 v2;
	_ =	sdelay $0x1  }
0x23a: {  	(xrf1) =	vunique.msk.f32 $0xffff, v3;
	_ =	sdelay $0x9  }
0x23b: {  	v3 =	vld.idx.msk [tilespmem:v2+s9+$0x0], $0xffff;
	_ =	sdelay $0x3  }
0x23c: {  	_, v36, _ =	vpop (xrf1)  }
0x23d: {  	v3 =	vadd.s32 v36, v3  }
0x23e: {  	v3 =	vadd.s32 $0xFFFFFFFF, v3  }
0x23f: {  	[tilespmem:$0xBC0] =	vst v3  }
0x240: {  	[tilespmem:v2+s9+$0x0] =	vst.idx.add.s32.msk $0xffff, v0  }
0x241: {  	v2 =	vld [tilespmem:$0x3D0];
	_ =	sdelay $0x4  }
0x242: {  	v3 =	vcvt.s32.f32 v2;
	_ =	sdelay $0x1  }
0x243: {  	(xrf1) =	vunique.msk.f32 $0xffff, v3;
	_ =	sdelay $0x9  }
0x244: {  	v3 =	vld.idx.msk [tilespmem:v2+s9+$0x0], $0xffff;
	_ =	sdelay $0x3  }
0x245: {  	_, v37, _ =	vpop (xrf1)  }
0x246: {  	v3 =	vadd.s32 v37, v3  }
0x247: {  	v3 =	vadd.s32 $0xFFFFFFFF, v3  }
0x248: {  	[tilespmem:$0xBD0] =	vst v3  }
0x249: {  	[tilespmem:v2+s9+$0x0] =	vst.idx.add.s32.msk $0xffff, v0  }
0x24a: {  	v2 =	vld [tilespmem:$0x3E0];
	_ =	sdelay $0x4  }
0x24b: {  	v3 =	vcvt.s32.f32 v2;
	_ =	sdelay $0x1  }
0x24c: {  	(xrf1) =	vunique.msk.f32 $0xffff, v3;
	_ =	sdelay $0x9  }
0x24d: {  	v3 =	vld.idx.msk [tilespmem:v2+s9+$0x0], $0xffff;
	_ =	sdelay $0x3  }
0x24e: {  	_, v38, _ =	vpop (xrf1)  }
0x24f: {  	v3 =	vadd.s32 v38, v3  }
0x250: {  	v3 =	vadd.s32 $0xFFFFFFFF, v3  }
0x251: {  	[tilespmem:$0xBE0] =	vst v3  }
0x252: {  	[tilespmem:v2+s9+$0x0] =	vst.idx.add.s32.msk $0xffff, v0  }
0x253: {  	v2 =	vld [tilespmem:$0x3F0];
	_ =	sdelay $0x4  }
0x254: {  	v3 =	vcvt.s32.f32 v2;
	_ =	sdelay $0x1  }
0x255: {  	(xrf1) =	vunique.msk.f32 $0xffff, v3;
	_ =	sdelay $0x9  }
0x256: {  	v3 =	vld.idx.msk [tilespmem:v2+s9+$0x0], $0xffff;
	_ =	sdelay $0x3  }
0x257: {  	_, v39, _ =	vpop (xrf1)  }
0x258: {  	v3 =	vadd.s32 v39, v3  }
0x259: {  	v3 =	vadd.s32 $0xFFFFFFFF, v3  }
0x25a: {  	[tilespmem:$0xBF0] =	vst v3  }
0x25b: {  	[tilespmem:v2+s9+$0x0] =	vst.idx.add.s32.msk $0xffff, v0  }
0x25c: {  	v2 =	vld [tilespmem:$0x400];
	_ =	sdelay $0x4  }
0x25d: {  	v3 =	vcvt.s32.f32 v2;
	_ =	sdelay $0x1  }
0x25e: {  	(xrf1) =	vunique.msk.f32 $0xffff, v3;
	_ =	sdelay $0x9  }
0x25f: {  	v3 =	vld.idx.msk [tilespmem:v2+s9+$0x0], $0xffff;
	_ =	sdelay $0x3  }
0x260: {  	_, v40, _ =	vpop (xrf1)  }
0x261: {  	v3 =	vadd.s32 v40, v3  }
0x262: {  	v3 =	vadd.s32 $0xFFFFFFFF, v3  }
0x263: {  	[tilespmem:$0xC00] =	vst v3  }
0x264: {  	[tilespmem:v2+s9+$0x0] =	vst.idx.add.s32.msk $0xffff, v0  }
0x265: {  	v2 =	vld [tilespmem:$0x410];
	_ =	sdelay $0x4  }
0x266: {  	v3 =	vcvt.s32.f32 v2;
	_ =	sdelay $0x1  }
0x267: {  	(xrf1) =	vunique.msk.f32 $0xffff, v3;
	_ =	sdelay $0x9  }
0x268: {  	v3 =	vld.idx.msk [tilespmem:v2+s9+$0x0], $0xffff;
	_ =	sdelay $0x3  }
0x269: {  	_, v41, _ =	vpop (xrf1)  }
0x26a: {  	v3 =	vadd.s32 v41, v3  }
0x26b: {  	v3 =	vadd.s32 $0xFFFFFFFF, v3  }
0x26c: {  	[tilespmem:$0xC10] =	vst v3  }
0x26d: {  	[tilespmem:v2+s9+$0x0] =	vst.idx.add.s32.msk $0xffff, v0  }
0x26e: {  	v2 =	vld [tilespmem:$0x420];
	_ =	sdelay $0x4  }
0x26f: {  	v3 =	vcvt.s32.f32 v2;
	_ =	sdelay $0x1  }
0x270: {  	(xrf1) =	vunique.msk.f32 $0xffff, v3;
	_ =	sdelay $0x9  }
0x271: {  	v3 =	vld.idx.msk [tilespmem:v2+s9+$0x0], $0xffff;
	_ =	sdelay $0x3  }
0x272: {  	_, v42, _ =	vpop (xrf1)  }
0x273: {  	v3 =	vadd.s32 v42, v3  }
0x274: {  	v3 =	vadd.s32 $0xFFFFFFFF, v3  }
0x275: {  	[tilespmem:$0xC20] =	vst v3  }
0x276: {  	[tilespmem:v2+s9+$0x0] =	vst.idx.add.s32.msk $0xffff, v0  }
0x277: {  	v2 =	vld [tilespmem:$0x430];
	_ =	sdelay $0x4  }
0x278: {  	v3 =	vcvt.s32.f32 v2;
	_ =	sdelay $0x1  }
0x279: {  	(xrf1) =	vunique.msk.f32 $0xffff, v3;
	_ =	sdelay $0x9  }
0x27a: {  	v3 =	vld.idx.msk [tilespmem:v2+s9+$0x0], $0xffff;
	_ =	sdelay $0x3  }
0x27b: {  	_, v43, _ =	vpop (xrf1)  }
0x27c: {  	v3 =	vadd.s32 v43, v3  }
0x27d: {  	v3 =	vadd.s32 $0xFFFFFFFF, v3  }
0x27e: {  	[tilespmem:$0xC30] =	vst v3  }
0x27f: {  	[tilespmem:v2+s9+$0x0] =	vst.idx.add.s32.msk $0xffff, v0  }
0x280: {  	v2 =	vld [tilespmem:$0x440];
	_ =	sdelay $0x4  }
0x281: {  	v3 =	vcvt.s32.f32 v2;
	_ =	sdelay $0x1  }
0x282: {  	(xrf1) =	vunique.msk.f32 $0xffff, v3;
	_ =	sdelay $0x9  }
0x283: {  	v3 =	vld.idx.msk [tilespmem:v2+s9+$0x0], $0xffff;
	_ =	sdelay $0x3  }
0x284: {  	_, v44, _ =	vpop (xrf1)  }
0x285: {  	v3 =	vadd.s32 v44, v3  }
0x286: {  	v3 =	vadd.s32 $0xFFFFFFFF, v3  }
0x287: {  	[tilespmem:$0xC40] =	vst v3  }
0x288: {  	[tilespmem:v2+s9+$0x0] =	vst.idx.add.s32.msk $0xffff, v0  }
0x289: {  	v2 =	vld [tilespmem:$0x450];
	_ =	sdelay $0x4  }
0x28a: {  	v3 =	vcvt.s32.f32 v2;
	_ =	sdelay $0x1  }
0x28b: {  	(xrf1) =	vunique.msk.f32 $0xffff, v3;
	_ =	sdelay $0xd  }
0x28c: {  	_, v3, _ =	vpop (xrf1)  }
0x28d: {  	v45 =	vld.idx.msk [tilespmem:v2+s9+$0x0], $0xffff;
	_ =	sdelay $0x4  }
0x28e: {  	v3 =	vadd.s32 v3, v45  }
0x28f: {  	v3 =	vadd.s32 $0xFFFFFFFF, v3  }
0x290: {  	[tilespmem:$0xC50] =	vst v3  }
0x291: {  	[tilespmem:v2+s9+$0x0] =	vst.idx.add.s32.msk $0xffff, v0  }
0x292: {  	v2 =	vld [tilespmem:$0x460];
	_ =	sdelay $0x4  }
0x293: {  	v3 =	vcvt.s32.f32 v2;
	_ =	sdelay $0x1  }
0x294: {  	(xrf1) =	vunique.msk.f32 $0xffff, v3;
	_ =	sdelay $0x9  }
0x295: {  	v3 =	vld.idx.msk [tilespmem:v2+s9+$0x0], $0xffff;
	_ =	sdelay $0x3  }
0x296: {  	_, v46, _ =	vpop (xrf1)  }
0x297: {  	v3 =	vadd.s32 v46, v3  }
0x298: {  	v3 =	vadd.s32 $0xFFFFFFFF, v3  }
0x299: {  	[tilespmem:$0xC60] =	vst v3  }
0x29a: {  	[tilespmem:v2+s9+$0x0] =	vst.idx.add.s32.msk $0xffff, v0  }
0x29b: {  	v2 =	vld [tilespmem:$0x470];
	_ =	sdelay $0x4  }
0x29c: {  	v3 =	vcvt.s32.f32 v2;
	_ =	sdelay $0x1  }
0x29d: {  	(xrf1) =	vunique.msk.f32 $0xffff, v3;
	_ =	sdelay $0x9  }
0x29e: {  	v3 =	vld.idx.msk [tilespmem:v2+s9+$0x0], $0xffff;
	_ =	sdelay $0x3  }
0x29f: {  	_, v47, _ =	vpop (xrf1)  }
0x2a0: {  	v3 =	vadd.s32 v47, v3  }
0x2a1: {  	v3 =	vadd.s32 $0xFFFFFFFF, v3  }
0x2a2: {  	[tilespmem:$0xC70] =	vst v3  }
0x2a3: {  	[tilespmem:v2+s9+$0x0] =	vst.idx.add.s32.msk $0xffff, v0  }
0x2a4: {  	v2 =	vld [tilespmem:$0x480];
	_ =	sdelay $0x4  }
0x2a5: {  	v3 =	vcvt.s32.f32 v2;
	_ =	sdelay $0x1  }
0x2a6: {  	(xrf1) =	vunique.msk.f32 $0xffff, v3;
	_ =	sdelay $0x9  }
0x2a7: {  	v3 =	vld.idx.msk [tilespmem:v2+s9+$0x0], $0xffff;
	_ =	sdelay $0x3  }
0x2a8: {  	_, v48, _ =	vpop (xrf1)  }
0x2a9: {  	v3 =	vadd.s32 v48, v3  }
0x2aa: {  	v3 =	vadd.s32 $0xFFFFFFFF, v3  }
0x2ab: {  	[tilespmem:$0xC80] =	vst v3  }
0x2ac: {  	[tilespmem:v2+s9+$0x0] =	vst.idx.add.s32.msk $0xffff, v0  }
0x2ad: {  	v2 =	vld [tilespmem:$0x490];
	_ =	sdelay $0x4  }
0x2ae: {  	v3 =	vcvt.s32.f32 v2;
	_ =	sdelay $0x1  }
0x2af: {  	(xrf1) =	vunique.msk.f32 $0xffff, v3;
	_ =	sdelay $0x9  }
0x2b0: {  	v3 =	vld.idx.msk [tilespmem:v2+s9+$0x0], $0xffff;
	_ =	sdelay $0x3  }
0x2b1: {  	_, v49, _ =	vpop (xrf1)  }
0x2b2: {  	v3 =	vadd.s32 v49, v3  }
0x2b3: {  	v3 =	vadd.s32 $0xFFFFFFFF, v3  }
0x2b4: {  	[tilespmem:$0xC90] =	vst v3  }
0x2b5: {  	[tilespmem:v2+s9+$0x0] =	vst.idx.add.s32.msk $0xffff, v0  }
0x2b6: {  	v2 =	vld [tilespmem:$0x4A0];
	_ =	sdelay $0x4  }
0x2b7: {  	v3 =	vcvt.s32.f32 v2;
	_ =	sdelay $0x1  }
0x2b8: {  	(xrf1) =	vunique.msk.f32 $0xffff, v3;
	_ =	sdelay $0x9  }
0x2b9: {  	v3 =	vld.idx.msk [tilespmem:v2+s9+$0x0], $0xffff;
	_ =	sdelay $0x3  }
0x2ba: {  	_, v50, _ =	vpop (xrf1)  }
0x2bb: {  	v3 =	vadd.s32 v50, v3  }
0x2bc: {  	v3 =	vadd.s32 $0xFFFFFFFF, v3  }
0x2bd: {  	[tilespmem:$0xCA0] =	vst v3  }
0x2be: {  	[tilespmem:v2+s9+$0x0] =	vst.idx.add.s32.msk $0xffff, v0  }
0x2bf: {  	v2 =	vld [tilespmem:$0x4B0];
	_ =	sdelay $0x4  }
0x2c0: {  	v3 =	vcvt.s32.f32 v2;
	_ =	sdelay $0x1  }
0x2c1: {  	(xrf1) =	vunique.msk.f32 $0xffff, v3;
	_ =	sdelay $0x9  }
0x2c2: {  	v3 =	vld.idx.msk [tilespmem:v2+s9+$0x0], $0xffff;
	_ =	sdelay $0x3  }
0x2c3: {  	_, v51, _ =	vpop (xrf1)  }
0x2c4: {  	v3 =	vadd.s32 v51, v3  }
0x2c5: {  	v3 =	vadd.s32 $0xFFFFFFFF, v3  }
0x2c6: {  	[tilespmem:$0xCB0] =	vst v3  }
0x2c7: {  	[tilespmem:v2+s9+$0x0] =	vst.idx.add.s32.msk $0xffff, v0  }
0x2c8: {  	v2 =	vld [tilespmem:$0x4C0];
	_ =	sdelay $0x4  }
0x2c9: {  	v3 =	vcvt.s32.f32 v2;
	_ =	sdelay $0x1  }
0x2ca: {  	(xrf1) =	vunique.msk.f32 $0xffff, v3;
	_ =	sdelay $0x9  }
0x2cb: {  	v3 =	vld.idx.msk [tilespmem:v2+s9+$0x0], $0xffff;
	_ =	sdelay $0x3  }
0x2cc: {  	_, v52, _ =	vpop (xrf1)  }
0x2cd: {  	v3 =	vadd.s32 v52, v3  }
0x2ce: {  	v3 =	vadd.s32 $0xFFFFFFFF, v3  }
0x2cf: {  	[tilespmem:$0xCC0] =	vst v3  }
0x2d0: {  	[tilespmem:v2+s9+$0x0] =	vst.idx.add.s32.msk $0xffff, v0  }
0x2d1: {  	v2 =	vld [tilespmem:$0x4D0];
	_ =	sdelay $0x4  }
0x2d2: {  	v3 =	vcvt.s32.f32 v2;
	_ =	sdelay $0x1  }
0x2d3: {  	(xrf1) =	vunique.msk.f32 $0xffff, v3;
	_ =	sdelay $0x9  }
0x2d4: {  	v3 =	vld.idx.msk [tilespmem:v2+s9+$0x0], $0xffff;
	_ =	sdelay $0x3  }
0x2d5: {  	_, v53, _ =	vpop (xrf1)  }
0x2d6: {  	v3 =	vadd.s32 v53, v3  }
0x2d7: {  	v3 =	vadd.s32 $0xFFFFFFFF, v3  }
0x2d8: {  	[tilespmem:$0xCD0] =	vst v3  }
0x2d9: {  	[tilespmem:v2+s9+$0x0] =	vst.idx.add.s32.msk $0xffff, v0  }
0x2da: {  	v2 =	vld [tilespmem:$0x4E0];
	_ =	sdelay $0x4  }
0x2db: {  	v3 =	vcvt.s32.f32 v2;
	_ =	sdelay $0x1  }
0x2dc: {  	(xrf1) =	vunique.msk.f32 $0xffff, v3;
	_ =	sdelay $0x9  }
0x2dd: {  	v3 =	vld.idx.msk [tilespmem:v2+s9+$0x0], $0xffff;
	_ =	sdelay $0x3  }
0x2de: {  	_, v54, _ =	vpop (xrf1)  }
0x2df: {  	v3 =	vadd.s32 v54, v3  }
0x2e0: {  	v3 =	vadd.s32 $0xFFFFFFFF, v3  }
0x2e1: {  	[tilespmem:$0xCE0] =	vst v3  }
0x2e2: {  	[tilespmem:v2+s9+$0x0] =	vst.idx.add.s32.msk $0xffff, v0  }
0x2e3: {  	v2 =	vld [tilespmem:$0x4F0];
	_ =	sdelay $0x4  }
0x2e4: {  	v3 =	vcvt.s32.f32 v2;
	_ =	sdelay $0x1  }
0x2e5: {  	(xrf1) =	vunique.msk.f32 $0xffff, v3;
	_ =	sdelay $0x9  }
0x2e6: {  	v3 =	vld.idx.msk [tilespmem:v2+s9+$0x0], $0xffff;
	_ =	sdelay $0x3  }
0x2e7: {  	_, v55, _ =	vpop (xrf1)  }
0x2e8: {  	v3 =	vadd.s32 v55, v3  }
0x2e9: {  	v3 =	vadd.s32 $0xFFFFFFFF, v3  }
0x2ea: {  	[tilespmem:$0xCF0] =	vst v3  }
0x2eb: {  	[tilespmem:v2+s9+$0x0] =	vst.idx.add.s32.msk $0xffff, v0  }
0x2ec: {  	v2 =	vld [tilespmem:$0x500];
	_ =	sdelay $0x4  }
0x2ed: {  	v3 =	vcvt.s32.f32 v2;
	_ =	sdelay $0x1  }
0x2ee: {  	(xrf1) =	vunique.msk.f32 $0xffff, v3;
	_ =	sdelay $0x9  }
0x2ef: {  	v3 =	vld.idx.msk [tilespmem:v2+s9+$0x0], $0xffff;
	_ =	sdelay $0x3  }
0x2f0: {  	_, v56, _ =	vpop (xrf1)  }
0x2f1: {  	v3 =	vadd.s32 v56, v3  }
0x2f2: {  	v3 =	vadd.s32 $0xFFFFFFFF, v3  }
0x2f3: {  	[tilespmem:$0xD00] =	vst v3  }
0x2f4: {  	[tilespmem:v2+s9+$0x0] =	vst.idx.add.s32.msk $0xffff, v0  }
0x2f5: {  	v2 =	vld [tilespmem:$0x510];
	_ =	sdelay $0x4  }
0x2f6: {  	v3 =	vcvt.s32.f32 v2;
	_ =	sdelay $0x1  }
0x2f7: {  	(xrf1) =	vunique.msk.f32 $0xffff, v3;
	_ =	sdelay $0x9  }
0x2f8: {  	v3 =	vld.idx.msk [tilespmem:v2+s9+$0x0], $0xffff;
	_ =	sdelay $0x3  }
0x2f9: {  	_, v57, _ =	vpop (xrf1)  }
0x2fa: {  	v3 =	vadd.s32 v57, v3  }
0x2fb: {  	v3 =	vadd.s32 $0xFFFFFFFF, v3  }
0x2fc: {  	[tilespmem:$0xD10] =	vst v3  }
0x2fd: {  	[tilespmem:v2+s9+$0x0] =	vst.idx.add.s32.msk $0xffff, v0  }
0x2fe: {  	v2 =	vld [tilespmem:$0x520];
	_ =	sdelay $0x4  }
0x2ff: {  	v3 =	vcvt.s32.f32 v2;
	_ =	sdelay $0x1  }
0x300: {  	(xrf1) =	vunique.msk.f32 $0xffff, v3;
	_ =	sdelay $0x9  }
0x301: {  	v3 =	vld.idx.msk [tilespmem:v2+s9+$0x0], $0xffff;
	_ =	sdelay $0x3  }
0x302: {  	_, v58, _ =	vpop (xrf1)  }
0x303: {  	v3 =	vadd.s32 v58, v3  }
0x304: {  	v3 =	vadd.s32 $0xFFFFFFFF, v3  }
0x305: {  	[tilespmem:$0xD20] =	vst v3  }
0x306: {  	[tilespmem:v2+s9+$0x0] =	vst.idx.add.s32.msk $0xffff, v0  }
0x307: {  	v2 =	vld [tilespmem:$0x530];
	_ =	sdelay $0x4  }
0x308: {  	v3 =	vcvt.s32.f32 v2;
	_ =	sdelay $0x1  }
0x309: {  	(xrf1) =	vunique.msk.f32 $0xffff, v3;
	_ =	sdelay $0x9  }
0x30a: {  	v3 =	vld.idx.msk [tilespmem:v2+s9+$0x0], $0xffff;
	_ =	sdelay $0x3  }
0x30b: {  	_, v59, _ =	vpop (xrf1)  }
0x30c: {  	v3 =	vadd.s32 v59, v3  }
0x30d: {  	v3 =	vadd.s32 $0xFFFFFFFF, v3  }
0x30e: {  	[tilespmem:$0xD30] =	vst v3  }
0x30f: {  	[tilespmem:v2+s9+$0x0] =	vst.idx.add.s32.msk $0xffff, v0  }
0x310: {  	v2 =	vld [tilespmem:$0x540];
	_ =	sdelay $0x4  }
0x311: {  	v3 =	vcvt.s32.f32 v2;
	_ =	sdelay $0x1  }
0x312: {  	(xrf1) =	vunique.msk.f32 $0xffff, v3;
	_ =	sdelay $0x9  }
0x313: {  	v3 =	vld.idx.msk [tilespmem:v2+s9+$0x0], $0xffff;
	_ =	sdelay $0x3  }
0x314: {  	_, v60, _ =	vpop (xrf1)  }
0x315: {  	v3 =	vadd.s32 v60, v3  }
0x316: {  	v3 =	vadd.s32 $0xFFFFFFFF, v3  }
0x317: {  	[tilespmem:$0xD40] =	vst v3  }
0x318: {  	[tilespmem:v2+s9+$0x0] =	vst.idx.add.s32.msk $0xffff, v0  }
0x319: {  	v2 =	vld [tilespmem:$0x550];
	_ =	sdelay $0x4  }
0x31a: {  	v3 =	vcvt.s32.f32 v2;
	_ =	sdelay $0x1  }
0x31b: {  	(xrf1) =	vunique.msk.f32 $0xffff, v3;
	_ =	sdelay $0x9  }
0x31c: {  	v3 =	vld.idx.msk [tilespmem:v2+s9+$0x0], $0xffff;
	_ =	sdelay $0x3  }
0x31d: {  	_, v61, _ =	vpop (xrf1)  }
0x31e: {  	v3 =	vadd.s32 v61, v3  }
0x31f: {  	v3 =	vadd.s32 $0xFFFFFFFF, v3  }
0x320: {  	[tilespmem:$0xD50] =	vst v3  }
0x321: {  	[tilespmem:v2+s9+$0x0] =	vst.idx.add.s32.msk $0xffff, v0  }
0x322: {  	v2 =	vld [tilespmem:$0x560];
	_ =	sdelay $0x4  }
0x323: {  	v3 =	vcvt.s32.f32 v2;
	_ =	sdelay $0x1  }
0x324: {  	(xrf1) =	vunique.msk.f32 $0xffff, v3;
	_ =	sdelay $0x9  }
0x325: {  	v3 =	vld.idx.msk [tilespmem:v2+s9+$0x0], $0xffff;
	_ =	sdelay $0x3  }
0x326: {  	_, v62, _ =	vpop (xrf1)  }
0x327: {  	v3 =	vadd.s32 v62, v3  }
0x328: {  	v3 =	vadd.s32 $0xFFFFFFFF, v3  }
0x329: {  	[tilespmem:$0xD60] =	vst v3  }
0x32a: {  	[tilespmem:v2+s9+$0x0] =	vst.idx.add.s32.msk $0xffff, v0  }
0x32b: {  	v2 =	vld [tilespmem:$0x570];
	_ =	sdelay $0x4  }
0x32c: {  	v3 =	vcvt.s32.f32 v2;
	_ =	sdelay $0x1  }
0x32d: {  	(xrf1) =	vunique.msk.f32 $0xffff, v3;
	_ =	sdelay $0x9  }
0x32e: {  	v3 =	vld.idx.msk [tilespmem:v2+s9+$0x0], $0xffff;
	_ =	sdelay $0x3  }
0x32f: {  	_, v63, _ =	vpop (xrf1)  }
0x330: {  	v3 =	vadd.s32 v63, v3  }
0x331: {  	v3 =	vadd.s32 $0xFFFFFFFF, v3  }
0x332: {  	[tilespmem:$0xD70] =	vst v3  }
0x333: {  	[tilespmem:v2+s9+$0x0] =	vst.idx.add.s32.msk $0xffff, v0  }
0x334: {  	v2 =	vld [tilespmem:$0x580];
	_ =	sdelay $0x4  }
0x335: {  	v3 =	vcvt.s32.f32 v2;
	_ =	sdelay $0x1  }
0x336: {  	(xrf1) =	vunique.msk.f32 $0xffff, v3;
	_ =	sdelay $0x9  }
0x337: {  	v3 =	vld.idx.msk [tilespmem:v2+s9+$0x0], $0xffff;
	_ =	sdelay $0x3  }
0x338: {  	_, v8, _ =	vpop (xrf1)  }
0x339: {  	v3 =	vadd.s32 v8, v3  }
0x33a: {  	v3 =	vadd.s32 $0xFFFFFFFF, v3  }
0x33b: {  	[tilespmem:$0xD80] =	vst v3  }
0x33c: {  	[tilespmem:v2+s9+$0x0] =	vst.idx.add.s32.msk $0xffff, v0  }
0x33d: {  	v2 =	vld [tilespmem:$0x590];
	_ =	sdelay $0x4  }
0x33e: {  	v3 =	vcvt.s32.f32 v2;
	_ =	sdelay $0x1  }
0x33f: {  	(xrf1) =	vunique.msk.f32 $0xffff, v3;
	_ =	sdelay $0x9  }
0x340: {  	v3 =	vld.idx.msk [tilespmem:v2+s9+$0x0], $0xffff;
	_ =	sdelay $0x3  }
0x341: {  	_, v9, _ =	vpop (xrf1)  }
0x342: {  	v3 =	vadd.s32 v9, v3  }
0x343: {  	v3 =	vadd.s32 $0xFFFFFFFF, v3  }
0x344: {  	[tilespmem:$0xD90] =	vst v3  }
0x345: {  	[tilespmem:v2+s9+$0x0] =	vst.idx.add.s32.msk $0xffff, v0  }
0x346: {  	v2 =	vld [tilespmem:$0x5A0];
	_ =	sdelay $0x4  }
0x347: {  	v3 =	vcvt.s32.f32 v2;
	_ =	sdelay $0x1  }
0x348: {  	(xrf1) =	vunique.msk.f32 $0xffff, v3;
	_ =	sdelay $0x9  }
0x349: {  	v3 =	vld.idx.msk [tilespmem:v2+s9+$0x0], $0xffff;
	_ =	sdelay $0x3  }
0x34a: {  	_, v10, _ =	vpop (xrf1)  }
0x34b: {  	v3 =	vadd.s32 v10, v3  }
0x34c: {  	v3 =	vadd.s32 $0xFFFFFFFF, v3  }
0x34d: {  	[tilespmem:$0xDA0] =	vst v3  }
0x34e: {  	[tilespmem:v2+s9+$0x0] =	vst.idx.add.s32.msk $0xffff, v0  }
0x34f: {  	v2 =	vld [tilespmem:$0x5B0];
	_ =	sdelay $0x4  }
0x350: {  	v3 =	vcvt.s32.f32 v2;
	_ =	sdelay $0x1  }
0x351: {  	(xrf1) =	vunique.msk.f32 $0xffff, v3;
	_ =	sdelay $0x9  }
0x352: {  	v3 =	vld.idx.msk [tilespmem:v2+s9+$0x0], $0xffff;
	_ =	sdelay $0x3  }
0x353: {  	_, v11, _ =	vpop (xrf1)  }
0x354: {  	v3 =	vadd.s32 v11, v3  }
0x355: {  	v3 =	vadd.s32 $0xFFFFFFFF, v3  }
0x356: {  	[tilespmem:$0xDB0] =	vst v3  }
0x357: {  	[tilespmem:v2+s9+$0x0] =	vst.idx.add.s32.msk $0xffff, v0  }
0x358: {  	v2 =	vld [tilespmem:$0x5C0];
	_ =	sdelay $0x4  }
0x359: {  	v3 =	vcvt.s32.f32 v2;
	_ =	sdelay $0x1  }
0x35a: {  	(xrf1) =	vunique.msk.f32 $0xffff, v3;
	_ =	sdelay $0x9  }
0x35b: {  	v3 =	vld.idx.msk [tilespmem:v2+s9+$0x0], $0xffff;
	_ =	sdelay $0x3  }
0x35c: {  	_, v12, _ =	vpop (xrf1)  }
0x35d: {  	v3 =	vadd.s32 v12, v3  }
0x35e: {  	v3 =	vadd.s32 $0xFFFFFFFF, v3  }
0x35f: {  	[tilespmem:$0xDC0] =	vst v3  }
0x360: {  	[tilespmem:v2+s9+$0x0] =	vst.idx.add.s32.msk $0xffff, v0  }
0x361: {  	v2 =	vld [tilespmem:$0x5D0];
	_ =	sdelay $0x4  }
0x362: {  	v3 =	vcvt.s32.f32 v2;
	_ =	sdelay $0x1  }
0x363: {  	(xrf1) =	vunique.msk.f32 $0xffff, v3;
	_ =	sdelay $0x9  }
0x364: {  	v3 =	vld.idx.msk [tilespmem:v2+s9+$0x0], $0xffff;
	_ =	sdelay $0x3  }
0x365: {  	_, v13, _ =	vpop (xrf1)  }
0x366: {  	v3 =	vadd.s32 v13, v3  }
0x367: {  	v3 =	vadd.s32 $0xFFFFFFFF, v3  }
0x368: {  	[tilespmem:$0xDD0] =	vst v3  }
0x369: {  	[tilespmem:v2+s9+$0x0] =	vst.idx.add.s32.msk $0xffff, v0  }
0x36a: {  	v2 =	vld [tilespmem:$0x5E0];
	_ =	sdelay $0x4  }
0x36b: {  	v3 =	vcvt.s32.f32 v2;
	_ =	sdelay $0x1  }
0x36c: {  	(xrf1) =	vunique.msk.f32 $0xffff, v3;
	_ =	sdelay $0x9  }
0x36d: {  	v3 =	vld.idx.msk [tilespmem:v2+s9+$0x0], $0xffff;
	_ =	sdelay $0x3  }
0x36e: {  	_, v14, _ =	vpop (xrf1)  }
0x36f: {  	v3 =	vadd.s32 v14, v3  }
0x370: {  	v3 =	vadd.s32 $0xFFFFFFFF, v3  }
0x371: {  	[tilespmem:$0xDE0] =	vst v3  }
0x372: {  	[tilespmem:v2+s9+$0x0] =	vst.idx.add.s32.msk $0xffff, v0  }
0x373: {  	v2 =	vld [tilespmem:$0x5F0];
	_ =	sdelay $0x4  }
0x374: {  	v3 =	vcvt.s32.f32 v2;
	_ =	sdelay $0x1  }
0x375: {  	(xrf1) =	vunique.msk.f32 $0xffff, v3;
	_ =	sdelay $0x9  }
0x376: {  	v3 =	vld.idx.msk [tilespmem:v2+s9+$0x0], $0xffff;
	_ =	sdelay $0x3  }
0x377: {  	_, v15, _ =	vpop (xrf1)  }
0x378: {  	v3 =	vadd.s32 v15, v3  }
0x379: {  	v3 =	vadd.s32 $0xFFFFFFFF, v3  }
0x37a: {  	[tilespmem:$0xDF0] =	vst v3  }
0x37b: {  	[tilespmem:v2+s9+$0x0] =	vst.idx.add.s32.msk $0xffff, v0  }
0x37c: {  	v2 =	vld [tilespmem:$0x600];
	_ =	sdelay $0x4  }
0x37d: {  	v3 =	vcvt.s32.f32 v2;
	_ =	sdelay $0x1  }
0x37e: {  	(xrf1) =	vunique.msk.f32 $0xffff, v3;
	_ =	sdelay $0x9  }
0x37f: {  	v3 =	vld.idx.msk [tilespmem:v2+s9+$0x0], $0xffff;
	_ =	sdelay $0x3  }
0x380: {  	_, v16, _ =	vpop (xrf1)  }
0x381: {  	v3 =	vadd.s32 v16, v3  }
0x382: {  	v3 =	vadd.s32 $0xFFFFFFFF, v3  }
0x383: {  	[tilespmem:$0xE00] =	vst v3  }
0x384: {  	[tilespmem:v2+s9+$0x0] =	vst.idx.add.s32.msk $0xffff, v0  }
0x385: {  	v2 =	vld [tilespmem:$0x610];
	_ =	sdelay $0x4  }
0x386: {  	v3 =	vcvt.s32.f32 v2;
	_ =	sdelay $0x1  }
0x387: {  	(xrf1) =	vunique.msk.f32 $0xffff, v3;
	_ =	sdelay $0x9  }
0x388: {  	v3 =	vld.idx.msk [tilespmem:v2+s9+$0x0], $0xffff;
	_ =	sdelay $0x3  }
0x389: {  	_, v17, _ =	vpop (xrf1)  }
0x38a: {  	v3 =	vadd.s32 v17, v3  }
0x38b: {  	v3 =	vadd.s32 $0xFFFFFFFF, v3  }
0x38c: {  	[tilespmem:$0xE10] =	vst v3  }
0x38d: {  	[tilespmem:v2+s9+$0x0] =	vst.idx.add.s32.msk $0xffff, v0  }
0x38e: {  	v2 =	vld [tilespmem:$0x620];
	_ =	sdelay $0x4  }
0x38f: {  	v3 =	vcvt.s32.f32 v2;
	_ =	sdelay $0x1  }
0x390: {  	(xrf1) =	vunique.msk.f32 $0xffff, v3;
	_ =	sdelay $0x9  }
0x391: {  	v3 =	vld.idx.msk [tilespmem:v2+s9+$0x0], $0xffff;
	_ =	sdelay $0x3  }
0x392: {  	_, v18, _ =	vpop (xrf1)  }
0x393: {  	v3 =	vadd.s32 v18, v3  }
0x394: {  	v3 =	vadd.s32 $0xFFFFFFFF, v3  }
0x395: {  	[tilespmem:$0xE20] =	vst v3  }
0x396: {  	[tilespmem:v2+s9+$0x0] =	vst.idx.add.s32.msk $0xffff, v0  }
0x397: {  	v2 =	vld [tilespmem:$0x630];
	_ =	sdelay $0x4  }
0x398: {  	v3 =	vcvt.s32.f32 v2;
	_ =	sdelay $0x1  }
0x399: {  	(xrf1) =	vunique.msk.f32 $0xffff, v3;
	_ =	sdelay $0x9  }
0x39a: {  	v3 =	vld.idx.msk [tilespmem:v2+s9+$0x0], $0xffff;
	_ =	sdelay $0x3  }
0x39b: {  	_, v19, _ =	vpop (xrf1)  }
0x39c: {  	v3 =	vadd.s32 v19, v3  }
0x39d: {  	v3 =	vadd.s32 $0xFFFFFFFF, v3  }
0x39e: {  	[tilespmem:$0xE30] =	vst v3  }
0x39f: {  	[tilespmem:v2+s9+$0x0] =	vst.idx.add.s32.msk $0xffff, v0  }
0x3a0: {  	v2 =	vld [tilespmem:$0x640];
	_ =	sdelay $0x4  }
0x3a1: {  	v3 =	vcvt.s32.f32 v2;
	_ =	sdelay $0x1  }
0x3a2: {  	(xrf1) =	vunique.msk.f32 $0xffff, v3;
	_ =	sdelay $0x9  }
0x3a3: {  	v3 =	vld.idx.msk [tilespmem:v2+s9+$0x0], $0xffff;
	_ =	sdelay $0x3  }
0x3a4: {  	_, v20, _ =	vpop (xrf1)  }
0x3a5: {  	v3 =	vadd.s32 v20, v3  }
0x3a6: {  	v3 =	vadd.s32 $0xFFFFFFFF, v3  }
0x3a7: {  	[tilespmem:$0xE40] =	vst v3  }
0x3a8: {  	[tilespmem:v2+s9+$0x0] =	vst.idx.add.s32.msk $0xffff, v0  }
0x3a9: {  	v2 =	vld [tilespmem:$0x650];
	_ =	sdelay $0x4  }
0x3aa: {  	v3 =	vcvt.s32.f32 v2;
	_ =	sdelay $0x1  }
0x3ab: {  	(xrf1) =	vunique.msk.f32 $0xffff, v3;
	_ =	sdelay $0x9  }
0x3ac: {  	v3 =	vld.idx.msk [tilespmem:v2+s9+$0x0], $0xffff;
	_ =	sdelay $0x3  }
0x3ad: {  	_, v21, _ =	vpop (xrf1)  }
0x3ae: {  	v3 =	vadd.s32 v21, v3  }
0x3af: {  	v3 =	vadd.s32 $0xFFFFFFFF, v3  }
0x3b0: {  	[tilespmem:$0xE50] =	vst v3  }
0x3b1: {  	[tilespmem:v2+s9+$0x0] =	vst.idx.add.s32.msk $0xffff, v0  }
0x3b2: {  	v2 =	vld [tilespmem:$0x660];
	_ =	sdelay $0x4  }
0x3b3: {  	v3 =	vcvt.s32.f32 v2;
	_ =	sdelay $0x1  }
0x3b4: {  	(xrf1) =	vunique.msk.f32 $0xffff, v3;
	_ =	sdelay $0x9  }
0x3b5: {  	v3 =	vld.idx.msk [tilespmem:v2+s9+$0x0], $0xffff;
	_ =	sdelay $0x3  }
0x3b6: {  	_, v22, _ =	vpop (xrf1)  }
0x3b7: {  	v3 =	vadd.s32 v22, v3  }
0x3b8: {  	v3 =	vadd.s32 $0xFFFFFFFF, v3  }
0x3b9: {  	[tilespmem:$0xE60] =	vst v3  }
0x3ba: {  	[tilespmem:v2+s9+$0x0] =	vst.idx.add.s32.msk $0xffff, v0  }
0x3bb: {  	v2 =	vld [tilespmem:$0x670];
	_ =	sdelay $0x4  }
0x3bc: {  	v3 =	vcvt.s32.f32 v2;
	_ =	sdelay $0x1  }
0x3bd: {  	(xrf1) =	vunique.msk.f32 $0xffff, v3;
	_ =	sdelay $0x9  }
0x3be: {  	v3 =	vld.idx.msk [tilespmem:v2+s9+$0x0], $0xffff;
	_ =	sdelay $0x3  }
0x3bf: {  	_, v23, _ =	vpop (xrf1)  }
0x3c0: {  	v3 =	vadd.s32 v23, v3  }
0x3c1: {  	v3 =	vadd.s32 $0xFFFFFFFF, v3  }
0x3c2: {  	[tilespmem:$0xE70] =	vst v3  }
0x3c3: {  	[tilespmem:v2+s9+$0x0] =	vst.idx.add.s32.msk $0xffff, v0  }
0x3c4: {  	v2 =	vld [tilespmem:$0x680];
	_ =	sdelay $0x4  }
0x3c5: {  	v3 =	vcvt.s32.f32 v2;
	_ =	sdelay $0x1  }
0x3c6: {  	(xrf1) =	vunique.msk.f32 $0xffff, v3;
	_ =	sdelay $0x9  }
0x3c7: {  	v3 =	vld.idx.msk [tilespmem:v2+s9+$0x0], $0xffff;
	_ =	sdelay $0x3  }
0x3c8: {  	_, v24, _ =	vpop (xrf1)  }
0x3c9: {  	v3 =	vadd.s32 v24, v3  }
0x3ca: {  	v3 =	vadd.s32 $0xFFFFFFFF, v3  }
0x3cb: {  	[tilespmem:$0xE80] =	vst v3  }
0x3cc: {  	[tilespmem:v2+s9+$0x0] =	vst.idx.add.s32.msk $0xffff, v0  }
0x3cd: {  	v2 =	vld [tilespmem:$0x690];
	_ =	sdelay $0x4  }
0x3ce: {  	v3 =	vcvt.s32.f32 v2;
	_ =	sdelay $0x1  }
0x3cf: {  	(xrf1) =	vunique.msk.f32 $0xffff, v3;
	_ =	sdelay $0x9  }
0x3d0: {  	v3 =	vld.idx.msk [tilespmem:v2+s9+$0x0], $0xffff;
	_ =	sdelay $0x3  }
0x3d1: {  	_, v25, _ =	vpop (xrf1)  }
0x3d2: {  	v3 =	vadd.s32 v25, v3  }
0x3d3: {  	v3 =	vadd.s32 $0xFFFFFFFF, v3  }
0x3d4: {  	[tilespmem:$0xE90] =	vst v3  }
0x3d5: {  	[tilespmem:v2+s9+$0x0] =	vst.idx.add.s32.msk $0xffff, v0  }
0x3d6: {  	v2 =	vld [tilespmem:$0x6A0];
	_ =	sdelay $0x4  }
0x3d7: {  	v3 =	vcvt.s32.f32 v2;
	_ =	sdelay $0x1  }
0x3d8: {  	(xrf1) =	vunique.msk.f32 $0xffff, v3;
	_ =	sdelay $0x9  }
0x3d9: {  	v3 =	vld.idx.msk [tilespmem:v2+s9+$0x0], $0xffff;
	_ =	sdelay $0x3  }
0x3da: {  	_, v26, _ =	vpop (xrf1)  }
0x3db: {  	v3 =	vadd.s32 v26, v3  }
0x3dc: {  	v3 =	vadd.s32 $0xFFFFFFFF, v3  }
0x3dd: {  	[tilespmem:$0xEA0] =	vst v3  }
0x3de: {  	[tilespmem:v2+s9+$0x0] =	vst.idx.add.s32.msk $0xffff, v0  }
0x3df: {  	v2 =	vld [tilespmem:$0x6B0];
	_ =	sdelay $0x4  }
0x3e0: {  	v3 =	vcvt.s32.f32 v2;
	_ =	sdelay $0x1  }
0x3e1: {  	(xrf1) =	vunique.msk.f32 $0xffff, v3;
	_ =	sdelay $0x9  }
0x3e2: {  	v3 =	vld.idx.msk [tilespmem:v2+s9+$0x0], $0xffff;
	_ =	sdelay $0x3  }
0x3e3: {  	_, v27, _ =	vpop (xrf1)  }
0x3e4: {  	v3 =	vadd.s32 v27, v3  }
0x3e5: {  	v3 =	vadd.s32 $0xFFFFFFFF, v3  }
0x3e6: {  	[tilespmem:$0xEB0] =	vst v3  }
0x3e7: {  	[tilespmem:v2+s9+$0x0] =	vst.idx.add.s32.msk $0xffff, v0  }
0x3e8: {  	v2 =	vld [tilespmem:$0x6C0];
	_ =	sdelay $0x4  }
0x3e9: {  	v3 =	vcvt.s32.f32 v2;
	_ =	sdelay $0x1  }
0x3ea: {  	(xrf1) =	vunique.msk.f32 $0xffff, v3;
	_ =	sdelay $0x9  }
0x3eb: {  	v3 =	vld.idx.msk [tilespmem:v2+s9+$0x0], $0xffff;
	_ =	sdelay $0x3  }
0x3ec: {  	_, v28, _ =	vpop (xrf1)  }
0x3ed: {  	v3 =	vadd.s32 v28, v3  }
0x3ee: {  	v3 =	vadd.s32 $0xFFFFFFFF, v3  }
0x3ef: {  	[tilespmem:$0xEC0] =	vst v3  }
0x3f0: {  	[tilespmem:v2+s9+$0x0] =	vst.idx.add.s32.msk $0xffff, v0  }
0x3f1: {  	v2 =	vld [tilespmem:$0x6D0];
	_ =	sdelay $0x4  }
0x3f2: {  	v3 =	vcvt.s32.f32 v2;
	_ =	sdelay $0x1  }
0x3f3: {  	(xrf1) =	vunique.msk.f32 $0xffff, v3;
	_ =	sdelay $0x9  }
0x3f4: {  	v3 =	vld.idx.msk [tilespmem:v2+s9+$0x0], $0xffff;
	_ =	sdelay $0x3  }
0x3f5: {  	_, v29, _ =	vpop (xrf1)  }
0x3f6: {  	v3 =	vadd.s32 v29, v3  }
0x3f7: {  	v3 =	vadd.s32 $0xFFFFFFFF, v3  }
0x3f8: {  	[tilespmem:$0xED0] =	vst v3  }
0x3f9: {  	[tilespmem:v2+s9+$0x0] =	vst.idx.add.s32.msk $0xffff, v0  }
0x3fa: {  	v2 =	vld [tilespmem:$0x6E0];
	_ =	sdelay $0x4  }
0x3fb: {  	v3 =	vcvt.s32.f32 v2;
	_ =	sdelay $0x1  }
0x3fc: {  	(xrf1) =	vunique.msk.f32 $0xffff, v3;
	_ =	sdelay $0x9  }
0x3fd: {  	v3 =	vld.idx.msk [tilespmem:v2+s9+$0x0], $0xffff;
	_ =	sdelay $0x3  }
0x3fe: {  	_, v30, _ =	vpop (xrf1)  }
0x3ff: {  	v3 =	vadd.s32 v30, v3  }
0x400: {  	v3 =	vadd.s32 $0xFFFFFFFF, v3  }
0x401: {  	[tilespmem:$0xEE0] =	vst v3  }
0x402: {  	[tilespmem:v2+s9+$0x0] =	vst.idx.add.s32.msk $0xffff, v0  }
0x403: {  	v2 =	vld [tilespmem:$0x6F0];
	_ =	sdelay $0x4  }
0x404: {  	v3 =	vcvt.s32.f32 v2;
	_ =	sdelay $0x1  }
0x405: {  	(xrf1) =	vunique.msk.f32 $0xffff, v3;
	_ =	sdelay $0x9  }
0x406: {  	v3 =	vld.idx.msk [tilespmem:v2+s9+$0x0], $0xffff;
	_ =	sdelay $0x3  }
0x407: {  	_, v31, _ =	vpop (xrf1)  }
0x408: {  	v3 =	vadd.s32 v31, v3  }
0x409: {  	v3 =	vadd.s32 $0xFFFFFFFF, v3  }
0x40a: {  	[tilespmem:$0xEF0] =	vst v3  }
0x40b: {  	[tilespmem:v2+s9+$0x0] =	vst.idx.add.s32.msk $0xffff, v0  }
0x40c: {  	v2 =	vld [tilespmem:$0x700];
	_ =	sdelay $0x4  }
0x40d: {  	v3 =	vcvt.s32.f32 v2;
	_ =	sdelay $0x1  }
0x40e: {  	(xrf1) =	vunique.msk.f32 $0xffff, v3;
	_ =	sdelay $0x9  }
0x40f: {  	v3 =	vld.idx.msk [tilespmem:v2+s9+$0x0], $0xffff;
	_ =	sdelay $0x3  }
0x410: {  	_, v32, _ =	vpop (xrf1)  }
0x411: {  	v3 =	vadd.s32 v32, v3  }
0x412: {  	v3 =	vadd.s32 $0xFFFFFFFF, v3  }
0x413: {  	[tilespmem:$0xF00] =	vst v3  }
0x414: {  	[tilespmem:v2+s9+$0x0] =	vst.idx.add.s32.msk $0xffff, v0  }
0x415: {  	v2 =	vld [tilespmem:$0x710];
	_ =	sdelay $0x4  }
0x416: {  	v3 =	vcvt.s32.f32 v2;
	_ =	sdelay $0x1  }
0x417: {  	(xrf1) =	vunique.msk.f32 $0xffff, v3;
	_ =	sdelay $0x9  }
0x418: {  	v3 =	vld.idx.msk [tilespmem:v2+s9+$0x0], $0xffff;
	_ =	sdelay $0x3  }
0x419: {  	_, v33, _ =	vpop (xrf1)  }
0x41a: {  	v3 =	vadd.s32 v33, v3  }
0x41b: {  	v3 =	vadd.s32 $0xFFFFFFFF, v3  }
0x41c: {  	[tilespmem:$0xF10] =	vst v3  }
0x41d: {  	[tilespmem:v2+s9+$0x0] =	vst.idx.add.s32.msk $0xffff, v0  }
0x41e: {  	v2 =	vld [tilespmem:$0x720];
	_ =	sdelay $0x4  }
0x41f: {  	v3 =	vcvt.s32.f32 v2;
	_ =	sdelay $0x1  }
0x420: {  	(xrf1) =	vunique.msk.f32 $0xffff, v3;
	_ =	sdelay $0x9  }
0x421: {  	v3 =	vld.idx.msk [tilespmem:v2+s9+$0x0], $0xffff;
	_ =	sdelay $0x3  }
0x422: {  	_, v34, _ =	vpop (xrf1)  }
0x423: {  	v3 =	vadd.s32 v34, v3  }
0x424: {  	v3 =	vadd.s32 $0xFFFFFFFF, v3  }
0x425: {  	[tilespmem:$0xF20] =	vst v3  }
0x426: {  	[tilespmem:v2+s9+$0x0] =	vst.idx.add.s32.msk $0xffff, v0  }
0x427: {  	v2 =	vld [tilespmem:$0x730];
	_ =	sdelay $0x4  }
0x428: {  	v3 =	vcvt.s32.f32 v2;
	_ =	sdelay $0x1  }
0x429: {  	(xrf1) =	vunique.msk.f32 $0xffff, v3;
	_ =	sdelay $0x9  }
0x42a: {  	v3 =	vld.idx.msk [tilespmem:v2+s9+$0x0], $0xffff;
	_ =	sdelay $0x3  }
0x42b: {  	_, v35, _ =	vpop (xrf1)  }
0x42c: {  	v3 =	vadd.s32 v35, v3  }
0x42d: {  	v3 =	vadd.s32 $0xFFFFFFFF, v3  }
0x42e: {  	[tilespmem:$0xF30] =	vst v3  }
0x42f: {  	[tilespmem:v2+s9+$0x0] =	vst.idx.add.s32.msk $0xffff, v0  }
0x430: {  	v2 =	vld [tilespmem:$0x740];
	_ =	sdelay $0x4  }
0x431: {  	v3 =	vcvt.s32.f32 v2;
	_ =	sdelay $0x1  }
0x432: {  	(xrf1) =	vunique.msk.f32 $0xffff, v3;
	_ =	sdelay $0x9  }
0x433: {  	v3 =	vld.idx.msk [tilespmem:v2+s9+$0x0], $0xffff;
	_ =	sdelay $0x3  }
0x434: {  	_, v36, _ =	vpop (xrf1)  }
0x435: {  	v3 =	vadd.s32 v36, v3  }
0x436: {  	v3 =	vadd.s32 $0xFFFFFFFF, v3  }
0x437: {  	[tilespmem:$0xF40] =	vst v3  }
0x438: {  	[tilespmem:v2+s9+$0x0] =	vst.idx.add.s32.msk $0xffff, v0  }
0x439: {  	v2 =	vld [tilespmem:$0x750];
	_ =	sdelay $0x4  }
0x43a: {  	v3 =	vcvt.s32.f32 v2;
	_ =	sdelay $0x1  }
0x43b: {  	(xrf1) =	vunique.msk.f32 $0xffff, v3;
	_ =	sdelay $0x9  }
0x43c: {  	v3 =	vld.idx.msk [tilespmem:v2+s9+$0x0], $0xffff;
	_ =	sdelay $0x3  }
0x43d: {  	_, v37, _ =	vpop (xrf1)  }
0x43e: {  	v3 =	vadd.s32 v37, v3  }
0x43f: {  	v3 =	vadd.s32 $0xFFFFFFFF, v3  }
0x440: {  	[tilespmem:$0xF50] =	vst v3  }
0x441: {  	[tilespmem:v2+s9+$0x0] =	vst.idx.add.s32.msk $0xffff, v0  }
0x442: {  	v2 =	vld [tilespmem:$0x760];
	_ =	sdelay $0x4  }
0x443: {  	v3 =	vcvt.s32.f32 v2;
	_ =	sdelay $0x1  }
0x444: {  	(xrf1) =	vunique.msk.f32 $0xffff, v3;
	_ =	sdelay $0x9  }
0x445: {  	v3 =	vld.idx.msk [tilespmem:v2+s9+$0x0], $0xffff;
	_ =	sdelay $0x3  }
0x446: {  	_, v38, _ =	vpop (xrf1)  }
0x447: {  	v3 =	vadd.s32 v38, v3  }
0x448: {  	v3 =	vadd.s32 $0xFFFFFFFF, v3  }
0x449: {  	[tilespmem:$0xF60] =	vst v3  }
0x44a: {  	[tilespmem:v2+s9+$0x0] =	vst.idx.add.s32.msk $0xffff, v0  }
0x44b: {  	v2 =	vld [tilespmem:$0x770];
	_ =	sdelay $0x4  }
0x44c: {  	v3 =	vcvt.s32.f32 v2;
	_ =	sdelay $0x1  }
0x44d: {  	(xrf1) =	vunique.msk.f32 $0xffff, v3;
	_ =	sdelay $0x9  }
0x44e: {  	v3 =	vld.idx.msk [tilespmem:v2+s9+$0x0], $0xffff;
	_ =	sdelay $0x3  }
0x44f: {  	_, v39, _ =	vpop (xrf1)  }
0x450: {  	v3 =	vadd.s32 v39, v3  }
0x451: {  	v3 =	vadd.s32 $0xFFFFFFFF, v3  }
0x452: {  	[tilespmem:$0xF70] =	vst v3  }
0x453: {  	[tilespmem:v2+s9+$0x0] =	vst.idx.add.s32.msk $0xffff, v0  }
0x454: {  	v2 =	vld [tilespmem:$0x780];
	_ =	sdelay $0x4  }
0x455: {  	v3 =	vcvt.s32.f32 v2;
	_ =	sdelay $0x1  }
0x456: {  	(xrf1) =	vunique.msk.f32 $0xffff, v3;
	_ =	sdelay $0x9  }
0x457: {  	v3 =	vld.idx.msk [tilespmem:v2+s9+$0x0], $0xffff;
	_ =	sdelay $0x3  }
0x458: {  	_, v40, _ =	vpop (xrf1)  }
0x459: {  	v3 =	vadd.s32 v40, v3  }
0x45a: {  	v3 =	vadd.s32 $0xFFFFFFFF, v3  }
0x45b: {  	[tilespmem:$0xF80] =	vst v3  }
0x45c: {  	[tilespmem:v2+s9+$0x0] =	vst.idx.add.s32.msk $0xffff, v0  }
0x45d: {  	v2 =	vld [tilespmem:$0x790];
	_ =	sdelay $0x4  }
0x45e: {  	v3 =	vcvt.s32.f32 v2;
	_ =	sdelay $0x1  }
0x45f: {  	(xrf1) =	vunique.msk.f32 $0xffff, v3;
	_ =	sdelay $0x9  }
0x460: {  	v3 =	vld.idx.msk [tilespmem:v2+s9+$0x0], $0xffff;
	_ =	sdelay $0x3  }
0x461: {  	_, v41, _ =	vpop (xrf1)  }
0x462: {  	v3 =	vadd.s32 v41, v3  }
0x463: {  	v3 =	vadd.s32 $0xFFFFFFFF, v3  }
0x464: {  	[tilespmem:$0xF90] =	vst v3  }
0x465: {  	[tilespmem:v2+s9+$0x0] =	vst.idx.add.s32.msk $0xffff, v0  }
0x466: {  	v2 =	vld [tilespmem:$0x7A0];
	_ =	sdelay $0x4  }
0x467: {  	v3 =	vcvt.s32.f32 v2;
	_ =	sdelay $0x1  }
0x468: {  	(xrf1) =	vunique.msk.f32 $0xffff, v3;
	_ =	sdelay $0x9  }
0x469: {  	v3 =	vld.idx.msk [tilespmem:v2+s9+$0x0], $0xffff;
	_ =	sdelay $0x3  }
0x46a: {  	_, v42, _ =	vpop (xrf1)  }
0x46b: {  	v3 =	vadd.s32 v42, v3  }
0x46c: {  	v3 =	vadd.s32 $0xFFFFFFFF, v3  }
0x46d: {  	[tilespmem:$0xFA0] =	vst v3  }
0x46e: {  	[tilespmem:v2+s9+$0x0] =	vst.idx.add.s32.msk $0xffff, v0  }
0x46f: {  	v2 =	vld [tilespmem:$0x7B0];
	_ =	sdelay $0x4  }
0x470: {  	v3 =	vcvt.s32.f32 v2;
	_ =	sdelay $0x1  }
0x471: {  	(xrf1) =	vunique.msk.f32 $0xffff, v3;
	_ =	sdelay $0x9  }
0x472: {  	v3 =	vld.idx.msk [tilespmem:v2+s9+$0x0], $0xffff;
	_ =	sdelay $0x3  }
0x473: {  	_, v43, _ =	vpop (xrf1)  }
0x474: {  	v3 =	vadd.s32 v43, v3  }
0x475: {  	v3 =	vadd.s32 $0xFFFFFFFF, v3  }
0x476: {  	[tilespmem:$0xFB0] =	vst v3  }
0x477: {  	[tilespmem:v2+s9+$0x0] =	vst.idx.add.s32.msk $0xffff, v0  }
0x478: {  	v2 =	vld [tilespmem:$0x7C0];
	_ =	sdelay $0x4  }
0x479: {  	v3 =	vcvt.s32.f32 v2;
	_ =	sdelay $0x1  }
0x47a: {  	(xrf1) =	vunique.msk.f32 $0xffff, v3;
	_ =	sdelay $0x9  }
0x47b: {  	v3 =	vld.idx.msk [tilespmem:v2+s9+$0x0], $0xffff;
	_ =	sdelay $0x3  }
0x47c: {  	_, v44, _ =	vpop (xrf1)  }
0x47d: {  	v3 =	vadd.s32 v44, v3  }
0x47e: {  	v3 =	vadd.s32 $0xFFFFFFFF, v3  }
0x47f: {  	[tilespmem:$0xFC0] =	vst v3  }
0x480: {  	[tilespmem:v2+s9+$0x0] =	vst.idx.add.s32.msk $0xffff, v0  }
0x481: {  	v2 =	vld [tilespmem:$0x7D0];
	_ =	sdelay $0x4  }
0x482: {  	v3 =	vcvt.s32.f32 v2;
	_ =	sdelay $0x1  }
0x483: {  	(xrf1) =	vunique.msk.f32 $0xffff, v3;
	_ =	sdelay $0x9  }
0x484: {  	v3 =	vld.idx.msk [tilespmem:v2+s9+$0x0], $0xffff;
	_ =	sdelay $0x3  }
0x485: {  	_, v45, _ =	vpop (xrf1)  }
0x486: {  	v3 =	vadd.s32 v45, v3  }
0x487: {  	v3 =	vadd.s32 $0xFFFFFFFF, v3  }
0x488: {  	[tilespmem:$0xFD0] =	vst v3  }
0x489: {  	[tilespmem:v2+s9+$0x0] =	vst.idx.add.s32.msk $0xffff, v0  }
0x48a: {  	v2 =	vld [tilespmem:$0x7E0];
	_ =	sdelay $0x4  }
0x48b: {  	v3 =	vcvt.s32.f32 v2;
	_ =	sdelay $0x1  }
0x48c: {  	(xrf1) =	vunique.msk.f32 $0xffff, v3;
	_ =	sdelay $0x9  }
0x48d: {  	v3 =	vld.idx.msk [tilespmem:v2+s9+$0x0], $0xffff;
	_ =	sdelay $0x3  }
0x48e: {  	_, v46, _ =	vpop (xrf1)  }
0x48f: {  	v3 =	vadd.s32 v46, v3  }
0x490: {  	v3 =	vadd.s32 $0xFFFFFFFF, v3  }
0x491: {  	[tilespmem:$0xFE0] =	vst v3  }
0x492: {  	[tilespmem:v2+s9+$0x0] =	vst.idx.add.s32.msk $0xffff, v0  }
0x493: {  	v2 =	vld [tilespmem:$0x7F0];
	_ =	sdelay $0x4  }
0x494: {  	v3 =	vcvt.s32.f32 v2;
	_ =	sdelay $0x1  }
0x495: {  	(xrf1) =	vunique.msk.f32 $0xffff, v3;
	_ =	sdelay $0x9  }
0x496: {  	v3 =	vld.idx.msk [tilespmem:v2+s9+$0x0], $0xffff;
	_ =	sdelay $0x3  }
0x497: {  	_, v47, _ =	vpop (xrf1)  }
0x498: {  	v3 =	vadd.s32 v47, v3  }
0x499: {  	v3 =	vadd.s32 $0xFFFFFFFF, v3  }
0x49a: {  	[tilespmem:$0xFF0] =	vst v3  }
0x49b: {  	[tilespmem:v2+s9+$0x0] =	vst.idx.add.s32.msk $0xffff, v0  }
0x49c: {  	[spmem:s5] =	stream.linear.scatter [tilespmem:s9], [sflag:$0x1], $0x40, $0x38;
	[tilespmem:$0x1540] =	vst v63  }
0x49d: {  	_ =	swait.ge [sflag:s8], $0x40  }
0x49e: {  	[sflag:s8] =	ssyncset.done $0x0  }
0x49f: {  	[sflag:s8] =	ssyncadd.s32 $0xFFFFFFC0  }
0x4a0: {  	[bflag:$0x0] =	sbarrier.arrive $0xFFFF  }
0x4a1: {  	[bflag:$0x0] =	sbarrier.arrive $0xFFFF  }
0x4a2: {  	[tilespmem:s10], [sflag:$0x1] =	stream.linear.gather [spmem:s2], $0x400, $0x38;
	[tilespmem:$0x1540] =	vst v63  }
0x4a3: {  	_ =	swait.ge [sflag:s8], $0x400  }
0x4a4: {  	[sflag:s8] =	ssyncset.done $0x0  }
0x4a5: {  	[sflag:s8] =	ssyncadd.s32 $0xFFFFFC00  }
0x4a6: {  	v2 =	vld [tilespmem:$0x1100]  }
0x4a7: {  	v3 =	vld [tilespmem:$0x1110]  }
0x4a8: {  	v48 =	vld [tilespmem:$0x1120]  }
0x4a9: {  	[tilespmem:$0x1080] =	vst v1;
	v5 =	vld [tilespmem:$0x1130]  }
0x4aa: {  	[tilespmem:$0x1090] =	vst v1;
	v6 =	vld [tilespmem:$0x1140]  }
0x4ab: {  	[tilespmem:$0x10A0] =	vst v1;
	v7 =	vld [tilespmem:$0x1150]  }
0x4ac: {  	[tilespmem:$0x10B0] =	vst v1;
	v8 =	vld [tilespmem:$0x1160];
	v2 =	vsel vm14, $0x0, v2  }
0x4ad: {  	v9 =	vld [tilespmem:$0x1170];
	v3 =	vsel vm14, $0x0, v3;
	[tilespmem:$0x1080] =	vst v2  }
0x4ae: {  	v10 =	vld [tilespmem:$0x1180];
	v4 =	vsel vm14, $0x0, v48;
	[tilespmem:$0x1090] =	vst v3  }
0x4af: {  	v11 =	vld [tilespmem:$0x1190];
	v5 =	vsel vm14, $0x0, v5;
	v6 =	vnsel vm13, $0x0, v6;
	[tilespmem:$0x10A0] =	vst v4  }
0x4b0: {  	v50 =	vld [tilespmem:$0x11A0];
	v49 =	vnsel vm13, $0x0, v7;
	[tilespmem:$0x10B0] =	vst v5;
	v2 =	vadd.s32 v2, v6  }
0x4b1: {  	v52 =	vld [tilespmem:$0x11B0];
	v51 =	vnsel vm13, $0x0, v8;
	v3 =	vadd.s32 v3, v49;
	[tilespmem:$0x1080] =	vst v2  }
0x4b2: {  	v54 =	vld [tilespmem:$0x11C0];
	v53 =	vnsel vm13, $0x0, v9;
	v4 =	vadd.s32 v4, v51;
	[tilespmem:$0x1090] =	vst v3  }
0x4b3: {  	v56 =	vld [tilespmem:$0x11D0];
	v55 =	vnsel vm12, $0x0, v10;
	v5 =	vadd.s32 v5, v53;
	[tilespmem:$0x10A0] =	vst v4  }
0x4b4: {  	v58 =	vld [tilespmem:$0x11E0];
	v57 =	vnsel vm12, $0x0, v11;
	[tilespmem:$0x10B0] =	vst v5;
	v2 =	vadd.s32 v2, v55  }
0x4b5: {  	v60 =	vld [tilespmem:$0x11F0];
	v59 =	vnsel vm12, $0x0, v50;
	v3 =	vadd.s32 v3, v57;
	[tilespmem:$0x1080] =	vst v2  }
0x4b6: {  	v62 =	vld [tilespmem:$0x1200];
	v61 =	vnsel vm12, $0x0, v52;
	v4 =	vadd.s32 v4, v59;
	[tilespmem:$0x1090] =	vst v3  }
0x4b7: {  	v12 =	vld [tilespmem:$0x1210];
	v63 =	vnsel vm11, $0x0, v54;
	v5 =	vadd.s32 v5, v61;
	[tilespmem:$0x10A0] =	vst v4  }
0x4b8: {  	v14 =	vld [tilespmem:$0x1220];
	v13 =	vnsel vm11, $0x0, v56;
	[tilespmem:$0x10B0] =	vst v5;
	v2 =	vadd.s32 v2, v63  }
0x4b9: {  	v16 =	vld [tilespmem:$0x1230];
	v15 =	vnsel vm11, $0x0, v58;
	v3 =	vadd.s32 v3, v13;
	[tilespmem:$0x1080] =	vst v2  }
0x4ba: {  	v18 =	vld [tilespmem:$0x1240];
	v17 =	vnsel vm11, $0x0, v60;
	v4 =	vadd.s32 v4, v15;
	[tilespmem:$0x1090] =	vst v3  }
0x4bb: {  	v20 =	vld [tilespmem:$0x1250];
	v19 =	vnsel vm10, $0x0, v62;
	v5 =	vadd.s32 v5, v17;
	[tilespmem:$0x10A0] =	vst v4  }
0x4bc: {  	v22 =	vld [tilespmem:$0x1260];
	v21 =	vnsel vm10, $0x0, v12;
	[tilespmem:$0x10B0] =	vst v5;
	v2 =	vadd.s32 v2, v19  }
0x4bd: {  	v24 =	vld [tilespmem:$0x1270];
	v23 =	vnsel vm10, $0x0, v14;
	v3 =	vadd.s32 v3, v21;
	[tilespmem:$0x1080] =	vst v2  }
0x4be: {  	v26 =	vld [tilespmem:$0x1280];
	v25 =	vnsel vm10, $0x0, v16;
	v4 =	vadd.s32 v4, v23;
	[tilespmem:$0x1090] =	vst v3  }
0x4bf: {  	v28 =	vld [tilespmem:$0x1290];
	v27 =	vnsel vm9, $0x0, v18;
	v5 =	vadd.s32 v5, v25;
	[tilespmem:$0x10A0] =	vst v4  }
0x4c0: {  	v30 =	vld [tilespmem:$0x12A0];
	v29 =	vnsel vm9, $0x0, v20;
	[tilespmem:$0x10B0] =	vst v5;
	v2 =	vadd.s32 v2, v27  }
0x4c1: {  	v32 =	vld [tilespmem:$0x12B0];
	v31 =	vnsel vm9, $0x0, v22;
	v3 =	vadd.s32 v3, v29;
	[tilespmem:$0x1080] =	vst v2  }
0x4c2: {  	v34 =	vld [tilespmem:$0x12C0];
	v33 =	vnsel vm9, $0x0, v24;
	v4 =	vadd.s32 v4, v31;
	[tilespmem:$0x1090] =	vst v3  }
0x4c3: {  	v36 =	vld [tilespmem:$0x12D0];
	v35 =	vnsel vm8, $0x0, v26;
	v5 =	vadd.s32 v5, v33;
	[tilespmem:$0x10A0] =	vst v4  }
0x4c4: {  	v38 =	vld [tilespmem:$0x12E0];
	v37 =	vnsel vm8, $0x0, v28;
	[tilespmem:$0x10B0] =	vst v5;
	v2 =	vadd.s32 v2, v35  }
0x4c5: {  	v40 =	vld [tilespmem:$0x12F0];
	v39 =	vnsel vm8, $0x0, v30;
	v3 =	vadd.s32 v3, v37;
	[tilespmem:$0x1080] =	vst v2  }
0x4c6: {  	v42 =	vld [tilespmem:$0x1300];
	v41 =	vnsel vm8, $0x0, v32;
	v4 =	vadd.s32 v4, v39;
	[tilespmem:$0x1090] =	vst v3  }
0x4c7: {  	v44 =	vld [tilespmem:$0x1310];
	v43 =	vnsel vm7, $0x0, v34;
	v5 =	vadd.s32 v5, v41;
	[tilespmem:$0x10A0] =	vst v4  }
0x4c8: {  	v46 =	vld [tilespmem:$0x1320];
	v45 =	vnsel vm7, $0x0, v36;
	[tilespmem:$0x10B0] =	vst v5;
	v2 =	vadd.s32 v2, v43  }
0x4c9: {  	v47 =	vnsel vm7, $0x0, v38;
	v48 =	vld [tilespmem:$0x1330];
	v3 =	vadd.s32 v3, v45;
	[tilespmem:$0x1080] =	vst v2  }
0x4ca: {  	v50 =	vld [tilespmem:$0x1340];
	v49 =	vnsel vm7, $0x0, v40;
	v4 =	vadd.s32 v4, v47;
	[tilespmem:$0x1090] =	vst v3  }
0x4cb: {  	v52 =	vld [tilespmem:$0x1350];
	v51 =	vnsel vm6, $0x0, v42;
	v5 =	vadd.s32 v5, v49;
	[tilespmem:$0x10A0] =	vst v4  }
0x4cc: {  	v54 =	vld [tilespmem:$0x1360];
	v53 =	vnsel vm6, $0x0, v44;
	[tilespmem:$0x10B0] =	vst v5;
	v2 =	vadd.s32 v2, v51  }
0x4cd: {  	v56 =	vld [tilespmem:$0x1370];
	v55 =	vnsel vm6, $0x0, v46;
	v3 =	vadd.s32 v3, v53;
	[tilespmem:$0x1080] =	vst v2  }
0x4ce: {  	v58 =	vld [tilespmem:$0x1380];
	v57 =	vnsel vm6, $0x0, v48;
	v4 =	vadd.s32 v4, v55;
	[tilespmem:$0x1090] =	vst v3  }
0x4cf: {  	v60 =	vld [tilespmem:$0x1390];
	v59 =	vnsel vm5, $0x0, v50;
	v5 =	vadd.s32 v5, v57;
	[tilespmem:$0x10A0] =	vst v4  }
0x4d0: {  	v62 =	vld [tilespmem:$0x13A0];
	v61 =	vnsel vm5, $0x0, v52;
	[tilespmem:$0x10B0] =	vst v5;
	v2 =	vadd.s32 v2, v59  }
0x4d1: {  	v12 =	vld [tilespmem:$0x13B0];
	v63 =	vnsel vm5, $0x0, v54;
	v3 =	vadd.s32 v3, v61;
	[tilespmem:$0x1080] =	vst v2  }
0x4d2: {  	v14 =	vld [tilespmem:$0x13C0];
	v13 =	vnsel vm5, $0x0, v56;
	v4 =	vadd.s32 v4, v63;
	[tilespmem:$0x1090] =	vst v3  }
0x4d3: {  	v16 =	vld [tilespmem:$0x13D0];
	v15 =	vnsel vm4, $0x0, v58;
	v5 =	vadd.s32 v5, v13;
	[tilespmem:$0x10A0] =	vst v4  }
0x4d4: {  	v18 =	vld [tilespmem:$0x13E0];
	v17 =	vnsel vm4, $0x0, v60;
	[tilespmem:$0x10B0] =	vst v5;
	v2 =	vadd.s32 v2, v15  }
0x4d5: {  	v20 =	vld [tilespmem:$0x13F0];
	v19 =	vnsel vm4, $0x0, v62;
	v3 =	vadd.s32 v3, v17;
	[tilespmem:$0x1080] =	vst v2  }
0x4d6: {  	v22 =	vld [tilespmem:$0x1400];
	v21 =	vnsel vm4, $0x0, v12;
	v4 =	vadd.s32 v4, v19;
	[tilespmem:$0x1090] =	vst v3  }
0x4d7: {  	v24 =	vld [tilespmem:$0x1410];
	v23 =	vnsel vm3, $0x0, v14;
	v5 =	vadd.s32 v5, v21;
	[tilespmem:$0x10A0] =	vst v4  }
0x4d8: {  	v26 =	vld [tilespmem:$0x1420];
	v25 =	vnsel vm3, $0x0, v16;
	[tilespmem:$0x10B0] =	vst v5;
	v2 =	vadd.s32 v2, v23  }
0x4d9: {  	v28 =	vld [tilespmem:$0x1430];
	v27 =	vnsel vm3, $0x0, v18;
	v3 =	vadd.s32 v3, v25;
	[tilespmem:$0x1080] =	vst v2  }
0x4da: {  	v30 =	vld [tilespmem:$0x1440];
	v29 =	vnsel vm3, $0x0, v20;
	v4 =	vadd.s32 v4, v27;
	[tilespmem:$0x1090] =	vst v3  }
0x4db: {  	v32 =	vld [tilespmem:$0x1450];
	v31 =	vnsel vm2, $0x0, v22;
	v5 =	vadd.s32 v5, v29;
	[tilespmem:$0x10A0] =	vst v4  }
0x4dc: {  	v34 =	vld [tilespmem:$0x1480];
	v33 =	vnsel vm2, $0x0, v24;
	[tilespmem:$0x10B0] =	vst v5;
	v2 =	vadd.s32 v2, v31  }
0x4dd: {  	v35 =	vnsel vm2, $0x0, v26;
	v3 =	vadd.s32 v3, v33;
	[tilespmem:$0x1080] =	vst v2  }
0x4de: {  	v36 =	vnsel vm2, $0x0, v28;
	v37 =	vld [tilespmem:$0x1460];
	v4 =	vadd.s32 v4, v35;
	[tilespmem:$0x1090] =	vst v3  }
0x4df: {  	v38 =	vnsel vm1, $0x0, v30;
	v39 =	vld [tilespmem:$0x1470];
	v5 =	vadd.s32 v5, v36;
	[tilespmem:$0x10A0] =	vst v4  }
0x4e0: {  	v40 =	vnsel vm1, $0x0, v32;
	v41 =	vld [tilespmem:$0x1490];
	[tilespmem:$0x10B0] =	vst v5;
	v2 =	vadd.s32 v2, v38  }
0x4e1: {  	v42 =	vnsel vm0, $0x0, v34;
	v43 =	vld [tilespmem:$0x14A0];
	v3 =	vadd.s32 v3, v40;
	[tilespmem:$0x1080] =	vst v2  }
0x4e2: {  	[tilespmem:$0x1090] =	vst v3;
	v2 =	vadd.s32 v2, v42  }
0x4e3: {  	v45 =	vld [tilespmem:$0x14B0];
	v44 =	vnsel vm1, $0x0, v37;
	[tilespmem:$0x1080] =	vst v2  }
0x4e4: {  	v46 =	vnsel vm1, $0x0, v39;
	v4 =	vadd.s32 v4, v44;
	[tilespmem:$0x1080] =	vst v2;
	v2 =	vld [tilespmem:$0x0]  }
0x4e5: {  	v47 =	vnsel vm0, $0x0, v41;
	v5 =	vadd.s32 v5, v46;
	[tilespmem:$0x10A0] =	vst v4  }
0x4e6: {  	v48 =	vnsel vm0, $0x0, v43;
	v3 =	vadd.s32 v3, v47;
	[tilespmem:$0x10B0] =	vst v5  }
0x4e7: {  	v4 =	vadd.s32 v4, v48;
	[tilespmem:$0x1090] =	vst v3  }
0x4e8: {  	[tilespmem:$0x10A0] =	vst v4  }
0x4e9: {  	v49 =	vnsel vm0, $0x0, v45;
	[tilespmem:$0x1090] =	vst v3  }
0x4ea: {  	v50 =	vld [tilespmem:$0x800];
	v3 =	vadd.s32 v5, v49;
	[tilespmem:$0x10A0] =	vst v4  }
0x4eb: {  	[tilespmem:$0x10B0] =	vst v3;
	v3 =	vld [tilespmem:$0x10]  }
0x4ec: {  	v2 =	vld.idx.msk [tilespmem:v2+s11+$0x0], $0xffff;
	_ =	sdelay $0x4  }
0x4ed: {  	v2 =	vadd.s32 v2, v50  }
0x4ee: {  	[tilespmem:$0x800] =	vst v2  }
0x4ef: {  	v2 =	vld.idx.msk [tilespmem:v3+s11+$0x0], $0xffff  }
0x4f0: {  	v3 =	vld [tilespmem:$0x20]  }
0x4f1: {  	v51 =	vld [tilespmem:$0x810];
	_ =	sdelay $0x4  }
0x4f2: {  	v2 =	vadd.s32 v2, v51  }
0x4f3: {  	[tilespmem:$0x810] =	vst v2  }
0x4f4: {  	v2 =	vld.idx.msk [tilespmem:v3+s11+$0x0], $0xffff  }
0x4f5: {  	v3 =	vld [tilespmem:$0x30]  }
0x4f6: {  	v52 =	vld [tilespmem:$0x820];
	_ =	sdelay $0x4  }
0x4f7: {  	v2 =	vadd.s32 v2, v52  }
0x4f8: {  	[tilespmem:$0x820] =	vst v2  }
0x4f9: {  	v2 =	vld.idx.msk [tilespmem:v3+s11+$0x0], $0xffff  }
0x4fa: {  	v3 =	vld [tilespmem:$0x830];
	_ =	sdelay $0x4  }
0x4fb: {  	v2 =	vadd.s32 v2, v3  }
0x4fc: {  	[tilespmem:$0x830] =	vst v2  }
0x4fd: {  	v2 =	vld [tilespmem:$0x40];
	_ =	sdelay $0x5  }
0x4fe: {  	v3 =	vld [tilespmem:$0x50]  }
0x4ff: {  	v53 =	vld [tilespmem:$0x840]  }
0x500: {  	v2 =	vld.idx.msk [tilespmem:v2+s11+$0x0], $0xffff;
	_ =	sdelay $0x4  }
0x501: {  	v2 =	vadd.s32 v2, v53  }
0x502: {  	[tilespmem:$0x840] =	vst v2  }
0x503: {  	v2 =	vld.idx.msk [tilespmem:v3+s11+$0x0], $0xffff  }
0x504: {  	v3 =	vld [tilespmem:$0x60]  }
0x505: {  	v54 =	vld [tilespmem:$0x850];
	_ =	sdelay $0x4  }
0x506: {  	v2 =	vadd.s32 v2, v54  }
0x507: {  	[tilespmem:$0x850] =	vst v2  }
0x508: {  	v2 =	vld.idx.msk [tilespmem:v3+s11+$0x0], $0xffff  }
0x509: {  	v3 =	vld [tilespmem:$0x70]  }
0x50a: {  	v55 =	vld [tilespmem:$0x860];
	_ =	sdelay $0x4  }
0x50b: {  	v2 =	vadd.s32 v2, v55  }
0x50c: {  	[tilespmem:$0x860] =	vst v2  }
0x50d: {  	v2 =	vld.idx.msk [tilespmem:v3+s11+$0x0], $0xffff  }
0x50e: {  	v3 =	vld [tilespmem:$0x80]  }
0x50f: {  	v56 =	vld [tilespmem:$0x870];
	_ =	sdelay $0x4  }
0x510: {  	v2 =	vadd.s32 v2, v56  }
0x511: {  	[tilespmem:$0x870] =	vst v2  }
0x512: {  	v2 =	vld.idx.msk [tilespmem:v3+s11+$0x0], $0xffff  }
0x513: {  	v3 =	vld [tilespmem:$0x90]  }
0x514: {  	v57 =	vld [tilespmem:$0x880];
	_ =	sdelay $0x4  }
0x515: {  	v2 =	vadd.s32 v2, v57  }
0x516: {  	[tilespmem:$0x880] =	vst v2  }
0x517: {  	v2 =	vld.idx.msk [tilespmem:v3+s11+$0x0], $0xffff  }
0x518: {  	v3 =	vld [tilespmem:$0xA0]  }
0x519: {  	v58 =	vld [tilespmem:$0x890];
	_ =	sdelay $0x4  }
0x51a: {  	v2 =	vadd.s32 v2, v58  }
0x51b: {  	[tilespmem:$0x890] =	vst v2  }
0x51c: {  	v2 =	vld.idx.msk [tilespmem:v3+s11+$0x0], $0xffff  }
0x51d: {  	v3 =	vld [tilespmem:$0xB0]  }
0x51e: {  	v59 =	vld [tilespmem:$0x8A0];
	_ =	sdelay $0x4  }
0x51f: {  	v2 =	vadd.s32 v2, v59  }
0x520: {  	[tilespmem:$0x8A0] =	vst v2  }
0x521: {  	v2 =	vld.idx.msk [tilespmem:v3+s11+$0x0], $0xffff  }
0x522: {  	v3 =	vld [tilespmem:$0xC0]  }
0x523: {  	v60 =	vld [tilespmem:$0x8B0];
	_ =	sdelay $0x4  }
0x524: {  	v2 =	vadd.s32 v2, v60  }
0x525: {  	[tilespmem:$0x8B0] =	vst v2  }
0x526: {  	v2 =	vld.idx.msk [tilespmem:v3+s11+$0x0], $0xffff  }
0x527: {  	v3 =	vld [tilespmem:$0xD0]  }
0x528: {  	v61 =	vld [tilespmem:$0x8C0];
	_ =	sdelay $0x4  }
0x529: {  	v2 =	vadd.s32 v2, v61  }
0x52a: {  	[tilespmem:$0x8C0] =	vst v2  }
0x52b: {  	v2 =	vld.idx.msk [tilespmem:v3+s11+$0x0], $0xffff  }
0x52c: {  	v3 =	vld [tilespmem:$0xE0]  }
0x52d: {  	v62 =	vld [tilespmem:$0x8D0];
	_ =	sdelay $0x4  }
0x52e: {  	v2 =	vadd.s32 v2, v62  }
0x52f: {  	[tilespmem:$0x8D0] =	vst v2  }
0x530: {  	v2 =	vld.idx.msk [tilespmem:v3+s11+$0x0], $0xffff  }
0x531: {  	v3 =	vld [tilespmem:$0xF0]  }
0x532: {  	v63 =	vld [tilespmem:$0x8E0];
	_ =	sdelay $0x4  }
0x533: {  	v2 =	vadd.s32 v2, v63  }
0x534: {  	[tilespmem:$0x8E0] =	vst v2  }
0x535: {  	v2 =	vld.idx.msk [tilespmem:v3+s11+$0x0], $0xffff  }
0x536: {  	v3 =	vld [tilespmem:$0x100]  }
0x537: {  	v8 =	vld [tilespmem:$0x8F0];
	_ =	sdelay $0x4  }
0x538: {  	v2 =	vadd.s32 v2, v8  }
0x539: {  	[tilespmem:$0x8F0] =	vst v2  }
0x53a: {  	v2 =	vld.idx.msk [tilespmem:v3+s11+$0x0], $0xffff  }
0x53b: {  	v3 =	vld [tilespmem:$0x110]  }
0x53c: {  	v9 =	vld [tilespmem:$0x900];
	_ =	sdelay $0x4  }
0x53d: {  	v2 =	vadd.s32 v2, v9  }
0x53e: {  	[tilespmem:$0x900] =	vst v2  }
0x53f: {  	v2 =	vld.idx.msk [tilespmem:v3+s11+$0x0], $0xffff  }
0x540: {  	v3 =	vld [tilespmem:$0x120]  }
0x541: {  	v10 =	vld [tilespmem:$0x910];
	_ =	sdelay $0x4  }
0x542: {  	v2 =	vadd.s32 v2, v10  }
0x543: {  	[tilespmem:$0x910] =	vst v2  }
0x544: {  	v2 =	vld.idx.msk [tilespmem:v3+s11+$0x0], $0xffff  }
0x545: {  	v3 =	vld [tilespmem:$0x130]  }
0x546: {  	v11 =	vld [tilespmem:$0x920];
	_ =	sdelay $0x4  }
0x547: {  	v2 =	vadd.s32 v2, v11  }
0x548: {  	[tilespmem:$0x920] =	vst v2  }
0x549: {  	v2 =	vld.idx.msk [tilespmem:v3+s11+$0x0], $0xffff  }
0x54a: {  	v3 =	vld [tilespmem:$0x140]  }
0x54b: {  	v12 =	vld [tilespmem:$0x930];
	_ =	sdelay $0x4  }
0x54c: {  	v2 =	vadd.s32 v2, v12  }
0x54d: {  	[tilespmem:$0x930] =	vst v2  }
0x54e: {  	v2 =	vld.idx.msk [tilespmem:v3+s11+$0x0], $0xffff  }
0x54f: {  	v3 =	vld [tilespmem:$0x150]  }
0x550: {  	v13 =	vld [tilespmem:$0x940];
	_ =	sdelay $0x4  }
0x551: {  	v2 =	vadd.s32 v2, v13  }
0x552: {  	[tilespmem:$0x940] =	vst v2  }
0x553: {  	v2 =	vld.idx.msk [tilespmem:v3+s11+$0x0], $0xffff  }
0x554: {  	v3 =	vld [tilespmem:$0x160]  }
0x555: {  	v14 =	vld [tilespmem:$0x950];
	_ =	sdelay $0x4  }
0x556: {  	v2 =	vadd.s32 v2, v14  }
0x557: {  	[tilespmem:$0x950] =	vst v2  }
0x558: {  	v2 =	vld.idx.msk [tilespmem:v3+s11+$0x0], $0xffff  }
0x559: {  	v3 =	vld [tilespmem:$0x170]  }
0x55a: {  	v15 =	vld [tilespmem:$0x960];
	_ =	sdelay $0x4  }
0x55b: {  	v2 =	vadd.s32 v2, v15  }
0x55c: {  	[tilespmem:$0x960] =	vst v2  }
0x55d: {  	v2 =	vld.idx.msk [tilespmem:v3+s11+$0x0], $0xffff  }
0x55e: {  	v3 =	vld [tilespmem:$0x180]  }
0x55f: {  	v16 =	vld [tilespmem:$0x970];
	_ =	sdelay $0x4  }
0x560: {  	v2 =	vadd.s32 v2, v16  }
0x561: {  	[tilespmem:$0x970] =	vst v2  }
0x562: {  	v2 =	vld.idx.msk [tilespmem:v3+s11+$0x0], $0xffff  }
0x563: {  	v3 =	vld [tilespmem:$0x190]  }
0x564: {  	v17 =	vld [tilespmem:$0x980];
	_ =	sdelay $0x4  }
0x565: {  	v2 =	vadd.s32 v2, v17  }
0x566: {  	[tilespmem:$0x980] =	vst v2  }
0x567: {  	v2 =	vld.idx.msk [tilespmem:v3+s11+$0x0], $0xffff  }
0x568: {  	v3 =	vld [tilespmem:$0x1A0]  }
0x569: {  	v18 =	vld [tilespmem:$0x990];
	_ =	sdelay $0x4  }
0x56a: {  	v2 =	vadd.s32 v2, v18  }
0x56b: {  	[tilespmem:$0x990] =	vst v2  }
0x56c: {  	v2 =	vld.idx.msk [tilespmem:v3+s11+$0x0], $0xffff  }
0x56d: {  	v3 =	vld [tilespmem:$0x1B0]  }
0x56e: {  	v19 =	vld [tilespmem:$0x9A0];
	_ =	sdelay $0x4  }
0x56f: {  	v2 =	vadd.s32 v2, v19  }
0x570: {  	[tilespmem:$0x9A0] =	vst v2  }
0x571: {  	v2 =	vld.idx.msk [tilespmem:v3+s11+$0x0], $0xffff  }
0x572: {  	v3 =	vld [tilespmem:$0x1C0]  }
0x573: {  	v20 =	vld [tilespmem:$0x9B0];
	_ =	sdelay $0x4  }
0x574: {  	v2 =	vadd.s32 v2, v20  }
0x575: {  	[tilespmem:$0x9B0] =	vst v2  }
0x576: {  	v2 =	vld.idx.msk [tilespmem:v3+s11+$0x0], $0xffff  }
0x577: {  	v3 =	vld [tilespmem:$0x1D0]  }
0x578: {  	v21 =	vld [tilespmem:$0x9C0];
	_ =	sdelay $0x4  }
0x579: {  	v2 =	vadd.s32 v2, v21  }
0x57a: {  	[tilespmem:$0x9C0] =	vst v2  }
0x57b: {  	v2 =	vld.idx.msk [tilespmem:v3+s11+$0x0], $0xffff  }
0x57c: {  	v3 =	vld [tilespmem:$0x1E0]  }
0x57d: {  	v22 =	vld [tilespmem:$0x9D0];
	_ =	sdelay $0x4  }
0x57e: {  	v2 =	vadd.s32 v2, v22  }
0x57f: {  	[tilespmem:$0x9D0] =	vst v2  }
0x580: {  	v2 =	vld.idx.msk [tilespmem:v3+s11+$0x0], $0xffff  }
0x581: {  	v3 =	vld [tilespmem:$0x1F0]  }
0x582: {  	v23 =	vld [tilespmem:$0x9E0];
	_ =	sdelay $0x4  }
0x583: {  	v2 =	vadd.s32 v2, v23  }
0x584: {  	[tilespmem:$0x9E0] =	vst v2  }
0x585: {  	v2 =	vld.idx.msk [tilespmem:v3+s11+$0x0], $0xffff  }
0x586: {  	v3 =	vld [tilespmem:$0x200]  }
0x587: {  	v24 =	vld [tilespmem:$0x9F0];
	_ =	sdelay $0x4  }
0x588: {  	v2 =	vadd.s32 v2, v24  }
0x589: {  	[tilespmem:$0x9F0] =	vst v2  }
0x58a: {  	v2 =	vld.idx.msk [tilespmem:v3+s11+$0x0], $0xffff  }
0x58b: {  	v3 =	vld [tilespmem:$0x210]  }
0x58c: {  	v25 =	vld [tilespmem:$0xA00];
	_ =	sdelay $0x4  }
0x58d: {  	v2 =	vadd.s32 v2, v25  }
0x58e: {  	[tilespmem:$0xA00] =	vst v2  }
0x58f: {  	v2 =	vld.idx.msk [tilespmem:v3+s11+$0x0], $0xffff  }
0x590: {  	v3 =	vld [tilespmem:$0x220]  }
0x591: {  	v26 =	vld [tilespmem:$0xA10];
	_ =	sdelay $0x4  }
0x592: {  	v2 =	vadd.s32 v2, v26  }
0x593: {  	[tilespmem:$0xA10] =	vst v2  }
0x594: {  	v2 =	vld.idx.msk [tilespmem:v3+s11+$0x0], $0xffff  }
0x595: {  	v3 =	vld [tilespmem:$0x230]  }
0x596: {  	v27 =	vld [tilespmem:$0xA20];
	_ =	sdelay $0x4  }
0x597: {  	v2 =	vadd.s32 v2, v27  }
0x598: {  	[tilespmem:$0xA20] =	vst v2  }
0x599: {  	v2 =	vld.idx.msk [tilespmem:v3+s11+$0x0], $0xffff  }
0x59a: {  	v3 =	vld [tilespmem:$0x240]  }
0x59b: {  	v28 =	vld [tilespmem:$0xA30];
	_ =	sdelay $0x4  }
0x59c: {  	v2 =	vadd.s32 v2, v28  }
0x59d: {  	[tilespmem:$0xA30] =	vst v2  }
0x59e: {  	v2 =	vld.idx.msk [tilespmem:v3+s11+$0x0], $0xffff  }
0x59f: {  	v3 =	vld [tilespmem:$0x250]  }
0x5a0: {  	v29 =	vld [tilespmem:$0xA40];
	_ =	sdelay $0x4  }
0x5a1: {  	v2 =	vadd.s32 v2, v29  }
0x5a2: {  	[tilespmem:$0xA40] =	vst v2  }
0x5a3: {  	v2 =	vld.idx.msk [tilespmem:v3+s11+$0x0], $0xffff  }
0x5a4: {  	v3 =	vld [tilespmem:$0x260]  }
0x5a5: {  	v30 =	vld [tilespmem:$0xA50];
	_ =	sdelay $0x4  }
0x5a6: {  	v2 =	vadd.s32 v2, v30  }
0x5a7: {  	[tilespmem:$0xA50] =	vst v2  }
0x5a8: {  	v2 =	vld.idx.msk [tilespmem:v3+s11+$0x0], $0xffff  }
0x5a9: {  	v3 =	vld [tilespmem:$0x270]  }
0x5aa: {  	v31 =	vld [tilespmem:$0xA60];
	_ =	sdelay $0x4  }
0x5ab: {  	v2 =	vadd.s32 v2, v31  }
0x5ac: {  	[tilespmem:$0xA60] =	vst v2  }
0x5ad: {  	v2 =	vld.idx.msk [tilespmem:v3+s11+$0x0], $0xffff  }
0x5ae: {  	v3 =	vld [tilespmem:$0x280]  }
0x5af: {  	v32 =	vld [tilespmem:$0xA70];
	_ =	sdelay $0x4  }
0x5b0: {  	v2 =	vadd.s32 v2, v32  }
0x5b1: {  	[tilespmem:$0xA70] =	vst v2  }
0x5b2: {  	v2 =	vld.idx.msk [tilespmem:v3+s11+$0x0], $0xffff  }
0x5b3: {  	v3 =	vld [tilespmem:$0x290]  }
0x5b4: {  	v33 =	vld [tilespmem:$0xA80];
	_ =	sdelay $0x4  }
0x5b5: {  	v2 =	vadd.s32 v2, v33  }
0x5b6: {  	[tilespmem:$0xA80] =	vst v2  }
0x5b7: {  	v2 =	vld.idx.msk [tilespmem:v3+s11+$0x0], $0xffff  }
0x5b8: {  	v3 =	vld [tilespmem:$0x2A0]  }
0x5b9: {  	v34 =	vld [tilespmem:$0xA90];
	_ =	sdelay $0x4  }
0x5ba: {  	v2 =	vadd.s32 v2, v34  }
0x5bb: {  	[tilespmem:$0xA90] =	vst v2  }
0x5bc: {  	v2 =	vld.idx.msk [tilespmem:v3+s11+$0x0], $0xffff  }
0x5bd: {  	v3 =	vld [tilespmem:$0x2B0]  }
0x5be: {  	v35 =	vld [tilespmem:$0xAA0];
	_ =	sdelay $0x4  }
0x5bf: {  	v2 =	vadd.s32 v2, v35  }
0x5c0: {  	[tilespmem:$0xAA0] =	vst v2  }
0x5c1: {  	v2 =	vld.idx.msk [tilespmem:v3+s11+$0x0], $0xffff  }
0x5c2: {  	v3 =	vld [tilespmem:$0x2C0]  }
0x5c3: {  	v36 =	vld [tilespmem:$0xAB0];
	_ =	sdelay $0x4  }
0x5c4: {  	v2 =	vadd.s32 v2, v36  }
0x5c5: {  	[tilespmem:$0xAB0] =	vst v2  }
0x5c6: {  	v2 =	vld.idx.msk [tilespmem:v3+s11+$0x0], $0xffff  }
0x5c7: {  	v3 =	vld [tilespmem:$0x2D0]  }
0x5c8: {  	v37 =	vld [tilespmem:$0xAC0];
	_ =	sdelay $0x4  }
0x5c9: {  	v2 =	vadd.s32 v2, v37  }
0x5ca: {  	[tilespmem:$0xAC0] =	vst v2  }
0x5cb: {  	v2 =	vld.idx.msk [tilespmem:v3+s11+$0x0], $0xffff  }
0x5cc: {  	v3 =	vld [tilespmem:$0x2E0]  }
0x5cd: {  	v38 =	vld [tilespmem:$0xAD0];
	_ =	sdelay $0x4  }
0x5ce: {  	v2 =	vadd.s32 v2, v38  }
0x5cf: {  	[tilespmem:$0xAD0] =	vst v2  }
0x5d0: {  	v2 =	vld.idx.msk [tilespmem:v3+s11+$0x0], $0xffff  }
0x5d1: {  	v3 =	vld [tilespmem:$0x2F0]  }
0x5d2: {  	v39 =	vld [tilespmem:$0xAE0];
	_ =	sdelay $0x4  }
0x5d3: {  	v2 =	vadd.s32 v2, v39  }
0x5d4: {  	[tilespmem:$0xAE0] =	vst v2  }
0x5d5: {  	v2 =	vld.idx.msk [tilespmem:v3+s11+$0x0], $0xffff  }
0x5d6: {  	v3 =	vld [tilespmem:$0x300]  }
0x5d7: {  	v40 =	vld [tilespmem:$0xAF0];
	_ =	sdelay $0x4  }
0x5d8: {  	v2 =	vadd.s32 v2, v40  }
0x5d9: {  	[tilespmem:$0xAF0] =	vst v2  }
0x5da: {  	v2 =	vld.idx.msk [tilespmem:v3+s11+$0x0], $0xffff  }
0x5db: {  	v3 =	vld [tilespmem:$0x310]  }
0x5dc: {  	v41 =	vld [tilespmem:$0xB00];
	_ =	sdelay $0x4  }
0x5dd: {  	v2 =	vadd.s32 v2, v41  }
0x5de: {  	[tilespmem:$0xB00] =	vst v2  }
0x5df: {  	v2 =	vld.idx.msk [tilespmem:v3+s11+$0x0], $0xffff  }
0x5e0: {  	v3 =	vld [tilespmem:$0x320]  }
0x5e1: {  	v42 =	vld [tilespmem:$0xB10];
	_ =	sdelay $0x4  }
0x5e2: {  	v2 =	vadd.s32 v2, v42  }
0x5e3: {  	[tilespmem:$0xB10] =	vst v2  }
0x5e4: {  	v2 =	vld.idx.msk [tilespmem:v3+s11+$0x0], $0xffff  }
0x5e5: {  	v3 =	vld [tilespmem:$0x330]  }
0x5e6: {  	v43 =	vld [tilespmem:$0xB20];
	_ =	sdelay $0x4  }
0x5e7: {  	v2 =	vadd.s32 v2, v43  }
0x5e8: {  	[tilespmem:$0xB20] =	vst v2  }
0x5e9: {  	v2 =	vld.idx.msk [tilespmem:v3+s11+$0x0], $0xffff  }
0x5ea: {  	v3 =	vld [tilespmem:$0x340]  }
0x5eb: {  	v44 =	vld [tilespmem:$0xB30];
	_ =	sdelay $0x4  }
0x5ec: {  	v2 =	vadd.s32 v2, v44  }
0x5ed: {  	[tilespmem:$0xB30] =	vst v2  }
0x5ee: {  	v2 =	vld.idx.msk [tilespmem:v3+s11+$0x0], $0xffff  }
0x5ef: {  	v3 =	vld [tilespmem:$0x350]  }
0x5f0: {  	v45 =	vld [tilespmem:$0xB40];
	_ =	sdelay $0x4  }
0x5f1: {  	v2 =	vadd.s32 v2, v45  }
0x5f2: {  	[tilespmem:$0xB40] =	vst v2  }
0x5f3: {  	v2 =	vld.idx.msk [tilespmem:v3+s11+$0x0], $0xffff  }
0x5f4: {  	v3 =	vld [tilespmem:$0x360]  }
0x5f5: {  	v46 =	vld [tilespmem:$0xB50];
	_ =	sdelay $0x4  }
0x5f6: {  	v2 =	vadd.s32 v2, v46  }
0x5f7: {  	[tilespmem:$0xB50] =	vst v2  }
0x5f8: {  	v2 =	vld.idx.msk [tilespmem:v3+s11+$0x0], $0xffff  }
0x5f9: {  	v3 =	vld [tilespmem:$0x370]  }
0x5fa: {  	v47 =	vld [tilespmem:$0xB60];
	_ =	sdelay $0x4  }
0x5fb: {  	v2 =	vadd.s32 v2, v47  }
0x5fc: {  	[tilespmem:$0xB60] =	vst v2  }
0x5fd: {  	v2 =	vld.idx.msk [tilespmem:v3+s11+$0x0], $0xffff  }
0x5fe: {  	v3 =	vld [tilespmem:$0x380]  }
0x5ff: {  	v48 =	vld [tilespmem:$0xB70];
	_ =	sdelay $0x4  }
0x600: {  	v2 =	vadd.s32 v2, v48  }
0x601: {  	[tilespmem:$0xB70] =	vst v2  }
0x602: {  	v2 =	vld.idx.msk [tilespmem:v3+s11+$0x0], $0xffff  }
0x603: {  	v3 =	vld [tilespmem:$0x390]  }
0x604: {  	v49 =	vld [tilespmem:$0xB80];
	_ =	sdelay $0x4  }
0x605: {  	v2 =	vadd.s32 v2, v49  }
0x606: {  	[tilespmem:$0xB80] =	vst v2  }
0x607: {  	v2 =	vld.idx.msk [tilespmem:v3+s11+$0x0], $0xffff  }
0x608: {  	v3 =	vld [tilespmem:$0x3A0]  }
0x609: {  	v50 =	vld [tilespmem:$0xB90];
	_ =	sdelay $0x4  }
0x60a: {  	v2 =	vadd.s32 v2, v50  }
0x60b: {  	[tilespmem:$0xB90] =	vst v2  }
0x60c: {  	v2 =	vld.idx.msk [tilespmem:v3+s11+$0x0], $0xffff  }
0x60d: {  	v3 =	vld [tilespmem:$0x3B0]  }
0x60e: {  	v51 =	vld [tilespmem:$0xBA0];
	_ =	sdelay $0x4  }
0x60f: {  	v2 =	vadd.s32 v2, v51  }
0x610: {  	[tilespmem:$0xBA0] =	vst v2  }
0x611: {  	v2 =	vld.idx.msk [tilespmem:v3+s11+$0x0], $0xffff  }
0x612: {  	v3 =	vld [tilespmem:$0x3C0]  }
0x613: {  	v52 =	vld [tilespmem:$0xBB0];
	_ =	sdelay $0x4  }
0x614: {  	v2 =	vadd.s32 v2, v52  }
0x615: {  	[tilespmem:$0xBB0] =	vst v2  }
0x616: {  	v2 =	vld.idx.msk [tilespmem:v3+s11+$0x0], $0xffff  }
0x617: {  	v3 =	vld [tilespmem:$0x3D0]  }
0x618: {  	v53 =	vld [tilespmem:$0xBC0];
	_ =	sdelay $0x4  }
0x619: {  	v2 =	vadd.s32 v2, v53  }
0x61a: {  	[tilespmem:$0xBC0] =	vst v2  }
0x61b: {  	v2 =	vld.idx.msk [tilespmem:v3+s11+$0x0], $0xffff  }
0x61c: {  	v3 =	vld [tilespmem:$0x3E0]  }
0x61d: {  	v54 =	vld [tilespmem:$0xBD0];
	_ =	sdelay $0x4  }
0x61e: {  	v2 =	vadd.s32 v2, v54  }
0x61f: {  	[tilespmem:$0xBD0] =	vst v2  }
0x620: {  	v2 =	vld.idx.msk [tilespmem:v3+s11+$0x0], $0xffff  }
0x621: {  	v3 =	vld [tilespmem:$0x3F0]  }
0x622: {  	v55 =	vld [tilespmem:$0xBE0];
	_ =	sdelay $0x4  }
0x623: {  	v2 =	vadd.s32 v2, v55  }
0x624: {  	[tilespmem:$0xBE0] =	vst v2  }
0x625: {  	v2 =	vld.idx.msk [tilespmem:v3+s11+$0x0], $0xffff  }
0x626: {  	v3 =	vld [tilespmem:$0x400]  }
0x627: {  	v56 =	vld [tilespmem:$0xBF0];
	_ =	sdelay $0x4  }
0x628: {  	v2 =	vadd.s32 v2, v56  }
0x629: {  	[tilespmem:$0xBF0] =	vst v2  }
0x62a: {  	v2 =	vld.idx.msk [tilespmem:v3+s11+$0x0], $0xffff  }
0x62b: {  	v3 =	vld [tilespmem:$0x410]  }
0x62c: {  	v57 =	vld [tilespmem:$0xC00];
	_ =	sdelay $0x4  }
0x62d: {  	v2 =	vadd.s32 v2, v57  }
0x62e: {  	[tilespmem:$0xC00] =	vst v2  }
0x62f: {  	v2 =	vld.idx.msk [tilespmem:v3+s11+$0x0], $0xffff  }
0x630: {  	v3 =	vld [tilespmem:$0x420]  }
0x631: {  	v58 =	vld [tilespmem:$0xC10];
	_ =	sdelay $0x4  }
0x632: {  	v2 =	vadd.s32 v2, v58  }
0x633: {  	[tilespmem:$0xC10] =	vst v2  }
0x634: {  	v2 =	vld.idx.msk [tilespmem:v3+s11+$0x0], $0xffff  }
0x635: {  	v3 =	vld [tilespmem:$0x430]  }
0x636: {  	v59 =	vld [tilespmem:$0xC20];
	_ =	sdelay $0x4  }
0x637: {  	v2 =	vadd.s32 v2, v59  }
0x638: {  	[tilespmem:$0xC20] =	vst v2  }
0x639: {  	v2 =	vld.idx.msk [tilespmem:v3+s11+$0x0], $0xffff  }
0x63a: {  	v3 =	vld [tilespmem:$0x440]  }
0x63b: {  	v60 =	vld [tilespmem:$0xC30];
	_ =	sdelay $0x4  }
0x63c: {  	v2 =	vadd.s32 v2, v60  }
0x63d: {  	[tilespmem:$0xC30] =	vst v2  }
0x63e: {  	v2 =	vld.idx.msk [tilespmem:v3+s11+$0x0], $0xffff  }
0x63f: {  	v3 =	vld [tilespmem:$0x450]  }
0x640: {  	v61 =	vld [tilespmem:$0xC40];
	_ =	sdelay $0x4  }
0x641: {  	v2 =	vadd.s32 v2, v61  }
0x642: {  	[tilespmem:$0xC40] =	vst v2  }
0x643: {  	v2 =	vld.idx.msk [tilespmem:v3+s11+$0x0], $0xffff  }
0x644: {  	v3 =	vld [tilespmem:$0x460]  }
0x645: {  	v62 =	vld [tilespmem:$0xC50];
	_ =	sdelay $0x4  }
0x646: {  	v2 =	vadd.s32 v2, v62  }
0x647: {  	[tilespmem:$0xC50] =	vst v2  }
0x648: {  	v2 =	vld.idx.msk [tilespmem:v3+s11+$0x0], $0xffff  }
0x649: {  	v3 =	vld [tilespmem:$0x470]  }
0x64a: {  	v63 =	vld [tilespmem:$0xC60];
	_ =	sdelay $0x4  }
0x64b: {  	v2 =	vadd.s32 v2, v63  }
0x64c: {  	[tilespmem:$0xC60] =	vst v2  }
0x64d: {  	v2 =	vld.idx.msk [tilespmem:v3+s11+$0x0], $0xffff  }
0x64e: {  	v3 =	vld [tilespmem:$0x480]  }
0x64f: {  	v8 =	vld [tilespmem:$0xC70];
	_ =	sdelay $0x4  }
0x650: {  	v2 =	vadd.s32 v2, v8  }
0x651: {  	[tilespmem:$0xC70] =	vst v2  }
0x652: {  	v2 =	vld.idx.msk [tilespmem:v3+s11+$0x0], $0xffff  }
0x653: {  	v3 =	vld [tilespmem:$0x490]  }
0x654: {  	v9 =	vld [tilespmem:$0xC80];
	_ =	sdelay $0x4  }
0x655: {  	v2 =	vadd.s32 v2, v9  }
0x656: {  	[tilespmem:$0xC80] =	vst v2  }
0x657: {  	v2 =	vld.idx.msk [tilespmem:v3+s11+$0x0], $0xffff  }
0x658: {  	v3 =	vld [tilespmem:$0x4A0]  }
0x659: {  	v10 =	vld [tilespmem:$0xC90];
	_ =	sdelay $0x4  }
0x65a: {  	v2 =	vadd.s32 v2, v10  }
0x65b: {  	[tilespmem:$0xC90] =	vst v2  }
0x65c: {  	v2 =	vld.idx.msk [tilespmem:v3+s11+$0x0], $0xffff  }
0x65d: {  	v3 =	vld [tilespmem:$0x4B0]  }
0x65e: {  	v11 =	vld [tilespmem:$0xCA0];
	_ =	sdelay $0x4  }
0x65f: {  	v2 =	vadd.s32 v2, v11  }
0x660: {  	[tilespmem:$0xCA0] =	vst v2  }
0x661: {  	v2 =	vld.idx.msk [tilespmem:v3+s11+$0x0], $0xffff  }
0x662: {  	v3 =	vld [tilespmem:$0x4C0]  }
0x663: {  	v12 =	vld [tilespmem:$0xCB0];
	_ =	sdelay $0x4  }
0x664: {  	v2 =	vadd.s32 v2, v12  }
0x665: {  	[tilespmem:$0xCB0] =	vst v2  }
0x666: {  	v2 =	vld.idx.msk [tilespmem:v3+s11+$0x0], $0xffff  }
0x667: {  	v3 =	vld [tilespmem:$0x4D0]  }
0x668: {  	v13 =	vld [tilespmem:$0xCC0];
	_ =	sdelay $0x4  }
0x669: {  	v2 =	vadd.s32 v2, v13  }
0x66a: {  	[tilespmem:$0xCC0] =	vst v2  }
0x66b: {  	v2 =	vld.idx.msk [tilespmem:v3+s11+$0x0], $0xffff  }
0x66c: {  	v3 =	vld [tilespmem:$0x4E0]  }
0x66d: {  	v14 =	vld [tilespmem:$0xCD0];
	_ =	sdelay $0x4  }
0x66e: {  	v2 =	vadd.s32 v2, v14  }
0x66f: {  	[tilespmem:$0xCD0] =	vst v2  }
0x670: {  	v2 =	vld.idx.msk [tilespmem:v3+s11+$0x0], $0xffff  }
0x671: {  	v3 =	vld [tilespmem:$0x4F0]  }
0x672: {  	v15 =	vld [tilespmem:$0xCE0];
	_ =	sdelay $0x4  }
0x673: {  	v2 =	vadd.s32 v2, v15  }
0x674: {  	[tilespmem:$0xCE0] =	vst v2  }
0x675: {  	v2 =	vld.idx.msk [tilespmem:v3+s11+$0x0], $0xffff  }
0x676: {  	v3 =	vld [tilespmem:$0x500]  }
0x677: {  	v16 =	vld [tilespmem:$0xCF0];
	_ =	sdelay $0x4  }
0x678: {  	v2 =	vadd.s32 v2, v16  }
0x679: {  	[tilespmem:$0xCF0] =	vst v2  }
0x67a: {  	v2 =	vld.idx.msk [tilespmem:v3+s11+$0x0], $0xffff  }
0x67b: {  	v3 =	vld [tilespmem:$0x510]  }
0x67c: {  	v17 =	vld [tilespmem:$0xD00];
	_ =	sdelay $0x4  }
0x67d: {  	v2 =	vadd.s32 v2, v17  }
0x67e: {  	[tilespmem:$0xD00] =	vst v2  }
0x67f: {  	v2 =	vld.idx.msk [tilespmem:v3+s11+$0x0], $0xffff  }
0x680: {  	v3 =	vld [tilespmem:$0x520]  }
0x681: {  	v18 =	vld [tilespmem:$0xD10];
	_ =	sdelay $0x4  }
0x682: {  	v2 =	vadd.s32 v2, v18  }
0x683: {  	[tilespmem:$0xD10] =	vst v2  }
0x684: {  	v2 =	vld.idx.msk [tilespmem:v3+s11+$0x0], $0xffff  }
0x685: {  	v3 =	vld [tilespmem:$0x530]  }
0x686: {  	v19 =	vld [tilespmem:$0xD20];
	_ =	sdelay $0x4  }
0x687: {  	v2 =	vadd.s32 v2, v19  }
0x688: {  	[tilespmem:$0xD20] =	vst v2  }
0x689: {  	v2 =	vld.idx.msk [tilespmem:v3+s11+$0x0], $0xffff  }
0x68a: {  	v3 =	vld [tilespmem:$0x540]  }
0x68b: {  	v20 =	vld [tilespmem:$0xD30];
	_ =	sdelay $0x4  }
0x68c: {  	v2 =	vadd.s32 v2, v20  }
0x68d: {  	[tilespmem:$0xD30] =	vst v2  }
0x68e: {  	v2 =	vld.idx.msk [tilespmem:v3+s11+$0x0], $0xffff  }
0x68f: {  	v3 =	vld [tilespmem:$0x550]  }
0x690: {  	v21 =	vld [tilespmem:$0xD40];
	_ =	sdelay $0x4  }
0x691: {  	v2 =	vadd.s32 v2, v21  }
0x692: {  	[tilespmem:$0xD40] =	vst v2  }
0x693: {  	v2 =	vld.idx.msk [tilespmem:v3+s11+$0x0], $0xffff  }
0x694: {  	v3 =	vld [tilespmem:$0x560]  }
0x695: {  	v22 =	vld [tilespmem:$0xD50];
	_ =	sdelay $0x4  }
0x696: {  	v2 =	vadd.s32 v2, v22  }
0x697: {  	[tilespmem:$0xD50] =	vst v2  }
0x698: {  	v2 =	vld.idx.msk [tilespmem:v3+s11+$0x0], $0xffff  }
0x699: {  	v3 =	vld [tilespmem:$0x570]  }
0x69a: {  	v23 =	vld [tilespmem:$0xD60];
	_ =	sdelay $0x4  }
0x69b: {  	v2 =	vadd.s32 v2, v23  }
0x69c: {  	[tilespmem:$0xD60] =	vst v2  }
0x69d: {  	v2 =	vld.idx.msk [tilespmem:v3+s11+$0x0], $0xffff  }
0x69e: {  	v3 =	vld [tilespmem:$0x580]  }
0x69f: {  	v24 =	vld [tilespmem:$0xD70];
	_ =	sdelay $0x4  }
0x6a0: {  	v2 =	vadd.s32 v2, v24  }
0x6a1: {  	[tilespmem:$0xD70] =	vst v2  }
0x6a2: {  	v2 =	vld.idx.msk [tilespmem:v3+s11+$0x0], $0xffff  }
0x6a3: {  	v3 =	vld [tilespmem:$0x590]  }
0x6a4: {  	v25 =	vld [tilespmem:$0xD80];
	_ =	sdelay $0x4  }
0x6a5: {  	v2 =	vadd.s32 v2, v25  }
0x6a6: {  	[tilespmem:$0xD80] =	vst v2  }
0x6a7: {  	v2 =	vld.idx.msk [tilespmem:v3+s11+$0x0], $0xffff  }
0x6a8: {  	v3 =	vld [tilespmem:$0x5A0]  }
0x6a9: {  	v26 =	vld [tilespmem:$0xD90];
	_ =	sdelay $0x4  }
0x6aa: {  	v2 =	vadd.s32 v2, v26  }
0x6ab: {  	[tilespmem:$0xD90] =	vst v2  }
0x6ac: {  	v2 =	vld.idx.msk [tilespmem:v3+s11+$0x0], $0xffff  }
0x6ad: {  	v3 =	vld [tilespmem:$0x5B0]  }
0x6ae: {  	v27 =	vld [tilespmem:$0xDA0];
	_ =	sdelay $0x4  }
0x6af: {  	v2 =	vadd.s32 v2, v27  }
0x6b0: {  	[tilespmem:$0xDA0] =	vst v2  }
0x6b1: {  	v2 =	vld.idx.msk [tilespmem:v3+s11+$0x0], $0xffff  }
0x6b2: {  	v3 =	vld [tilespmem:$0x5C0]  }
0x6b3: {  	v28 =	vld [tilespmem:$0xDB0];
	_ =	sdelay $0x4  }
0x6b4: {  	v2 =	vadd.s32 v2, v28  }
0x6b5: {  	[tilespmem:$0xDB0] =	vst v2  }
0x6b6: {  	v2 =	vld.idx.msk [tilespmem:v3+s11+$0x0], $0xffff  }
0x6b7: {  	v3 =	vld [tilespmem:$0x5D0]  }
0x6b8: {  	v29 =	vld [tilespmem:$0xDC0];
	_ =	sdelay $0x4  }
0x6b9: {  	v2 =	vadd.s32 v2, v29  }
0x6ba: {  	[tilespmem:$0xDC0] =	vst v2  }
0x6bb: {  	v2 =	vld.idx.msk [tilespmem:v3+s11+$0x0], $0xffff  }
0x6bc: {  	v3 =	vld [tilespmem:$0x5E0]  }
0x6bd: {  	v30 =	vld [tilespmem:$0xDD0];
	_ =	sdelay $0x4  }
0x6be: {  	v2 =	vadd.s32 v2, v30  }
0x6bf: {  	[tilespmem:$0xDD0] =	vst v2  }
0x6c0: {  	v2 =	vld.idx.msk [tilespmem:v3+s11+$0x0], $0xffff  }
0x6c1: {  	v3 =	vld [tilespmem:$0x5F0]  }
0x6c2: {  	v31 =	vld [tilespmem:$0xDE0];
	_ =	sdelay $0x4  }
0x6c3: {  	v2 =	vadd.s32 v2, v31  }
0x6c4: {  	[tilespmem:$0xDE0] =	vst v2  }
0x6c5: {  	v2 =	vld.idx.msk [tilespmem:v3+s11+$0x0], $0xffff  }
0x6c6: {  	v3 =	vld [tilespmem:$0x600]  }
0x6c7: {  	v32 =	vld [tilespmem:$0xDF0];
	_ =	sdelay $0x4  }
0x6c8: {  	v2 =	vadd.s32 v2, v32  }
0x6c9: {  	[tilespmem:$0xDF0] =	vst v2  }
0x6ca: {  	v2 =	vld.idx.msk [tilespmem:v3+s11+$0x0], $0xffff  }
0x6cb: {  	v3 =	vld [tilespmem:$0x610]  }
0x6cc: {  	v33 =	vld [tilespmem:$0xE00];
	_ =	sdelay $0x4  }
0x6cd: {  	v2 =	vadd.s32 v2, v33  }
0x6ce: {  	[tilespmem:$0xE00] =	vst v2  }
0x6cf: {  	v2 =	vld.idx.msk [tilespmem:v3+s11+$0x0], $0xffff  }
0x6d0: {  	v3 =	vld [tilespmem:$0x620]  }
0x6d1: {  	v34 =	vld [tilespmem:$0xE10];
	_ =	sdelay $0x4  }
0x6d2: {  	v2 =	vadd.s32 v2, v34  }
0x6d3: {  	[tilespmem:$0xE10] =	vst v2  }
0x6d4: {  	v2 =	vld.idx.msk [tilespmem:v3+s11+$0x0], $0xffff  }
0x6d5: {  	v3 =	vld [tilespmem:$0x630]  }
0x6d6: {  	v35 =	vld [tilespmem:$0xE20];
	_ =	sdelay $0x4  }
0x6d7: {  	v2 =	vadd.s32 v2, v35  }
0x6d8: {  	[tilespmem:$0xE20] =	vst v2  }
0x6d9: {  	v2 =	vld.idx.msk [tilespmem:v3+s11+$0x0], $0xffff  }
0x6da: {  	v3 =	vld [tilespmem:$0x640]  }
0x6db: {  	v36 =	vld [tilespmem:$0xE30];
	_ =	sdelay $0x4  }
0x6dc: {  	v2 =	vadd.s32 v2, v36  }
0x6dd: {  	[tilespmem:$0xE30] =	vst v2  }
0x6de: {  	v2 =	vld.idx.msk [tilespmem:v3+s11+$0x0], $0xffff  }
0x6df: {  	v3 =	vld [tilespmem:$0x650]  }
0x6e0: {  	v37 =	vld [tilespmem:$0xE40];
	_ =	sdelay $0x4  }
0x6e1: {  	v2 =	vadd.s32 v2, v37  }
0x6e2: {  	[tilespmem:$0xE40] =	vst v2  }
0x6e3: {  	v2 =	vld.idx.msk [tilespmem:v3+s11+$0x0], $0xffff  }
0x6e4: {  	v3 =	vld [tilespmem:$0x660]  }
0x6e5: {  	v38 =	vld [tilespmem:$0xE50];
	_ =	sdelay $0x4  }
0x6e6: {  	v2 =	vadd.s32 v2, v38  }
0x6e7: {  	[tilespmem:$0xE50] =	vst v2  }
0x6e8: {  	v2 =	vld.idx.msk [tilespmem:v3+s11+$0x0], $0xffff  }
0x6e9: {  	v3 =	vld [tilespmem:$0x670]  }
0x6ea: {  	v39 =	vld [tilespmem:$0xE60];
	_ =	sdelay $0x4  }
0x6eb: {  	v2 =	vadd.s32 v2, v39  }
0x6ec: {  	[tilespmem:$0xE60] =	vst v2  }
0x6ed: {  	v2 =	vld.idx.msk [tilespmem:v3+s11+$0x0], $0xffff  }
0x6ee: {  	v3 =	vld [tilespmem:$0x680]  }
0x6ef: {  	v40 =	vld [tilespmem:$0xE70];
	_ =	sdelay $0x4  }
0x6f0: {  	v2 =	vadd.s32 v2, v40  }
0x6f1: {  	[tilespmem:$0xE70] =	vst v2  }
0x6f2: {  	v2 =	vld.idx.msk [tilespmem:v3+s11+$0x0], $0xffff  }
0x6f3: {  	v3 =	vld [tilespmem:$0x690]  }
0x6f4: {  	v41 =	vld [tilespmem:$0xE80];
	_ =	sdelay $0x4  }
0x6f5: {  	v2 =	vadd.s32 v2, v41  }
0x6f6: {  	[tilespmem:$0xE80] =	vst v2  }
0x6f7: {  	v2 =	vld.idx.msk [tilespmem:v3+s11+$0x0], $0xffff  }
0x6f8: {  	v3 =	vld [tilespmem:$0x6A0]  }
0x6f9: {  	v42 =	vld [tilespmem:$0xE90];
	_ =	sdelay $0x4  }
0x6fa: {  	v2 =	vadd.s32 v2, v42  }
0x6fb: {  	[tilespmem:$0xE90] =	vst v2  }
0x6fc: {  	v2 =	vld.idx.msk [tilespmem:v3+s11+$0x0], $0xffff  }
0x6fd: {  	v3 =	vld [tilespmem:$0x6B0]  }
0x6fe: {  	v43 =	vld [tilespmem:$0xEA0];
	_ =	sdelay $0x4  }
0x6ff: {  	v2 =	vadd.s32 v2, v43  }
0x700: {  	[tilespmem:$0xEA0] =	vst v2  }
0x701: {  	v2 =	vld.idx.msk [tilespmem:v3+s11+$0x0], $0xffff  }
0x702: {  	v3 =	vld [tilespmem:$0x6C0]  }
0x703: {  	v44 =	vld [tilespmem:$0xEB0];
	_ =	sdelay $0x4  }
0x704: {  	v2 =	vadd.s32 v2, v44  }
0x705: {  	[tilespmem:$0xEB0] =	vst v2  }
0x706: {  	v2 =	vld.idx.msk [tilespmem:v3+s11+$0x0], $0xffff  }
0x707: {  	v3 =	vld [tilespmem:$0x6D0]  }
0x708: {  	v45 =	vld [tilespmem:$0xEC0];
	_ =	sdelay $0x4  }
0x709: {  	v2 =	vadd.s32 v2, v45  }
0x70a: {  	[tilespmem:$0xEC0] =	vst v2  }
0x70b: {  	v2 =	vld.idx.msk [tilespmem:v3+s11+$0x0], $0xffff  }
0x70c: {  	v3 =	vld [tilespmem:$0x6E0]  }
0x70d: {  	v46 =	vld [tilespmem:$0xED0];
	_ =	sdelay $0x4  }
0x70e: {  	v2 =	vadd.s32 v2, v46  }
0x70f: {  	[tilespmem:$0xED0] =	vst v2  }
0x710: {  	v2 =	vld.idx.msk [tilespmem:v3+s11+$0x0], $0xffff  }
0x711: {  	v3 =	vld [tilespmem:$0x6F0]  }
0x712: {  	v47 =	vld [tilespmem:$0xEE0];
	_ =	sdelay $0x4  }
0x713: {  	v2 =	vadd.s32 v2, v47  }
0x714: {  	[tilespmem:$0xEE0] =	vst v2  }
0x715: {  	v2 =	vld.idx.msk [tilespmem:v3+s11+$0x0], $0xffff  }
0x716: {  	v3 =	vld [tilespmem:$0x700]  }
0x717: {  	v48 =	vld [tilespmem:$0xEF0];
	_ =	sdelay $0x4  }
0x718: {  	v2 =	vadd.s32 v2, v48  }
0x719: {  	[tilespmem:$0xEF0] =	vst v2  }
0x71a: {  	v2 =	vld.idx.msk [tilespmem:v3+s11+$0x0], $0xffff  }
0x71b: {  	v3 =	vld [tilespmem:$0x710]  }
0x71c: {  	v49 =	vld [tilespmem:$0xF00];
	_ =	sdelay $0x4  }
0x71d: {  	v2 =	vadd.s32 v2, v49  }
0x71e: {  	[tilespmem:$0xF00] =	vst v2  }
0x71f: {  	v2 =	vld.idx.msk [tilespmem:v3+s11+$0x0], $0xffff  }
0x720: {  	v3 =	vld [tilespmem:$0x720]  }
0x721: {  	v50 =	vld [tilespmem:$0xF10];
	_ =	sdelay $0x4  }
0x722: {  	v2 =	vadd.s32 v2, v50  }
0x723: {  	[tilespmem:$0xF10] =	vst v2  }
0x724: {  	v2 =	vld.idx.msk [tilespmem:v3+s11+$0x0], $0xffff  }
0x725: {  	v3 =	vld [tilespmem:$0x730]  }
0x726: {  	v51 =	vld [tilespmem:$0xF20];
	_ =	sdelay $0x4  }
0x727: {  	v2 =	vadd.s32 v2, v51  }
0x728: {  	[tilespmem:$0xF20] =	vst v2  }
0x729: {  	v2 =	vld.idx.msk [tilespmem:v3+s11+$0x0], $0xffff  }
0x72a: {  	v3 =	vld [tilespmem:$0x740]  }
0x72b: {  	v52 =	vld [tilespmem:$0xF30];
	_ =	sdelay $0x4  }
0x72c: {  	v2 =	vadd.s32 v2, v52  }
0x72d: {  	[tilespmem:$0xF30] =	vst v2  }
0x72e: {  	v2 =	vld.idx.msk [tilespmem:v3+s11+$0x0], $0xffff  }
0x72f: {  	v3 =	vld [tilespmem:$0x750]  }
0x730: {  	v53 =	vld [tilespmem:$0xF40];
	_ =	sdelay $0x4  }
0x731: {  	v2 =	vadd.s32 v2, v53  }
0x732: {  	[tilespmem:$0xF40] =	vst v2  }
0x733: {  	v2 =	vld.idx.msk [tilespmem:v3+s11+$0x0], $0xffff  }
0x734: {  	v3 =	vld [tilespmem:$0x760]  }
0x735: {  	v54 =	vld [tilespmem:$0xF50];
	_ =	sdelay $0x4  }
0x736: {  	v2 =	vadd.s32 v2, v54  }
0x737: {  	[tilespmem:$0xF50] =	vst v2  }
0x738: {  	v2 =	vld.idx.msk [tilespmem:v3+s11+$0x0], $0xffff  }
0x739: {  	v3 =	vld [tilespmem:$0x770]  }
0x73a: {  	v55 =	vld [tilespmem:$0xF60];
	_ =	sdelay $0x4  }
0x73b: {  	v2 =	vadd.s32 v2, v55  }
0x73c: {  	[tilespmem:$0xF60] =	vst v2  }
0x73d: {  	v2 =	vld.idx.msk [tilespmem:v3+s11+$0x0], $0xffff  }
0x73e: {  	v3 =	vld [tilespmem:$0x780]  }
0x73f: {  	v56 =	vld [tilespmem:$0xF70];
	_ =	sdelay $0x4  }
0x740: {  	v2 =	vadd.s32 v2, v56  }
0x741: {  	[tilespmem:$0xF70] =	vst v2  }
0x742: {  	v2 =	vld.idx.msk [tilespmem:v3+s11+$0x0], $0xffff  }
0x743: {  	v3 =	vld [tilespmem:$0x790]  }
0x744: {  	v57 =	vld [tilespmem:$0xF80];
	_ =	sdelay $0x4  }
0x745: {  	v2 =	vadd.s32 v2, v57  }
0x746: {  	[tilespmem:$0xF80] =	vst v2  }
0x747: {  	v2 =	vld.idx.msk [tilespmem:v3+s11+$0x0], $0xffff  }
0x748: {  	v3 =	vld [tilespmem:$0x7A0]  }
0x749: {  	v58 =	vld [tilespmem:$0xF90];
	_ =	sdelay $0x4  }
0x74a: {  	v2 =	vadd.s32 v2, v58  }
0x74b: {  	[tilespmem:$0xF90] =	vst v2  }
0x74c: {  	v2 =	vld.idx.msk [tilespmem:v3+s11+$0x0], $0xffff  }
0x74d: {  	v3 =	vld [tilespmem:$0x7B0]  }
0x74e: {  	v59 =	vld [tilespmem:$0xFA0];
	_ =	sdelay $0x4  }
0x74f: {  	v2 =	vadd.s32 v2, v59  }
0x750: {  	[tilespmem:$0xFA0] =	vst v2  }
0x751: {  	v2 =	vld.idx.msk [tilespmem:v3+s11+$0x0], $0xffff  }
0x752: {  	v3 =	vld [tilespmem:$0x7C0]  }
0x753: {  	v60 =	vld [tilespmem:$0xFB0];
	_ =	sdelay $0x4  }
0x754: {  	v2 =	vadd.s32 v2, v60  }
0x755: {  	[tilespmem:$0xFB0] =	vst v2  }
0x756: {  	v2 =	vld.idx.msk [tilespmem:v3+s11+$0x0], $0xffff  }
0x757: {  	v3 =	vld [tilespmem:$0x7D0]  }
0x758: {  	v61 =	vld [tilespmem:$0xFC0];
	_ =	sdelay $0x4  }
0x759: {  	v2 =	vadd.s32 v2, v61  }
0x75a: {  	[tilespmem:$0xFC0] =	vst v2  }
0x75b: {  	v2 =	vld.idx.msk [tilespmem:v3+s11+$0x0], $0xffff  }
0x75c: {  	v3 =	vld [tilespmem:$0x7E0]  }
0x75d: {  	v62 =	vld [tilespmem:$0xFD0];
	_ =	sdelay $0x4  }
0x75e: {  	v2 =	vadd.s32 v2, v62  }
0x75f: {  	[tilespmem:$0xFD0] =	vst v2  }
0x760: {  	v2 =	vld.idx.msk [tilespmem:v3+s11+$0x0], $0xffff  }
0x761: {  	v3 =	vld [tilespmem:$0x7F0]  }
0x762: {  	v63 =	vld [tilespmem:$0xFE0];
	_ =	sdelay $0x4  }
0x763: {  	v2 =	vadd.s32 v2, v63  }
0x764: {  	[tilespmem:$0xFE0] =	vst v2  }
0x765: {  	v2 =	vld.idx.msk [tilespmem:v3+s11+$0x0], $0xffff  }
0x766: {  	v3 =	vld [tilespmem:$0xFF0];
	_ =	sdelay $0x4  }
0x767: {  	v2 =	vadd.s32 v2, v3  }
.Ltmp3:
0x768: {  	[tilespmem:$0xFF0] =	vst v2;
	(pc) =	sbr.rel .LBB2_4-.Ltmp3, $4  }
0x769: {  	[hbm4b:s6+s3] =	stream.linear.scatter [tilespmem:s12], [sflag:$0x1], $0x800, $0x38;
	[tilespmem:$0x1540] =	vst v63  }
0x76a: {  	_ =	swait.ge [sflag:s8], $0x800  }
0x76b: {  	[sflag:s8] =	ssyncset.done $0x0  }
0x76c: {  	[sflag:s8] =	ssyncadd.s32 $0xFFFFF800  }
.LBB2_5:
0x76d: {  	_ =	sfence.sel $0x180000  }
0x76e: {  	[bflag:$0x0] =	sbarrier.arrive $0xFFFF  }
0x76f: {  	p0 =	sne.s32 s1, $0x0;
	_ =	strace $0x90000047  }
0x770: {  	s0 =	sadd.s32 @!p0 $0x100000, s0;
	[bflag:$0x2] =	sbarrier.arrive $0xFFFF  }
0x771: {  	[sflag:s0] =	ssyncadd.tile.s32 @!p0 $0x1;
	_ =	shalt  }
.Lfunc_end2:
_tile_overlayer_lowered:
.L_overlay_start_2:
0x772: {  	(tag) =	ssettag $0x2  }
0x773: {  	s0 =	rddreg [dreg:$0x0];
	s2 =	stileid.u32  }
0x774: {  	s1 =	rddreg [dreg:$0x1];
	p0 =	sne.s32 s2, $0x0  }
0x775: {  	s3 =	rddreg [dreg:$0x2];
	[bflag:$0x3] =	sbarrier.arrive $0xFFFF;
	s2 =	simm.s32 @!p0 $0x1C01  }
0x776: {  	[timem:s3], [sflag:s2] =	dma.local @!p0 [hbm:s0], s1  }
0x777: {  	s0 =	simm.s32 @!p0 $0x1  }
0x778: {  	_ =	swait.ge @!p0 [sflag:s0], s1  }
0x779: {  	s1 =	ssub.s32 @!p0 $0x0, s1;
	[sflag:s0] =	ssyncset.done @!p0 $0x0  }
0x77a: {  	[sflag:s0] =	ssyncadd.s32 @!p0 s1  }
0x77b: {  	[bflag:$0x3] =	sbarrier.arrive $0xFFFF  }
0x77c: {  	_ =	shalt  }

</sc_bundles>
